<compile_context>
chip_gen: v7x
topology: tpu7x:2x2x1
jax: 0.10.2.dev20260603
libtpu: 0.0.44.dev20260713+nightly
codegen_flags: <defaults>
</compile_context>

<pallas_src>
import functools

import jax
import jax.numpy as jnp
from jax import lax
from jax.experimental import pallas as pl
from jax.experimental.pallas import tpu as pltpu
from jax.experimental.pallas import tpu_sc as plsc

N_USERS = 10000
N_ITEMS = 10000
D = 128
E = 320000
N_LAYERS = 2
LANES = 16
NTILES = 16
CHUNK = 128
CPT = 160
SUP = 16
N_SUP = CPT // SUP
E_PAD = NTILES * CPT * CHUNK
ROW_BLK = 80
N_BLKS = N_USERS // ROW_BLK
BLKS_PER_TILE = (N_BLKS + NTILES - 1) // NTILES

_mesh = plsc.VectorSubcoreMesh(core_axis_name="c", subcore_axis_name="s")

_full = jax.ShapeDtypeStruct((N_USERS, D), jnp.float32)


@functools.partial(
    pl.kernel,
    mesh=_mesh,
    out_type=[_full, _full],
    scratch_types=[
        pltpu.VMEM((SUP, CHUNK), jnp.int32),
        pltpu.VMEM((SUP, CHUNK), jnp.int32),
        pltpu.VMEM((SUP, CHUNK), jnp.float32),
        pltpu.VMEM((CHUNK, D), jnp.float32),
        pltpu.VMEM_SHARED((N_USERS, D), jnp.float32),
        pltpu.SemaphoreType.DMA,
    ],
)
def _sc_layer(u_in, i_in, rows2d, cols2d, w2d,
              ua_out, ia_out,
              gixs, sixs, wvs, gbuf, acc, gsem):
    cid = lax.axis_index("c")
    sid = lax.axis_index("s")
    tile_chunk0 = pl.multiple_of(sid * CPT, CPT)

    def for_owned_blocks(fn):
        def t_body(t, _):
            blk = sid + t * NTILES

            @pl.when(blk < N_BLKS)
            def _():
                fn(pl.multiple_of(blk * ROW_BLK, ROW_BLK))
            return 0

        lax.fori_loop(0, BLKS_PER_TILE, t_body, 0)

    def edge_pass(base_tbl, src_tbl, out_tbl, gsrc2d, gdst2d):
        for_owned_blocks(
            lambda b: pltpu.sync_copy(base_tbl.at[pl.ds(b, ROW_BLK)],
                                      acc.at[pl.ds(b, ROW_BLK)]))
        plsc.subcore_barrier()

        def sup_body(s, _):
            sbase = pl.multiple_of(tile_chunk0 + s * SUP, SUP)
            pltpu.sync_copy(gsrc2d.at[pl.ds(sbase, SUP)], gixs)
            pltpu.sync_copy(gdst2d.at[pl.ds(sbase, SUP)], sixs)
            pltpu.sync_copy(w2d.at[pl.ds(sbase, SUP)], wvs)

            def chunk_body(k, _):
                pltpu.async_copy(src_tbl.at[gixs.at[k]], gbuf, gsem).wait()

                def scale_body(g, _):
                    wrow = wvs[k, pl.ds(g * LANES, LANES)]
                    for u in range(LANES):
                        e = g * LANES + u
                        wsplat = jnp.full((LANES,), wrow[u], jnp.float32)
                        for j in range(D // LANES):
                            sl = gbuf[e, pl.ds(j * LANES, LANES)]
                            gbuf[e, pl.ds(j * LANES, LANES)] = sl * wsplat
                    return 0

                lax.fori_loop(0, CHUNK // LANES, scale_body, 0)
                pltpu.sync_copy(gbuf, acc.at[sixs.at[k]], add=True)
                return 0

            lax.fori_loop(0, SUP, chunk_body, 0)
            return 0

        lax.fori_loop(0, N_SUP, sup_body, 0)
        plsc.subcore_barrier()

        for_owned_blocks(
            lambda b: pltpu.sync_copy(acc.at[pl.ds(b, ROW_BLK)],
                                      out_tbl.at[pl.ds(b, ROW_BLK)]))

    @pl.when(cid == 0)
    def _():
        edge_pass(u_in, i_in, ua_out, cols2d, rows2d)

    @pl.when(cid == 1)
    def _():
        edge_pass(i_in, u_in, ia_out, rows2d, cols2d)


LN_TC_BLK = 400


def _ln_tc_body(u_ref, i_ref, w_ref, b_ref, uo_ref, io_ref):
    w = w_ref[...]
    b = b_ref[...]
    for src, dst in ((u_ref, uo_ref), (i_ref, io_ref)):
        x = src[...]
        mu = jnp.mean(x, axis=-1, keepdims=True)
        var = jnp.mean(jnp.square(x - mu), axis=-1, keepdims=True)
        dst[...] = (x - mu) * jax.lax.rsqrt(var + 1e-5) * w + b


def _ln_tc(u_acc, i_acc, lnw, lnb):
    grid = N_USERS // LN_TC_BLK
    blk = pl.BlockSpec((LN_TC_BLK, D), lambda i: (i, 0))
    rep = pl.BlockSpec((1, D), lambda i: (0, 0))
    return pl.pallas_call(
        _ln_tc_body,
        grid=(grid,),
        in_specs=[blk, blk, rep, rep],
        out_specs=[blk, blk],
        out_shape=[
            jax.ShapeDtypeStruct((N_USERS, D), jnp.float32),
            jax.ShapeDtypeStruct((N_ITEMS, D), jnp.float32),
        ],
    )(u_acc, i_acc, lnw.reshape(1, D), lnb.reshape(1, D))


def kernel(user_emb, item_emb, ui_edge_index, ui_edge_weight, ln_weight, ln_bias):
    rows = ui_edge_index[0]
    cols = ui_edge_index[1]
    pad = E_PAD - E
    zpad_i = jnp.zeros((pad,), jnp.int32)
    zpad_f = jnp.zeros((pad,), jnp.float32)
    rows2d = jnp.concatenate([rows, zpad_i]).reshape(E_PAD // CHUNK, CHUNK)
    cols2d = jnp.concatenate([cols, zpad_i]).reshape(E_PAD // CHUNK, CHUNK)
    w2d = jnp.concatenate([ui_edge_weight, zpad_f]).reshape(E_PAD // CHUNK, CHUNK)

    def step(carry, _):
        u, i = carry
        ua, ia = _sc_layer(u, i, rows2d, cols2d, w2d)
        u_n, i_n = _ln_tc(ua, ia, ln_weight, ln_bias)
        return (u_n, i_n), u_n

    (u2, i2), us = lax.scan(step, (user_emb, item_emb), None, length=N_LAYERS)
    return (jnp.concatenate([user_emb[None], us], axis=0), u2, i2)

# --- scband reference (transcript-rebuilt; emitter-appended) ---
"""Pipeline reference for scband-graph-conv-87866440942242 (READ-ONLY COPY).

The authoritative reference and input builder live on the scoring server;
editing this copy changes nothing except your own understanding.
"""

import jax, jax.numpy as jnp
import numpy as np

NUM_USERS = 10000
NUM_ITEMS = 10000
NUM_EDGES = 320000
EMBED_DIM = 128
N_LAYERS = 2


def setup_inputs(seed: int = 0) -> dict:
    key = jax.random.key(seed)
    k1, k2, k3, k4 = jax.random.split(key, 4)
    user_emb = jax.random.normal(k1, (NUM_USERS, EMBED_DIM), dtype=jnp.float32)
    item_emb = jax.random.normal(k2, (NUM_ITEMS, EMBED_DIM), dtype=jnp.float32)
    # ui_adj is a sparse [NUM_USERS, NUM_ITEMS] matrix given in COO form;
    # iu_adj is its transpose (same edges, rows/cols swapped).
    ui_edge_index = jax.random.randint(k3, (2, NUM_EDGES), 0, NUM_USERS, dtype=jnp.int32)
    ui_edge_weight = jax.random.uniform(k4, (NUM_EDGES,), dtype=jnp.float32)
    # Learned LayerNorm parameters (shared across layers, as in the torch module)
    ln_weight = jnp.ones((EMBED_DIM,), dtype=jnp.float32)
    ln_bias = jnp.zeros((EMBED_DIM,), dtype=jnp.float32)
    return {
        "user_emb": user_emb,
        "item_emb": item_emb,
        "ui_edge_index": ui_edge_index,
        "ui_edge_weight": ui_edge_weight,
        "ln_weight": ln_weight,
        "ln_bias": ln_bias,
    }


def _layer_norm(x, w, b, eps=1e-5):
    mu = jnp.mean(x, axis=-1, keepdims=True)
    var = jnp.var(x, axis=-1, keepdims=True)
    return (x - mu) / jnp.sqrt(var + eps) * w + b


def _spmm(rows, cols, vals, x, num_rows):
    # sparse @ dense: gather source rows, scale by edge weight, scatter-add to dst
    gathered = jnp.take(x, cols, axis=0) * vals[:, None]
    return jax.ops.segment_sum(gathered, rows, num_segments=num_rows)


def reference(user_emb, item_emb, ui_edge_index, ui_edge_weight, ln_weight, ln_bias):
    rows = ui_edge_index[0]  # user indices
    cols = ui_edge_index[1]  # item indices
    ui_embeddings = [user_emb]
    u_emb, i_emb = user_emb, item_emb
    # Dropout is identity in eval mode
    for _ in range(N_LAYERS):
        u_emb_temp = _spmm(rows, cols, ui_edge_weight, i_emb, NUM_USERS)  # ui_adj @ i_emb
        i_emb_temp = _spmm(cols, rows, ui_edge_weight, u_emb, NUM_ITEMS)  # iu_adj @ u_emb
        u_emb = u_emb + u_emb_temp
        i_emb = i_emb + i_emb_temp
        u_emb = _layer_norm(u_emb, ln_weight, ln_bias)
        i_emb = _layer_norm(i_emb, ln_weight, ln_bias)
        ui_embeddings.append(u_emb)
    # social_adj is None -> social_embeddings is None (omitted)
    return (jnp.stack(ui_embeddings, axis=0), u_emb, i_emb)

if __name__ == "__main__":
    import jax
    _d = setup_inputs()
    print(jax.jit(kernel)(*tuple(_d.values())))

</pallas_src>

<mosaic_0001>
#map = affine_map<(d0, d1) -> (0, 0)>
module attributes {stable_mosaic.version = 14 : i64} {
  func.func @_sc_layer(%arg0: i32, %arg1: i32, %arg2: memref<10000x128xf32, #tpu.memory_space<hbm>>, %arg3: memref<10000x128xf32, #tpu.memory_space<hbm>>, %arg4: memref<2560x128xi32, #tpu.memory_space<hbm>>, %arg5: memref<2560x128xi32, #tpu.memory_space<hbm>>, %arg6: memref<2560x128xf32, #tpu.memory_space<hbm>>, %arg7: memref<10000x128xf32, #tpu.memory_space<hbm>>, %arg8: memref<10000x128xf32, #tpu.memory_space<hbm>>, %arg9: memref<16x128xi32, #tpu.memory_space<vmem>>, %arg10: memref<16x128xi32, #tpu.memory_space<vmem>>, %arg11: memref<16x128xf32, #tpu.memory_space<vmem>>, %arg12: memref<128x128xf32, #tpu.memory_space<vmem>>, %arg13: memref<10000x128xf32, #tpu.memory_space<vmem_shared>>, %arg14: memref<!tpu.dma_semaphore, #tpu.memory_space<semaphore_mem>>) attributes {dimension_semantics = [#tpu.dimension_semantics<core_parallel>, #tpu.dimension_semantics<subcore_parallel>], iteration_bounds = array<i64: 2, 16>, scalar_prefetch = 0 : i64, scratch_operands = 6 : i64, tpu.core_type = #tpu.core_type<sc_vector_subcore>, window_params = [{transform_indices = #map}, {transform_indices = #map}, {transform_indices = #map}, {transform_indices = #map}, {transform_indices = #map}, {transform_indices = #map}, {transform_indices = #map}]} {
    %mul3A = arith.constant 160 : i32
    %mul3A_0 = arith.muli %arg1, %mul3A : i32
    %multiple_of3A = tpu.assume_multiple %mul3A_0, 160 : i32
    %eq3A = arith.constant 0 : i32
    %eq3A_1 = arith.cmpi eq, %arg0, %eq3A : i32
    %convert_element_type3A = arith.extui %eq3A_1 : i1 to i32
    %cond3A = arith.constant 0 : i32
    %cond3A_2 = arith.cmpi ne, %convert_element_type3A, %cond3A : i32
    scf.if %cond3A_2 {
      %scan3A = arith.constant 0 : i32
      %scan3A_8 = arith.constant 0 : i32
      %scan3A_9 = arith.constant 8 : i32
      %scan3A_10 = arith.addi %scan3A_8, %scan3A_9 : i32
      %scan3A_11 = arith.constant 1 : i32
      %scan3A_12 = scf.for %scan3A_29 = %scan3A_8 to %scan3A_10 step %scan3A_11 iter_args(%scan3A_30 = %scan3A) -> (i32)  : i32 {
        %mul3A_31 = arith.constant 16 : i32
        %mul3A_32 = arith.muli %scan3A_29, %mul3A_31 : i32
        %add3A = arith.addi %arg1, %mul3A_32 : i32
        %lt3A = arith.constant 125 : i32
        %lt3A_33 = arith.cmpi slt, %add3A, %lt3A : i32
        %convert_element_type3A_34 = arith.extui %lt3A_33 : i1 to i32
        %cond3A_35 = arith.constant 0 : i32
        %cond3A_36 = arith.cmpi ne, %convert_element_type3A_34, %cond3A_35 : i32
        scf.if %cond3A_36 {
          %mul3A_38 = arith.constant 80 : i32
          %mul3A_39 = arith.muli %add3A, %mul3A_38 : i32
          %multiple_of3A_40 = tpu.assume_multiple %mul3A_39, 80 : i32
          "tpu.region"() ({
            %run_scoped3A = tpu.sem_alloc : memref<!tpu.dma_semaphore, #tpu.memory_space<semaphore_mem>>
            %dma_start3A = arith.constant 0 : i32
            %dma_start3A_41 = tpu.memref_slice %arg13[%multiple_of3A_40, %dma_start3A] : memref<10000x128xf32, #tpu.memory_space<vmem_shared>> -> memref<80x128xf32, #tpu.memory_space<vmem_shared>>
            %dma_start3A_42 = arith.constant 0 : i32
            %dma_start3A_43 = tpu.memref_slice %arg2[%multiple_of3A_40, %dma_start3A_42] : memref<10000x128xf32, #tpu.memory_space<hbm>> -> memref<80x128xf32, #tpu.memory_space<hbm>>
            tpu.enqueue_dma source(%dma_start3A_43 : memref<80x128xf32, #tpu.memory_space<hbm>>) target(%dma_start3A_41 : memref<80x128xf32, #tpu.memory_space<vmem_shared>>) target_semaphore(%run_scoped3A : memref<!tpu.dma_semaphore, #tpu.memory_space<semaphore_mem>>)
            %dma_wait3A = arith.constant 0 : i32
            %dma_wait3A_44 = tpu.memref_slice %arg13[%multiple_of3A_40, %dma_wait3A] : memref<10000x128xf32, #tpu.memory_space<vmem_shared>> -> memref<80x128xf32, #tpu.memory_space<vmem_shared>>
            %dma_wait3A_45 = arith.constant 0 : i32
            %dma_wait3A_46 = tpu.memref_slice %arg2[%multiple_of3A_40, %dma_wait3A_45] : memref<10000x128xf32, #tpu.memory_space<hbm>> -> memref<80x128xf32, #tpu.memory_space<hbm>>
            tpu.wait_dma2 semaphore(%run_scoped3A : memref<!tpu.dma_semaphore, #tpu.memory_space<semaphore_mem>>) src(%dma_wait3A_46 : memref<80x128xf32, #tpu.memory_space<hbm>>) dst(%dma_wait3A_44 : memref<80x128xf32, #tpu.memory_space<vmem_shared>>)
            tpu.yield
          }) : () -> ()
        } else {
        }
        %scan3A_37 = arith.constant 0 : i32
        scf.yield %scan3A_37 : i32
      }
      %scan3A_13 = arith.constant 8 : i32
      %barrier3A = arith.constant 0 : index
      tpu.barrier barrier_id(%barrier3A)
      %scan3A_14 = arith.constant 0 : i32
      %scan3A_15 = arith.constant 0 : i32
      %scan3A_16 = arith.constant 10 : i32
      %scan3A_17 = arith.addi %scan3A_15, %scan3A_16 : i32
      %scan3A_18 = arith.constant 1 : i32
      %scan3A_19 = scf.for %scan3A_29 = %scan3A_15 to %scan3A_17 step %scan3A_18 iter_args(%scan3A_30 = %scan3A_14) -> (i32)  : i32 {
        %mul3A_31 = arith.constant 16 : i32
        %mul3A_32 = arith.muli %scan3A_29, %mul3A_31 : i32
        %add3A = arith.addi %multiple_of3A, %mul3A_32 : i32
        %multiple_of3A_33 = tpu.assume_multiple %add3A, 16 : i32
        "tpu.region"() ({
          %run_scoped3A = tpu.sem_alloc : memref<!tpu.dma_semaphore, #tpu.memory_space<semaphore_mem>>
          %dma_start3A = arith.constant 0 : i32
          %dma_start3A_42 = tpu.memref_slice %arg5[%multiple_of3A_33, %dma_start3A] : memref<2560x128xi32, #tpu.memory_space<hbm>> -> memref<16x128xi32, #tpu.memory_space<hbm>>
          %dma_start3A_43 = arith.constant 0 : i32
          %dma_start3A_44 = tpu.memref_slice %arg5[%multiple_of3A_33, %dma_start3A_43] : memref<2560x128xi32, #tpu.memory_space<hbm>> -> memref<16x128xi32, #tpu.memory_space<hbm>>
          tpu.enqueue_dma source(%dma_start3A_44 : memref<16x128xi32, #tpu.memory_space<hbm>>) target(%arg9 : memref<16x128xi32, #tpu.memory_space<vmem>>) target_semaphore(%run_scoped3A : memref<!tpu.dma_semaphore, #tpu.memory_space<semaphore_mem>>)
          %dma_wait3A = arith.constant 0 : i32
          %dma_wait3A_45 = tpu.memref_slice %arg5[%multiple_of3A_33, %dma_wait3A] : memref<2560x128xi32, #tpu.memory_space<hbm>> -> memref<16x128xi32, #tpu.memory_space<hbm>>
          %dma_wait3A_46 = arith.constant 0 : i32
          %dma_wait3A_47 = tpu.memref_slice %arg5[%multiple_of3A_33, %dma_wait3A_46] : memref<2560x128xi32, #tpu.memory_space<hbm>> -> memref<16x128xi32, #tpu.memory_space<hbm>>
          tpu.wait_dma2 semaphore(%run_scoped3A : memref<!tpu.dma_semaphore, #tpu.memory_space<semaphore_mem>>) src(%dma_wait3A_47 : memref<16x128xi32, #tpu.memory_space<hbm>>) dst(%arg9 : memref<16x128xi32, #tpu.memory_space<vmem>>)
          tpu.yield
        }) : () -> ()
        "tpu.region"() ({
          %run_scoped3A = tpu.sem_alloc : memref<!tpu.dma_semaphore, #tpu.memory_space<semaphore_mem>>
          %dma_start3A = arith.constant 0 : i32
          %dma_start3A_42 = tpu.memref_slice %arg4[%multiple_of3A_33, %dma_start3A] : memref<2560x128xi32, #tpu.memory_space<hbm>> -> memref<16x128xi32, #tpu.memory_space<hbm>>
          %dma_start3A_43 = arith.constant 0 : i32
          %dma_start3A_44 = tpu.memref_slice %arg4[%multiple_of3A_33, %dma_start3A_43] : memref<2560x128xi32, #tpu.memory_space<hbm>> -> memref<16x128xi32, #tpu.memory_space<hbm>>
          tpu.enqueue_dma source(%dma_start3A_44 : memref<16x128xi32, #tpu.memory_space<hbm>>) target(%arg10 : memref<16x128xi32, #tpu.memory_space<vmem>>) target_semaphore(%run_scoped3A : memref<!tpu.dma_semaphore, #tpu.memory_space<semaphore_mem>>)
          %dma_wait3A = arith.constant 0 : i32
          %dma_wait3A_45 = tpu.memref_slice %arg4[%multiple_of3A_33, %dma_wait3A] : memref<2560x128xi32, #tpu.memory_space<hbm>> -> memref<16x128xi32, #tpu.memory_space<hbm>>
          %dma_wait3A_46 = arith.constant 0 : i32
          %dma_wait3A_47 = tpu.memref_slice %arg4[%multiple_of3A_33, %dma_wait3A_46] : memref<2560x128xi32, #tpu.memory_space<hbm>> -> memref<16x128xi32, #tpu.memory_space<hbm>>
          tpu.wait_dma2 semaphore(%run_scoped3A : memref<!tpu.dma_semaphore, #tpu.memory_space<semaphore_mem>>) src(%dma_wait3A_47 : memref<16x128xi32, #tpu.memory_space<hbm>>) dst(%arg10 : memref<16x128xi32, #tpu.memory_space<vmem>>)
          tpu.yield
        }) : () -> ()
        "tpu.region"() ({
          %run_scoped3A = tpu.sem_alloc : memref<!tpu.dma_semaphore, #tpu.memory_space<semaphore_mem>>
          %dma_start3A = arith.constant 0 : i32
          %dma_start3A_42 = tpu.memref_slice %arg6[%multiple_of3A_33, %dma_start3A] : memref<2560x128xf32, #tpu.memory_space<hbm>> -> memref<16x128xf32, #tpu.memory_space<hbm>>
          %dma_start3A_43 = arith.constant 0 : i32
          %dma_start3A_44 = tpu.memref_slice %arg6[%multiple_of3A_33, %dma_start3A_43] : memref<2560x128xf32, #tpu.memory_space<hbm>> -> memref<16x128xf32, #tpu.memory_space<hbm>>
          tpu.enqueue_dma source(%dma_start3A_44 : memref<16x128xf32, #tpu.memory_space<hbm>>) target(%arg11 : memref<16x128xf32, #tpu.memory_space<vmem>>) target_semaphore(%run_scoped3A : memref<!tpu.dma_semaphore, #tpu.memory_space<semaphore_mem>>)
          %dma_wait3A = arith.constant 0 : i32
          %dma_wait3A_45 = tpu.memref_slice %arg6[%multiple_of3A_33, %dma_wait3A] : memref<2560x128xf32, #tpu.memory_space<hbm>> -> memref<16x128xf32, #tpu.memory_space<hbm>>
          %dma_wait3A_46 = arith.constant 0 : i32
          %dma_wait3A_47 = tpu.memref_slice %arg6[%multiple_of3A_33, %dma_wait3A_46] : memref<2560x128xf32, #tpu.memory_space<hbm>> -> memref<16x128xf32, #tpu.memory_space<hbm>>
          tpu.wait_dma2 semaphore(%run_scoped3A : memref<!tpu.dma_semaphore, #tpu.memory_space<semaphore_mem>>) src(%dma_wait3A_47 : memref<16x128xf32, #tpu.memory_space<hbm>>) dst(%arg11 : memref<16x128xf32, #tpu.memory_space<vmem>>)
          tpu.yield
        }) : () -> ()
        %scan3A_34 = arith.constant 0 : i32
        %scan3A_35 = arith.constant 0 : i32
        %scan3A_36 = arith.constant 16 : i32
        %scan3A_37 = arith.addi %scan3A_35, %scan3A_36 : i32
        %scan3A_38 = arith.constant 1 : i32
        %scan3A_39 = scf.for %scan3A_42 = %scan3A_35 to %scan3A_37 step %scan3A_38 iter_args(%scan3A_43 = %scan3A_34) -> (i32)  : i32 {
          %dma_start3A = arith.constant 0 : i32
          %dma_start3A_44 = tpu.memref_slice %arg9[%scan3A_42, %dma_start3A] : memref<16x128xi32, #tpu.memory_space<vmem>> -> memref<1x128xi32, #tpu.memory_space<vmem>>
          %dma_start3A_45 = tpu.memref_squeeze %dma_start3A_44 : memref<1x128xi32, #tpu.memory_space<vmem>> -> memref<128xi32, #tpu.memory_space<vmem>>
          %dma_start3A_46 = arith.constant 0 : i32
          %dma_start3A_47 = arith.constant 0 : i32
          %dma_start3A_48 = tpu.memref_slice %arg3[%dma_start3A_46, %dma_start3A_47] : memref<10000x128xf32, #tpu.memory_space<hbm>> -> memref<10000x128xf32, #tpu.memory_space<hbm>>
          tpu.enqueue_indirect_dma source(%dma_start3A_48 : memref<10000x128xf32, #tpu.memory_space<hbm>>) target(%arg12 : memref<128x128xf32, #tpu.memory_space<vmem>>) offsets(%dma_start3A_45 : memref<128xi32, #tpu.memory_space<vmem>>) semaphore(%arg14 : memref<!tpu.dma_semaphore, #tpu.memory_space<semaphore_mem>>)
          %dma_wait3A = arith.constant 0 : i32
          %dma_wait3A_49 = tpu.memref_slice %arg9[%scan3A_42, %dma_wait3A] : memref<16x128xi32, #tpu.memory_space<vmem>> -> memref<1x128xi32, #tpu.memory_space<vmem>>
          %dma_wait3A_50 = tpu.memref_squeeze %dma_wait3A_49 : memref<1x128xi32, #tpu.memory_space<vmem>> -> memref<128xi32, #tpu.memory_space<vmem>>
          %dma_wait3A_51 = arith.constant 0 : i32
          %dma_wait3A_52 = arith.constant 0 : i32
          %dma_wait3A_53 = tpu.memref_slice %arg3[%dma_wait3A_51, %dma_wait3A_52] : memref<10000x128xf32, #tpu.memory_space<hbm>> -> memref<10000x128xf32, #tpu.memory_space<hbm>>
          tpu.wait_indirect_dma semaphore(%arg14 : memref<!tpu.dma_semaphore, #tpu.memory_space<semaphore_mem>>) src(%dma_wait3A_53 : memref<10000x128xf32, #tpu.memory_space<hbm>>) dst(%arg12 : memref<128x128xf32, #tpu.memory_space<vmem>>)
          %scan3A_54 = arith.constant 0 : i32
          %scan3A_55 = arith.constant 0 : i32
          %scan3A_56 = arith.constant 8 : i32
          %scan3A_57 = arith.addi %scan3A_55, %scan3A_56 : i32
          %scan3A_58 = arith.constant 1 : i32
          %scan3A_59 = scf.for %scan3A_62 = %scan3A_55 to %scan3A_57 step %scan3A_58 iter_args(%scan3A_63 = %scan3A_54) -> (i32)  : i32 {
            %mul3A_64 = arith.constant 16 : i32
            %mul3A_65 = arith.muli %scan3A_62, %mul3A_64 : i32
            %get3A = arith.index_cast %scan3A_42 : i32 to index
            %get3A_66 = arith.index_cast %mul3A_65 : i32 to index
            %get3A_67 = tpu.vector_load %arg11[%get3A, %get3A_66] {strides = array<i32>} : memref<16x128xf32, #tpu.memory_space<vmem>>, vector<1x16xf32>,
            %get3A_68 = vector.shape_cast %get3A_67 : vector<1x16xf32> to vector<16xf32>
            %mul3A_69 = arith.constant 16 : i32
            %mul3A_70 = arith.muli %scan3A_62, %mul3A_69 : i32
            %add3A_71 = arith.constant 0 : i32
            %add3A_72 = arith.addi %mul3A_70, %add3A_71 : i32
            %slice3A = vector.extract_strided_slice %get3A_68 {offsets = [0], sizes = [1], strides = [1]} : vector<16xf32> to vector<1xf32>
            %squeeze3A = vector.extract %slice3A[0] : f32 from vector<1xf32>
            %broadcast_in_dim3A = vector.broadcast %squeeze3A : f32 to vector<16xf32>
            %get3A_73 = arith.index_cast %add3A_72 : i32 to index
            %get3A_74 = arith.constant 0 : index
            %get3A_75 = tpu.vector_load %arg12[%get3A_73, %get3A_74] {strides = array<i32>} : memref<128x128xf32, #tpu.memory_space<vmem>>, vector<1x16xf32>,
            %get3A_76 = vector.shape_cast %get3A_75 : vector<1x16xf32> to vector<16xf32>
            %mul3A_77 = arith.mulf %get3A_76, %broadcast_in_dim3A : vector<16xf32>
            %swap3A = arith.index_cast %add3A_72 : i32 to index
            %swap3A_78 = arith.constant 0 : index
            %swap3A_79 = tpu.vector_load %arg12[%swap3A, %swap3A_78] {strides = array<i32>} : memref<128x128xf32, #tpu.memory_space<vmem>>, vector<1x16xf32>,
            %swap3A_80 = vector.shape_cast %swap3A_79 : vector<1x16xf32> to vector<16xf32>
            %swap3A_81 = vector.shape_cast %mul3A_77 : vector<16xf32> to vector<1x16xf32>
            tpu.vector_store %arg12[%swap3A, %swap3A_78], %swap3A_81 {strides = array<i32>} : memref<128x128xf32, #tpu.memory_space<vmem>>, vector<1x16xf32>,
            %get3A_82 = arith.index_cast %add3A_72 : i32 to index
            %get3A_83 = arith.constant 16 : index
            %get3A_84 = tpu.vector_load %arg12[%get3A_82, %get3A_83] {strides = array<i32>} : memref<128x128xf32, #tpu.memory_space<vmem>>, vector<1x16xf32>,
            %get3A_85 = vector.shape_cast %get3A_84 : vector<1x16xf32> to vector<16xf32>
            %mul3A_86 = arith.mulf %get3A_85, %broadcast_in_dim3A : vector<16xf32>
            %swap3A_87 = arith.index_cast %add3A_72 : i32 to index
            %swap3A_88 = arith.constant 16 : index
            %swap3A_89 = tpu.vector_load %arg12[%swap3A_87, %swap3A_88] {strides = array<i32>} : memref<128x128xf32, #tpu.memory_space<vmem>>, vector<1x16xf32>,
            %swap3A_90 = vector.shape_cast %swap3A_89 : vector<1x16xf32> to vector<16xf32>
            %swap3A_91 = vector.shape_cast %mul3A_86 : vector<16xf32> to vector<1x16xf32>
            tpu.vector_store %arg12[%swap3A_87, %swap3A_88], %swap3A_91 {strides = array<i32>} : memref<128x128xf32, #tpu.memory_space<vmem>>, vector<1x16xf32>,
            %get3A_92 = arith.index_cast %add3A_72 : i32 to index
            %get3A_93 = arith.constant 32 : index
            %get3A_94 = tpu.vector_load %arg12[%get3A_92, %get3A_93] {strides = array<i32>} : memref<128x128xf32, #tpu.memory_space<vmem>>, vector<1x16xf32>,
            %get3A_95 = vector.shape_cast %get3A_94 : vector<1x16xf32> to vector<16xf32>
            %mul3A_96 = arith.mulf %get3A_95, %broadcast_in_dim3A : vector<16xf32>
            %swap3A_97 = arith.index_cast %add3A_72 : i32 to index
            %swap3A_98 = arith.constant 32 : index
            %swap3A_99 = tpu.vector_load %arg12[%swap3A_97, %swap3A_98] {strides = array<i32>} : memref<128x128xf32, #tpu.memory_space<vmem>>, vector<1x16xf32>,
            %swap3A_100 = vector.shape_cast %swap3A_99 : vector<1x16xf32> to vector<16xf32>
            %swap3A_101 = vector.shape_cast %mul3A_96 : vector<16xf32> to vector<1x16xf32>
            tpu.vector_store %arg12[%swap3A_97, %swap3A_98], %swap3A_101 {strides = array<i32>} : memref<128x128xf32, #tpu.memory_space<vmem>>, vector<1x16xf32>,
            %get3A_102 = arith.index_cast %add3A_72 : i32 to index
            %get3A_103 = arith.constant 48 : index
            %get3A_104 = tpu.vector_load %arg12[%get3A_102, %get3A_103] {strides = array<i32>} : memref<128x128xf32, #tpu.memory_space<vmem>>, vector<1x16xf32>,
            %get3A_105 = vector.shape_cast %get3A_104 : vector<1x16xf32> to vector<16xf32>
            %mul3A_106 = arith.mulf %get3A_105, %broadcast_in_dim3A : vector<16xf32>
            %swap3A_107 = arith.index_cast %add3A_72 : i32 to index
            %swap3A_108 = arith.constant 48 : index
            %swap3A_109 = tpu.vector_load %arg12[%swap3A_107, %swap3A_108] {strides = array<i32>} : memref<128x128xf32, #tpu.memory_space<vmem>>, vector<1x16xf32>,
            %swap3A_110 = vector.shape_cast %swap3A_109 : vector<1x16xf32> to vector<16xf32>
            %swap3A_111 = vector.shape_cast %mul3A_106 : vector<16xf32> to vector<1x16xf32>
            tpu.vector_store %arg12[%swap3A_107, %swap3A_108], %swap3A_111 {strides = array<i32>} : memref<128x128xf32, #tpu.memory_space<vmem>>, vector<1x16xf32>,
            %get3A_112 = arith.index_cast %add3A_72 : i32 to index
            %get3A_113 = arith.constant 64 : index
            %get3A_114 = tpu.vector_load %arg12[%get3A_112, %get3A_113] {strides = array<i32>} : memref<128x128xf32, #tpu.memory_space<vmem>>, vector<1x16xf32>,
            %get3A_115 = vector.shape_cast %get3A_114 : vector<1x16xf32> to vector<16xf32>
            %mul3A_116 = arith.mulf %get3A_115, %broadcast_in_dim3A : vector<16xf32>
            %swap3A_117 = arith.index_cast %add3A_72 : i32 to index
            %swap3A_118 = arith.constant 64 : index
            %swap3A_119 = tpu.vector_load %arg12[%swap3A_117, %swap3A_118] {strides = array<i32>} : memref<128x128xf32, #tpu.memory_space<vmem>>, vector<1x16xf32>,
            %swap3A_120 = vector.shape_cast %swap3A_119 : vector<1x16xf32> to vector<16xf32>
            %swap3A_121 = vector.shape_cast %mul3A_116 : vector<16xf32> to vector<1x16xf32>
            tpu.vector_store %arg12[%swap3A_117, %swap3A_118], %swap3A_121 {strides = array<i32>} : memref<128x128xf32, #tpu.memory_space<vmem>>, vector<1x16xf32>,
            %get3A_122 = arith.index_cast %add3A_72 : i32 to index
            %get3A_123 = arith.constant 80 : index
            %get3A_124 = tpu.vector_load %arg12[%get3A_122, %get3A_123] {strides = array<i32>} : memref<128x128xf32, #tpu.memory_space<vmem>>, vector<1x16xf32>,
            %get3A_125 = vector.shape_cast %get3A_124 : vector<1x16xf32> to vector<16xf32>
            %mul3A_126 = arith.mulf %get3A_125, %broadcast_in_dim3A : vector<16xf32>
            %swap3A_127 = arith.index_cast %add3A_72 : i32 to index
            %swap3A_128 = arith.constant 80 : index
            %swap3A_129 = tpu.vector_load %arg12[%swap3A_127, %swap3A_128] {strides = array<i32>} : memref<128x128xf32, #tpu.memory_space<vmem>>, vector<1x16xf32>,
            %swap3A_130 = vector.shape_cast %swap3A_129 : vector<1x16xf32> to vector<16xf32>
            %swap3A_131 = vector.shape_cast %mul3A_126 : vector<16xf32> to vector<1x16xf32>
            tpu.vector_store %arg12[%swap3A_127, %swap3A_128], %swap3A_131 {strides = array<i32>} : memref<128x128xf32, #tpu.memory_space<vmem>>, vector<1x16xf32>,
            %get3A_132 = arith.index_cast %add3A_72 : i32 to index
            %get3A_133 = arith.constant 96 : index
            %get3A_134 = tpu.vector_load %arg12[%get3A_132, %get3A_133] {strides = array<i32>} : memref<128x128xf32, #tpu.memory_space<vmem>>, vector<1x16xf32>,
            %get3A_135 = vector.shape_cast %get3A_134 : vector<1x16xf32> to vector<16xf32>
            %mul3A_136 = arith.mulf %get3A_135, %broadcast_in_dim3A : vector<16xf32>
            %swap3A_137 = arith.index_cast %add3A_72 : i32 to index
            %swap3A_138 = arith.constant 96 : index
            %swap3A_139 = tpu.vector_load %arg12[%swap3A_137, %swap3A_138] {strides = array<i32>} : memref<128x128xf32, #tpu.memory_space<vmem>>, vector<1x16xf32>,
            %swap3A_140 = vector.shape_cast %swap3A_139 : vector<1x16xf32> to vector<16xf32>
            %swap3A_141 = vector.shape_cast %mul3A_136 : vector<16xf32> to vector<1x16xf32>
            tpu.vector_store %arg12[%swap3A_137, %swap3A_138], %swap3A_141 {strides = array<i32>} : memref<128x128xf32, #tpu.memory_space<vmem>>, vector<1x16xf32>,
            %get3A_142 = arith.index_cast %add3A_72 : i32 to index
            %get3A_143 = arith.constant 112 : index
            %get3A_144 = tpu.vector_load %arg12[%get3A_142, %get3A_143] {strides = array<i32>} : memref<128x128xf32, #tpu.memory_space<vmem>>, vector<1x16xf32>,
            %get3A_145 = vector.shape_cast %get3A_144 : vector<1x16xf32> to vector<16xf32>
            %mul3A_146 = arith.mulf %get3A_145, %broadcast_in_dim3A : vector<16xf32>
            %swap3A_147 = arith.index_cast %add3A_72 : i32 to index
            %swap3A_148 = arith.constant 112 : index
            %swap3A_149 = tpu.vector_load %arg12[%swap3A_147, %swap3A_148] {strides = array<i32>} : memref<128x128xf32, #tpu.memory_space<vmem>>, vector<1x16xf32>,
            %swap3A_150 = vector.shape_cast %swap3A_149 : vector<1x16xf32> to vector<16xf32>
            %swap3A_151 = vector.shape_cast %mul3A_146 : vector<16xf32> to vector<1x16xf32>
            tpu.vector_store %arg12[%swap3A_147, %swap3A_148], %swap3A_151 {strides = array<i32>} : memref<128x128xf32, #tpu.memory_space<vmem>>, vector<1x16xf32>,
            %mul3A_152 = arith.constant 16 : i32
            %mul3A_153 = arith.muli %scan3A_62, %mul3A_152 : i32
            %add3A_154 = arith.constant 1 : i32
            %add3A_155 = arith.addi %mul3A_153, %add3A_154 : i32
            %slice3A_156 = vector.extract_strided_slice %get3A_68 {offsets = [1], sizes = [1], strides = [1]} : vector<16xf32> to vector<1xf32>
            %squeeze3A_157 = vector.extract %slice3A_156[0] : f32 from vector<1xf32>
            %broadcast_in_dim3A_158 = vector.broadcast %squeeze3A_157 : f32 to vector<16xf32>
            %get3A_159 = arith.index_cast %add3A_155 : i32 to index
            %get3A_160 = arith.constant 0 : index
            %get3A_161 = tpu.vector_load %arg12[%get3A_159, %get3A_160] {strides = array<i32>} : memref<128x128xf32, #tpu.memory_space<vmem>>, vector<1x16xf32>,
            %get3A_162 = vector.shape_cast %get3A_161 : vector<1x16xf32> to vector<16xf32>
            %mul3A_163 = arith.mulf %get3A_162, %broadcast_in_dim3A_158 : vector<16xf32>
            %swap3A_164 = arith.index_cast %add3A_155 : i32 to index
            %swap3A_165 = arith.constant 0 : index
            %swap3A_166 = tpu.vector_load %arg12[%swap3A_164, %swap3A_165] {strides = array<i32>} : memref<128x128xf32, #tpu.memory_space<vmem>>, vector<1x16xf32>,
            %swap3A_167 = vector.shape_cast %swap3A_166 : vector<1x16xf32> to vector<16xf32>
            %swap3A_168 = vector.shape_cast %mul3A_163 : vector<16xf32> to vector<1x16xf32>
            tpu.vector_store %arg12[%swap3A_164, %swap3A_165], %swap3A_168 {strides = array<i32>} : memref<128x128xf32, #tpu.memory_space<vmem>>, vector<1x16xf32>,
            %get3A_169 = arith.index_cast %add3A_155 : i32 to index
            %get3A_170 = arith.constant 16 : index
            %get3A_171 = tpu.vector_load %arg12[%get3A_169, %get3A_170] {strides = array<i32>} : memref<128x128xf32, #tpu.memory_space<vmem>>, vector<1x16xf32>,
            %get3A_172 = vector.shape_cast %get3A_171 : vector<1x16xf32> to vector<16xf32>
            %mul3A_173 = arith.mulf %get3A_172, %broadcast_in_dim3A_158 : vector<16xf32>
            %swap3A_174 = arith.index_cast %add3A_155 : i32 to index
            %swap3A_175 = arith.constant 16 : index
            %swap3A_176 = tpu.vector_load %arg12[%swap3A_174, %swap3A_175] {strides = array<i32>} : memref<128x128xf32, #tpu.memory_space<vmem>>, vector<1x16xf32>,
            %swap3A_177 = vector.shape_cast %swap3A_176 : vector<1x16xf32> to vector<16xf32>
            %swap3A_178 = vector.shape_cast %mul3A_173 : vector<16xf32> to vector<1x16xf32>
            tpu.vector_store %arg12[%swap3A_174, %swap3A_175], %swap3A_178 {strides = array<i32>} : memref<128x128xf32, #tpu.memory_space<vmem>>, vector<1x16xf32>,
            %get3A_179 = arith.index_cast %add3A_155 : i32 to index
            %get3A_180 = arith.constant 32 : index
            %get3A_181 = tpu.vector_load %arg12[%get3A_179, %get3A_180] {strides = array<i32>} : memref<128x128xf32, #tpu.memory_space<vmem>>, vector<1x16xf32>,
            %get3A_182 = vector.shape_cast %get3A_181 : vector<1x16xf32> to vector<16xf32>
            %mul3A_183 = arith.mulf %get3A_182, %broadcast_in_dim3A_158 : vector<16xf32>
            %swap3A_184 = arith.index_cast %add3A_155 : i32 to index
            %swap3A_185 = arith.constant 32 : index
            %swap3A_186 = tpu.vector_load %arg12[%swap3A_184, %swap3A_185] {strides = array<i32>} : memref<128x128xf32, #tpu.memory_space<vmem>>, vector<1x16xf32>,
            %swap3A_187 = vector.shape_cast %swap3A_186 : vector<1x16xf32> to vector<16xf32>
            %swap3A_188 = vector.shape_cast %mul3A_183 : vector<16xf32> to vector<1x16xf32>
            tpu.vector_store %arg12[%swap3A_184, %swap3A_185], %swap3A_188 {strides = array<i32>} : memref<128x128xf32, #tpu.memory_space<vmem>>, vector<1x16xf32>,
            %get3A_189 = arith.index_cast %add3A_155 : i32 to index
            %get3A_190 = arith.constant 48 : index
            %get3A_191 = tpu.vector_load %arg12[%get3A_189, %get3A_190] {strides = array<i32>} : memref<128x128xf32, #tpu.memory_space<vmem>>, vector<1x16xf32>,
            %get3A_192 = vector.shape_cast %get3A_191 : vector<1x16xf32> to vector<16xf32>
            %mul3A_193 = arith.mulf %get3A_192, %broadcast_in_dim3A_158 : vector<16xf32>
            %swap3A_194 = arith.index_cast %add3A_155 : i32 to index
            %swap3A_195 = arith.constant 48 : index
            %swap3A_196 = tpu.vector_load %arg12[%swap3A_194, %swap3A_195] {strides = array<i32>} : memref<128x128xf32, #tpu.memory_space<vmem>>, vector<1x16xf32>,
            %swap3A_197 = vector.shape_cast %swap3A_196 : vector<1x16xf32> to vector<16xf32>
            %swap3A_198 = vector.shape_cast %mul3A_193 : vector<16xf32> to vector<1x16xf32>
            tpu.vector_store %arg12[%swap3A_194, %swap3A_195], %swap3A_198 {strides = array<i32>} : memref<128x128xf32, #tpu.memory_space<vmem>>, vector<1x16xf32>,
            %get3A_199 = arith.index_cast %add3A_155 : i32 to index
            %get3A_200 = arith.constant 64 : index
            %get3A_201 = tpu.vector_load %arg12[%get3A_199, %get3A_200] {strides = array<i32>} : memref<128x128xf32, #tpu.memory_space<vmem>>, vector<1x16xf32>,
            %get3A_202 = vector.shape_cast %get3A_201 : vector<1x16xf32> to vector<16xf32>
            %mul3A_203 = arith.mulf %get3A_202, %broadcast_in_dim3A_158 : vector<16xf32>
            %swap3A_204 = arith.index_cast %add3A_155 : i32 to index
            %swap3A_205 = arith.constant 64 : index
            %swap3A_206 = tpu.vector_load %arg12[%swap3A_204, %swap3A_205] {strides = array<i32>} : memref<128x128xf32, #tpu.memory_space<vmem>>, vector<1x16xf32>,
            %swap3A_207 = vector.shape_cast %swap3A_206 : vector<1x16xf32> to vector<16xf32>
            %swap3A_208 = vector.shape_cast %mul3A_203 : vector<16xf32> to vector<1x16xf32>
            tpu.vector_store %arg12[%swap3A_204, %swap3A_205], %swap3A_208 {strides = array<i32>} : memref<128x128xf32, #tpu.memory_space<vmem>>, vector<1x16xf32>,
            %get3A_209 = arith.index_cast %add3A_155 : i32 to index
            %get3A_210 = arith.constant 80 : index
            %get3A_211 = tpu.vector_load %arg12[%get3A_209, %get3A_210] {strides = array<i32>} : memref<128x128xf32, #tpu.memory_space<vmem>>, vector<1x16xf32>,
            %get3A_212 = vector.shape_cast %get3A_211 : vector<1x16xf32> to vector<16xf32>
            %mul3A_213 = arith.mulf %get3A_212, %broadcast_in_dim3A_158 : vector<16xf32>
            %swap3A_214 = arith.index_cast %add3A_155 : i32 to index
            %swap3A_215 = arith.constant 80 : index
            %swap3A_216 = tpu.vector_load %arg12[%swap3A_214, %swap3A_215] {strides = array<i32>} : memref<128x128xf32, #tpu.memory_space<vmem>>, vector<1x16xf32>,
            %swap3A_217 = vector.shape_cast %swap3A_216 : vector<1x16xf32> to vector<16xf32>
            %swap3A_218 = vector.shape_cast %mul3A_213 : vector<16xf32> to vector<1x16xf32>
            tpu.vector_store %arg12[%swap3A_214, %swap3A_215], %swap3A_218 {strides = array<i32>} : memref<128x128xf32, #tpu.memory_space<vmem>>, vector<1x16xf32>,
            %get3A_219 = arith.index_cast %add3A_155 : i32 to index
            %get3A_220 = arith.constant 96 : index
            %get3A_221 = tpu.vector_load %arg12[%get3A_219, %get3A_220] {strides = array<i32>} : memref<128x128xf32, #tpu.memory_space<vmem>>, vector<1x16xf32>,
            %get3A_222 = vector.shape_cast %get3A_221 : vector<1x16xf32> to vector<16xf32>
            %mul3A_223 = arith.mulf %get3A_222, %broadcast_in_dim3A_158 : vector<16xf32>
            %swap3A_224 = arith.index_cast %add3A_155 : i32 to index
            %swap3A_225 = arith.constant 96 : index
            %swap3A_226 = tpu.vector_load %arg12[%swap3A_224, %swap3A_225] {strides = array<i32>} : memref<128x128xf32, #tpu.memory_space<vmem>>, vector<1x16xf32>,
            %swap3A_227 = vector.shape_cast %swap3A_226 : vector<1x16xf32> to vector<16xf32>
            %swap3A_228 = vector.shape_cast %mul3A_223 : vector<16xf32> to vector<1x16xf32>
            tpu.vector_store %arg12[%swap3A_224, %swap3A_225], %swap3A_228 {strides = array<i32>} : memref<128x128xf32, #tpu.memory_space<vmem>>, vector<1x16xf32>,
            %get3A_229 = arith.index_cast %add3A_155 : i32 to index
            %get3A_230 = arith.constant 112 : index
            %get3A_231 = tpu.vector_load %arg12[%get3A_229, %get3A_230] {strides = array<i32>} : memref<128x128xf32, #tpu.memory_space<vmem>>, vector<1x16xf32>,
            %get3A_232 = vector.shape_cast %get3A_231 : vector<1x16xf32> to vector<16xf32>
            %mul3A_233 = arith.mulf %get3A_232, %broadcast_in_dim3A_158 : vector<16xf32>
            %swap3A_234 = arith.index_cast %add3A_155 : i32 to index
            %swap3A_235 = arith.constant 112 : index
            %swap3A_236 = tpu.vector_load %arg12[%swap3A_234, %swap3A_235] {strides = array<i32>} : memref<128x128xf32, #tpu.memory_space<vmem>>, vector<1x16xf32>,
            %swap3A_237 = vector.shape_cast %swap3A_236 : vector<1x16xf32> to vector<16xf32>
            %swap3A_238 = vector.shape_cast %mul3A_233 : vector<16xf32> to vector<1x16xf32>
            tpu.vector_store %arg12[%swap3A_234, %swap3A_235], %swap3A_238 {strides = array<i32>} : memref<128x128xf32, #tpu.memory_space<vmem>>, vector<1x16xf32>,
            %mul3A_239 = arith.constant 16 : i32
            %mul3A_240 = arith.muli %scan3A_62, %mul3A_239 : i32
            %add3A_241 = arith.constant 2 : i32
            %add3A_242 = arith.addi %mul3A_240, %add3A_241 : i32
            %slice3A_243 = vector.extract_strided_slice %get3A_68 {offsets = [2], sizes = [1], strides = [1]} : vector<16xf32> to vector<1xf32>
            %squeeze3A_244 = vector.extract %slice3A_243[0] : f32 from vector<1xf32>
            %broadcast_in_dim3A_245 = vector.broadcast %squeeze3A_244 : f32 to vector<16xf32>
            %get3A_246 = arith.index_cast %add3A_242 : i32 to index
            %get3A_247 = arith.constant 0 : index
            %get3A_248 = tpu.vector_load %arg12[%get3A_246, %get3A_247] {strides = array<i32>} : memref<128x128xf32, #tpu.memory_space<vmem>>, vector<1x16xf32>,
            %get3A_249 = vector.shape_cast %get3A_248 : vector<1x16xf32> to vector<16xf32>
            %mul3A_250 = arith.mulf %get3A_249, %broadcast_in_dim3A_245 : vector<16xf32>
            %swap3A_251 = arith.index_cast %add3A_242 : i32 to index
            %swap3A_252 = arith.constant 0 : index
            %swap3A_253 = tpu.vector_load %arg12[%swap3A_251, %swap3A_252] {strides = array<i32>} : memref<128x128xf32, #tpu.memory_space<vmem>>, vector<1x16xf32>,
            %swap3A_254 = vector.shape_cast %swap3A_253 : vector<1x16xf32> to vector<16xf32>
            %swap3A_255 = vector.shape_cast %mul3A_250 : vector<16xf32> to vector<1x16xf32>
            tpu.vector_store %arg12[%swap3A_251, %swap3A_252], %swap3A_255 {strides = array<i32>} : memref<128x128xf32, #tpu.memory_space<vmem>>, vector<1x16xf32>,
            %get3A_256 = arith.index_cast %add3A_242 : i32 to index
            %get3A_257 = arith.constant 16 : index
            %get3A_258 = tpu.vector_load %arg12[%get3A_256, %get3A_257] {strides = array<i32>} : memref<128x128xf32, #tpu.memory_space<vmem>>, vector<1x16xf32>,
            %get3A_259 = vector.shape_cast %get3A_258 : vector<1x16xf32> to vector<16xf32>
            %mul3A_260 = arith.mulf %get3A_259, %broadcast_in_dim3A_245 : vector<16xf32>
            %swap3A_261 = arith.index_cast %add3A_242 : i32 to index
            %swap3A_262 = arith.constant 16 : index
            %swap3A_263 = tpu.vector_load %arg12[%swap3A_261, %swap3A_262] {strides = array<i32>} : memref<128x128xf32, #tpu.memory_space<vmem>>, vector<1x16xf32>,
            %swap3A_264 = vector.shape_cast %swap3A_263 : vector<1x16xf32> to vector<16xf32>
            %swap3A_265 = vector.shape_cast %mul3A_260 : vector<16xf32> to vector<1x16xf32>
            tpu.vector_store %arg12[%swap3A_261, %swap3A_262], %swap3A_265 {strides = array<i32>} : memref<128x128xf32, #tpu.memory_space<vmem>>, vector<1x16xf32>,
            %get3A_266 = arith.index_cast %add3A_242 : i32 to index
            %get3A_267 = arith.constant 32 : index
            %get3A_268 = tpu.vector_load %arg12[%get3A_266, %get3A_267] {strides = array<i32>} : memref<128x128xf32, #tpu.memory_space<vmem>>, vector<1x16xf32>,
            %get3A_269 = vector.shape_cast %get3A_268 : vector<1x16xf32> to vector<16xf32>
            %mul3A_270 = arith.mulf %get3A_269, %broadcast_in_dim3A_245 : vector<16xf32>
            %swap3A_271 = arith.index_cast %add3A_242 : i32 to index
            %swap3A_272 = arith.constant 32 : index
            %swap3A_273 = tpu.vector_load %arg12[%swap3A_271, %swap3A_272] {strides = array<i32>} : memref<128x128xf32, #tpu.memory_space<vmem>>, vector<1x16xf32>,
            %swap3A_274 = vector.shape_cast %swap3A_273 : vector<1x16xf32> to vector<16xf32>
            %swap3A_275 = vector.shape_cast %mul3A_270 : vector<16xf32> to vector<1x16xf32>
            tpu.vector_store %arg12[%swap3A_271, %swap3A_272], %swap3A_275 {strides = array<i32>} : memref<128x128xf32, #tpu.memory_space<vmem>>, vector<1x16xf32>,
            %get3A_276 = arith.index_cast %add3A_242 : i32 to index
            %get3A_277 = arith.constant 48 : index
            %get3A_278 = tpu.vector_load %arg12[%get3A_276, %get3A_277] {strides = array<i32>} : memref<128x128xf32, #tpu.memory_space<vmem>>, vector<1x16xf32>,
            %get3A_279 = vector.shape_cast %get3A_278 : vector<1x16xf32> to vector<16xf32>
            %mul3A_280 = arith.mulf %get3A_279, %broadcast_in_dim3A_245 : vector<16xf32>
            %swap3A_281 = arith.index_cast %add3A_242 : i32 to index
            %swap3A_282 = arith.constant 48 : index
            %swap3A_283 = tpu.vector_load %arg12[%swap3A_281, %swap3A_282] {strides = array<i32>} : memref<128x128xf32, #tpu.memory_space<vmem>>, vector<1x16xf32>,
            %swap3A_284 = vector.shape_cast %swap3A_283 : vector<1x16xf32> to vector<16xf32>
            %swap3A_285 = vector.shape_cast %mul3A_280 : vector<16xf32> to vector<1x16xf32>
            tpu.vector_store %arg12[%swap3A_281, %swap3A_282], %swap3A_285 {strides = array<i32>} : memref<128x128xf32, #tpu.memory_space<vmem>>, vector<1x16xf32>,
            %get3A_286 = arith.index_cast %add3A_242 : i32 to index
            %get3A_287 = arith.constant 64 : index
            %get3A_288 = tpu.vector_load %arg12[%get3A_286, %get3A_287] {strides = array<i32>} : memref<128x128xf32, #tpu.memory_space<vmem>>, vector<1x16xf32>,
            %get3A_289 = vector.shape_cast %get3A_288 : vector<1x16xf32> to vector<16xf32>
            %mul3A_290 = arith.mulf %get3A_289, %broadcast_in_dim3A_245 : vector<16xf32>
            %swap3A_291 = arith.index_cast %add3A_242 : i32 to index
            %swap3A_292 = arith.constant 64 : index
            %swap3A_293 = tpu.vector_load %arg12[%swap3A_291, %swap3A_292] {strides = array<i32>} : memref<128x128xf32, #tpu.memory_space<vmem>>, vector<1x16xf32>,
            %swap3A_294 = vector.shape_cast %swap3A_293 : vector<1x16xf32> to vector<16xf32>
            %swap3A_295 = vector.shape_cast %mul3A_290 : vector<16xf32> to vector<1x16xf32>
            tpu.vector_store %arg12[%swap3A_291, %swap3A_292], %swap3A_295 {strides = array<i32>} : memref<128x128xf32, #tpu.memory_space<vmem>>, vector<1x16xf32>,
            %get3A_296 = arith.index_cast %add3A_242 : i32 to index
            %get3A_297 = arith.constant 80 : index
            %get3A_298 = tpu.vector_load %arg12[%get3A_296, %get3A_297] {strides = array<i32>} : memref<128x128xf32, #tpu.memory_space<vmem>>, vector<1x16xf32>,
            %get3A_299 = vector.shape_cast %get3A_298 : vector<1x16xf32> to vector<16xf32>
            %mul3A_300 = arith.mulf %get3A_299, %broadcast_in_dim3A_245 : vector<16xf32>
            %swap3A_301 = arith.index_cast %add3A_242 : i32 to index
            %swap3A_302 = arith.constant 80 : index
            %swap3A_303 = tpu.vector_load %arg12[%swap3A_301, %swap3A_302] {strides = array<i32>} : memref<128x128xf32, #tpu.memory_space<vmem>>, vector<1x16xf32>,
            %swap3A_304 = vector.shape_cast %swap3A_303 : vector<1x16xf32> to vector<16xf32>
            %swap3A_305 = vector.shape_cast %mul3A_300 : vector<16xf32> to vector<1x16xf32>
            tpu.vector_store %arg12[%swap3A_301, %swap3A_302], %swap3A_305 {strides = array<i32>} : memref<128x128xf32, #tpu.memory_space<vmem>>, vector<1x16xf32>,
            %get3A_306 = arith.index_cast %add3A_242 : i32 to index
            %get3A_307 = arith.constant 96 : index
            %get3A_308 = tpu.vector_load %arg12[%get3A_306, %get3A_307] {strides = array<i32>} : memref<128x128xf32, #tpu.memory_space<vmem>>, vector<1x16xf32>,
            %get3A_309 = vector.shape_cast %get3A_308 : vector<1x16xf32> to vector<16xf32>
            %mul3A_310 = arith.mulf %get3A_309, %broadcast_in_dim3A_245 : vector<16xf32>
            %swap3A_311 = arith.index_cast %add3A_242 : i32 to index
            %swap3A_312 = arith.constant 96 : index
            %swap3A_313 = tpu.vector_load %arg12[%swap3A_311, %swap3A_312] {strides = array<i32>} : memref<128x128xf32, #tpu.memory_space<vmem>>, vector<1x16xf32>,
            %swap3A_314 = vector.shape_cast %swap3A_313 : vector<1x16xf32> to vector<16xf32>
            %swap3A_315 = vector.shape_cast %mul3A_310 : vector<16xf32> to vector<1x16xf32>
            tpu.vector_store %arg12[%swap3A_311, %swap3A_312], %swap3A_315 {strides = array<i32>} : memref<128x128xf32, #tpu.memory_space<vmem>>, vector<1x16xf32>,
            %get3A_316 = arith.index_cast %add3A_242 : i32 to index
            %get3A_317 = arith.constant 112 : index
            %get3A_318 = tpu.vector_load %arg12[%get3A_316, %get3A_317] {strides = array<i32>} : memref<128x128xf32, #tpu.memory_space<vmem>>, vector<1x16xf32>,
            %get3A_319 = vector.shape_cast %get3A_318 : vector<1x16xf32> to vector<16xf32>
            %mul3A_320 = arith.mulf %get3A_319, %broadcast_in_dim3A_245 : vector<16xf32>
            %swap3A_321 = arith.index_cast %add3A_242 : i32 to index
            %swap3A_322 = arith.constant 112 : index
            %swap3A_323 = tpu.vector_load %arg12[%swap3A_321, %swap3A_322] {strides = array<i32>} : memref<128x128xf32, #tpu.memory_space<vmem>>, vector<1x16xf32>,
            %swap3A_324 = vector.shape_cast %swap3A_323 : vector<1x16xf32> to vector<16xf32>
            %swap3A_325 = vector.shape_cast %mul3A_320 : vector<16xf32> to vector<1x16xf32>
            tpu.vector_store %arg12[%swap3A_321, %swap3A_322], %swap3A_325 {strides = array<i32>} : memref<128x128xf32, #tpu.memory_space<vmem>>, vector<1x16xf32>,
            %mul3A_326 = arith.constant 16 : i32
            %mul3A_327 = arith.muli %scan3A_62, %mul3A_326 : i32
            %add3A_328 = arith.constant 3 : i32
            %add3A_329 = arith.addi %mul3A_327, %add3A_328 : i32
            %slice3A_330 = vector.extract_strided_slice %get3A_68 {offsets = [3], sizes = [1], strides = [1]} : vector<16xf32> to vector<1xf32>
            %squeeze3A_331 = vector.extract %slice3A_330[0] : f32 from vector<1xf32>
            %broadcast_in_dim3A_332 = vector.broadcast %squeeze3A_331 : f32 to vector<16xf32>
            %get3A_333 = arith.index_cast %add3A_329 : i32 to index
            %get3A_334 = arith.constant 0 : index
            %get3A_335 = tpu.vector_load %arg12[%get3A_333, %get3A_334] {strides = array<i32>} : memref<128x128xf32, #tpu.memory_space<vmem>>, vector<1x16xf32>,
            %get3A_336 = vector.shape_cast %get3A_335 : vector<1x16xf32> to vector<16xf32>
            %mul3A_337 = arith.mulf %get3A_336, %broadcast_in_dim3A_332 : vector<16xf32>
            %swap3A_338 = arith.index_cast %add3A_329 : i32 to index
            %swap3A_339 = arith.constant 0 : index
            %swap3A_340 = tpu.vector_load %arg12[%swap3A_338, %swap3A_339] {strides = array<i32>} : memref<128x128xf32, #tpu.memory_space<vmem>>, vector<1x16xf32>,
            %swap3A_341 = vector.shape_cast %swap3A_340 : vector<1x16xf32> to vector<16xf32>
            %swap3A_342 = vector.shape_cast %mul3A_337 : vector<16xf32> to vector<1x16xf32>
            tpu.vector_store %arg12[%swap3A_338, %swap3A_339], %swap3A_342 {strides = array<i32>} : memref<128x128xf32, #tpu.memory_space<vmem>>, vector<1x16xf32>,
            %get3A_343 = arith.index_cast %add3A_329 : i32 to index
            %get3A_344 = arith.constant 16 : index
            %get3A_345 = tpu.vector_load %arg12[%get3A_343, %get3A_344] {strides = array<i32>} : memref<128x128xf32, #tpu.memory_space<vmem>>, vector<1x16xf32>,
            %get3A_346 = vector.shape_cast %get3A_345 : vector<1x16xf32> to vector<16xf32>
            %mul3A_347 = arith.mulf %get3A_346, %broadcast_in_dim3A_332 : vector<16xf32>
            %swap3A_348 = arith.index_cast %add3A_329 : i32 to index
            %swap3A_349 = arith.constant 16 : index
            %swap3A_350 = tpu.vector_load %arg12[%swap3A_348, %swap3A_349] {strides = array<i32>} : memref<128x128xf32, #tpu.memory_space<vmem>>, vector<1x16xf32>,
            %swap3A_351 = vector.shape_cast %swap3A_350 : vector<1x16xf32> to vector<16xf32>
            %swap3A_352 = vector.shape_cast %mul3A_347 : vector<16xf32> to vector<1x16xf32>
            tpu.vector_store %arg12[%swap3A_348, %swap3A_349], %swap3A_352 {strides = array<i32>} : memref<128x128xf32, #tpu.memory_space<vmem>>, vector<1x16xf32>,
            %get3A_353 = arith.index_cast %add3A_329 : i32 to index
            %get3A_354 = arith.constant 32 : index
            %get3A_355 = tpu.vector_load %arg12[%get3A_353, %get3A_354] {strides = array<i32>} : memref<128x128xf32, #tpu.memory_space<vmem>>, vector<1x16xf32>,
            %get3A_356 = vector.shape_cast %get3A_355 : vector<1x16xf32> to vector<16xf32>
            %mul3A_357 = arith.mulf %get3A_356, %broadcast_in_dim3A_332 : vector<16xf32>
            %swap3A_358 = arith.index_cast %add3A_329 : i32 to index
            %swap3A_359 = arith.constant 32 : index
            %swap3A_360 = tpu.vector_load %arg12[%swap3A_358, %swap3A_359] {strides = array<i32>} : memref<128x128xf32, #tpu.memory_space<vmem>>, vector<1x16xf32>,
            %swap3A_361 = vector.shape_cast %swap3A_360 : vector<1x16xf32> to vector<16xf32>
            %swap3A_362 = vector.shape_cast %mul3A_357 : vector<16xf32> to vector<1x16xf32>
            tpu.vector_store %arg12[%swap3A_358, %swap3A_359], %swap3A_362 {strides = array<i32>} : memref<128x128xf32, #tpu.memory_space<vmem>>, vector<1x16xf32>,
            %get3A_363 = arith.index_cast %add3A_329 : i32 to index
            %get3A_364 = arith.constant 48 : index
            %get3A_365 = tpu.vector_load %arg12[%get3A_363, %get3A_364] {strides = array<i32>} : memref<128x128xf32, #tpu.memory_space<vmem>>, vector<1x16xf32>,
            %get3A_366 = vector.shape_cast %get3A_365 : vector<1x16xf32> to vector<16xf32>
            %mul3A_367 = arith.mulf %get3A_366, %broadcast_in_dim3A_332 : vector<16xf32>
            %swap3A_368 = arith.index_cast %add3A_329 : i32 to index
            %swap3A_369 = arith.constant 48 : index
            %swap3A_370 = tpu.vector_load %arg12[%swap3A_368, %swap3A_369] {strides = array<i32>} : memref<128x128xf32, #tpu.memory_space<vmem>>, vector<1x16xf32>,
            %swap3A_371 = vector.shape_cast %swap3A_370 : vector<1x16xf32> to vector<16xf32>
            %swap3A_372 = vector.shape_cast %mul3A_367 : vector<16xf32> to vector<1x16xf32>
            tpu.vector_store %arg12[%swap3A_368, %swap3A_369], %swap3A_372 {strides = array<i32>} : memref<128x128xf32, #tpu.memory_space<vmem>>, vector<1x16xf32>,
            %get3A_373 = arith.index_cast %add3A_329 : i32 to index
            %get3A_374 = arith.constant 64 : index
            %get3A_375 = tpu.vector_load %arg12[%get3A_373, %get3A_374] {strides = array<i32>} : memref<128x128xf32, #tpu.memory_space<vmem>>, vector<1x16xf32>,
            %get3A_376 = vector.shape_cast %get3A_375 : vector<1x16xf32> to vector<16xf32>
            %mul3A_377 = arith.mulf %get3A_376, %broadcast_in_dim3A_332 : vector<16xf32>
            %swap3A_378 = arith.index_cast %add3A_329 : i32 to index
            %swap3A_379 = arith.constant 64 : index
            %swap3A_380 = tpu.vector_load %arg12[%swap3A_378, %swap3A_379] {strides = array<i32>} : memref<128x128xf32, #tpu.memory_space<vmem>>, vector<1x16xf32>,
            %swap3A_381 = vector.shape_cast %swap3A_380 : vector<1x16xf32> to vector<16xf32>
            %swap3A_382 = vector.shape_cast %mul3A_377 : vector<16xf32> to vector<1x16xf32>
            tpu.vector_store %arg12[%swap3A_378, %swap3A_379], %swap3A_382 {strides = array<i32>} : memref<128x128xf32, #tpu.memory_space<vmem>>, vector<1x16xf32>,
            %get3A_383 = arith.index_cast %add3A_329 : i32 to index
            %get3A_384 = arith.constant 80 : index
            %get3A_385 = tpu.vector_load %arg12[%get3A_383, %get3A_384] {strides = array<i32>} : memref<128x128xf32, #tpu.memory_space<vmem>>, vector<1x16xf32>,
            %get3A_386 = vector.shape_cast %get3A_385 : vector<1x16xf32> to vector<16xf32>
            %mul3A_387 = arith.mulf %get3A_386, %broadcast_in_dim3A_332 : vector<16xf32>
            %swap3A_388 = arith.index_cast %add3A_329 : i32 to index
            %swap3A_389 = arith.constant 80 : index
            %swap3A_390 = tpu.vector_load %arg12[%swap3A_388, %swap3A_389] {strides = array<i32>} : memref<128x128xf32, #tpu.memory_space<vmem>>, vector<1x16xf32>,
            %swap3A_391 = vector.shape_cast %swap3A_390 : vector<1x16xf32> to vector<16xf32>
            %swap3A_392 = vector.shape_cast %mul3A_387 : vector<16xf32> to vector<1x16xf32>
            tpu.vector_store %arg12[%swap3A_388, %swap3A_389], %swap3A_392 {strides = array<i32>} : memref<128x128xf32, #tpu.memory_space<vmem>>, vector<1x16xf32>,
            %get3A_393 = arith.index_cast %add3A_329 : i32 to index
            %get3A_394 = arith.constant 96 : index
            %get3A_395 = tpu.vector_load %arg12[%get3A_393, %get3A_394] {strides = array<i32>} : memref<128x128xf32, #tpu.memory_space<vmem>>, vector<1x16xf32>,
            %get3A_396 = vector.shape_cast %get3A_395 : vector<1x16xf32> to vector<16xf32>
            %mul3A_397 = arith.mulf %get3A_396, %broadcast_in_dim3A_332 : vector<16xf32>
            %swap3A_398 = arith.index_cast %add3A_329 : i32 to index
            %swap3A_399 = arith.constant 96 : index
            %swap3A_400 = tpu.vector_load %arg12[%swap3A_398, %swap3A_399] {strides = array<i32>} : memref<128x128xf32, #tpu.memory_space<vmem>>, vector<1x16xf32>,
            %swap3A_401 = vector.shape_cast %swap3A_400 : vector<1x16xf32> to vector<16xf32>
            %swap3A_402 = vector.shape_cast %mul3A_397 : vector<16xf32> to vector<1x16xf32>
            tpu.vector_store %arg12[%swap3A_398, %swap3A_399], %swap3A_402 {strides = array<i32>} : memref<128x128xf32, #tpu.memory_space<vmem>>, vector<1x16xf32>,
            %get3A_403 = arith.index_cast %add3A_329 : i32 to index
            %get3A_404 = arith.constant 112 : index
            %get3A_405 = tpu.vector_load %arg12[%get3A_403, %get3A_404] {strides = array<i32>} : memref<128x128xf32, #tpu.memory_space<vmem>>, vector<1x16xf32>,
            %get3A_406 = vector.shape_cast %get3A_405 : vector<1x16xf32> to vector<16xf32>
            %mul3A_407 = arith.mulf %get3A_406, %broadcast_in_dim3A_332 : vector<16xf32>
            %swap3A_408 = arith.index_cast %add3A_329 : i32 to index
            %swap3A_409 = arith.constant 112 : index
            %swap3A_410 = tpu.vector_load %arg12[%swap3A_408, %swap3A_409] {strides = array<i32>} : memref<128x128xf32, #tpu.memory_space<vmem>>, vector<1x16xf32>,
            %swap3A_411 = vector.shape_cast %swap3A_410 : vector<1x16xf32> to vector<16xf32>
            %swap3A_412 = vector.shape_cast %mul3A_407 : vector<16xf32> to vector<1x16xf32>
            tpu.vector_store %arg12[%swap3A_408, %swap3A_409], %swap3A_412 {strides = array<i32>} : memref<128x128xf32, #tpu.memory_space<vmem>>, vector<1x16xf32>,
            %mul3A_413 = arith.constant 16 : i32
            %mul3A_414 = arith.muli %scan3A_62, %mul3A_413 : i32
            %add3A_415 = arith.constant 4 : i32
            %add3A_416 = arith.addi %mul3A_414, %add3A_415 : i32
            %slice3A_417 = vector.extract_strided_slice %get3A_68 {offsets = [4], sizes = [1], strides = [1]} : vector<16xf32> to vector<1xf32>
            %squeeze3A_418 = vector.extract %slice3A_417[0] : f32 from vector<1xf32>
            %broadcast_in_dim3A_419 = vector.broadcast %squeeze3A_418 : f32 to vector<16xf32>
            %get3A_420 = arith.index_cast %add3A_416 : i32 to index
            %get3A_421 = arith.constant 0 : index
            %get3A_422 = tpu.vector_load %arg12[%get3A_420, %get3A_421] {strides = array<i32>} : memref<128x128xf32, #tpu.memory_space<vmem>>, vector<1x16xf32>,
            %get3A_423 = vector.shape_cast %get3A_422 : vector<1x16xf32> to vector<16xf32>
            %mul3A_424 = arith.mulf %get3A_423, %broadcast_in_dim3A_419 : vector<16xf32>
            %swap3A_425 = arith.index_cast %add3A_416 : i32 to index
            %swap3A_426 = arith.constant 0 : index
            %swap3A_427 = tpu.vector_load %arg12[%swap3A_425, %swap3A_426] {strides = array<i32>} : memref<128x128xf32, #tpu.memory_space<vmem>>, vector<1x16xf32>,
            %swap3A_428 = vector.shape_cast %swap3A_427 : vector<1x16xf32> to vector<16xf32>
            %swap3A_429 = vector.shape_cast %mul3A_424 : vector<16xf32> to vector<1x16xf32>
            tpu.vector_store %arg12[%swap3A_425, %swap3A_426], %swap3A_429 {strides = array<i32>} : memref<128x128xf32, #tpu.memory_space<vmem>>, vector<1x16xf32>,
            %get3A_430 = arith.index_cast %add3A_416 : i32 to index
            %get3A_431 = arith.constant 16 : index
            %get3A_432 = tpu.vector_load %arg12[%get3A_430, %get3A_431] {strides = array<i32>} : memref<128x128xf32, #tpu.memory_space<vmem>>, vector<1x16xf32>,
            %get3A_433 = vector.shape_cast %get3A_432 : vector<1x16xf32> to vector<16xf32>
            %mul3A_434 = arith.mulf %get3A_433, %broadcast_in_dim3A_419 : vector<16xf32>
            %swap3A_435 = arith.index_cast %add3A_416 : i32 to index
            %swap3A_436 = arith.constant 16 : index
            %swap3A_437 = tpu.vector_load %arg12[%swap3A_435, %swap3A_436] {strides = array<i32>} : memref<128x128xf32, #tpu.memory_space<vmem>>, vector<1x16xf32>,
            %swap3A_438 = vector.shape_cast %swap3A_437 : vector<1x16xf32> to vector<16xf32>
            %swap3A_439 = vector.shape_cast %mul3A_434 : vector<16xf32> to vector<1x16xf32>
            tpu.vector_store %arg12[%swap3A_435, %swap3A_436], %swap3A_439 {strides = array<i32>} : memref<128x128xf32, #tpu.memory_space<vmem>>, vector<1x16xf32>,
            %get3A_440 = arith.index_cast %add3A_416 : i32 to index
            %get3A_441 = arith.constant 32 : index
            %get3A_442 = tpu.vector_load %arg12[%get3A_440, %get3A_441] {strides = array<i32>} : memref<128x128xf32, #tpu.memory_space<vmem>>, vector<1x16xf32>,
            %get3A_443 = vector.shape_cast %get3A_442 : vector<1x16xf32> to vector<16xf32>
            %mul3A_444 = arith.mulf %get3A_443, %broadcast_in_dim3A_419 : vector<16xf32>
            %swap3A_445 = arith.index_cast %add3A_416 : i32 to index
            %swap3A_446 = arith.constant 32 : index
            %swap3A_447 = tpu.vector_load %arg12[%swap3A_445, %swap3A_446] {strides = array<i32>} : memref<128x128xf32, #tpu.memory_space<vmem>>, vector<1x16xf32>,
            %swap3A_448 = vector.shape_cast %swap3A_447 : vector<1x16xf32> to vector<16xf32>
            %swap3A_449 = vector.shape_cast %mul3A_444 : vector<16xf32> to vector<1x16xf32>
            tpu.vector_store %arg12[%swap3A_445, %swap3A_446], %swap3A_449 {strides = array<i32>} : memref<128x128xf32, #tpu.memory_space<vmem>>, vector<1x16xf32>,
            %get3A_450 = arith.index_cast %add3A_416 : i32 to index
            %get3A_451 = arith.constant 48 : index
            %get3A_452 = tpu.vector_load %arg12[%get3A_450, %get3A_451] {strides = array<i32>} : memref<128x128xf32, #tpu.memory_space<vmem>>, vector<1x16xf32>,
            %get3A_453 = vector.shape_cast %get3A_452 : vector<1x16xf32> to vector<16xf32>
            %mul3A_454 = arith.mulf %get3A_453, %broadcast_in_dim3A_419 : vector<16xf32>
            %swap3A_455 = arith.index_cast %add3A_416 : i32 to index
            %swap3A_456 = arith.constant 48 : index
            %swap3A_457 = tpu.vector_load %arg12[%swap3A_455, %swap3A_456] {strides = array<i32>} : memref<128x128xf32, #tpu.memory_space<vmem>>, vector<1x16xf32>,
            %swap3A_458 = vector.shape_cast %swap3A_457 : vector<1x16xf32> to vector<16xf32>
            %swap3A_459 = vector.shape_cast %mul3A_454 : vector<16xf32> to vector<1x16xf32>
            tpu.vector_store %arg12[%swap3A_455, %swap3A_456], %swap3A_459 {strides = array<i32>} : memref<128x128xf32, #tpu.memory_space<vmem>>, vector<1x16xf32>,
            %get3A_460 = arith.index_cast %add3A_416 : i32 to index
            %get3A_461 = arith.constant 64 : index
            %get3A_462 = tpu.vector_load %arg12[%get3A_460, %get3A_461] {strides = array<i32>} : memref<128x128xf32, #tpu.memory_space<vmem>>, vector<1x16xf32>,
            %get3A_463 = vector.shape_cast %get3A_462 : vector<1x16xf32> to vector<16xf32>
            %mul3A_464 = arith.mulf %get3A_463, %broadcast_in_dim3A_419 : vector<16xf32>
            %swap3A_465 = arith.index_cast %add3A_416 : i32 to index
            %swap3A_466 = arith.constant 64 : index
            %swap3A_467 = tpu.vector_load %arg12[%swap3A_465, %swap3A_466] {strides = array<i32>} : memref<128x128xf32, #tpu.memory_space<vmem>>, vector<1x16xf32>,
            %swap3A_468 = vector.shape_cast %swap3A_467 : vector<1x16xf32> to vector<16xf32>
            %swap3A_469 = vector.shape_cast %mul3A_464 : vector<16xf32> to vector<1x16xf32>
            tpu.vector_store %arg12[%swap3A_465, %swap3A_466], %swap3A_469 {strides = array<i32>} : memref<128x128xf32, #tpu.memory_space<vmem>>, vector<1x16xf32>,
            %get3A_470 = arith.index_cast %add3A_416 : i32 to index
            %get3A_471 = arith.constant 80 : index
            %get3A_472 = tpu.vector_load %arg12[%get3A_470, %get3A_471] {strides = array<i32>} : memref<128x128xf32, #tpu.memory_space<vmem>>, vector<1x16xf32>,
            %get3A_473 = vector.shape_cast %get3A_472 : vector<1x16xf32> to vector<16xf32>
            %mul3A_474 = arith.mulf %get3A_473, %broadcast_in_dim3A_419 : vector<16xf32>
            %swap3A_475 = arith.index_cast %add3A_416 : i32 to index
            %swap3A_476 = arith.constant 80 : index
            %swap3A_477 = tpu.vector_load %arg12[%swap3A_475, %swap3A_476] {strides = array<i32>} : memref<128x128xf32, #tpu.memory_space<vmem>>, vector<1x16xf32>,
            %swap3A_478 = vector.shape_cast %swap3A_477 : vector<1x16xf32> to vector<16xf32>
            %swap3A_479 = vector.shape_cast %mul3A_474 : vector<16xf32> to vector<1x16xf32>
            tpu.vector_store %arg12[%swap3A_475, %swap3A_476], %swap3A_479 {strides = array<i32>} : memref<128x128xf32, #tpu.memory_space<vmem>>, vector<1x16xf32>,
            %get3A_480 = arith.index_cast %add3A_416 : i32 to index
            %get3A_481 = arith.constant 96 : index
            %get3A_482 = tpu.vector_load %arg12[%get3A_480, %get3A_481] {strides = array<i32>} : memref<128x128xf32, #tpu.memory_space<vmem>>, vector<1x16xf32>,
            %get3A_483 = vector.shape_cast %get3A_482 : vector<1x16xf32> to vector<16xf32>
            %mul3A_484 = arith.mulf %get3A_483, %broadcast_in_dim3A_419 : vector<16xf32>
            %swap3A_485 = arith.index_cast %add3A_416 : i32 to index
            %swap3A_486 = arith.constant 96 : index
            %swap3A_487 = tpu.vector_load %arg12[%swap3A_485, %swap3A_486] {strides = array<i32>} : memref<128x128xf32, #tpu.memory_space<vmem>>, vector<1x16xf32>,
            %swap3A_488 = vector.shape_cast %swap3A_487 : vector<1x16xf32> to vector<16xf32>
            %swap3A_489 = vector.shape_cast %mul3A_484 : vector<16xf32> to vector<1x16xf32>
            tpu.vector_store %arg12[%swap3A_485, %swap3A_486], %swap3A_489 {strides = array<i32>} : memref<128x128xf32, #tpu.memory_space<vmem>>, vector<1x16xf32>,
            %get3A_490 = arith.index_cast %add3A_416 : i32 to index
            %get3A_491 = arith.constant 112 : index
            %get3A_492 = tpu.vector_load %arg12[%get3A_490, %get3A_491] {strides = array<i32>} : memref<128x128xf32, #tpu.memory_space<vmem>>, vector<1x16xf32>,
            %get3A_493 = vector.shape_cast %get3A_492 : vector<1x16xf32> to vector<16xf32>
            %mul3A_494 = arith.mulf %get3A_493, %broadcast_in_dim3A_419 : vector<16xf32>
            %swap3A_495 = arith.index_cast %add3A_416 : i32 to index
            %swap3A_496 = arith.constant 112 : index
            %swap3A_497 = tpu.vector_load %arg12[%swap3A_495, %swap3A_496] {strides = array<i32>} : memref<128x128xf32, #tpu.memory_space<vmem>>, vector<1x16xf32>,
            %swap3A_498 = vector.shape_cast %swap3A_497 : vector<1x16xf32> to vector<16xf32>
            %swap3A_499 = vector.shape_cast %mul3A_494 : vector<16xf32> to vector<1x16xf32>
            tpu.vector_store %arg12[%swap3A_495, %swap3A_496], %swap3A_499 {strides = array<i32>} : memref<128x128xf32, #tpu.memory_space<vmem>>, vector<1x16xf32>,
            %mul3A_500 = arith.constant 16 : i32
            %mul3A_501 = arith.muli %scan3A_62, %mul3A_500 : i32
            %add3A_502 = arith.constant 5 : i32
            %add3A_503 = arith.addi %mul3A_501, %add3A_502 : i32
            %slice3A_504 = vector.extract_strided_slice %get3A_68 {offsets = [5], sizes = [1], strides = [1]} : vector<16xf32> to vector<1xf32>
            %squeeze3A_505 = vector.extract %slice3A_504[0] : f32 from vector<1xf32>
            %broadcast_in_dim3A_506 = vector.broadcast %squeeze3A_505 : f32 to vector<16xf32>
            %get3A_507 = arith.index_cast %add3A_503 : i32 to index
            %get3A_508 = arith.constant 0 : index
            %get3A_509 = tpu.vector_load %arg12[%get3A_507, %get3A_508] {strides = array<i32>} : memref<128x128xf32, #tpu.memory_space<vmem>>, vector<1x16xf32>,
            %get3A_510 = vector.shape_cast %get3A_509 : vector<1x16xf32> to vector<16xf32>
            %mul3A_511 = arith.mulf %get3A_510, %broadcast_in_dim3A_506 : vector<16xf32>
            %swap3A_512 = arith.index_cast %add3A_503 : i32 to index
            %swap3A_513 = arith.constant 0 : index
            %swap3A_514 = tpu.vector_load %arg12[%swap3A_512, %swap3A_513] {strides = array<i32>} : memref<128x128xf32, #tpu.memory_space<vmem>>, vector<1x16xf32>,
            %swap3A_515 = vector.shape_cast %swap3A_514 : vector<1x16xf32> to vector<16xf32>
            %swap3A_516 = vector.shape_cast %mul3A_511 : vector<16xf32> to vector<1x16xf32>
            tpu.vector_store %arg12[%swap3A_512, %swap3A_513], %swap3A_516 {strides = array<i32>} : memref<128x128xf32, #tpu.memory_space<vmem>>, vector<1x16xf32>,
            %get3A_517 = arith.index_cast %add3A_503 : i32 to index
            %get3A_518 = arith.constant 16 : index
            %get3A_519 = tpu.vector_load %arg12[%get3A_517, %get3A_518] {strides = array<i32>} : memref<128x128xf32, #tpu.memory_space<vmem>>, vector<1x16xf32>,
            %get3A_520 = vector.shape_cast %get3A_519 : vector<1x16xf32> to vector<16xf32>
            %mul3A_521 = arith.mulf %get3A_520, %broadcast_in_dim3A_506 : vector<16xf32>
            %swap3A_522 = arith.index_cast %add3A_503 : i32 to index
            %swap3A_523 = arith.constant 16 : index
            %swap3A_524 = tpu.vector_load %arg12[%swap3A_522, %swap3A_523] {strides = array<i32>} : memref<128x128xf32, #tpu.memory_space<vmem>>, vector<1x16xf32>,
            %swap3A_525 = vector.shape_cast %swap3A_524 : vector<1x16xf32> to vector<16xf32>
            %swap3A_526 = vector.shape_cast %mul3A_521 : vector<16xf32> to vector<1x16xf32>
            tpu.vector_store %arg12[%swap3A_522, %swap3A_523], %swap3A_526 {strides = array<i32>} : memref<128x128xf32, #tpu.memory_space<vmem>>, vector<1x16xf32>,
            %get3A_527 = arith.index_cast %add3A_503 : i32 to index
            %get3A_528 = arith.constant 32 : index
            %get3A_529 = tpu.vector_load %arg12[%get3A_527, %get3A_528] {strides = array<i32>} : memref<128x128xf32, #tpu.memory_space<vmem>>, vector<1x16xf32>,
            %get3A_530 = vector.shape_cast %get3A_529 : vector<1x16xf32> to vector<16xf32>
            %mul3A_531 = arith.mulf %get3A_530, %broadcast_in_dim3A_506 : vector<16xf32>
            %swap3A_532 = arith.index_cast %add3A_503 : i32 to index
            %swap3A_533 = arith.constant 32 : index
            %swap3A_534 = tpu.vector_load %arg12[%swap3A_532, %swap3A_533] {strides = array<i32>} : memref<128x128xf32, #tpu.memory_space<vmem>>, vector<1x16xf32>,
            %swap3A_535 = vector.shape_cast %swap3A_534 : vector<1x16xf32> to vector<16xf32>
            %swap3A_536 = vector.shape_cast %mul3A_531 : vector<16xf32> to vector<1x16xf32>
            tpu.vector_store %arg12[%swap3A_532, %swap3A_533], %swap3A_536 {strides = array<i32>} : memref<128x128xf32, #tpu.memory_space<vmem>>, vector<1x16xf32>,
            %get3A_537 = arith.index_cast %add3A_503 : i32 to index
            %get3A_538 = arith.constant 48 : index
            %get3A_539 = tpu.vector_load %arg12[%get3A_537, %get3A_538] {strides = array<i32>} : memref<128x128xf32, #tpu.memory_space<vmem>>, vector<1x16xf32>,
            %get3A_540 = vector.shape_cast %get3A_539 : vector<1x16xf32> to vector<16xf32>
            %mul3A_541 = arith.mulf %get3A_540, %broadcast_in_dim3A_506 : vector<16xf32>
            %swap3A_542 = arith.index_cast %add3A_503 : i32 to index
            %swap3A_543 = arith.constant 48 : index
            %swap3A_544 = tpu.vector_load %arg12[%swap3A_542, %swap3A_543] {strides = array<i32>} : memref<128x128xf32, #tpu.memory_space<vmem>>, vector<1x16xf32>,
            %swap3A_545 = vector.shape_cast %swap3A_544 : vector<1x16xf32> to vector<16xf32>
            %swap3A_546 = vector.shape_cast %mul3A_541 : vector<16xf32> to vector<1x16xf32>
            tpu.vector_store %arg12[%swap3A_542, %swap3A_543], %swap3A_546 {strides = array<i32>} : memref<128x128xf32, #tpu.memory_space<vmem>>, vector<1x16xf32>,
            %get3A_547 = arith.index_cast %add3A_503 : i32 to index
            %get3A_548 = arith.constant 64 : index
            %get3A_549 = tpu.vector_load %arg12[%get3A_547, %get3A_548] {strides = array<i32>} : memref<128x128xf32, #tpu.memory_space<vmem>>, vector<1x16xf32>,
            %get3A_550 = vector.shape_cast %get3A_549 : vector<1x16xf32> to vector<16xf32>
            %mul3A_551 = arith.mulf %get3A_550, %broadcast_in_dim3A_506 : vector<16xf32>
            %swap3A_552 = arith.index_cast %add3A_503 : i32 to index
            %swap3A_553 = arith.constant 64 : index
            %swap3A_554 = tpu.vector_load %arg12[%swap3A_552, %swap3A_553] {strides = array<i32>} : memref<128x128xf32, #tpu.memory_space<vmem>>, vector<1x16xf32>,
            %swap3A_555 = vector.shape_cast %swap3A_554 : vector<1x16xf32> to vector<16xf32>
            %swap3A_556 = vector.shape_cast %mul3A_551 : vector<16xf32> to vector<1x16xf32>
            tpu.vector_store %arg12[%swap3A_552, %swap3A_553], %swap3A_556 {strides = array<i32>} : memref<128x128xf32, #tpu.memory_space<vmem>>, vector<1x16xf32>,
            %get3A_557 = arith.index_cast %add3A_503 : i32 to index
            %get3A_558 = arith.constant 80 : index
            %get3A_559 = tpu.vector_load %arg12[%get3A_557, %get3A_558] {strides = array<i32>} : memref<128x128xf32, #tpu.memory_space<vmem>>, vector<1x16xf32>,
            %get3A_560 = vector.shape_cast %get3A_559 : vector<1x16xf32> to vector<16xf32>
            %mul3A_561 = arith.mulf %get3A_560, %broadcast_in_dim3A_506 : vector<16xf32>
            %swap3A_562 = arith.index_cast %add3A_503 : i32 to index
            %swap3A_563 = arith.constant 80 : index
            %swap3A_564 = tpu.vector_load %arg12[%swap3A_562, %swap3A_563] {strides = array<i32>} : memref<128x128xf32, #tpu.memory_space<vmem>>, vector<1x16xf32>,
            %swap3A_565 = vector.shape_cast %swap3A_564 : vector<1x16xf32> to vector<16xf32>
            %swap3A_566 = vector.shape_cast %mul3A_561 : vector<16xf32> to vector<1x16xf32>
            tpu.vector_store %arg12[%swap3A_562, %swap3A_563], %swap3A_566 {strides = array<i32>} : memref<128x128xf32, #tpu.memory_space<vmem>>, vector<1x16xf32>,
            %get3A_567 = arith.index_cast %add3A_503 : i32 to index
            %get3A_568 = arith.constant 96 : index
            %get3A_569 = tpu.vector_load %arg12[%get3A_567, %get3A_568] {strides = array<i32>} : memref<128x128xf32, #tpu.memory_space<vmem>>, vector<1x16xf32>,
            %get3A_570 = vector.shape_cast %get3A_569 : vector<1x16xf32> to vector<16xf32>
            %mul3A_571 = arith.mulf %get3A_570, %broadcast_in_dim3A_506 : vector<16xf32>
            %swap3A_572 = arith.index_cast %add3A_503 : i32 to index
            %swap3A_573 = arith.constant 96 : index
            %swap3A_574 = tpu.vector_load %arg12[%swap3A_572, %swap3A_573] {strides = array<i32>} : memref<128x128xf32, #tpu.memory_space<vmem>>, vector<1x16xf32>,
            %swap3A_575 = vector.shape_cast %swap3A_574 : vector<1x16xf32> to vector<16xf32>
            %swap3A_576 = vector.shape_cast %mul3A_571 : vector<16xf32> to vector<1x16xf32>
            tpu.vector_store %arg12[%swap3A_572, %swap3A_573], %swap3A_576 {strides = array<i32>} : memref<128x128xf32, #tpu.memory_space<vmem>>, vector<1x16xf32>,
            %get3A_577 = arith.index_cast %add3A_503 : i32 to index
            %get3A_578 = arith.constant 112 : index
            %get3A_579 = tpu.vector_load %arg12[%get3A_577, %get3A_578] {strides = array<i32>} : memref<128x128xf32, #tpu.memory_space<vmem>>, vector<1x16xf32>,
            %get3A_580 = vector.shape_cast %get3A_579 : vector<1x16xf32> to vector<16xf32>
            %mul3A_581 = arith.mulf %get3A_580, %broadcast_in_dim3A_506 : vector<16xf32>
            %swap3A_582 = arith.index_cast %add3A_503 : i32 to index
            %swap3A_583 = arith.constant 112 : index
            %swap3A_584 = tpu.vector_load %arg12[%swap3A_582, %swap3A_583] {strides = array<i32>} : memref<128x128xf32, #tpu.memory_space<vmem>>, vector<1x16xf32>,
            %swap3A_585 = vector.shape_cast %swap3A_584 : vector<1x16xf32> to vector<16xf32>
            %swap3A_586 = vector.shape_cast %mul3A_581 : vector<16xf32> to vector<1x16xf32>
            tpu.vector_store %arg12[%swap3A_582, %swap3A_583], %swap3A_586 {strides = array<i32>} : memref<128x128xf32, #tpu.memory_space<vmem>>, vector<1x16xf32>,
            %mul3A_587 = arith.constant 16 : i32
            %mul3A_588 = arith.muli %scan3A_62, %mul3A_587 : i32
            %add3A_589 = arith.constant 6 : i32
            %add3A_590 = arith.addi %mul3A_588, %add3A_589 : i32
            %slice3A_591 = vector.extract_strided_slice %get3A_68 {offsets = [6], sizes = [1], strides = [1]} : vector<16xf32> to vector<1xf32>
            %squeeze3A_592 = vector.extract %slice3A_591[0] : f32 from vector<1xf32>
            %broadcast_in_dim3A_593 = vector.broadcast %squeeze3A_592 : f32 to vector<16xf32>
            %get3A_594 = arith.index_cast %add3A_590 : i32 to index
            %get3A_595 = arith.constant 0 : index
            %get3A_596 = tpu.vector_load %arg12[%get3A_594, %get3A_595] {strides = array<i32>} : memref<128x128xf32, #tpu.memory_space<vmem>>, vector<1x16xf32>,
            %get3A_597 = vector.shape_cast %get3A_596 : vector<1x16xf32> to vector<16xf32>
            %mul3A_598 = arith.mulf %get3A_597, %broadcast_in_dim3A_593 : vector<16xf32>
            %swap3A_599 = arith.index_cast %add3A_590 : i32 to index
            %swap3A_600 = arith.constant 0 : index
            %swap3A_601 = tpu.vector_load %arg12[%swap3A_599, %swap3A_600] {strides = array<i32>} : memref<128x128xf32, #tpu.memory_space<vmem>>, vector<1x16xf32>,
            %swap3A_602 = vector.shape_cast %swap3A_601 : vector<1x16xf32> to vector<16xf32>
            %swap3A_603 = vector.shape_cast %mul3A_598 : vector<16xf32> to vector<1x16xf32>
            tpu.vector_store %arg12[%swap3A_599, %swap3A_600], %swap3A_603 {strides = array<i32>} : memref<128x128xf32, #tpu.memory_space<vmem>>, vector<1x16xf32>,
            %get3A_604 = arith.index_cast %add3A_590 : i32 to index
            %get3A_605 = arith.constant 16 : index
            %get3A_606 = tpu.vector_load %arg12[%get3A_604, %get3A_605] {strides = array<i32>} : memref<128x128xf32, #tpu.memory_space<vmem>>, vector<1x16xf32>,
            %get3A_607 = vector.shape_cast %get3A_606 : vector<1x16xf32> to vector<16xf32>
            %mul3A_608 = arith.mulf %get3A_607, %broadcast_in_dim3A_593 : vector<16xf32>
            %swap3A_609 = arith.index_cast %add3A_590 : i32 to index
            %swap3A_610 = arith.constant 16 : index
            %swap3A_611 = tpu.vector_load %arg12[%swap3A_609, %swap3A_610] {strides = array<i32>} : memref<128x128xf32, #tpu.memory_space<vmem>>, vector<1x16xf32>,
            %swap3A_612 = vector.shape_cast %swap3A_611 : vector<1x16xf32> to vector<16xf32>
            %swap3A_613 = vector.shape_cast %mul3A_608 : vector<16xf32> to vector<1x16xf32>
            tpu.vector_store %arg12[%swap3A_609, %swap3A_610], %swap3A_613 {strides = array<i32>} : memref<128x128xf32, #tpu.memory_space<vmem>>, vector<1x16xf32>,
            %get3A_614 = arith.index_cast %add3A_590 : i32 to index
            %get3A_615 = arith.constant 32 : index
            %get3A_616 = tpu.vector_load %arg12[%get3A_614, %get3A_615] {strides = array<i32>} : memref<128x128xf32, #tpu.memory_space<vmem>>, vector<1x16xf32>,
            %get3A_617 = vector.shape_cast %get3A_616 : vector<1x16xf32> to vector<16xf32>
            %mul3A_618 = arith.mulf %get3A_617, %broadcast_in_dim3A_593 : vector<16xf32>
            %swap3A_619 = arith.index_cast %add3A_590 : i32 to index
            %swap3A_620 = arith.constant 32 : index
            %swap3A_621 = tpu.vector_load %arg12[%swap3A_619, %swap3A_620] {strides = array<i32>} : memref<128x128xf32, #tpu.memory_space<vmem>>, vector<1x16xf32>,
            %swap3A_622 = vector.shape_cast %swap3A_621 : vector<1x16xf32> to vector<16xf32>
            %swap3A_623 = vector.shape_cast %mul3A_618 : vector<16xf32> to vector<1x16xf32>
            tpu.vector_store %arg12[%swap3A_619, %swap3A_620], %swap3A_623 {strides = array<i32>} : memref<128x128xf32, #tpu.memory_space<vmem>>, vector<1x16xf32>,
            %get3A_624 = arith.index_cast %add3A_590 : i32 to index
            %get3A_625 = arith.constant 48 : index
            %get3A_626 = tpu.vector_load %arg12[%get3A_624, %get3A_625] {strides = array<i32>} : memref<128x128xf32, #tpu.memory_space<vmem>>, vector<1x16xf32>,
            %get3A_627 = vector.shape_cast %get3A_626 : vector<1x16xf32> to vector<16xf32>
            %mul3A_628 = arith.mulf %get3A_627, %broadcast_in_dim3A_593 : vector<16xf32>
            %swap3A_629 = arith.index_cast %add3A_590 : i32 to index
            %swap3A_630 = arith.constant 48 : index
            %swap3A_631 = tpu.vector_load %arg12[%swap3A_629, %swap3A_630] {strides = array<i32>} : memref<128x128xf32, #tpu.memory_space<vmem>>, vector<1x16xf32>,
            %swap3A_632 = vector.shape_cast %swap3A_631 : vector<1x16xf32> to vector<16xf32>
            %swap3A_633 = vector.shape_cast %mul3A_628 : vector<16xf32> to vector<1x16xf32>
            tpu.vector_store %arg12[%swap3A_629, %swap3A_630], %swap3A_633 {strides = array<i32>} : memref<128x128xf32, #tpu.memory_space<vmem>>, vector<1x16xf32>,
            %get3A_634 = arith.index_cast %add3A_590 : i32 to index
            %get3A_635 = arith.constant 64 : index
            %get3A_636 = tpu.vector_load %arg12[%get3A_634, %get3A_635] {strides = array<i32>} : memref<128x128xf32, #tpu.memory_space<vmem>>, vector<1x16xf32>,
            %get3A_637 = vector.shape_cast %get3A_636 : vector<1x16xf32> to vector<16xf32>
            %mul3A_638 = arith.mulf %get3A_637, %broadcast_in_dim3A_593 : vector<16xf32>
            %swap3A_639 = arith.index_cast %add3A_590 : i32 to index
            %swap3A_640 = arith.constant 64 : index
            %swap3A_641 = tpu.vector_load %arg12[%swap3A_639, %swap3A_640] {strides = array<i32>} : memref<128x128xf32, #tpu.memory_space<vmem>>, vector<1x16xf32>,
            %swap3A_642 = vector.shape_cast %swap3A_641 : vector<1x16xf32> to vector<16xf32>
            %swap3A_643 = vector.shape_cast %mul3A_638 : vector<16xf32> to vector<1x16xf32>
            tpu.vector_store %arg12[%swap3A_639, %swap3A_640], %swap3A_643 {strides = array<i32>} : memref<128x128xf32, #tpu.memory_space<vmem>>, vector<1x16xf32>,
            %get3A_644 = arith.index_cast %add3A_590 : i32 to index
            %get3A_645 = arith.constant 80 : index
            %get3A_646 = tpu.vector_load %arg12[%get3A_644, %get3A_645] {strides = array<i32>} : memref<128x128xf32, #tpu.memory_space<vmem>>, vector<1x16xf32>,
            %get3A_647 = vector.shape_cast %get3A_646 : vector<1x16xf32> to vector<16xf32>
            %mul3A_648 = arith.mulf %get3A_647, %broadcast_in_dim3A_593 : vector<16xf32>
            %swap3A_649 = arith.index_cast %add3A_590 : i32 to index
            %swap3A_650 = arith.constant 80 : index
            %swap3A_651 = tpu.vector_load %arg12[%swap3A_649, %swap3A_650] {strides = array<i32>} : memref<128x128xf32, #tpu.memory_space<vmem>>, vector<1x16xf32>,
            %swap3A_652 = vector.shape_cast %swap3A_651 : vector<1x16xf32> to vector<16xf32>
            %swap3A_653 = vector.shape_cast %mul3A_648 : vector<16xf32> to vector<1x16xf32>
            tpu.vector_store %arg12[%swap3A_649, %swap3A_650], %swap3A_653 {strides = array<i32>} : memref<128x128xf32, #tpu.memory_space<vmem>>, vector<1x16xf32>,
            %get3A_654 = arith.index_cast %add3A_590 : i32 to index
            %get3A_655 = arith.constant 96 : index
            %get3A_656 = tpu.vector_load %arg12[%get3A_654, %get3A_655] {strides = array<i32>} : memref<128x128xf32, #tpu.memory_space<vmem>>, vector<1x16xf32>,
            %get3A_657 = vector.shape_cast %get3A_656 : vector<1x16xf32> to vector<16xf32>
            %mul3A_658 = arith.mulf %get3A_657, %broadcast_in_dim3A_593 : vector<16xf32>
            %swap3A_659 = arith.index_cast %add3A_590 : i32 to index
            %swap3A_660 = arith.constant 96 : index
            %swap3A_661 = tpu.vector_load %arg12[%swap3A_659, %swap3A_660] {strides = array<i32>} : memref<128x128xf32, #tpu.memory_space<vmem>>, vector<1x16xf32>,
            %swap3A_662 = vector.shape_cast %swap3A_661 : vector<1x16xf32> to vector<16xf32>
            %swap3A_663 = vector.shape_cast %mul3A_658 : vector<16xf32> to vector<1x16xf32>
            tpu.vector_store %arg12[%swap3A_659, %swap3A_660], %swap3A_663 {strides = array<i32>} : memref<128x128xf32, #tpu.memory_space<vmem>>, vector<1x16xf32>,
            %get3A_664 = arith.index_cast %add3A_590 : i32 to index
            %get3A_665 = arith.constant 112 : index
            %get3A_666 = tpu.vector_load %arg12[%get3A_664, %get3A_665] {strides = array<i32>} : memref<128x128xf32, #tpu.memory_space<vmem>>, vector<1x16xf32>,
            %get3A_667 = vector.shape_cast %get3A_666 : vector<1x16xf32> to vector<16xf32>
            %mul3A_668 = arith.mulf %get3A_667, %broadcast_in_dim3A_593 : vector<16xf32>
            %swap3A_669 = arith.index_cast %add3A_590 : i32 to index
            %swap3A_670 = arith.constant 112 : index
            %swap3A_671 = tpu.vector_load %arg12[%swap3A_669, %swap3A_670] {strides = array<i32>} : memref<128x128xf32, #tpu.memory_space<vmem>>, vector<1x16xf32>,
            %swap3A_672 = vector.shape_cast %swap3A_671 : vector<1x16xf32> to vector<16xf32>
            %swap3A_673 = vector.shape_cast %mul3A_668 : vector<16xf32> to vector<1x16xf32>
            tpu.vector_store %arg12[%swap3A_669, %swap3A_670], %swap3A_673 {strides = array<i32>} : memref<128x128xf32, #tpu.memory_space<vmem>>, vector<1x16xf32>,
            %mul3A_674 = arith.constant 16 : i32
            %mul3A_675 = arith.muli %scan3A_62, %mul3A_674 : i32
            %add3A_676 = arith.constant 7 : i32
            %add3A_677 = arith.addi %mul3A_675, %add3A_676 : i32
            %slice3A_678 = vector.extract_strided_slice %get3A_68 {offsets = [7], sizes = [1], strides = [1]} : vector<16xf32> to vector<1xf32>
            %squeeze3A_679 = vector.extract %slice3A_678[0] : f32 from vector<1xf32>
            %broadcast_in_dim3A_680 = vector.broadcast %squeeze3A_679 : f32 to vector<16xf32>
            %get3A_681 = arith.index_cast %add3A_677 : i32 to index
            %get3A_682 = arith.constant 0 : index
            %get3A_683 = tpu.vector_load %arg12[%get3A_681, %get3A_682] {strides = array<i32>} : memref<128x128xf32, #tpu.memory_space<vmem>>, vector<1x16xf32>,
            %get3A_684 = vector.shape_cast %get3A_683 : vector<1x16xf32> to vector<16xf32>
            %mul3A_685 = arith.mulf %get3A_684, %broadcast_in_dim3A_680 : vector<16xf32>
            %swap3A_686 = arith.index_cast %add3A_677 : i32 to index
            %swap3A_687 = arith.constant 0 : index
            %swap3A_688 = tpu.vector_load %arg12[%swap3A_686, %swap3A_687] {strides = array<i32>} : memref<128x128xf32, #tpu.memory_space<vmem>>, vector<1x16xf32>,
            %swap3A_689 = vector.shape_cast %swap3A_688 : vector<1x16xf32> to vector<16xf32>
            %swap3A_690 = vector.shape_cast %mul3A_685 : vector<16xf32> to vector<1x16xf32>
            tpu.vector_store %arg12[%swap3A_686, %swap3A_687], %swap3A_690 {strides = array<i32>} : memref<128x128xf32, #tpu.memory_space<vmem>>, vector<1x16xf32>,
            %get3A_691 = arith.index_cast %add3A_677 : i32 to index
            %get3A_692 = arith.constant 16 : index
            %get3A_693 = tpu.vector_load %arg12[%get3A_691, %get3A_692] {strides = array<i32>} : memref<128x128xf32, #tpu.memory_space<vmem>>, vector<1x16xf32>,
            %get3A_694 = vector.shape_cast %get3A_693 : vector<1x16xf32> to vector<16xf32>
            %mul3A_695 = arith.mulf %get3A_694, %broadcast_in_dim3A_680 : vector<16xf32>
            %swap3A_696 = arith.index_cast %add3A_677 : i32 to index
            %swap3A_697 = arith.constant 16 : index
            %swap3A_698 = tpu.vector_load %arg12[%swap3A_696, %swap3A_697] {strides = array<i32>} : memref<128x128xf32, #tpu.memory_space<vmem>>, vector<1x16xf32>,
            %swap3A_699 = vector.shape_cast %swap3A_698 : vector<1x16xf32> to vector<16xf32>
            %swap3A_700 = vector.shape_cast %mul3A_695 : vector<16xf32> to vector<1x16xf32>
            tpu.vector_store %arg12[%swap3A_696, %swap3A_697], %swap3A_700 {strides = array<i32>} : memref<128x128xf32, #tpu.memory_space<vmem>>, vector<1x16xf32>,
            %get3A_701 = arith.index_cast %add3A_677 : i32 to index
            %get3A_702 = arith.constant 32 : index
            %get3A_703 = tpu.vector_load %arg12[%get3A_701, %get3A_702] {strides = array<i32>} : memref<128x128xf32, #tpu.memory_space<vmem>>, vector<1x16xf32>,
            %get3A_704 = vector.shape_cast %get3A_703 : vector<1x16xf32> to vector<16xf32>
            %mul3A_705 = arith.mulf %get3A_704, %broadcast_in_dim3A_680 : vector<16xf32>
            %swap3A_706 = arith.index_cast %add3A_677 : i32 to index
            %swap3A_707 = arith.constant 32 : index
            %swap3A_708 = tpu.vector_load %arg12[%swap3A_706, %swap3A_707] {strides = array<i32>} : memref<128x128xf32, #tpu.memory_space<vmem>>, vector<1x16xf32>,
            %swap3A_709 = vector.shape_cast %swap3A_708 : vector<1x16xf32> to vector<16xf32>
            %swap3A_710 = vector.shape_cast %mul3A_705 : vector<16xf32> to vector<1x16xf32>
            tpu.vector_store %arg12[%swap3A_706, %swap3A_707], %swap3A_710 {strides = array<i32>} : memref<128x128xf32, #tpu.memory_space<vmem>>, vector<1x16xf32>,
            %get3A_711 = arith.index_cast %add3A_677 : i32 to index
            %get3A_712 = arith.constant 48 : index
            %get3A_713 = tpu.vector_load %arg12[%get3A_711, %get3A_712] {strides = array<i32>} : memref<128x128xf32, #tpu.memory_space<vmem>>, vector<1x16xf32>,
            %get3A_714 = vector.shape_cast %get3A_713 : vector<1x16xf32> to vector<16xf32>
            %mul3A_715 = arith.mulf %get3A_714, %broadcast_in_dim3A_680 : vector<16xf32>
            %swap3A_716 = arith.index_cast %add3A_677 : i32 to index
            %swap3A_717 = arith.constant 48 : index
            %swap3A_718 = tpu.vector_load %arg12[%swap3A_716, %swap3A_717] {strides = array<i32>} : memref<128x128xf32, #tpu.memory_space<vmem>>, vector<1x16xf32>,
            %swap3A_719 = vector.shape_cast %swap3A_718 : vector<1x16xf32> to vector<16xf32>
            %swap3A_720 = vector.shape_cast %mul3A_715 : vector<16xf32> to vector<1x16xf32>
            tpu.vector_store %arg12[%swap3A_716, %swap3A_717], %swap3A_720 {strides = array<i32>} : memref<128x128xf32, #tpu.memory_space<vmem>>, vector<1x16xf32>,
            %get3A_721 = arith.index_cast %add3A_677 : i32 to index
            %get3A_722 = arith.constant 64 : index
            %get3A_723 = tpu.vector_load %arg12[%get3A_721, %get3A_722] {strides = array<i32>} : memref<128x128xf32, #tpu.memory_space<vmem>>, vector<1x16xf32>,
            %get3A_724 = vector.shape_cast %get3A_723 : vector<1x16xf32> to vector<16xf32>
            %mul3A_725 = arith.mulf %get3A_724, %broadcast_in_dim3A_680 : vector<16xf32>
            %swap3A_726 = arith.index_cast %add3A_677 : i32 to index
            %swap3A_727 = arith.constant 64 : index
            %swap3A_728 = tpu.vector_load %arg12[%swap3A_726, %swap3A_727] {strides = array<i32>} : memref<128x128xf32, #tpu.memory_space<vmem>>, vector<1x16xf32>,
            %swap3A_729 = vector.shape_cast %swap3A_728 : vector<1x16xf32> to vector<16xf32>
            %swap3A_730 = vector.shape_cast %mul3A_725 : vector<16xf32> to vector<1x16xf32>
            tpu.vector_store %arg12[%swap3A_726, %swap3A_727], %swap3A_730 {strides = array<i32>} : memref<128x128xf32, #tpu.memory_space<vmem>>, vector<1x16xf32>,
            %get3A_731 = arith.index_cast %add3A_677 : i32 to index
            %get3A_732 = arith.constant 80 : index
            %get3A_733 = tpu.vector_load %arg12[%get3A_731, %get3A_732] {strides = array<i32>} : memref<128x128xf32, #tpu.memory_space<vmem>>, vector<1x16xf32>,
            %get3A_734 = vector.shape_cast %get3A_733 : vector<1x16xf32> to vector<16xf32>
            %mul3A_735 = arith.mulf %get3A_734, %broadcast_in_dim3A_680 : vector<16xf32>
            %swap3A_736 = arith.index_cast %add3A_677 : i32 to index
            %swap3A_737 = arith.constant 80 : index
            %swap3A_738 = tpu.vector_load %arg12[%swap3A_736, %swap3A_737] {strides = array<i32>} : memref<128x128xf32, #tpu.memory_space<vmem>>, vector<1x16xf32>,
            %swap3A_739 = vector.shape_cast %swap3A_738 : vector<1x16xf32> to vector<16xf32>
            %swap3A_740 = vector.shape_cast %mul3A_735 : vector<16xf32> to vector<1x16xf32>
            tpu.vector_store %arg12[%swap3A_736, %swap3A_737], %swap3A_740 {strides = array<i32>} : memref<128x128xf32, #tpu.memory_space<vmem>>, vector<1x16xf32>,
            %get3A_741 = arith.index_cast %add3A_677 : i32 to index
            %get3A_742 = arith.constant 96 : index
            %get3A_743 = tpu.vector_load %arg12[%get3A_741, %get3A_742] {strides = array<i32>} : memref<128x128xf32, #tpu.memory_space<vmem>>, vector<1x16xf32>,
            %get3A_744 = vector.shape_cast %get3A_743 : vector<1x16xf32> to vector<16xf32>
            %mul3A_745 = arith.mulf %get3A_744, %broadcast_in_dim3A_680 : vector<16xf32>
            %swap3A_746 = arith.index_cast %add3A_677 : i32 to index
            %swap3A_747 = arith.constant 96 : index
            %swap3A_748 = tpu.vector_load %arg12[%swap3A_746, %swap3A_747] {strides = array<i32>} : memref<128x128xf32, #tpu.memory_space<vmem>>, vector<1x16xf32>,
            %swap3A_749 = vector.shape_cast %swap3A_748 : vector<1x16xf32> to vector<16xf32>
            %swap3A_750 = vector.shape_cast %mul3A_745 : vector<16xf32> to vector<1x16xf32>
            tpu.vector_store %arg12[%swap3A_746, %swap3A_747], %swap3A_750 {strides = array<i32>} : memref<128x128xf32, #tpu.memory_space<vmem>>, vector<1x16xf32>,
            %get3A_751 = arith.index_cast %add3A_677 : i32 to index
            %get3A_752 = arith.constant 112 : index
            %get3A_753 = tpu.vector_load %arg12[%get3A_751, %get3A_752] {strides = array<i32>} : memref<128x128xf32, #tpu.memory_space<vmem>>, vector<1x16xf32>,
            %get3A_754 = vector.shape_cast %get3A_753 : vector<1x16xf32> to vector<16xf32>
            %mul3A_755 = arith.mulf %get3A_754, %broadcast_in_dim3A_680 : vector<16xf32>
            %swap3A_756 = arith.index_cast %add3A_677 : i32 to index
            %swap3A_757 = arith.constant 112 : index
            %swap3A_758 = tpu.vector_load %arg12[%swap3A_756, %swap3A_757] {strides = array<i32>} : memref<128x128xf32, #tpu.memory_space<vmem>>, vector<1x16xf32>,
            %swap3A_759 = vector.shape_cast %swap3A_758 : vector<1x16xf32> to vector<16xf32>
            %swap3A_760 = vector.shape_cast %mul3A_755 : vector<16xf32> to vector<1x16xf32>
            tpu.vector_store %arg12[%swap3A_756, %swap3A_757], %swap3A_760 {strides = array<i32>} : memref<128x128xf32, #tpu.memory_space<vmem>>, vector<1x16xf32>,
            %mul3A_761 = arith.constant 16 : i32
            %mul3A_762 = arith.muli %scan3A_62, %mul3A_761 : i32
            %add3A_763 = arith.constant 8 : i32
            %add3A_764 = arith.addi %mul3A_762, %add3A_763 : i32
            %slice3A_765 = vector.extract_strided_slice %get3A_68 {offsets = [8], sizes = [1], strides = [1]} : vector<16xf32> to vector<1xf32>
            %squeeze3A_766 = vector.extract %slice3A_765[0] : f32 from vector<1xf32>
            %broadcast_in_dim3A_767 = vector.broadcast %squeeze3A_766 : f32 to vector<16xf32>
            %get3A_768 = arith.index_cast %add3A_764 : i32 to index
            %get3A_769 = arith.constant 0 : index
            %get3A_770 = tpu.vector_load %arg12[%get3A_768, %get3A_769] {strides = array<i32>} : memref<128x128xf32, #tpu.memory_space<vmem>>, vector<1x16xf32>,
            %get3A_771 = vector.shape_cast %get3A_770 : vector<1x16xf32> to vector<16xf32>
            %mul3A_772 = arith.mulf %get3A_771, %broadcast_in_dim3A_767 : vector<16xf32>
            %swap3A_773 = arith.index_cast %add3A_764 : i32 to index
            %swap3A_774 = arith.constant 0 : index
            %swap3A_775 = tpu.vector_load %arg12[%swap3A_773, %swap3A_774] {strides = array<i32>} : memref<128x128xf32, #tpu.memory_space<vmem>>, vector<1x16xf32>,
            %swap3A_776 = vector.shape_cast %swap3A_775 : vector<1x16xf32> to vector<16xf32>
            %swap3A_777 = vector.shape_cast %mul3A_772 : vector<16xf32> to vector<1x16xf32>
            tpu.vector_store %arg12[%swap3A_773, %swap3A_774], %swap3A_777 {strides = array<i32>} : memref<128x128xf32, #tpu.memory_space<vmem>>, vector<1x16xf32>,
            %get3A_778 = arith.index_cast %add3A_764 : i32 to index
            %get3A_779 = arith.constant 16 : index
            %get3A_780 = tpu.vector_load %arg12[%get3A_778, %get3A_779] {strides = array<i32>} : memref<128x128xf32, #tpu.memory_space<vmem>>, vector<1x16xf32>,
            %get3A_781 = vector.shape_cast %get3A_780 : vector<1x16xf32> to vector<16xf32>
            %mul3A_782 = arith.mulf %get3A_781, %broadcast_in_dim3A_767 : vector<16xf32>
            %swap3A_783 = arith.index_cast %add3A_764 : i32 to index
            %swap3A_784 = arith.constant 16 : index
            %swap3A_785 = tpu.vector_load %arg12[%swap3A_783, %swap3A_784] {strides = array<i32>} : memref<128x128xf32, #tpu.memory_space<vmem>>, vector<1x16xf32>,
            %swap3A_786 = vector.shape_cast %swap3A_785 : vector<1x16xf32> to vector<16xf32>
            %swap3A_787 = vector.shape_cast %mul3A_782 : vector<16xf32> to vector<1x16xf32>
            tpu.vector_store %arg12[%swap3A_783, %swap3A_784], %swap3A_787 {strides = array<i32>} : memref<128x128xf32, #tpu.memory_space<vmem>>, vector<1x16xf32>,
            %get3A_788 = arith.index_cast %add3A_764 : i32 to index
            %get3A_789 = arith.constant 32 : index
            %get3A_790 = tpu.vector_load %arg12[%get3A_788, %get3A_789] {strides = array<i32>} : memref<128x128xf32, #tpu.memory_space<vmem>>, vector<1x16xf32>,
            %get3A_791 = vector.shape_cast %get3A_790 : vector<1x16xf32> to vector<16xf32>
            %mul3A_792 = arith.mulf %get3A_791, %broadcast_in_dim3A_767 : vector<16xf32>
            %swap3A_793 = arith.index_cast %add3A_764 : i32 to index
            %swap3A_794 = arith.constant 32 : index
            %swap3A_795 = tpu.vector_load %arg12[%swap3A_793, %swap3A_794] {strides = array<i32>} : memref<128x128xf32, #tpu.memory_space<vmem>>, vector<1x16xf32>,
            %swap3A_796 = vector.shape_cast %swap3A_795 : vector<1x16xf32> to vector<16xf32>
            %swap3A_797 = vector.shape_cast %mul3A_792 : vector<16xf32> to vector<1x16xf32>
            tpu.vector_store %arg12[%swap3A_793, %swap3A_794], %swap3A_797 {strides = array<i32>} : memref<128x128xf32, #tpu.memory_space<vmem>>, vector<1x16xf32>,
            %get3A_798 = arith.index_cast %add3A_764 : i32 to index
            %get3A_799 = arith.constant 48 : index
            %get3A_800 = tpu.vector_load %arg12[%get3A_798, %get3A_799] {strides = array<i32>} : memref<128x128xf32, #tpu.memory_space<vmem>>, vector<1x16xf32>,
            %get3A_801 = vector.shape_cast %get3A_800 : vector<1x16xf32> to vector<16xf32>
            %mul3A_802 = arith.mulf %get3A_801, %broadcast_in_dim3A_767 : vector<16xf32>
            %swap3A_803 = arith.index_cast %add3A_764 : i32 to index
            %swap3A_804 = arith.constant 48 : index
            %swap3A_805 = tpu.vector_load %arg12[%swap3A_803, %swap3A_804] {strides = array<i32>} : memref<128x128xf32, #tpu.memory_space<vmem>>, vector<1x16xf32>,
            %swap3A_806 = vector.shape_cast %swap3A_805 : vector<1x16xf32> to vector<16xf32>
            %swap3A_807 = vector.shape_cast %mul3A_802 : vector<16xf32> to vector<1x16xf32>
            tpu.vector_store %arg12[%swap3A_803, %swap3A_804], %swap3A_807 {strides = array<i32>} : memref<128x128xf32, #tpu.memory_space<vmem>>, vector<1x16xf32>,
            %get3A_808 = arith.index_cast %add3A_764 : i32 to index
            %get3A_809 = arith.constant 64 : index
            %get3A_810 = tpu.vector_load %arg12[%get3A_808, %get3A_809] {strides = array<i32>} : memref<128x128xf32, #tpu.memory_space<vmem>>, vector<1x16xf32>,
            %get3A_811 = vector.shape_cast %get3A_810 : vector<1x16xf32> to vector<16xf32>
            %mul3A_812 = arith.mulf %get3A_811, %broadcast_in_dim3A_767 : vector<16xf32>
            %swap3A_813 = arith.index_cast %add3A_764 : i32 to index
            %swap3A_814 = arith.constant 64 : index
            %swap3A_815 = tpu.vector_load %arg12[%swap3A_813, %swap3A_814] {strides = array<i32>} : memref<128x128xf32, #tpu.memory_space<vmem>>, vector<1x16xf32>,
            %swap3A_816 = vector.shape_cast %swap3A_815 : vector<1x16xf32> to vector<16xf32>
            %swap3A_817 = vector.shape_cast %mul3A_812 : vector<16xf32> to vector<1x16xf32>
            tpu.vector_store %arg12[%swap3A_813, %swap3A_814], %swap3A_817 {strides = array<i32>} : memref<128x128xf32, #tpu.memory_space<vmem>>, vector<1x16xf32>,
            %get3A_818 = arith.index_cast %add3A_764 : i32 to index
            %get3A_819 = arith.constant 80 : index
            %get3A_820 = tpu.vector_load %arg12[%get3A_818, %get3A_819] {strides = array<i32>} : memref<128x128xf32, #tpu.memory_space<vmem>>, vector<1x16xf32>,
            %get3A_821 = vector.shape_cast %get3A_820 : vector<1x16xf32> to vector<16xf32>
            %mul3A_822 = arith.mulf %get3A_821, %broadcast_in_dim3A_767 : vector<16xf32>
            %swap3A_823 = arith.index_cast %add3A_764 : i32 to index
            %swap3A_824 = arith.constant 80 : index
            %swap3A_825 = tpu.vector_load %arg12[%swap3A_823, %swap3A_824] {strides = array<i32>} : memref<128x128xf32, #tpu.memory_space<vmem>>, vector<1x16xf32>,
            %swap3A_826 = vector.shape_cast %swap3A_825 : vector<1x16xf32> to vector<16xf32>
            %swap3A_827 = vector.shape_cast %mul3A_822 : vector<16xf32> to vector<1x16xf32>
            tpu.vector_store %arg12[%swap3A_823, %swap3A_824], %swap3A_827 {strides = array<i32>} : memref<128x128xf32, #tpu.memory_space<vmem>>, vector<1x16xf32>,
            %get3A_828 = arith.index_cast %add3A_764 : i32 to index
            %get3A_829 = arith.constant 96 : index
            %get3A_830 = tpu.vector_load %arg12[%get3A_828, %get3A_829] {strides = array<i32>} : memref<128x128xf32, #tpu.memory_space<vmem>>, vector<1x16xf32>,
            %get3A_831 = vector.shape_cast %get3A_830 : vector<1x16xf32> to vector<16xf32>
            %mul3A_832 = arith.mulf %get3A_831, %broadcast_in_dim3A_767 : vector<16xf32>
            %swap3A_833 = arith.index_cast %add3A_764 : i32 to index
            %swap3A_834 = arith.constant 96 : index
            %swap3A_835 = tpu.vector_load %arg12[%swap3A_833, %swap3A_834] {strides = array<i32>} : memref<128x128xf32, #tpu.memory_space<vmem>>, vector<1x16xf32>,
            %swap3A_836 = vector.shape_cast %swap3A_835 : vector<1x16xf32> to vector<16xf32>
            %swap3A_837 = vector.shape_cast %mul3A_832 : vector<16xf32> to vector<1x16xf32>
            tpu.vector_store %arg12[%swap3A_833, %swap3A_834], %swap3A_837 {strides = array<i32>} : memref<128x128xf32, #tpu.memory_space<vmem>>, vector<1x16xf32>,
            %get3A_838 = arith.index_cast %add3A_764 : i32 to index
            %get3A_839 = arith.constant 112 : index
            %get3A_840 = tpu.vector_load %arg12[%get3A_838, %get3A_839] {strides = array<i32>} : memref<128x128xf32, #tpu.memory_space<vmem>>, vector<1x16xf32>,
            %get3A_841 = vector.shape_cast %get3A_840 : vector<1x16xf32> to vector<16xf32>
            %mul3A_842 = arith.mulf %get3A_841, %broadcast_in_dim3A_767 : vector<16xf32>
            %swap3A_843 = arith.index_cast %add3A_764 : i32 to index
            %swap3A_844 = arith.constant 112 : index
            %swap3A_845 = tpu.vector_load %arg12[%swap3A_843, %swap3A_844] {strides = array<i32>} : memref<128x128xf32, #tpu.memory_space<vmem>>, vector<1x16xf32>,
            %swap3A_846 = vector.shape_cast %swap3A_845 : vector<1x16xf32> to vector<16xf32>
            %swap3A_847 = vector.shape_cast %mul3A_842 : vector<16xf32> to vector<1x16xf32>
            tpu.vector_store %arg12[%swap3A_843, %swap3A_844], %swap3A_847 {strides = array<i32>} : memref<128x128xf32, #tpu.memory_space<vmem>>, vector<1x16xf32>,
            %mul3A_848 = arith.constant 16 : i32
            %mul3A_849 = arith.muli %scan3A_62, %mul3A_848 : i32
            %add3A_850 = arith.constant 9 : i32
            %add3A_851 = arith.addi %mul3A_849, %add3A_850 : i32
            %slice3A_852 = vector.extract_strided_slice %get3A_68 {offsets = [9], sizes = [1], strides = [1]} : vector<16xf32> to vector<1xf32>
            %squeeze3A_853 = vector.extract %slice3A_852[0] : f32 from vector<1xf32>
            %broadcast_in_dim3A_854 = vector.broadcast %squeeze3A_853 : f32 to vector<16xf32>
            %get3A_855 = arith.index_cast %add3A_851 : i32 to index
            %get3A_856 = arith.constant 0 : index
            %get3A_857 = tpu.vector_load %arg12[%get3A_855, %get3A_856] {strides = array<i32>} : memref<128x128xf32, #tpu.memory_space<vmem>>, vector<1x16xf32>,
            %get3A_858 = vector.shape_cast %get3A_857 : vector<1x16xf32> to vector<16xf32>
            %mul3A_859 = arith.mulf %get3A_858, %broadcast_in_dim3A_854 : vector<16xf32>
            %swap3A_860 = arith.index_cast %add3A_851 : i32 to index
            %swap3A_861 = arith.constant 0 : index
            %swap3A_862 = tpu.vector_load %arg12[%swap3A_860, %swap3A_861] {strides = array<i32>} : memref<128x128xf32, #tpu.memory_space<vmem>>, vector<1x16xf32>,
            %swap3A_863 = vector.shape_cast %swap3A_862 : vector<1x16xf32> to vector<16xf32>
            %swap3A_864 = vector.shape_cast %mul3A_859 : vector<16xf32> to vector<1x16xf32>
            tpu.vector_store %arg12[%swap3A_860, %swap3A_861], %swap3A_864 {strides = array<i32>} : memref<128x128xf32, #tpu.memory_space<vmem>>, vector<1x16xf32>,
            %get3A_865 = arith.index_cast %add3A_851 : i32 to index
            %get3A_866 = arith.constant 16 : index
            %get3A_867 = tpu.vector_load %arg12[%get3A_865, %get3A_866] {strides = array<i32>} : memref<128x128xf32, #tpu.memory_space<vmem>>, vector<1x16xf32>,
            %get3A_868 = vector.shape_cast %get3A_867 : vector<1x16xf32> to vector<16xf32>
            %mul3A_869 = arith.mulf %get3A_868, %broadcast_in_dim3A_854 : vector<16xf32>
            %swap3A_870 = arith.index_cast %add3A_851 : i32 to index
            %swap3A_871 = arith.constant 16 : index
            %swap3A_872 = tpu.vector_load %arg12[%swap3A_870, %swap3A_871] {strides = array<i32>} : memref<128x128xf32, #tpu.memory_space<vmem>>, vector<1x16xf32>,
            %swap3A_873 = vector.shape_cast %swap3A_872 : vector<1x16xf32> to vector<16xf32>
            %swap3A_874 = vector.shape_cast %mul3A_869 : vector<16xf32> to vector<1x16xf32>
            tpu.vector_store %arg12[%swap3A_870, %swap3A_871], %swap3A_874 {strides = array<i32>} : memref<128x128xf32, #tpu.memory_space<vmem>>, vector<1x16xf32>,
            %get3A_875 = arith.index_cast %add3A_851 : i32 to index
            %get3A_876 = arith.constant 32 : index
            %get3A_877 = tpu.vector_load %arg12[%get3A_875, %get3A_876] {strides = array<i32>} : memref<128x128xf32, #tpu.memory_space<vmem>>, vector<1x16xf32>,
            %get3A_878 = vector.shape_cast %get3A_877 : vector<1x16xf32> to vector<16xf32>
            %mul3A_879 = arith.mulf %get3A_878, %broadcast_in_dim3A_854 : vector<16xf32>
            %swap3A_880 = arith.index_cast %add3A_851 : i32 to index
            %swap3A_881 = arith.constant 32 : index
            %swap3A_882 = tpu.vector_load %arg12[%swap3A_880, %swap3A_881] {strides = array<i32>} : memref<128x128xf32, #tpu.memory_space<vmem>>, vector<1x16xf32>,
            %swap3A_883 = vector.shape_cast %swap3A_882 : vector<1x16xf32> to vector<16xf32>
            %swap3A_884 = vector.shape_cast %mul3A_879 : vector<16xf32> to vector<1x16xf32>
            tpu.vector_store %arg12[%swap3A_880, %swap3A_881], %swap3A_884 {strides = array<i32>} : memref<128x128xf32, #tpu.memory_space<vmem>>, vector<1x16xf32>,
            %get3A_885 = arith.index_cast %add3A_851 : i32 to index
            %get3A_886 = arith.constant 48 : index
            %get3A_887 = tpu.vector_load %arg12[%get3A_885, %get3A_886] {strides = array<i32>} : memref<128x128xf32, #tpu.memory_space<vmem>>, vector<1x16xf32>,
            %get3A_888 = vector.shape_cast %get3A_887 : vector<1x16xf32> to vector<16xf32>
            %mul3A_889 = arith.mulf %get3A_888, %broadcast_in_dim3A_854 : vector<16xf32>
            %swap3A_890 = arith.index_cast %add3A_851 : i32 to index
            %swap3A_891 = arith.constant 48 : index
            %swap3A_892 = tpu.vector_load %arg12[%swap3A_890, %swap3A_891] {strides = array<i32>} : memref<128x128xf32, #tpu.memory_space<vmem>>, vector<1x16xf32>,
            %swap3A_893 = vector.shape_cast %swap3A_892 : vector<1x16xf32> to vector<16xf32>
            %swap3A_894 = vector.shape_cast %mul3A_889 : vector<16xf32> to vector<1x16xf32>
            tpu.vector_store %arg12[%swap3A_890, %swap3A_891], %swap3A_894 {strides = array<i32>} : memref<128x128xf32, #tpu.memory_space<vmem>>, vector<1x16xf32>,
            %get3A_895 = arith.index_cast %add3A_851 : i32 to index
            %get3A_896 = arith.constant 64 : index
            %get3A_897 = tpu.vector_load %arg12[%get3A_895, %get3A_896] {strides = array<i32>} : memref<128x128xf32, #tpu.memory_space<vmem>>, vector<1x16xf32>,
            %get3A_898 = vector.shape_cast %get3A_897 : vector<1x16xf32> to vector<16xf32>
            %mul3A_899 = arith.mulf %get3A_898, %broadcast_in_dim3A_854 : vector<16xf32>
            %swap3A_900 = arith.index_cast %add3A_851 : i32 to index
            %swap3A_901 = arith.constant 64 : index
            %swap3A_902 = tpu.vector_load %arg12[%swap3A_900, %swap3A_901] {strides = array<i32>} : memref<128x128xf32, #tpu.memory_space<vmem>>, vector<1x16xf32>,
            %swap3A_903 = vector.shape_cast %swap3A_902 : vector<1x16xf32> to vector<16xf32>
            %swap3A_904 = vector.shape_cast %mul3A_899 : vector<16xf32> to vector<1x16xf32>
            tpu.vector_store %arg12[%swap3A_900, %swap3A_901], %swap3A_904 {strides = array<i32>} : memref<128x128xf32, #tpu.memory_space<vmem>>, vector<1x16xf32>,
            %get3A_905 = arith.index_cast %add3A_851 : i32 to index
            %get3A_906 = arith.constant 80 : index
            %get3A_907 = tpu.vector_load %arg12[%get3A_905, %get3A_906] {strides = array<i32>} : memref<128x128xf32, #tpu.memory_space<vmem>>, vector<1x16xf32>,
            %get3A_908 = vector.shape_cast %get3A_907 : vector<1x16xf32> to vector<16xf32>
            %mul3A_909 = arith.mulf %get3A_908, %broadcast_in_dim3A_854 : vector<16xf32>
            %swap3A_910 = arith.index_cast %add3A_851 : i32 to index
            %swap3A_911 = arith.constant 80 : index
            %swap3A_912 = tpu.vector_load %arg12[%swap3A_910, %swap3A_911] {strides = array<i32>} : memref<128x128xf32, #tpu.memory_space<vmem>>, vector<1x16xf32>,
            %swap3A_913 = vector.shape_cast %swap3A_912 : vector<1x16xf32> to vector<16xf32>
            %swap3A_914 = vector.shape_cast %mul3A_909 : vector<16xf32> to vector<1x16xf32>
            tpu.vector_store %arg12[%swap3A_910, %swap3A_911], %swap3A_914 {strides = array<i32>} : memref<128x128xf32, #tpu.memory_space<vmem>>, vector<1x16xf32>,
            %get3A_915 = arith.index_cast %add3A_851 : i32 to index
            %get3A_916 = arith.constant 96 : index
            %get3A_917 = tpu.vector_load %arg12[%get3A_915, %get3A_916] {strides = array<i32>} : memref<128x128xf32, #tpu.memory_space<vmem>>, vector<1x16xf32>,
            %get3A_918 = vector.shape_cast %get3A_917 : vector<1x16xf32> to vector<16xf32>
            %mul3A_919 = arith.mulf %get3A_918, %broadcast_in_dim3A_854 : vector<16xf32>
            %swap3A_920 = arith.index_cast %add3A_851 : i32 to index
            %swap3A_921 = arith.constant 96 : index
            %swap3A_922 = tpu.vector_load %arg12[%swap3A_920, %swap3A_921] {strides = array<i32>} : memref<128x128xf32, #tpu.memory_space<vmem>>, vector<1x16xf32>,
            %swap3A_923 = vector.shape_cast %swap3A_922 : vector<1x16xf32> to vector<16xf32>
            %swap3A_924 = vector.shape_cast %mul3A_919 : vector<16xf32> to vector<1x16xf32>
            tpu.vector_store %arg12[%swap3A_920, %swap3A_921], %swap3A_924 {strides = array<i32>} : memref<128x128xf32, #tpu.memory_space<vmem>>, vector<1x16xf32>,
            %get3A_925 = arith.index_cast %add3A_851 : i32 to index
            %get3A_926 = arith.constant 112 : index
            %get3A_927 = tpu.vector_load %arg12[%get3A_925, %get3A_926] {strides = array<i32>} : memref<128x128xf32, #tpu.memory_space<vmem>>, vector<1x16xf32>,
            %get3A_928 = vector.shape_cast %get3A_927 : vector<1x16xf32> to vector<16xf32>
            %mul3A_929 = arith.mulf %get3A_928, %broadcast_in_dim3A_854 : vector<16xf32>
            %swap3A_930 = arith.index_cast %add3A_851 : i32 to index
            %swap3A_931 = arith.constant 112 : index
            %swap3A_932 = tpu.vector_load %arg12[%swap3A_930, %swap3A_931] {strides = array<i32>} : memref<128x128xf32, #tpu.memory_space<vmem>>, vector<1x16xf32>,
            %swap3A_933 = vector.shape_cast %swap3A_932 : vector<1x16xf32> to vector<16xf32>
            %swap3A_934 = vector.shape_cast %mul3A_929 : vector<16xf32> to vector<1x16xf32>
            tpu.vector_store %arg12[%swap3A_930, %swap3A_931], %swap3A_934 {strides = array<i32>} : memref<128x128xf32, #tpu.memory_space<vmem>>, vector<1x16xf32>,
            %mul3A_935 = arith.constant 16 : i32
            %mul3A_936 = arith.muli %scan3A_62, %mul3A_935 : i32
            %add3A_937 = arith.constant 10 : i32
            %add3A_938 = arith.addi %mul3A_936, %add3A_937 : i32
            %slice3A_939 = vector.extract_strided_slice %get3A_68 {offsets = [10], sizes = [1], strides = [1]} : vector<16xf32> to vector<1xf32>
            %squeeze3A_940 = vector.extract %slice3A_939[0] : f32 from vector<1xf32>
            %broadcast_in_dim3A_941 = vector.broadcast %squeeze3A_940 : f32 to vector<16xf32>
            %get3A_942 = arith.index_cast %add3A_938 : i32 to index
            %get3A_943 = arith.constant 0 : index
            %get3A_944 = tpu.vector_load %arg12[%get3A_942, %get3A_943] {strides = array<i32>} : memref<128x128xf32, #tpu.memory_space<vmem>>, vector<1x16xf32>,
            %get3A_945 = vector.shape_cast %get3A_944 : vector<1x16xf32> to vector<16xf32>
            %mul3A_946 = arith.mulf %get3A_945, %broadcast_in_dim3A_941 : vector<16xf32>
            %swap3A_947 = arith.index_cast %add3A_938 : i32 to index
            %swap3A_948 = arith.constant 0 : index
            %swap3A_949 = tpu.vector_load %arg12[%swap3A_947, %swap3A_948] {strides = array<i32>} : memref<128x128xf32, #tpu.memory_space<vmem>>, vector<1x16xf32>,
            %swap3A_950 = vector.shape_cast %swap3A_949 : vector<1x16xf32> to vector<16xf32>
            %swap3A_951 = vector.shape_cast %mul3A_946 : vector<16xf32> to vector<1x16xf32>
            tpu.vector_store %arg12[%swap3A_947, %swap3A_948], %swap3A_951 {strides = array<i32>} : memref<128x128xf32, #tpu.memory_space<vmem>>, vector<1x16xf32>,
            %get3A_952 = arith.index_cast %add3A_938 : i32 to index
            %get3A_953 = arith.constant 16 : index
            %get3A_954 = tpu.vector_load %arg12[%get3A_952, %get3A_953] {strides = array<i32>} : memref<128x128xf32, #tpu.memory_space<vmem>>, vector<1x16xf32>,
            %get3A_955 = vector.shape_cast %get3A_954 : vector<1x16xf32> to vector<16xf32>
            %mul3A_956 = arith.mulf %get3A_955, %broadcast_in_dim3A_941 : vector<16xf32>
            %swap3A_957 = arith.index_cast %add3A_938 : i32 to index
            %swap3A_958 = arith.constant 16 : index
            %swap3A_959 = tpu.vector_load %arg12[%swap3A_957, %swap3A_958] {strides = array<i32>} : memref<128x128xf32, #tpu.memory_space<vmem>>, vector<1x16xf32>,
            %swap3A_960 = vector.shape_cast %swap3A_959 : vector<1x16xf32> to vector<16xf32>
            %swap3A_961 = vector.shape_cast %mul3A_956 : vector<16xf32> to vector<1x16xf32>
            tpu.vector_store %arg12[%swap3A_957, %swap3A_958], %swap3A_961 {strides = array<i32>} : memref<128x128xf32, #tpu.memory_space<vmem>>, vector<1x16xf32>,
            %get3A_962 = arith.index_cast %add3A_938 : i32 to index
            %get3A_963 = arith.constant 32 : index
            %get3A_964 = tpu.vector_load %arg12[%get3A_962, %get3A_963] {strides = array<i32>} : memref<128x128xf32, #tpu.memory_space<vmem>>, vector<1x16xf32>,
            %get3A_965 = vector.shape_cast %get3A_964 : vector<1x16xf32> to vector<16xf32>
            %mul3A_966 = arith.mulf %get3A_965, %broadcast_in_dim3A_941 : vector<16xf32>
            %swap3A_967 = arith.index_cast %add3A_938 : i32 to index
            %swap3A_968 = arith.constant 32 : index
            %swap3A_969 = tpu.vector_load %arg12[%swap3A_967, %swap3A_968] {strides = array<i32>} : memref<128x128xf32, #tpu.memory_space<vmem>>, vector<1x16xf32>,
            %swap3A_970 = vector.shape_cast %swap3A_969 : vector<1x16xf32> to vector<16xf32>
            %swap3A_971 = vector.shape_cast %mul3A_966 : vector<16xf32> to vector<1x16xf32>
            tpu.vector_store %arg12[%swap3A_967, %swap3A_968], %swap3A_971 {strides = array<i32>} : memref<128x128xf32, #tpu.memory_space<vmem>>, vector<1x16xf32>,
            %get3A_972 = arith.index_cast %add3A_938 : i32 to index
            %get3A_973 = arith.constant 48 : index
            %get3A_974 = tpu.vector_load %arg12[%get3A_972, %get3A_973] {strides = array<i32>} : memref<128x128xf32, #tpu.memory_space<vmem>>, vector<1x16xf32>,
            %get3A_975 = vector.shape_cast %get3A_974 : vector<1x16xf32> to vector<16xf32>
            %mul3A_976 = arith.mulf %get3A_975, %broadcast_in_dim3A_941 : vector<16xf32>
            %swap3A_977 = arith.index_cast %add3A_938 : i32 to index
            %swap3A_978 = arith.constant 48 : index
            %swap3A_979 = tpu.vector_load %arg12[%swap3A_977, %swap3A_978] {strides = array<i32>} : memref<128x128xf32, #tpu.memory_space<vmem>>, vector<1x16xf32>,
            %swap3A_980 = vector.shape_cast %swap3A_979 : vector<1x16xf32> to vector<16xf32>
            %swap3A_981 = vector.shape_cast %mul3A_976 : vector<16xf32> to vector<1x16xf32>
            tpu.vector_store %arg12[%swap3A_977, %swap3A_978], %swap3A_981 {strides = array<i32>} : memref<128x128xf32, #tpu.memory_space<vmem>>, vector<1x16xf32>,
            %get3A_982 = arith.index_cast %add3A_938 : i32 to index
            %get3A_983 = arith.constant 64 : index
            %get3A_984 = tpu.vector_load %arg12[%get3A_982, %get3A_983] {strides = array<i32>} : memref<128x128xf32, #tpu.memory_space<vmem>>, vector<1x16xf32>,
            %get3A_985 = vector.shape_cast %get3A_984 : vector<1x16xf32> to vector<16xf32>
            %mul3A_986 = arith.mulf %get3A_985, %broadcast_in_dim3A_941 : vector<16xf32>
            %swap3A_987 = arith.index_cast %add3A_938 : i32 to index
            %swap3A_988 = arith.constant 64 : index
            %swap3A_989 = tpu.vector_load %arg12[%swap3A_987, %swap3A_988] {strides = array<i32>} : memref<128x128xf32, #tpu.memory_space<vmem>>, vector<1x16xf32>,
            %swap3A_990 = vector.shape_cast %swap3A_989 : vector<1x16xf32> to vector<16xf32>
            %swap3A_991 = vector.shape_cast %mul3A_986 : vector<16xf32> to vector<1x16xf32>
            tpu.vector_store %arg12[%swap3A_987, %swap3A_988], %swap3A_991 {strides = array<i32>} : memref<128x128xf32, #tpu.memory_space<vmem>>, vector<1x16xf32>,
            %get3A_992 = arith.index_cast %add3A_938 : i32 to index
            %get3A_993 = arith.constant 80 : index
            %get3A_994 = tpu.vector_load %arg12[%get3A_992, %get3A_993] {strides = array<i32>} : memref<128x128xf32, #tpu.memory_space<vmem>>, vector<1x16xf32>,
            %get3A_995 = vector.shape_cast %get3A_994 : vector<1x16xf32> to vector<16xf32>
            %mul3A_996 = arith.mulf %get3A_995, %broadcast_in_dim3A_941 : vector<16xf32>
            %swap3A_997 = arith.index_cast %add3A_938 : i32 to index
            %swap3A_998 = arith.constant 80 : index
            %swap3A_999 = tpu.vector_load %arg12[%swap3A_997, %swap3A_998] {strides = array<i32>} : memref<128x128xf32, #tpu.memory_space<vmem>>, vector<1x16xf32>,
            %swap3A_1000 = vector.shape_cast %swap3A_999 : vector<1x16xf32> to vector<16xf32>
            %swap3A_1001 = vector.shape_cast %mul3A_996 : vector<16xf32> to vector<1x16xf32>
            tpu.vector_store %arg12[%swap3A_997, %swap3A_998], %swap3A_1001 {strides = array<i32>} : memref<128x128xf32, #tpu.memory_space<vmem>>, vector<1x16xf32>,
            %get3A_1002 = arith.index_cast %add3A_938 : i32 to index
            %get3A_1003 = arith.constant 96 : index
            %get3A_1004 = tpu.vector_load %arg12[%get3A_1002, %get3A_1003] {strides = array<i32>} : memref<128x128xf32, #tpu.memory_space<vmem>>, vector<1x16xf32>,
            %get3A_1005 = vector.shape_cast %get3A_1004 : vector<1x16xf32> to vector<16xf32>
            %mul3A_1006 = arith.mulf %get3A_1005, %broadcast_in_dim3A_941 : vector<16xf32>
            %swap3A_1007 = arith.index_cast %add3A_938 : i32 to index
            %swap3A_1008 = arith.constant 96 : index
            %swap3A_1009 = tpu.vector_load %arg12[%swap3A_1007, %swap3A_1008] {strides = array<i32>} : memref<128x128xf32, #tpu.memory_space<vmem>>, vector<1x16xf32>,
            %swap3A_1010 = vector.shape_cast %swap3A_1009 : vector<1x16xf32> to vector<16xf32>
            %swap3A_1011 = vector.shape_cast %mul3A_1006 : vector<16xf32> to vector<1x16xf32>
            tpu.vector_store %arg12[%swap3A_1007, %swap3A_1008], %swap3A_1011 {strides = array<i32>} : memref<128x128xf32, #tpu.memory_space<vmem>>, vector<1x16xf32>,
            %get3A_1012 = arith.index_cast %add3A_938 : i32 to index
            %get3A_1013 = arith.constant 112 : index
            %get3A_1014 = tpu.vector_load %arg12[%get3A_1012, %get3A_1013] {strides = array<i32>} : memref<128x128xf32, #tpu.memory_space<vmem>>, vector<1x16xf32>,
            %get3A_1015 = vector.shape_cast %get3A_1014 : vector<1x16xf32> to vector<16xf32>
            %mul3A_1016 = arith.mulf %get3A_1015, %broadcast_in_dim3A_941 : vector<16xf32>
            %swap3A_1017 = arith.index_cast %add3A_938 : i32 to index
            %swap3A_1018 = arith.constant 112 : index
            %swap3A_1019 = tpu.vector_load %arg12[%swap3A_1017, %swap3A_1018] {strides = array<i32>} : memref<128x128xf32, #tpu.memory_space<vmem>>, vector<1x16xf32>,
            %swap3A_1020 = vector.shape_cast %swap3A_1019 : vector<1x16xf32> to vector<16xf32>
            %swap3A_1021 = vector.shape_cast %mul3A_1016 : vector<16xf32> to vector<1x16xf32>
            tpu.vector_store %arg12[%swap3A_1017, %swap3A_1018], %swap3A_1021 {strides = array<i32>} : memref<128x128xf32, #tpu.memory_space<vmem>>, vector<1x16xf32>,
            %mul3A_1022 = arith.constant 16 : i32
            %mul3A_1023 = arith.muli %scan3A_62, %mul3A_1022 : i32
            %add3A_1024 = arith.constant 11 : i32
            %add3A_1025 = arith.addi %mul3A_1023, %add3A_1024 : i32
            %slice3A_1026 = vector.extract_strided_slice %get3A_68 {offsets = [11], sizes = [1], strides = [1]} : vector<16xf32> to vector<1xf32>
            %squeeze3A_1027 = vector.extract %slice3A_1026[0] : f32 from vector<1xf32>
            %broadcast_in_dim3A_1028 = vector.broadcast %squeeze3A_1027 : f32 to vector<16xf32>
            %get3A_1029 = arith.index_cast %add3A_1025 : i32 to index
            %get3A_1030 = arith.constant 0 : index
            %get3A_1031 = tpu.vector_load %arg12[%get3A_1029, %get3A_1030] {strides = array<i32>} : memref<128x128xf32, #tpu.memory_space<vmem>>, vector<1x16xf32>,
            %get3A_1032 = vector.shape_cast %get3A_1031 : vector<1x16xf32> to vector<16xf32>
            %mul3A_1033 = arith.mulf %get3A_1032, %broadcast_in_dim3A_1028 : vector<16xf32>
            %swap3A_1034 = arith.index_cast %add3A_1025 : i32 to index
            %swap3A_1035 = arith.constant 0 : index
            %swap3A_1036 = tpu.vector_load %arg12[%swap3A_1034, %swap3A_1035] {strides = array<i32>} : memref<128x128xf32, #tpu.memory_space<vmem>>, vector<1x16xf32>,
            %swap3A_1037 = vector.shape_cast %swap3A_1036 : vector<1x16xf32> to vector<16xf32>
            %swap3A_1038 = vector.shape_cast %mul3A_1033 : vector<16xf32> to vector<1x16xf32>
            tpu.vector_store %arg12[%swap3A_1034, %swap3A_1035], %swap3A_1038 {strides = array<i32>} : memref<128x128xf32, #tpu.memory_space<vmem>>, vector<1x16xf32>,
            %get3A_1039 = arith.index_cast %add3A_1025 : i32 to index
            %get3A_1040 = arith.constant 16 : index
            %get3A_1041 = tpu.vector_load %arg12[%get3A_1039, %get3A_1040] {strides = array<i32>} : memref<128x128xf32, #tpu.memory_space<vmem>>, vector<1x16xf32>,
            %get3A_1042 = vector.shape_cast %get3A_1041 : vector<1x16xf32> to vector<16xf32>
            %mul3A_1043 = arith.mulf %get3A_1042, %broadcast_in_dim3A_1028 : vector<16xf32>
            %swap3A_1044 = arith.index_cast %add3A_1025 : i32 to index
            %swap3A_1045 = arith.constant 16 : index
            %swap3A_1046 = tpu.vector_load %arg12[%swap3A_1044, %swap3A_1045] {strides = array<i32>} : memref<128x128xf32, #tpu.memory_space<vmem>>, vector<1x16xf32>,
            %swap3A_1047 = vector.shape_cast %swap3A_1046 : vector<1x16xf32> to vector<16xf32>
            %swap3A_1048 = vector.shape_cast %mul3A_1043 : vector<16xf32> to vector<1x16xf32>
            tpu.vector_store %arg12[%swap3A_1044, %swap3A_1045], %swap3A_1048 {strides = array<i32>} : memref<128x128xf32, #tpu.memory_space<vmem>>, vector<1x16xf32>,
            %get3A_1049 = arith.index_cast %add3A_1025 : i32 to index
            %get3A_1050 = arith.constant 32 : index
            %get3A_1051 = tpu.vector_load %arg12[%get3A_1049, %get3A_1050] {strides = array<i32>} : memref<128x128xf32, #tpu.memory_space<vmem>>, vector<1x16xf32>,
            %get3A_1052 = vector.shape_cast %get3A_1051 : vector<1x16xf32> to vector<16xf32>
            %mul3A_1053 = arith.mulf %get3A_1052, %broadcast_in_dim3A_1028 : vector<16xf32>
            %swap3A_1054 = arith.index_cast %add3A_1025 : i32 to index
            %swap3A_1055 = arith.constant 32 : index
            %swap3A_1056 = tpu.vector_load %arg12[%swap3A_1054, %swap3A_1055] {strides = array<i32>} : memref<128x128xf32, #tpu.memory_space<vmem>>, vector<1x16xf32>,
            %swap3A_1057 = vector.shape_cast %swap3A_1056 : vector<1x16xf32> to vector<16xf32>
            %swap3A_1058 = vector.shape_cast %mul3A_1053 : vector<16xf32> to vector<1x16xf32>
            tpu.vector_store %arg12[%swap3A_1054, %swap3A_1055], %swap3A_1058 {strides = array<i32>} : memref<128x128xf32, #tpu.memory_space<vmem>>, vector<1x16xf32>,
            %get3A_1059 = arith.index_cast %add3A_1025 : i32 to index
            %get3A_1060 = arith.constant 48 : index
            %get3A_1061 = tpu.vector_load %arg12[%get3A_1059, %get3A_1060] {strides = array<i32>} : memref<128x128xf32, #tpu.memory_space<vmem>>, vector<1x16xf32>,
            %get3A_1062 = vector.shape_cast %get3A_1061 : vector<1x16xf32> to vector<16xf32>
            %mul3A_1063 = arith.mulf %get3A_1062, %broadcast_in_dim3A_1028 : vector<16xf32>
            %swap3A_1064 = arith.index_cast %add3A_1025 : i32 to index
            %swap3A_1065 = arith.constant 48 : index
            %swap3A_1066 = tpu.vector_load %arg12[%swap3A_1064, %swap3A_1065] {strides = array<i32>} : memref<128x128xf32, #tpu.memory_space<vmem>>, vector<1x16xf32>,
            %swap3A_1067 = vector.shape_cast %swap3A_1066 : vector<1x16xf32> to vector<16xf32>
            %swap3A_1068 = vector.shape_cast %mul3A_1063 : vector<16xf32> to vector<1x16xf32>
            tpu.vector_store %arg12[%swap3A_1064, %swap3A_1065], %swap3A_1068 {strides = array<i32>} : memref<128x128xf32, #tpu.memory_space<vmem>>, vector<1x16xf32>,
            %get3A_1069 = arith.index_cast %add3A_1025 : i32 to index
            %get3A_1070 = arith.constant 64 : index
            %get3A_1071 = tpu.vector_load %arg12[%get3A_1069, %get3A_1070] {strides = array<i32>} : memref<128x128xf32, #tpu.memory_space<vmem>>, vector<1x16xf32>,
            %get3A_1072 = vector.shape_cast %get3A_1071 : vector<1x16xf32> to vector<16xf32>
            %mul3A_1073 = arith.mulf %get3A_1072, %broadcast_in_dim3A_1028 : vector<16xf32>
            %swap3A_1074 = arith.index_cast %add3A_1025 : i32 to index
            %swap3A_1075 = arith.constant 64 : index
            %swap3A_1076 = tpu.vector_load %arg12[%swap3A_1074, %swap3A_1075] {strides = array<i32>} : memref<128x128xf32, #tpu.memory_space<vmem>>, vector<1x16xf32>,
            %swap3A_1077 = vector.shape_cast %swap3A_1076 : vector<1x16xf32> to vector<16xf32>
            %swap3A_1078 = vector.shape_cast %mul3A_1073 : vector<16xf32> to vector<1x16xf32>
            tpu.vector_store %arg12[%swap3A_1074, %swap3A_1075], %swap3A_1078 {strides = array<i32>} : memref<128x128xf32, #tpu.memory_space<vmem>>, vector<1x16xf32>,
            %get3A_1079 = arith.index_cast %add3A_1025 : i32 to index
            %get3A_1080 = arith.constant 80 : index
            %get3A_1081 = tpu.vector_load %arg12[%get3A_1079, %get3A_1080] {strides = array<i32>} : memref<128x128xf32, #tpu.memory_space<vmem>>, vector<1x16xf32>,
            %get3A_1082 = vector.shape_cast %get3A_1081 : vector<1x16xf32> to vector<16xf32>
            %mul3A_1083 = arith.mulf %get3A_1082, %broadcast_in_dim3A_1028 : vector<16xf32>
            %swap3A_1084 = arith.index_cast %add3A_1025 : i32 to index
            %swap3A_1085 = arith.constant 80 : index
            %swap3A_1086 = tpu.vector_load %arg12[%swap3A_1084, %swap3A_1085] {strides = array<i32>} : memref<128x128xf32, #tpu.memory_space<vmem>>, vector<1x16xf32>,
            %swap3A_1087 = vector.shape_cast %swap3A_1086 : vector<1x16xf32> to vector<16xf32>
            %swap3A_1088 = vector.shape_cast %mul3A_1083 : vector<16xf32> to vector<1x16xf32>
            tpu.vector_store %arg12[%swap3A_1084, %swap3A_1085], %swap3A_1088 {strides = array<i32>} : memref<128x128xf32, #tpu.memory_space<vmem>>, vector<1x16xf32>,
            %get3A_1089 = arith.index_cast %add3A_1025 : i32 to index
            %get3A_1090 = arith.constant 96 : index
            %get3A_1091 = tpu.vector_load %arg12[%get3A_1089, %get3A_1090] {strides = array<i32>} : memref<128x128xf32, #tpu.memory_space<vmem>>, vector<1x16xf32>,
            %get3A_1092 = vector.shape_cast %get3A_1091 : vector<1x16xf32> to vector<16xf32>
            %mul3A_1093 = arith.mulf %get3A_1092, %broadcast_in_dim3A_1028 : vector<16xf32>
            %swap3A_1094 = arith.index_cast %add3A_1025 : i32 to index
            %swap3A_1095 = arith.constant 96 : index
            %swap3A_1096 = tpu.vector_load %arg12[%swap3A_1094, %swap3A_1095] {strides = array<i32>} : memref<128x128xf32, #tpu.memory_space<vmem>>, vector<1x16xf32>,
            %swap3A_1097 = vector.shape_cast %swap3A_1096 : vector<1x16xf32> to vector<16xf32>
            %swap3A_1098 = vector.shape_cast %mul3A_1093 : vector<16xf32> to vector<1x16xf32>
            tpu.vector_store %arg12[%swap3A_1094, %swap3A_1095], %swap3A_1098 {strides = array<i32>} : memref<128x128xf32, #tpu.memory_space<vmem>>, vector<1x16xf32>,
            %get3A_1099 = arith.index_cast %add3A_1025 : i32 to index
            %get3A_1100 = arith.constant 112 : index
            %get3A_1101 = tpu.vector_load %arg12[%get3A_1099, %get3A_1100] {strides = array<i32>} : memref<128x128xf32, #tpu.memory_space<vmem>>, vector<1x16xf32>,
            %get3A_1102 = vector.shape_cast %get3A_1101 : vector<1x16xf32> to vector<16xf32>
            %mul3A_1103 = arith.mulf %get3A_1102, %broadcast_in_dim3A_1028 : vector<16xf32>
            %swap3A_1104 = arith.index_cast %add3A_1025 : i32 to index
            %swap3A_1105 = arith.constant 112 : index
            %swap3A_1106 = tpu.vector_load %arg12[%swap3A_1104, %swap3A_1105] {strides = array<i32>} : memref<128x128xf32, #tpu.memory_space<vmem>>, vector<1x16xf32>,
            %swap3A_1107 = vector.shape_cast %swap3A_1106 : vector<1x16xf32> to vector<16xf32>
            %swap3A_1108 = vector.shape_cast %mul3A_1103 : vector<16xf32> to vector<1x16xf32>
            tpu.vector_store %arg12[%swap3A_1104, %swap3A_1105], %swap3A_1108 {strides = array<i32>} : memref<128x128xf32, #tpu.memory_space<vmem>>, vector<1x16xf32>,
            %mul3A_1109 = arith.constant 16 : i32
            %mul3A_1110 = arith.muli %scan3A_62, %mul3A_1109 : i32
            %add3A_1111 = arith.constant 12 : i32
            %add3A_1112 = arith.addi %mul3A_1110, %add3A_1111 : i32
            %slice3A_1113 = vector.extract_strided_slice %get3A_68 {offsets = [12], sizes = [1], strides = [1]} : vector<16xf32> to vector<1xf32>
            %squeeze3A_1114 = vector.extract %slice3A_1113[0] : f32 from vector<1xf32>
            %broadcast_in_dim3A_1115 = vector.broadcast %squeeze3A_1114 : f32 to vector<16xf32>
            %get3A_1116 = arith.index_cast %add3A_1112 : i32 to index
            %get3A_1117 = arith.constant 0 : index
            %get3A_1118 = tpu.vector_load %arg12[%get3A_1116, %get3A_1117] {strides = array<i32>} : memref<128x128xf32, #tpu.memory_space<vmem>>, vector<1x16xf32>,
            %get3A_1119 = vector.shape_cast %get3A_1118 : vector<1x16xf32> to vector<16xf32>
            %mul3A_1120 = arith.mulf %get3A_1119, %broadcast_in_dim3A_1115 : vector<16xf32>
            %swap3A_1121 = arith.index_cast %add3A_1112 : i32 to index
            %swap3A_1122 = arith.constant 0 : index
            %swap3A_1123 = tpu.vector_load %arg12[%swap3A_1121, %swap3A_1122] {strides = array<i32>} : memref<128x128xf32, #tpu.memory_space<vmem>>, vector<1x16xf32>,
            %swap3A_1124 = vector.shape_cast %swap3A_1123 : vector<1x16xf32> to vector<16xf32>
            %swap3A_1125 = vector.shape_cast %mul3A_1120 : vector<16xf32> to vector<1x16xf32>
            tpu.vector_store %arg12[%swap3A_1121, %swap3A_1122], %swap3A_1125 {strides = array<i32>} : memref<128x128xf32, #tpu.memory_space<vmem>>, vector<1x16xf32>,
            %get3A_1126 = arith.index_cast %add3A_1112 : i32 to index
            %get3A_1127 = arith.constant 16 : index
            %get3A_1128 = tpu.vector_load %arg12[%get3A_1126, %get3A_1127] {strides = array<i32>} : memref<128x128xf32, #tpu.memory_space<vmem>>, vector<1x16xf32>,
            %get3A_1129 = vector.shape_cast %get3A_1128 : vector<1x16xf32> to vector<16xf32>
            %mul3A_1130 = arith.mulf %get3A_1129, %broadcast_in_dim3A_1115 : vector<16xf32>
            %swap3A_1131 = arith.index_cast %add3A_1112 : i32 to index
            %swap3A_1132 = arith.constant 16 : index
            %swap3A_1133 = tpu.vector_load %arg12[%swap3A_1131, %swap3A_1132] {strides = array<i32>} : memref<128x128xf32, #tpu.memory_space<vmem>>, vector<1x16xf32>,
            %swap3A_1134 = vector.shape_cast %swap3A_1133 : vector<1x16xf32> to vector<16xf32>
            %swap3A_1135 = vector.shape_cast %mul3A_1130 : vector<16xf32> to vector<1x16xf32>
            tpu.vector_store %arg12[%swap3A_1131, %swap3A_1132], %swap3A_1135 {strides = array<i32>} : memref<128x128xf32, #tpu.memory_space<vmem>>, vector<1x16xf32>,
            %get3A_1136 = arith.index_cast %add3A_1112 : i32 to index
            %get3A_1137 = arith.constant 32 : index
            %get3A_1138 = tpu.vector_load %arg12[%get3A_1136, %get3A_1137] {strides = array<i32>} : memref<128x128xf32, #tpu.memory_space<vmem>>, vector<1x16xf32>,
            %get3A_1139 = vector.shape_cast %get3A_1138 : vector<1x16xf32> to vector<16xf32>
            %mul3A_1140 = arith.mulf %get3A_1139, %broadcast_in_dim3A_1115 : vector<16xf32>
            %swap3A_1141 = arith.index_cast %add3A_1112 : i32 to index
            %swap3A_1142 = arith.constant 32 : index
            %swap3A_1143 = tpu.vector_load %arg12[%swap3A_1141, %swap3A_1142] {strides = array<i32>} : memref<128x128xf32, #tpu.memory_space<vmem>>, vector<1x16xf32>,
            %swap3A_1144 = vector.shape_cast %swap3A_1143 : vector<1x16xf32> to vector<16xf32>
            %swap3A_1145 = vector.shape_cast %mul3A_1140 : vector<16xf32> to vector<1x16xf32>
            tpu.vector_store %arg12[%swap3A_1141, %swap3A_1142], %swap3A_1145 {strides = array<i32>} : memref<128x128xf32, #tpu.memory_space<vmem>>, vector<1x16xf32>,
            %get3A_1146 = arith.index_cast %add3A_1112 : i32 to index
            %get3A_1147 = arith.constant 48 : index
            %get3A_1148 = tpu.vector_load %arg12[%get3A_1146, %get3A_1147] {strides = array<i32>} : memref<128x128xf32, #tpu.memory_space<vmem>>, vector<1x16xf32>,
            %get3A_1149 = vector.shape_cast %get3A_1148 : vector<1x16xf32> to vector<16xf32>
            %mul3A_1150 = arith.mulf %get3A_1149, %broadcast_in_dim3A_1115 : vector<16xf32>
            %swap3A_1151 = arith.index_cast %add3A_1112 : i32 to index
            %swap3A_1152 = arith.constant 48 : index
            %swap3A_1153 = tpu.vector_load %arg12[%swap3A_1151, %swap3A_1152] {strides = array<i32>} : memref<128x128xf32, #tpu.memory_space<vmem>>, vector<1x16xf32>,
            %swap3A_1154 = vector.shape_cast %swap3A_1153 : vector<1x16xf32> to vector<16xf32>
            %swap3A_1155 = vector.shape_cast %mul3A_1150 : vector<16xf32> to vector<1x16xf32>
            tpu.vector_store %arg12[%swap3A_1151, %swap3A_1152], %swap3A_1155 {strides = array<i32>} : memref<128x128xf32, #tpu.memory_space<vmem>>, vector<1x16xf32>,
            %get3A_1156 = arith.index_cast %add3A_1112 : i32 to index
            %get3A_1157 = arith.constant 64 : index
            %get3A_1158 = tpu.vector_load %arg12[%get3A_1156, %get3A_1157] {strides = array<i32>} : memref<128x128xf32, #tpu.memory_space<vmem>>, vector<1x16xf32>,
            %get3A_1159 = vector.shape_cast %get3A_1158 : vector<1x16xf32> to vector<16xf32>
            %mul3A_1160 = arith.mulf %get3A_1159, %broadcast_in_dim3A_1115 : vector<16xf32>
            %swap3A_1161 = arith.index_cast %add3A_1112 : i32 to index
            %swap3A_1162 = arith.constant 64 : index
            %swap3A_1163 = tpu.vector_load %arg12[%swap3A_1161, %swap3A_1162] {strides = array<i32>} : memref<128x128xf32, #tpu.memory_space<vmem>>, vector<1x16xf32>,
            %swap3A_1164 = vector.shape_cast %swap3A_1163 : vector<1x16xf32> to vector<16xf32>
            %swap3A_1165 = vector.shape_cast %mul3A_1160 : vector<16xf32> to vector<1x16xf32>
            tpu.vector_store %arg12[%swap3A_1161, %swap3A_1162], %swap3A_1165 {strides = array<i32>} : memref<128x128xf32, #tpu.memory_space<vmem>>, vector<1x16xf32>,
            %get3A_1166 = arith.index_cast %add3A_1112 : i32 to index
            %get3A_1167 = arith.constant 80 : index
            %get3A_1168 = tpu.vector_load %arg12[%get3A_1166, %get3A_1167] {strides = array<i32>} : memref<128x128xf32, #tpu.memory_space<vmem>>, vector<1x16xf32>,
            %get3A_1169 = vector.shape_cast %get3A_1168 : vector<1x16xf32> to vector<16xf32>
            %mul3A_1170 = arith.mulf %get3A_1169, %broadcast_in_dim3A_1115 : vector<16xf32>
            %swap3A_1171 = arith.index_cast %add3A_1112 : i32 to index
            %swap3A_1172 = arith.constant 80 : index
            %swap3A_1173 = tpu.vector_load %arg12[%swap3A_1171, %swap3A_1172] {strides = array<i32>} : memref<128x128xf32, #tpu.memory_space<vmem>>, vector<1x16xf32>,
            %swap3A_1174 = vector.shape_cast %swap3A_1173 : vector<1x16xf32> to vector<16xf32>
            %swap3A_1175 = vector.shape_cast %mul3A_1170 : vector<16xf32> to vector<1x16xf32>
            tpu.vector_store %arg12[%swap3A_1171, %swap3A_1172], %swap3A_1175 {strides = array<i32>} : memref<128x128xf32, #tpu.memory_space<vmem>>, vector<1x16xf32>,
            %get3A_1176 = arith.index_cast %add3A_1112 : i32 to index
            %get3A_1177 = arith.constant 96 : index
            %get3A_1178 = tpu.vector_load %arg12[%get3A_1176, %get3A_1177] {strides = array<i32>} : memref<128x128xf32, #tpu.memory_space<vmem>>, vector<1x16xf32>,
            %get3A_1179 = vector.shape_cast %get3A_1178 : vector<1x16xf32> to vector<16xf32>
            %mul3A_1180 = arith.mulf %get3A_1179, %broadcast_in_dim3A_1115 : vector<16xf32>
            %swap3A_1181 = arith.index_cast %add3A_1112 : i32 to index
            %swap3A_1182 = arith.constant 96 : index
            %swap3A_1183 = tpu.vector_load %arg12[%swap3A_1181, %swap3A_1182] {strides = array<i32>} : memref<128x128xf32, #tpu.memory_space<vmem>>, vector<1x16xf32>,
            %swap3A_1184 = vector.shape_cast %swap3A_1183 : vector<1x16xf32> to vector<16xf32>
            %swap3A_1185 = vector.shape_cast %mul3A_1180 : vector<16xf32> to vector<1x16xf32>
            tpu.vector_store %arg12[%swap3A_1181, %swap3A_1182], %swap3A_1185 {strides = array<i32>} : memref<128x128xf32, #tpu.memory_space<vmem>>, vector<1x16xf32>,
            %get3A_1186 = arith.index_cast %add3A_1112 : i32 to index
            %get3A_1187 = arith.constant 112 : index
            %get3A_1188 = tpu.vector_load %arg12[%get3A_1186, %get3A_1187] {strides = array<i32>} : memref<128x128xf32, #tpu.memory_space<vmem>>, vector<1x16xf32>,
            %get3A_1189 = vector.shape_cast %get3A_1188 : vector<1x16xf32> to vector<16xf32>
            %mul3A_1190 = arith.mulf %get3A_1189, %broadcast_in_dim3A_1115 : vector<16xf32>
            %swap3A_1191 = arith.index_cast %add3A_1112 : i32 to index
            %swap3A_1192 = arith.constant 112 : index
            %swap3A_1193 = tpu.vector_load %arg12[%swap3A_1191, %swap3A_1192] {strides = array<i32>} : memref<128x128xf32, #tpu.memory_space<vmem>>, vector<1x16xf32>,
            %swap3A_1194 = vector.shape_cast %swap3A_1193 : vector<1x16xf32> to vector<16xf32>
            %swap3A_1195 = vector.shape_cast %mul3A_1190 : vector<16xf32> to vector<1x16xf32>
            tpu.vector_store %arg12[%swap3A_1191, %swap3A_1192], %swap3A_1195 {strides = array<i32>} : memref<128x128xf32, #tpu.memory_space<vmem>>, vector<1x16xf32>,
            %mul3A_1196 = arith.constant 16 : i32
            %mul3A_1197 = arith.muli %scan3A_62, %mul3A_1196 : i32
            %add3A_1198 = arith.constant 13 : i32
            %add3A_1199 = arith.addi %mul3A_1197, %add3A_1198 : i32
            %slice3A_1200 = vector.extract_strided_slice %get3A_68 {offsets = [13], sizes = [1], strides = [1]} : vector<16xf32> to vector<1xf32>
            %squeeze3A_1201 = vector.extract %slice3A_1200[0] : f32 from vector<1xf32>
            %broadcast_in_dim3A_1202 = vector.broadcast %squeeze3A_1201 : f32 to vector<16xf32>
            %get3A_1203 = arith.index_cast %add3A_1199 : i32 to index
            %get3A_1204 = arith.constant 0 : index
            %get3A_1205 = tpu.vector_load %arg12[%get3A_1203, %get3A_1204] {strides = array<i32>} : memref<128x128xf32, #tpu.memory_space<vmem>>, vector<1x16xf32>,
            %get3A_1206 = vector.shape_cast %get3A_1205 : vector<1x16xf32> to vector<16xf32>
            %mul3A_1207 = arith.mulf %get3A_1206, %broadcast_in_dim3A_1202 : vector<16xf32>
            %swap3A_1208 = arith.index_cast %add3A_1199 : i32 to index
            %swap3A_1209 = arith.constant 0 : index
            %swap3A_1210 = tpu.vector_load %arg12[%swap3A_1208, %swap3A_1209] {strides = array<i32>} : memref<128x128xf32, #tpu.memory_space<vmem>>, vector<1x16xf32>,
            %swap3A_1211 = vector.shape_cast %swap3A_1210 : vector<1x16xf32> to vector<16xf32>
            %swap3A_1212 = vector.shape_cast %mul3A_1207 : vector<16xf32> to vector<1x16xf32>
            tpu.vector_store %arg12[%swap3A_1208, %swap3A_1209], %swap3A_1212 {strides = array<i32>} : memref<128x128xf32, #tpu.memory_space<vmem>>, vector<1x16xf32>,
            %get3A_1213 = arith.index_cast %add3A_1199 : i32 to index
            %get3A_1214 = arith.constant 16 : index
            %get3A_1215 = tpu.vector_load %arg12[%get3A_1213, %get3A_1214] {strides = array<i32>} : memref<128x128xf32, #tpu.memory_space<vmem>>, vector<1x16xf32>,
            %get3A_1216 = vector.shape_cast %get3A_1215 : vector<1x16xf32> to vector<16xf32>
            %mul3A_1217 = arith.mulf %get3A_1216, %broadcast_in_dim3A_1202 : vector<16xf32>
            %swap3A_1218 = arith.index_cast %add3A_1199 : i32 to index
            %swap3A_1219 = arith.constant 16 : index
            %swap3A_1220 = tpu.vector_load %arg12[%swap3A_1218, %swap3A_1219] {strides = array<i32>} : memref<128x128xf32, #tpu.memory_space<vmem>>, vector<1x16xf32>,
            %swap3A_1221 = vector.shape_cast %swap3A_1220 : vector<1x16xf32> to vector<16xf32>
            %swap3A_1222 = vector.shape_cast %mul3A_1217 : vector<16xf32> to vector<1x16xf32>
            tpu.vector_store %arg12[%swap3A_1218, %swap3A_1219], %swap3A_1222 {strides = array<i32>} : memref<128x128xf32, #tpu.memory_space<vmem>>, vector<1x16xf32>,
            %get3A_1223 = arith.index_cast %add3A_1199 : i32 to index
            %get3A_1224 = arith.constant 32 : index
            %get3A_1225 = tpu.vector_load %arg12[%get3A_1223, %get3A_1224] {strides = array<i32>} : memref<128x128xf32, #tpu.memory_space<vmem>>, vector<1x16xf32>,
            %get3A_1226 = vector.shape_cast %get3A_1225 : vector<1x16xf32> to vector<16xf32>
            %mul3A_1227 = arith.mulf %get3A_1226, %broadcast_in_dim3A_1202 : vector<16xf32>
            %swap3A_1228 = arith.index_cast %add3A_1199 : i32 to index
            %swap3A_1229 = arith.constant 32 : index
            %swap3A_1230 = tpu.vector_load %arg12[%swap3A_1228, %swap3A_1229] {strides = array<i32>} : memref<128x128xf32, #tpu.memory_space<vmem>>, vector<1x16xf32>,
            %swap3A_1231 = vector.shape_cast %swap3A_1230 : vector<1x16xf32> to vector<16xf32>
            %swap3A_1232 = vector.shape_cast %mul3A_1227 : vector<16xf32> to vector<1x16xf32>
            tpu.vector_store %arg12[%swap3A_1228, %swap3A_1229], %swap3A_1232 {strides = array<i32>} : memref<128x128xf32, #tpu.memory_space<vmem>>, vector<1x16xf32>,
            %get3A_1233 = arith.index_cast %add3A_1199 : i32 to index
            %get3A_1234 = arith.constant 48 : index
            %get3A_1235 = tpu.vector_load %arg12[%get3A_1233, %get3A_1234] {strides = array<i32>} : memref<128x128xf32, #tpu.memory_space<vmem>>, vector<1x16xf32>,
            %get3A_1236 = vector.shape_cast %get3A_1235 : vector<1x16xf32> to vector<16xf32>
            %mul3A_1237 = arith.mulf %get3A_1236, %broadcast_in_dim3A_1202 : vector<16xf32>
            %swap3A_1238 = arith.index_cast %add3A_1199 : i32 to index
            %swap3A_1239 = arith.constant 48 : index
            %swap3A_1240 = tpu.vector_load %arg12[%swap3A_1238, %swap3A_1239] {strides = array<i32>} : memref<128x128xf32, #tpu.memory_space<vmem>>, vector<1x16xf32>,
            %swap3A_1241 = vector.shape_cast %swap3A_1240 : vector<1x16xf32> to vector<16xf32>
            %swap3A_1242 = vector.shape_cast %mul3A_1237 : vector<16xf32> to vector<1x16xf32>
            tpu.vector_store %arg12[%swap3A_1238, %swap3A_1239], %swap3A_1242 {strides = array<i32>} : memref<128x128xf32, #tpu.memory_space<vmem>>, vector<1x16xf32>,
            %get3A_1243 = arith.index_cast %add3A_1199 : i32 to index
            %get3A_1244 = arith.constant 64 : index
            %get3A_1245 = tpu.vector_load %arg12[%get3A_1243, %get3A_1244] {strides = array<i32>} : memref<128x128xf32, #tpu.memory_space<vmem>>, vector<1x16xf32>,
            %get3A_1246 = vector.shape_cast %get3A_1245 : vector<1x16xf32> to vector<16xf32>
            %mul3A_1247 = arith.mulf %get3A_1246, %broadcast_in_dim3A_1202 : vector<16xf32>
            %swap3A_1248 = arith.index_cast %add3A_1199 : i32 to index
            %swap3A_1249 = arith.constant 64 : index
            %swap3A_1250 = tpu.vector_load %arg12[%swap3A_1248, %swap3A_1249] {strides = array<i32>} : memref<128x128xf32, #tpu.memory_space<vmem>>, vector<1x16xf32>,
            %swap3A_1251 = vector.shape_cast %swap3A_1250 : vector<1x16xf32> to vector<16xf32>
            %swap3A_1252 = vector.shape_cast %mul3A_1247 : vector<16xf32> to vector<1x16xf32>
            tpu.vector_store %arg12[%swap3A_1248, %swap3A_1249], %swap3A_1252 {strides = array<i32>} : memref<128x128xf32, #tpu.memory_space<vmem>>, vector<1x16xf32>,
            %get3A_1253 = arith.index_cast %add3A_1199 : i32 to index
            %get3A_1254 = arith.constant 80 : index
            %get3A_1255 = tpu.vector_load %arg12[%get3A_1253, %get3A_1254] {strides = array<i32>} : memref<128x128xf32, #tpu.memory_space<vmem>>, vector<1x16xf32>,
            %get3A_1256 = vector.shape_cast %get3A_1255 : vector<1x16xf32> to vector<16xf32>
            %mul3A_1257 = arith.mulf %get3A_1256, %broadcast_in_dim3A_1202 : vector<16xf32>
            %swap3A_1258 = arith.index_cast %add3A_1199 : i32 to index
            %swap3A_1259 = arith.constant 80 : index
            %swap3A_1260 = tpu.vector_load %arg12[%swap3A_1258, %swap3A_1259] {strides = array<i32>} : memref<128x128xf32, #tpu.memory_space<vmem>>, vector<1x16xf32>,
            %swap3A_1261 = vector.shape_cast %swap3A_1260 : vector<1x16xf32> to vector<16xf32>
            %swap3A_1262 = vector.shape_cast %mul3A_1257 : vector<16xf32> to vector<1x16xf32>
            tpu.vector_store %arg12[%swap3A_1258, %swap3A_1259], %swap3A_1262 {strides = array<i32>} : memref<128x128xf32, #tpu.memory_space<vmem>>, vector<1x16xf32>,
            %get3A_1263 = arith.index_cast %add3A_1199 : i32 to index
            %get3A_1264 = arith.constant 96 : index
            %get3A_1265 = tpu.vector_load %arg12[%get3A_1263, %get3A_1264] {strides = array<i32>} : memref<128x128xf32, #tpu.memory_space<vmem>>, vector<1x16xf32>,
            %get3A_1266 = vector.shape_cast %get3A_1265 : vector<1x16xf32> to vector<16xf32>
            %mul3A_1267 = arith.mulf %get3A_1266, %broadcast_in_dim3A_1202 : vector<16xf32>
            %swap3A_1268 = arith.index_cast %add3A_1199 : i32 to index
            %swap3A_1269 = arith.constant 96 : index
            %swap3A_1270 = tpu.vector_load %arg12[%swap3A_1268, %swap3A_1269] {strides = array<i32>} : memref<128x128xf32, #tpu.memory_space<vmem>>, vector<1x16xf32>,
            %swap3A_1271 = vector.shape_cast %swap3A_1270 : vector<1x16xf32> to vector<16xf32>
            %swap3A_1272 = vector.shape_cast %mul3A_1267 : vector<16xf32> to vector<1x16xf32>
            tpu.vector_store %arg12[%swap3A_1268, %swap3A_1269], %swap3A_1272 {strides = array<i32>} : memref<128x128xf32, #tpu.memory_space<vmem>>, vector<1x16xf32>,
            %get3A_1273 = arith.index_cast %add3A_1199 : i32 to index
            %get3A_1274 = arith.constant 112 : index
            %get3A_1275 = tpu.vector_load %arg12[%get3A_1273, %get3A_1274] {strides = array<i32>} : memref<128x128xf32, #tpu.memory_space<vmem>>, vector<1x16xf32>,
            %get3A_1276 = vector.shape_cast %get3A_1275 : vector<1x16xf32> to vector<16xf32>
            %mul3A_1277 = arith.mulf %get3A_1276, %broadcast_in_dim3A_1202 : vector<16xf32>
            %swap3A_1278 = arith.index_cast %add3A_1199 : i32 to index
            %swap3A_1279 = arith.constant 112 : index
            %swap3A_1280 = tpu.vector_load %arg12[%swap3A_1278, %swap3A_1279] {strides = array<i32>} : memref<128x128xf32, #tpu.memory_space<vmem>>, vector<1x16xf32>,
            %swap3A_1281 = vector.shape_cast %swap3A_1280 : vector<1x16xf32> to vector<16xf32>
            %swap3A_1282 = vector.shape_cast %mul3A_1277 : vector<16xf32> to vector<1x16xf32>
            tpu.vector_store %arg12[%swap3A_1278, %swap3A_1279], %swap3A_1282 {strides = array<i32>} : memref<128x128xf32, #tpu.memory_space<vmem>>, vector<1x16xf32>,
            %mul3A_1283 = arith.constant 16 : i32
            %mul3A_1284 = arith.muli %scan3A_62, %mul3A_1283 : i32
            %add3A_1285 = arith.constant 14 : i32
            %add3A_1286 = arith.addi %mul3A_1284, %add3A_1285 : i32
            %slice3A_1287 = vector.extract_strided_slice %get3A_68 {offsets = [14], sizes = [1], strides = [1]} : vector<16xf32> to vector<1xf32>
            %squeeze3A_1288 = vector.extract %slice3A_1287[0] : f32 from vector<1xf32>
            %broadcast_in_dim3A_1289 = vector.broadcast %squeeze3A_1288 : f32 to vector<16xf32>
            %get3A_1290 = arith.index_cast %add3A_1286 : i32 to index
            %get3A_1291 = arith.constant 0 : index
            %get3A_1292 = tpu.vector_load %arg12[%get3A_1290, %get3A_1291] {strides = array<i32>} : memref<128x128xf32, #tpu.memory_space<vmem>>, vector<1x16xf32>,
            %get3A_1293 = vector.shape_cast %get3A_1292 : vector<1x16xf32> to vector<16xf32>
            %mul3A_1294 = arith.mulf %get3A_1293, %broadcast_in_dim3A_1289 : vector<16xf32>
            %swap3A_1295 = arith.index_cast %add3A_1286 : i32 to index
            %swap3A_1296 = arith.constant 0 : index
            %swap3A_1297 = tpu.vector_load %arg12[%swap3A_1295, %swap3A_1296] {strides = array<i32>} : memref<128x128xf32, #tpu.memory_space<vmem>>, vector<1x16xf32>,
            %swap3A_1298 = vector.shape_cast %swap3A_1297 : vector<1x16xf32> to vector<16xf32>
            %swap3A_1299 = vector.shape_cast %mul3A_1294 : vector<16xf32> to vector<1x16xf32>
            tpu.vector_store %arg12[%swap3A_1295, %swap3A_1296], %swap3A_1299 {strides = array<i32>} : memref<128x128xf32, #tpu.memory_space<vmem>>, vector<1x16xf32>,
            %get3A_1300 = arith.index_cast %add3A_1286 : i32 to index
            %get3A_1301 = arith.constant 16 : index
            %get3A_1302 = tpu.vector_load %arg12[%get3A_1300, %get3A_1301] {strides = array<i32>} : memref<128x128xf32, #tpu.memory_space<vmem>>, vector<1x16xf32>,
            %get3A_1303 = vector.shape_cast %get3A_1302 : vector<1x16xf32> to vector<16xf32>
            %mul3A_1304 = arith.mulf %get3A_1303, %broadcast_in_dim3A_1289 : vector<16xf32>
            %swap3A_1305 = arith.index_cast %add3A_1286 : i32 to index
            %swap3A_1306 = arith.constant 16 : index
            %swap3A_1307 = tpu.vector_load %arg12[%swap3A_1305, %swap3A_1306] {strides = array<i32>} : memref<128x128xf32, #tpu.memory_space<vmem>>, vector<1x16xf32>,
            %swap3A_1308 = vector.shape_cast %swap3A_1307 : vector<1x16xf32> to vector<16xf32>
            %swap3A_1309 = vector.shape_cast %mul3A_1304 : vector<16xf32> to vector<1x16xf32>
            tpu.vector_store %arg12[%swap3A_1305, %swap3A_1306], %swap3A_1309 {strides = array<i32>} : memref<128x128xf32, #tpu.memory_space<vmem>>, vector<1x16xf32>,
            %get3A_1310 = arith.index_cast %add3A_1286 : i32 to index
            %get3A_1311 = arith.constant 32 : index
            %get3A_1312 = tpu.vector_load %arg12[%get3A_1310, %get3A_1311] {strides = array<i32>} : memref<128x128xf32, #tpu.memory_space<vmem>>, vector<1x16xf32>,
            %get3A_1313 = vector.shape_cast %get3A_1312 : vector<1x16xf32> to vector<16xf32>
            %mul3A_1314 = arith.mulf %get3A_1313, %broadcast_in_dim3A_1289 : vector<16xf32>
            %swap3A_1315 = arith.index_cast %add3A_1286 : i32 to index
            %swap3A_1316 = arith.constant 32 : index
            %swap3A_1317 = tpu.vector_load %arg12[%swap3A_1315, %swap3A_1316] {strides = array<i32>} : memref<128x128xf32, #tpu.memory_space<vmem>>, vector<1x16xf32>,
            %swap3A_1318 = vector.shape_cast %swap3A_1317 : vector<1x16xf32> to vector<16xf32>
            %swap3A_1319 = vector.shape_cast %mul3A_1314 : vector<16xf32> to vector<1x16xf32>
            tpu.vector_store %arg12[%swap3A_1315, %swap3A_1316], %swap3A_1319 {strides = array<i32>} : memref<128x128xf32, #tpu.memory_space<vmem>>, vector<1x16xf32>,
            %get3A_1320 = arith.index_cast %add3A_1286 : i32 to index
            %get3A_1321 = arith.constant 48 : index
            %get3A_1322 = tpu.vector_load %arg12[%get3A_1320, %get3A_1321] {strides = array<i32>} : memref<128x128xf32, #tpu.memory_space<vmem>>, vector<1x16xf32>,
            %get3A_1323 = vector.shape_cast %get3A_1322 : vector<1x16xf32> to vector<16xf32>
            %mul3A_1324 = arith.mulf %get3A_1323, %broadcast_in_dim3A_1289 : vector<16xf32>
            %swap3A_1325 = arith.index_cast %add3A_1286 : i32 to index
            %swap3A_1326 = arith.constant 48 : index
            %swap3A_1327 = tpu.vector_load %arg12[%swap3A_1325, %swap3A_1326] {strides = array<i32>} : memref<128x128xf32, #tpu.memory_space<vmem>>, vector<1x16xf32>,
            %swap3A_1328 = vector.shape_cast %swap3A_1327 : vector<1x16xf32> to vector<16xf32>
            %swap3A_1329 = vector.shape_cast %mul3A_1324 : vector<16xf32> to vector<1x16xf32>
            tpu.vector_store %arg12[%swap3A_1325, %swap3A_1326], %swap3A_1329 {strides = array<i32>} : memref<128x128xf32, #tpu.memory_space<vmem>>, vector<1x16xf32>,
            %get3A_1330 = arith.index_cast %add3A_1286 : i32 to index
            %get3A_1331 = arith.constant 64 : index
            %get3A_1332 = tpu.vector_load %arg12[%get3A_1330, %get3A_1331] {strides = array<i32>} : memref<128x128xf32, #tpu.memory_space<vmem>>, vector<1x16xf32>,
            %get3A_1333 = vector.shape_cast %get3A_1332 : vector<1x16xf32> to vector<16xf32>
            %mul3A_1334 = arith.mulf %get3A_1333, %broadcast_in_dim3A_1289 : vector<16xf32>
            %swap3A_1335 = arith.index_cast %add3A_1286 : i32 to index
            %swap3A_1336 = arith.constant 64 : index
            %swap3A_1337 = tpu.vector_load %arg12[%swap3A_1335, %swap3A_1336] {strides = array<i32>} : memref<128x128xf32, #tpu.memory_space<vmem>>, vector<1x16xf32>,
            %swap3A_1338 = vector.shape_cast %swap3A_1337 : vector<1x16xf32> to vector<16xf32>
            %swap3A_1339 = vector.shape_cast %mul3A_1334 : vector<16xf32> to vector<1x16xf32>
            tpu.vector_store %arg12[%swap3A_1335, %swap3A_1336], %swap3A_1339 {strides = array<i32>} : memref<128x128xf32, #tpu.memory_space<vmem>>, vector<1x16xf32>,
            %get3A_1340 = arith.index_cast %add3A_1286 : i32 to index
            %get3A_1341 = arith.constant 80 : index
            %get3A_1342 = tpu.vector_load %arg12[%get3A_1340, %get3A_1341] {strides = array<i32>} : memref<128x128xf32, #tpu.memory_space<vmem>>, vector<1x16xf32>,
            %get3A_1343 = vector.shape_cast %get3A_1342 : vector<1x16xf32> to vector<16xf32>
            %mul3A_1344 = arith.mulf %get3A_1343, %broadcast_in_dim3A_1289 : vector<16xf32>
            %swap3A_1345 = arith.index_cast %add3A_1286 : i32 to index
            %swap3A_1346 = arith.constant 80 : index
            %swap3A_1347 = tpu.vector_load %arg12[%swap3A_1345, %swap3A_1346] {strides = array<i32>} : memref<128x128xf32, #tpu.memory_space<vmem>>, vector<1x16xf32>,
            %swap3A_1348 = vector.shape_cast %swap3A_1347 : vector<1x16xf32> to vector<16xf32>
            %swap3A_1349 = vector.shape_cast %mul3A_1344 : vector<16xf32> to vector<1x16xf32>
            tpu.vector_store %arg12[%swap3A_1345, %swap3A_1346], %swap3A_1349 {strides = array<i32>} : memref<128x128xf32, #tpu.memory_space<vmem>>, vector<1x16xf32>,
            %get3A_1350 = arith.index_cast %add3A_1286 : i32 to index
            %get3A_1351 = arith.constant 96 : index
            %get3A_1352 = tpu.vector_load %arg12[%get3A_1350, %get3A_1351] {strides = array<i32>} : memref<128x128xf32, #tpu.memory_space<vmem>>, vector<1x16xf32>,
            %get3A_1353 = vector.shape_cast %get3A_1352 : vector<1x16xf32> to vector<16xf32>
            %mul3A_1354 = arith.mulf %get3A_1353, %broadcast_in_dim3A_1289 : vector<16xf32>
            %swap3A_1355 = arith.index_cast %add3A_1286 : i32 to index
            %swap3A_1356 = arith.constant 96 : index
            %swap3A_1357 = tpu.vector_load %arg12[%swap3A_1355, %swap3A_1356] {strides = array<i32>} : memref<128x128xf32, #tpu.memory_space<vmem>>, vector<1x16xf32>,
            %swap3A_1358 = vector.shape_cast %swap3A_1357 : vector<1x16xf32> to vector<16xf32>
            %swap3A_1359 = vector.shape_cast %mul3A_1354 : vector<16xf32> to vector<1x16xf32>
            tpu.vector_store %arg12[%swap3A_1355, %swap3A_1356], %swap3A_1359 {strides = array<i32>} : memref<128x128xf32, #tpu.memory_space<vmem>>, vector<1x16xf32>,
            %get3A_1360 = arith.index_cast %add3A_1286 : i32 to index
            %get3A_1361 = arith.constant 112 : index
            %get3A_1362 = tpu.vector_load %arg12[%get3A_1360, %get3A_1361] {strides = array<i32>} : memref<128x128xf32, #tpu.memory_space<vmem>>, vector<1x16xf32>,
            %get3A_1363 = vector.shape_cast %get3A_1362 : vector<1x16xf32> to vector<16xf32>
            %mul3A_1364 = arith.mulf %get3A_1363, %broadcast_in_dim3A_1289 : vector<16xf32>
            %swap3A_1365 = arith.index_cast %add3A_1286 : i32 to index
            %swap3A_1366 = arith.constant 112 : index
            %swap3A_1367 = tpu.vector_load %arg12[%swap3A_1365, %swap3A_1366] {strides = array<i32>} : memref<128x128xf32, #tpu.memory_space<vmem>>, vector<1x16xf32>,
            %swap3A_1368 = vector.shape_cast %swap3A_1367 : vector<1x16xf32> to vector<16xf32>
            %swap3A_1369 = vector.shape_cast %mul3A_1364 : vector<16xf32> to vector<1x16xf32>
            tpu.vector_store %arg12[%swap3A_1365, %swap3A_1366], %swap3A_1369 {strides = array<i32>} : memref<128x128xf32, #tpu.memory_space<vmem>>, vector<1x16xf32>,
            %mul3A_1370 = arith.constant 16 : i32
            %mul3A_1371 = arith.muli %scan3A_62, %mul3A_1370 : i32
            %add3A_1372 = arith.constant 15 : i32
            %add3A_1373 = arith.addi %mul3A_1371, %add3A_1372 : i32
            %slice3A_1374 = vector.extract_strided_slice %get3A_68 {offsets = [15], sizes = [1], strides = [1]} : vector<16xf32> to vector<1xf32>
            %squeeze3A_1375 = vector.extract %slice3A_1374[0] : f32 from vector<1xf32>
            %broadcast_in_dim3A_1376 = vector.broadcast %squeeze3A_1375 : f32 to vector<16xf32>
            %get3A_1377 = arith.index_cast %add3A_1373 : i32 to index
            %get3A_1378 = arith.constant 0 : index
            %get3A_1379 = tpu.vector_load %arg12[%get3A_1377, %get3A_1378] {strides = array<i32>} : memref<128x128xf32, #tpu.memory_space<vmem>>, vector<1x16xf32>,
            %get3A_1380 = vector.shape_cast %get3A_1379 : vector<1x16xf32> to vector<16xf32>
            %mul3A_1381 = arith.mulf %get3A_1380, %broadcast_in_dim3A_1376 : vector<16xf32>
            %swap3A_1382 = arith.index_cast %add3A_1373 : i32 to index
            %swap3A_1383 = arith.constant 0 : index
            %swap3A_1384 = tpu.vector_load %arg12[%swap3A_1382, %swap3A_1383] {strides = array<i32>} : memref<128x128xf32, #tpu.memory_space<vmem>>, vector<1x16xf32>,
            %swap3A_1385 = vector.shape_cast %swap3A_1384 : vector<1x16xf32> to vector<16xf32>
            %swap3A_1386 = vector.shape_cast %mul3A_1381 : vector<16xf32> to vector<1x16xf32>
            tpu.vector_store %arg12[%swap3A_1382, %swap3A_1383], %swap3A_1386 {strides = array<i32>} : memref<128x128xf32, #tpu.memory_space<vmem>>, vector<1x16xf32>,
            %get3A_1387 = arith.index_cast %add3A_1373 : i32 to index
            %get3A_1388 = arith.constant 16 : index
            %get3A_1389 = tpu.vector_load %arg12[%get3A_1387, %get3A_1388] {strides = array<i32>} : memref<128x128xf32, #tpu.memory_space<vmem>>, vector<1x16xf32>,
            %get3A_1390 = vector.shape_cast %get3A_1389 : vector<1x16xf32> to vector<16xf32>
            %mul3A_1391 = arith.mulf %get3A_1390, %broadcast_in_dim3A_1376 : vector<16xf32>
            %swap3A_1392 = arith.index_cast %add3A_1373 : i32 to index
            %swap3A_1393 = arith.constant 16 : index
            %swap3A_1394 = tpu.vector_load %arg12[%swap3A_1392, %swap3A_1393] {strides = array<i32>} : memref<128x128xf32, #tpu.memory_space<vmem>>, vector<1x16xf32>,
            %swap3A_1395 = vector.shape_cast %swap3A_1394 : vector<1x16xf32> to vector<16xf32>
            %swap3A_1396 = vector.shape_cast %mul3A_1391 : vector<16xf32> to vector<1x16xf32>
            tpu.vector_store %arg12[%swap3A_1392, %swap3A_1393], %swap3A_1396 {strides = array<i32>} : memref<128x128xf32, #tpu.memory_space<vmem>>, vector<1x16xf32>,
            %get3A_1397 = arith.index_cast %add3A_1373 : i32 to index
            %get3A_1398 = arith.constant 32 : index
            %get3A_1399 = tpu.vector_load %arg12[%get3A_1397, %get3A_1398] {strides = array<i32>} : memref<128x128xf32, #tpu.memory_space<vmem>>, vector<1x16xf32>,
            %get3A_1400 = vector.shape_cast %get3A_1399 : vector<1x16xf32> to vector<16xf32>
            %mul3A_1401 = arith.mulf %get3A_1400, %broadcast_in_dim3A_1376 : vector<16xf32>
            %swap3A_1402 = arith.index_cast %add3A_1373 : i32 to index
            %swap3A_1403 = arith.constant 32 : index
            %swap3A_1404 = tpu.vector_load %arg12[%swap3A_1402, %swap3A_1403] {strides = array<i32>} : memref<128x128xf32, #tpu.memory_space<vmem>>, vector<1x16xf32>,
            %swap3A_1405 = vector.shape_cast %swap3A_1404 : vector<1x16xf32> to vector<16xf32>
            %swap3A_1406 = vector.shape_cast %mul3A_1401 : vector<16xf32> to vector<1x16xf32>
            tpu.vector_store %arg12[%swap3A_1402, %swap3A_1403], %swap3A_1406 {strides = array<i32>} : memref<128x128xf32, #tpu.memory_space<vmem>>, vector<1x16xf32>,
            %get3A_1407 = arith.index_cast %add3A_1373 : i32 to index
            %get3A_1408 = arith.constant 48 : index
            %get3A_1409 = tpu.vector_load %arg12[%get3A_1407, %get3A_1408] {strides = array<i32>} : memref<128x128xf32, #tpu.memory_space<vmem>>, vector<1x16xf32>,
            %get3A_1410 = vector.shape_cast %get3A_1409 : vector<1x16xf32> to vector<16xf32>
            %mul3A_1411 = arith.mulf %get3A_1410, %broadcast_in_dim3A_1376 : vector<16xf32>
            %swap3A_1412 = arith.index_cast %add3A_1373 : i32 to index
            %swap3A_1413 = arith.constant 48 : index
            %swap3A_1414 = tpu.vector_load %arg12[%swap3A_1412, %swap3A_1413] {strides = array<i32>} : memref<128x128xf32, #tpu.memory_space<vmem>>, vector<1x16xf32>,
            %swap3A_1415 = vector.shape_cast %swap3A_1414 : vector<1x16xf32> to vector<16xf32>
            %swap3A_1416 = vector.shape_cast %mul3A_1411 : vector<16xf32> to vector<1x16xf32>
            tpu.vector_store %arg12[%swap3A_1412, %swap3A_1413], %swap3A_1416 {strides = array<i32>} : memref<128x128xf32, #tpu.memory_space<vmem>>, vector<1x16xf32>,
            %get3A_1417 = arith.index_cast %add3A_1373 : i32 to index
            %get3A_1418 = arith.constant 64 : index
            %get3A_1419 = tpu.vector_load %arg12[%get3A_1417, %get3A_1418] {strides = array<i32>} : memref<128x128xf32, #tpu.memory_space<vmem>>, vector<1x16xf32>,
            %get3A_1420 = vector.shape_cast %get3A_1419 : vector<1x16xf32> to vector<16xf32>
            %mul3A_1421 = arith.mulf %get3A_1420, %broadcast_in_dim3A_1376 : vector<16xf32>
            %swap3A_1422 = arith.index_cast %add3A_1373 : i32 to index
            %swap3A_1423 = arith.constant 64 : index
            %swap3A_1424 = tpu.vector_load %arg12[%swap3A_1422, %swap3A_1423] {strides = array<i32>} : memref<128x128xf32, #tpu.memory_space<vmem>>, vector<1x16xf32>,
            %swap3A_1425 = vector.shape_cast %swap3A_1424 : vector<1x16xf32> to vector<16xf32>
            %swap3A_1426 = vector.shape_cast %mul3A_1421 : vector<16xf32> to vector<1x16xf32>
            tpu.vector_store %arg12[%swap3A_1422, %swap3A_1423], %swap3A_1426 {strides = array<i32>} : memref<128x128xf32, #tpu.memory_space<vmem>>, vector<1x16xf32>,
            %get3A_1427 = arith.index_cast %add3A_1373 : i32 to index
            %get3A_1428 = arith.constant 80 : index
            %get3A_1429 = tpu.vector_load %arg12[%get3A_1427, %get3A_1428] {strides = array<i32>} : memref<128x128xf32, #tpu.memory_space<vmem>>, vector<1x16xf32>,
            %get3A_1430 = vector.shape_cast %get3A_1429 : vector<1x16xf32> to vector<16xf32>
            %mul3A_1431 = arith.mulf %get3A_1430, %broadcast_in_dim3A_1376 : vector<16xf32>
            %swap3A_1432 = arith.index_cast %add3A_1373 : i32 to index
            %swap3A_1433 = arith.constant 80 : index
            %swap3A_1434 = tpu.vector_load %arg12[%swap3A_1432, %swap3A_1433] {strides = array<i32>} : memref<128x128xf32, #tpu.memory_space<vmem>>, vector<1x16xf32>,
            %swap3A_1435 = vector.shape_cast %swap3A_1434 : vector<1x16xf32> to vector<16xf32>
            %swap3A_1436 = vector.shape_cast %mul3A_1431 : vector<16xf32> to vector<1x16xf32>
            tpu.vector_store %arg12[%swap3A_1432, %swap3A_1433], %swap3A_1436 {strides = array<i32>} : memref<128x128xf32, #tpu.memory_space<vmem>>, vector<1x16xf32>,
            %get3A_1437 = arith.index_cast %add3A_1373 : i32 to index
            %get3A_1438 = arith.constant 96 : index
            %get3A_1439 = tpu.vector_load %arg12[%get3A_1437, %get3A_1438] {strides = array<i32>} : memref<128x128xf32, #tpu.memory_space<vmem>>, vector<1x16xf32>,
            %get3A_1440 = vector.shape_cast %get3A_1439 : vector<1x16xf32> to vector<16xf32>
            %mul3A_1441 = arith.mulf %get3A_1440, %broadcast_in_dim3A_1376 : vector<16xf32>
            %swap3A_1442 = arith.index_cast %add3A_1373 : i32 to index
            %swap3A_1443 = arith.constant 96 : index
            %swap3A_1444 = tpu.vector_load %arg12[%swap3A_1442, %swap3A_1443] {strides = array<i32>} : memref<128x128xf32, #tpu.memory_space<vmem>>, vector<1x16xf32>,
            %swap3A_1445 = vector.shape_cast %swap3A_1444 : vector<1x16xf32> to vector<16xf32>
            %swap3A_1446 = vector.shape_cast %mul3A_1441 : vector<16xf32> to vector<1x16xf32>
            tpu.vector_store %arg12[%swap3A_1442, %swap3A_1443], %swap3A_1446 {strides = array<i32>} : memref<128x128xf32, #tpu.memory_space<vmem>>, vector<1x16xf32>,
            %get3A_1447 = arith.index_cast %add3A_1373 : i32 to index
            %get3A_1448 = arith.constant 112 : index
            %get3A_1449 = tpu.vector_load %arg12[%get3A_1447, %get3A_1448] {strides = array<i32>} : memref<128x128xf32, #tpu.memory_space<vmem>>, vector<1x16xf32>,
            %get3A_1450 = vector.shape_cast %get3A_1449 : vector<1x16xf32> to vector<16xf32>
            %mul3A_1451 = arith.mulf %get3A_1450, %broadcast_in_dim3A_1376 : vector<16xf32>
            %swap3A_1452 = arith.index_cast %add3A_1373 : i32 to index
            %swap3A_1453 = arith.constant 112 : index
            %swap3A_1454 = tpu.vector_load %arg12[%swap3A_1452, %swap3A_1453] {strides = array<i32>} : memref<128x128xf32, #tpu.memory_space<vmem>>, vector<1x16xf32>,
            %swap3A_1455 = vector.shape_cast %swap3A_1454 : vector<1x16xf32> to vector<16xf32>
            %swap3A_1456 = vector.shape_cast %mul3A_1451 : vector<16xf32> to vector<1x16xf32>
            tpu.vector_store %arg12[%swap3A_1452, %swap3A_1453], %swap3A_1456 {strides = array<i32>} : memref<128x128xf32, #tpu.memory_space<vmem>>, vector<1x16xf32>,
            %scan3A_1457 = arith.constant 0 : i32
            scf.yield %scan3A_1457 : i32
          }
          %scan3A_60 = arith.constant 8 : i32
          "tpu.region"() ({
            %run_scoped3A = tpu.sem_alloc : memref<!tpu.dma_semaphore, #tpu.memory_space<semaphore_mem>>
            %dma_start3A_62 = arith.constant 0 : i32
            %dma_start3A_63 = tpu.memref_slice %arg10[%scan3A_42, %dma_start3A_62] : memref<16x128xi32, #tpu.memory_space<vmem>> -> memref<1x128xi32, #tpu.memory_space<vmem>>
            %dma_start3A_64 = tpu.memref_squeeze %dma_start3A_63 : memref<1x128xi32, #tpu.memory_space<vmem>> -> memref<128xi32, #tpu.memory_space<vmem>>
            %dma_start3A_65 = arith.constant 0 : i32
            %dma_start3A_66 = arith.constant 0 : i32
            %dma_start3A_67 = tpu.memref_slice %arg13[%dma_start3A_65, %dma_start3A_66] : memref<10000x128xf32, #tpu.memory_space<vmem_shared>> -> memref<10000x128xf32, #tpu.memory_space<vmem_shared>>
            tpu.enqueue_indirect_dma source(%arg12 : memref<128x128xf32, #tpu.memory_space<vmem>>) target(%dma_start3A_67 : memref<10000x128xf32, #tpu.memory_space<vmem_shared>>) offsets(%dma_start3A_64 : memref<128xi32, #tpu.memory_space<vmem>>) semaphore(%run_scoped3A : memref<!tpu.dma_semaphore, #tpu.memory_space<semaphore_mem>>) {add = true}
            %dma_wait3A_68 = arith.constant 0 : i32
            %dma_wait3A_69 = tpu.memref_slice %arg10[%scan3A_42, %dma_wait3A_68] : memref<16x128xi32, #tpu.memory_space<vmem>> -> memref<1x128xi32, #tpu.memory_space<vmem>>
            %dma_wait3A_70 = tpu.memref_squeeze %dma_wait3A_69 : memref<1x128xi32, #tpu.memory_space<vmem>> -> memref<128xi32, #tpu.memory_space<vmem>>
            %dma_wait3A_71 = arith.constant 0 : i32
            %dma_wait3A_72 = arith.constant 0 : i32
            %dma_wait3A_73 = tpu.memref_slice %arg13[%dma_wait3A_71, %dma_wait3A_72] : memref<10000x128xf32, #tpu.memory_space<vmem_shared>> -> memref<10000x128xf32, #tpu.memory_space<vmem_shared>>
            tpu.wait_indirect_dma semaphore(%run_scoped3A : memref<!tpu.dma_semaphore, #tpu.memory_space<semaphore_mem>>) src(%arg12 : memref<128x128xf32, #tpu.memory_space<vmem>>) dst(%dma_wait3A_73 : memref<10000x128xf32, #tpu.memory_space<vmem_shared>>)
            tpu.yield
          }) : () -> ()
          %scan3A_61 = arith.constant 0 : i32
          scf.yield %scan3A_61 : i32
        }
        %scan3A_40 = arith.constant 16 : i32
        %scan3A_41 = arith.constant 0 : i32
        scf.yield %scan3A_41 : i32
      }
      %scan3A_20 = arith.constant 10 : i32
      %barrier3A_21 = arith.constant 0 : index
      tpu.barrier barrier_id(%barrier3A_21)
      %scan3A_22 = arith.constant 0 : i32
      %scan3A_23 = arith.constant 0 : i32
      %scan3A_24 = arith.constant 8 : i32
      %scan3A_25 = arith.addi %scan3A_23, %scan3A_24 : i32
      %scan3A_26 = arith.constant 1 : i32
      %scan3A_27 = scf.for %scan3A_29 = %scan3A_23 to %scan3A_25 step %scan3A_26 iter_args(%scan3A_30 = %scan3A_22) -> (i32)  : i32 {
        %mul3A_31 = arith.constant 16 : i32
        %mul3A_32 = arith.muli %scan3A_29, %mul3A_31 : i32
        %add3A = arith.addi %arg1, %mul3A_32 : i32
        %lt3A = arith.constant 125 : i32
        %lt3A_33 = arith.cmpi slt, %add3A, %lt3A : i32
        %convert_element_type3A_34 = arith.extui %lt3A_33 : i1 to i32
        %cond3A_35 = arith.constant 0 : i32
        %cond3A_36 = arith.cmpi ne, %convert_element_type3A_34, %cond3A_35 : i32
        scf.if %cond3A_36 {
          %mul3A_38 = arith.constant 80 : i32
          %mul3A_39 = arith.muli %add3A, %mul3A_38 : i32
          %multiple_of3A_40 = tpu.assume_multiple %mul3A_39, 80 : i32
          "tpu.region"() ({
            %run_scoped3A = tpu.sem_alloc : memref<!tpu.dma_semaphore, #tpu.memory_space<semaphore_mem>>
            %dma_start3A = arith.constant 0 : i32
            %dma_start3A_41 = tpu.memref_slice %arg7[%multiple_of3A_40, %dma_start3A] : memref<10000x128xf32, #tpu.memory_space<hbm>> -> memref<80x128xf32, #tpu.memory_space<hbm>>
            %dma_start3A_42 = arith.constant 0 : i32
            %dma_start3A_43 = tpu.memref_slice %arg13[%multiple_of3A_40, %dma_start3A_42] : memref<10000x128xf32, #tpu.memory_space<vmem_shared>> -> memref<80x128xf32, #tpu.memory_space<vmem_shared>>
            tpu.enqueue_dma source(%dma_start3A_43 : memref<80x128xf32, #tpu.memory_space<vmem_shared>>) target(%dma_start3A_41 : memref<80x128xf32, #tpu.memory_space<hbm>>) target_semaphore(%run_scoped3A : memref<!tpu.dma_semaphore, #tpu.memory_space<semaphore_mem>>)
            %dma_wait3A = arith.constant 0 : i32
            %dma_wait3A_44 = tpu.memref_slice %arg7[%multiple_of3A_40, %dma_wait3A] : memref<10000x128xf32, #tpu.memory_space<hbm>> -> memref<80x128xf32, #tpu.memory_space<hbm>>
            %dma_wait3A_45 = arith.constant 0 : i32
            %dma_wait3A_46 = tpu.memref_slice %arg13[%multiple_of3A_40, %dma_wait3A_45] : memref<10000x128xf32, #tpu.memory_space<vmem_shared>> -> memref<80x128xf32, #tpu.memory_space<vmem_shared>>
            tpu.wait_dma2 semaphore(%run_scoped3A : memref<!tpu.dma_semaphore, #tpu.memory_space<semaphore_mem>>) src(%dma_wait3A_46 : memref<80x128xf32, #tpu.memory_space<vmem_shared>>) dst(%dma_wait3A_44 : memref<80x128xf32, #tpu.memory_space<hbm>>)
            tpu.yield
          }) : () -> ()
        } else {
        }
        %scan3A_37 = arith.constant 0 : i32
        scf.yield %scan3A_37 : i32
      }
      %scan3A_28 = arith.constant 8 : i32
    } else {
    }
    %eq3A_3 = arith.constant 1 : i32
    %eq3A_4 = arith.cmpi eq, %arg0, %eq3A_3 : i32
    %convert_element_type3A_5 = arith.extui %eq3A_4 : i1 to i32
    %cond3A_6 = arith.constant 0 : i32
    %cond3A_7 = arith.cmpi ne, %convert_element_type3A_5, %cond3A_6 : i32
    scf.if %cond3A_7 {
      %scan3A = arith.constant 0 : i32
      %scan3A_8 = arith.constant 0 : i32
      %scan3A_9 = arith.constant 8 : i32
      %scan3A_10 = arith.addi %scan3A_8, %scan3A_9 : i32
      %scan3A_11 = arith.constant 1 : i32
      %scan3A_12 = scf.for %scan3A_29 = %scan3A_8 to %scan3A_10 step %scan3A_11 iter_args(%scan3A_30 = %scan3A) -> (i32)  : i32 {
        %mul3A_31 = arith.constant 16 : i32
        %mul3A_32 = arith.muli %scan3A_29, %mul3A_31 : i32
        %add3A = arith.addi %arg1, %mul3A_32 : i32
        %lt3A = arith.constant 125 : i32
        %lt3A_33 = arith.cmpi slt, %add3A, %lt3A : i32
        %convert_element_type3A_34 = arith.extui %lt3A_33 : i1 to i32
        %cond3A_35 = arith.constant 0 : i32
        %cond3A_36 = arith.cmpi ne, %convert_element_type3A_34, %cond3A_35 : i32
        scf.if %cond3A_36 {
          %mul3A_38 = arith.constant 80 : i32
          %mul3A_39 = arith.muli %add3A, %mul3A_38 : i32
          %multiple_of3A_40 = tpu.assume_multiple %mul3A_39, 80 : i32
          "tpu.region"() ({
            %run_scoped3A = tpu.sem_alloc : memref<!tpu.dma_semaphore, #tpu.memory_space<semaphore_mem>>
            %dma_start3A = arith.constant 0 : i32
            %dma_start3A_41 = tpu.memref_slice %arg13[%multiple_of3A_40, %dma_start3A] : memref<10000x128xf32, #tpu.memory_space<vmem_shared>> -> memref<80x128xf32, #tpu.memory_space<vmem_shared>>
            %dma_start3A_42 = arith.constant 0 : i32
            %dma_start3A_43 = tpu.memref_slice %arg3[%multiple_of3A_40, %dma_start3A_42] : memref<10000x128xf32, #tpu.memory_space<hbm>> -> memref<80x128xf32, #tpu.memory_space<hbm>>
            tpu.enqueue_dma source(%dma_start3A_43 : memref<80x128xf32, #tpu.memory_space<hbm>>) target(%dma_start3A_41 : memref<80x128xf32, #tpu.memory_space<vmem_shared>>) target_semaphore(%run_scoped3A : memref<!tpu.dma_semaphore, #tpu.memory_space<semaphore_mem>>)
            %dma_wait3A = arith.constant 0 : i32
            %dma_wait3A_44 = tpu.memref_slice %arg13[%multiple_of3A_40, %dma_wait3A] : memref<10000x128xf32, #tpu.memory_space<vmem_shared>> -> memref<80x128xf32, #tpu.memory_space<vmem_shared>>
            %dma_wait3A_45 = arith.constant 0 : i32
            %dma_wait3A_46 = tpu.memref_slice %arg3[%multiple_of3A_40, %dma_wait3A_45] : memref<10000x128xf32, #tpu.memory_space<hbm>> -> memref<80x128xf32, #tpu.memory_space<hbm>>
            tpu.wait_dma2 semaphore(%run_scoped3A : memref<!tpu.dma_semaphore, #tpu.memory_space<semaphore_mem>>) src(%dma_wait3A_46 : memref<80x128xf32, #tpu.memory_space<hbm>>) dst(%dma_wait3A_44 : memref<80x128xf32, #tpu.memory_space<vmem_shared>>)
            tpu.yield
          }) : () -> ()
        } else {
        }
        %scan3A_37 = arith.constant 0 : i32
        scf.yield %scan3A_37 : i32
      }
      %scan3A_13 = arith.constant 8 : i32
      %barrier3A = arith.constant 0 : index
      tpu.barrier barrier_id(%barrier3A)
      %scan3A_14 = arith.constant 0 : i32
      %scan3A_15 = arith.constant 0 : i32
      %scan3A_16 = arith.constant 10 : i32
      %scan3A_17 = arith.addi %scan3A_15, %scan3A_16 : i32
      %scan3A_18 = arith.constant 1 : i32
      %scan3A_19 = scf.for %scan3A_29 = %scan3A_15 to %scan3A_17 step %scan3A_18 iter_args(%scan3A_30 = %scan3A_14) -> (i32)  : i32 {
        %mul3A_31 = arith.constant 16 : i32
        %mul3A_32 = arith.muli %scan3A_29, %mul3A_31 : i32
        %add3A = arith.addi %multiple_of3A, %mul3A_32 : i32
        %multiple_of3A_33 = tpu.assume_multiple %add3A, 16 : i32
        "tpu.region"() ({
          %run_scoped3A = tpu.sem_alloc : memref<!tpu.dma_semaphore, #tpu.memory_space<semaphore_mem>>
          %dma_start3A = arith.constant 0 : i32
          %dma_start3A_42 = tpu.memref_slice %arg4[%multiple_of3A_33, %dma_start3A] : memref<2560x128xi32, #tpu.memory_space<hbm>> -> memref<16x128xi32, #tpu.memory_space<hbm>>
          %dma_start3A_43 = arith.constant 0 : i32
          %dma_start3A_44 = tpu.memref_slice %arg4[%multiple_of3A_33, %dma_start3A_43] : memref<2560x128xi32, #tpu.memory_space<hbm>> -> memref<16x128xi32, #tpu.memory_space<hbm>>
          tpu.enqueue_dma source(%dma_start3A_44 : memref<16x128xi32, #tpu.memory_space<hbm>>) target(%arg9 : memref<16x128xi32, #tpu.memory_space<vmem>>) target_semaphore(%run_scoped3A : memref<!tpu.dma_semaphore, #tpu.memory_space<semaphore_mem>>)
          %dma_wait3A = arith.constant 0 : i32
          %dma_wait3A_45 = tpu.memref_slice %arg4[%multiple_of3A_33, %dma_wait3A] : memref<2560x128xi32, #tpu.memory_space<hbm>> -> memref<16x128xi32, #tpu.memory_space<hbm>>
          %dma_wait3A_46 = arith.constant 0 : i32
          %dma_wait3A_47 = tpu.memref_slice %arg4[%multiple_of3A_33, %dma_wait3A_46] : memref<2560x128xi32, #tpu.memory_space<hbm>> -> memref<16x128xi32, #tpu.memory_space<hbm>>
          tpu.wait_dma2 semaphore(%run_scoped3A : memref<!tpu.dma_semaphore, #tpu.memory_space<semaphore_mem>>) src(%dma_wait3A_47 : memref<16x128xi32, #tpu.memory_space<hbm>>) dst(%arg9 : memref<16x128xi32, #tpu.memory_space<vmem>>)
          tpu.yield
        }) : () -> ()
        "tpu.region"() ({
          %run_scoped3A = tpu.sem_alloc : memref<!tpu.dma_semaphore, #tpu.memory_space<semaphore_mem>>
          %dma_start3A = arith.constant 0 : i32
          %dma_start3A_42 = tpu.memref_slice %arg5[%multiple_of3A_33, %dma_start3A] : memref<2560x128xi32, #tpu.memory_space<hbm>> -> memref<16x128xi32, #tpu.memory_space<hbm>>
          %dma_start3A_43 = arith.constant 0 : i32
          %dma_start3A_44 = tpu.memref_slice %arg5[%multiple_of3A_33, %dma_start3A_43] : memref<2560x128xi32, #tpu.memory_space<hbm>> -> memref<16x128xi32, #tpu.memory_space<hbm>>
          tpu.enqueue_dma source(%dma_start3A_44 : memref<16x128xi32, #tpu.memory_space<hbm>>) target(%arg10 : memref<16x128xi32, #tpu.memory_space<vmem>>) target_semaphore(%run_scoped3A : memref<!tpu.dma_semaphore, #tpu.memory_space<semaphore_mem>>)
          %dma_wait3A = arith.constant 0 : i32
          %dma_wait3A_45 = tpu.memref_slice %arg5[%multiple_of3A_33, %dma_wait3A] : memref<2560x128xi32, #tpu.memory_space<hbm>> -> memref<16x128xi32, #tpu.memory_space<hbm>>
          %dma_wait3A_46 = arith.constant 0 : i32
          %dma_wait3A_47 = tpu.memref_slice %arg5[%multiple_of3A_33, %dma_wait3A_46] : memref<2560x128xi32, #tpu.memory_space<hbm>> -> memref<16x128xi32, #tpu.memory_space<hbm>>
          tpu.wait_dma2 semaphore(%run_scoped3A : memref<!tpu.dma_semaphore, #tpu.memory_space<semaphore_mem>>) src(%dma_wait3A_47 : memref<16x128xi32, #tpu.memory_space<hbm>>) dst(%arg10 : memref<16x128xi32, #tpu.memory_space<vmem>>)
          tpu.yield
        }) : () -> ()
        "tpu.region"() ({
          %run_scoped3A = tpu.sem_alloc : memref<!tpu.dma_semaphore, #tpu.memory_space<semaphore_mem>>
          %dma_start3A = arith.constant 0 : i32
          %dma_start3A_42 = tpu.memref_slice %arg6[%multiple_of3A_33, %dma_start3A] : memref<2560x128xf32, #tpu.memory_space<hbm>> -> memref<16x128xf32, #tpu.memory_space<hbm>>
          %dma_start3A_43 = arith.constant 0 : i32
          %dma_start3A_44 = tpu.memref_slice %arg6[%multiple_of3A_33, %dma_start3A_43] : memref<2560x128xf32, #tpu.memory_space<hbm>> -> memref<16x128xf32, #tpu.memory_space<hbm>>
          tpu.enqueue_dma source(%dma_start3A_44 : memref<16x128xf32, #tpu.memory_space<hbm>>) target(%arg11 : memref<16x128xf32, #tpu.memory_space<vmem>>) target_semaphore(%run_scoped3A : memref<!tpu.dma_semaphore, #tpu.memory_space<semaphore_mem>>)
          %dma_wait3A = arith.constant 0 : i32
          %dma_wait3A_45 = tpu.memref_slice %arg6[%multiple_of3A_33, %dma_wait3A] : memref<2560x128xf32, #tpu.memory_space<hbm>> -> memref<16x128xf32, #tpu.memory_space<hbm>>
          %dma_wait3A_46 = arith.constant 0 : i32
          %dma_wait3A_47 = tpu.memref_slice %arg6[%multiple_of3A_33, %dma_wait3A_46] : memref<2560x128xf32, #tpu.memory_space<hbm>> -> memref<16x128xf32, #tpu.memory_space<hbm>>
          tpu.wait_dma2 semaphore(%run_scoped3A : memref<!tpu.dma_semaphore, #tpu.memory_space<semaphore_mem>>) src(%dma_wait3A_47 : memref<16x128xf32, #tpu.memory_space<hbm>>) dst(%arg11 : memref<16x128xf32, #tpu.memory_space<vmem>>)
          tpu.yield
        }) : () -> ()
        %scan3A_34 = arith.constant 0 : i32
        %scan3A_35 = arith.constant 0 : i32
        %scan3A_36 = arith.constant 16 : i32
        %scan3A_37 = arith.addi %scan3A_35, %scan3A_36 : i32
        %scan3A_38 = arith.constant 1 : i32
        %scan3A_39 = scf.for %scan3A_42 = %scan3A_35 to %scan3A_37 step %scan3A_38 iter_args(%scan3A_43 = %scan3A_34) -> (i32)  : i32 {
          %dma_start3A = arith.constant 0 : i32
          %dma_start3A_44 = tpu.memref_slice %arg9[%scan3A_42, %dma_start3A] : memref<16x128xi32, #tpu.memory_space<vmem>> -> memref<1x128xi32, #tpu.memory_space<vmem>>
          %dma_start3A_45 = tpu.memref_squeeze %dma_start3A_44 : memref<1x128xi32, #tpu.memory_space<vmem>> -> memref<128xi32, #tpu.memory_space<vmem>>
          %dma_start3A_46 = arith.constant 0 : i32
          %dma_start3A_47 = arith.constant 0 : i32
          %dma_start3A_48 = tpu.memref_slice %arg2[%dma_start3A_46, %dma_start3A_47] : memref<10000x128xf32, #tpu.memory_space<hbm>> -> memref<10000x128xf32, #tpu.memory_space<hbm>>
          tpu.enqueue_indirect_dma source(%dma_start3A_48 : memref<10000x128xf32, #tpu.memory_space<hbm>>) target(%arg12 : memref<128x128xf32, #tpu.memory_space<vmem>>) offsets(%dma_start3A_45 : memref<128xi32, #tpu.memory_space<vmem>>) semaphore(%arg14 : memref<!tpu.dma_semaphore, #tpu.memory_space<semaphore_mem>>)
          %dma_wait3A = arith.constant 0 : i32
          %dma_wait3A_49 = tpu.memref_slice %arg9[%scan3A_42, %dma_wait3A] : memref<16x128xi32, #tpu.memory_space<vmem>> -> memref<1x128xi32, #tpu.memory_space<vmem>>
          %dma_wait3A_50 = tpu.memref_squeeze %dma_wait3A_49 : memref<1x128xi32, #tpu.memory_space<vmem>> -> memref<128xi32, #tpu.memory_space<vmem>>
          %dma_wait3A_51 = arith.constant 0 : i32
          %dma_wait3A_52 = arith.constant 0 : i32
          %dma_wait3A_53 = tpu.memref_slice %arg2[%dma_wait3A_51, %dma_wait3A_52] : memref<10000x128xf32, #tpu.memory_space<hbm>> -> memref<10000x128xf32, #tpu.memory_space<hbm>>
          tpu.wait_indirect_dma semaphore(%arg14 : memref<!tpu.dma_semaphore, #tpu.memory_space<semaphore_mem>>) src(%dma_wait3A_53 : memref<10000x128xf32, #tpu.memory_space<hbm>>) dst(%arg12 : memref<128x128xf32, #tpu.memory_space<vmem>>)
          %scan3A_54 = arith.constant 0 : i32
          %scan3A_55 = arith.constant 0 : i32
          %scan3A_56 = arith.constant 8 : i32
          %scan3A_57 = arith.addi %scan3A_55, %scan3A_56 : i32
          %scan3A_58 = arith.constant 1 : i32
          %scan3A_59 = scf.for %scan3A_62 = %scan3A_55 to %scan3A_57 step %scan3A_58 iter_args(%scan3A_63 = %scan3A_54) -> (i32)  : i32 {
            %mul3A_64 = arith.constant 16 : i32
            %mul3A_65 = arith.muli %scan3A_62, %mul3A_64 : i32
            %get3A = arith.index_cast %scan3A_42 : i32 to index
            %get3A_66 = arith.index_cast %mul3A_65 : i32 to index
            %get3A_67 = tpu.vector_load %arg11[%get3A, %get3A_66] {strides = array<i32>} : memref<16x128xf32, #tpu.memory_space<vmem>>, vector<1x16xf32>,
            %get3A_68 = vector.shape_cast %get3A_67 : vector<1x16xf32> to vector<16xf32>
            %mul3A_69 = arith.constant 16 : i32
            %mul3A_70 = arith.muli %scan3A_62, %mul3A_69 : i32
            %add3A_71 = arith.constant 0 : i32
            %add3A_72 = arith.addi %mul3A_70, %add3A_71 : i32
            %slice3A = vector.extract_strided_slice %get3A_68 {offsets = [0], sizes = [1], strides = [1]} : vector<16xf32> to vector<1xf32>
            %squeeze3A = vector.extract %slice3A[0] : f32 from vector<1xf32>
            %broadcast_in_dim3A = vector.broadcast %squeeze3A : f32 to vector<16xf32>
            %get3A_73 = arith.index_cast %add3A_72 : i32 to index
            %get3A_74 = arith.constant 0 : index
            %get3A_75 = tpu.vector_load %arg12[%get3A_73, %get3A_74] {strides = array<i32>} : memref<128x128xf32, #tpu.memory_space<vmem>>, vector<1x16xf32>,
            %get3A_76 = vector.shape_cast %get3A_75 : vector<1x16xf32> to vector<16xf32>
            %mul3A_77 = arith.mulf %get3A_76, %broadcast_in_dim3A : vector<16xf32>
            %swap3A = arith.index_cast %add3A_72 : i32 to index
            %swap3A_78 = arith.constant 0 : index
            %swap3A_79 = tpu.vector_load %arg12[%swap3A, %swap3A_78] {strides = array<i32>} : memref<128x128xf32, #tpu.memory_space<vmem>>, vector<1x16xf32>,
            %swap3A_80 = vector.shape_cast %swap3A_79 : vector<1x16xf32> to vector<16xf32>
            %swap3A_81 = vector.shape_cast %mul3A_77 : vector<16xf32> to vector<1x16xf32>
            tpu.vector_store %arg12[%swap3A, %swap3A_78], %swap3A_81 {strides = array<i32>} : memref<128x128xf32, #tpu.memory_space<vmem>>, vector<1x16xf32>,
            %get3A_82 = arith.index_cast %add3A_72 : i32 to index
            %get3A_83 = arith.constant 16 : index
            %get3A_84 = tpu.vector_load %arg12[%get3A_82, %get3A_83] {strides = array<i32>} : memref<128x128xf32, #tpu.memory_space<vmem>>, vector<1x16xf32>,
            %get3A_85 = vector.shape_cast %get3A_84 : vector<1x16xf32> to vector<16xf32>
            %mul3A_86 = arith.mulf %get3A_85, %broadcast_in_dim3A : vector<16xf32>
            %swap3A_87 = arith.index_cast %add3A_72 : i32 to index
            %swap3A_88 = arith.constant 16 : index
            %swap3A_89 = tpu.vector_load %arg12[%swap3A_87, %swap3A_88] {strides = array<i32>} : memref<128x128xf32, #tpu.memory_space<vmem>>, vector<1x16xf32>,
            %swap3A_90 = vector.shape_cast %swap3A_89 : vector<1x16xf32> to vector<16xf32>
            %swap3A_91 = vector.shape_cast %mul3A_86 : vector<16xf32> to vector<1x16xf32>
            tpu.vector_store %arg12[%swap3A_87, %swap3A_88], %swap3A_91 {strides = array<i32>} : memref<128x128xf32, #tpu.memory_space<vmem>>, vector<1x16xf32>,
            %get3A_92 = arith.index_cast %add3A_72 : i32 to index
            %get3A_93 = arith.constant 32 : index
            %get3A_94 = tpu.vector_load %arg12[%get3A_92, %get3A_93] {strides = array<i32>} : memref<128x128xf32, #tpu.memory_space<vmem>>, vector<1x16xf32>,
            %get3A_95 = vector.shape_cast %get3A_94 : vector<1x16xf32> to vector<16xf32>
            %mul3A_96 = arith.mulf %get3A_95, %broadcast_in_dim3A : vector<16xf32>
            %swap3A_97 = arith.index_cast %add3A_72 : i32 to index
            %swap3A_98 = arith.constant 32 : index
            %swap3A_99 = tpu.vector_load %arg12[%swap3A_97, %swap3A_98] {strides = array<i32>} : memref<128x128xf32, #tpu.memory_space<vmem>>, vector<1x16xf32>,
            %swap3A_100 = vector.shape_cast %swap3A_99 : vector<1x16xf32> to vector<16xf32>
            %swap3A_101 = vector.shape_cast %mul3A_96 : vector<16xf32> to vector<1x16xf32>
            tpu.vector_store %arg12[%swap3A_97, %swap3A_98], %swap3A_101 {strides = array<i32>} : memref<128x128xf32, #tpu.memory_space<vmem>>, vector<1x16xf32>,
            %get3A_102 = arith.index_cast %add3A_72 : i32 to index
            %get3A_103 = arith.constant 48 : index
            %get3A_104 = tpu.vector_load %arg12[%get3A_102, %get3A_103] {strides = array<i32>} : memref<128x128xf32, #tpu.memory_space<vmem>>, vector<1x16xf32>,
            %get3A_105 = vector.shape_cast %get3A_104 : vector<1x16xf32> to vector<16xf32>
            %mul3A_106 = arith.mulf %get3A_105, %broadcast_in_dim3A : vector<16xf32>
            %swap3A_107 = arith.index_cast %add3A_72 : i32 to index
            %swap3A_108 = arith.constant 48 : index
            %swap3A_109 = tpu.vector_load %arg12[%swap3A_107, %swap3A_108] {strides = array<i32>} : memref<128x128xf32, #tpu.memory_space<vmem>>, vector<1x16xf32>,
            %swap3A_110 = vector.shape_cast %swap3A_109 : vector<1x16xf32> to vector<16xf32>
            %swap3A_111 = vector.shape_cast %mul3A_106 : vector<16xf32> to vector<1x16xf32>
            tpu.vector_store %arg12[%swap3A_107, %swap3A_108], %swap3A_111 {strides = array<i32>} : memref<128x128xf32, #tpu.memory_space<vmem>>, vector<1x16xf32>,
            %get3A_112 = arith.index_cast %add3A_72 : i32 to index
            %get3A_113 = arith.constant 64 : index
            %get3A_114 = tpu.vector_load %arg12[%get3A_112, %get3A_113] {strides = array<i32>} : memref<128x128xf32, #tpu.memory_space<vmem>>, vector<1x16xf32>,
            %get3A_115 = vector.shape_cast %get3A_114 : vector<1x16xf32> to vector<16xf32>
            %mul3A_116 = arith.mulf %get3A_115, %broadcast_in_dim3A : vector<16xf32>
            %swap3A_117 = arith.index_cast %add3A_72 : i32 to index
            %swap3A_118 = arith.constant 64 : index
            %swap3A_119 = tpu.vector_load %arg12[%swap3A_117, %swap3A_118] {strides = array<i32>} : memref<128x128xf32, #tpu.memory_space<vmem>>, vector<1x16xf32>,
            %swap3A_120 = vector.shape_cast %swap3A_119 : vector<1x16xf32> to vector<16xf32>
            %swap3A_121 = vector.shape_cast %mul3A_116 : vector<16xf32> to vector<1x16xf32>
            tpu.vector_store %arg12[%swap3A_117, %swap3A_118], %swap3A_121 {strides = array<i32>} : memref<128x128xf32, #tpu.memory_space<vmem>>, vector<1x16xf32>,
            %get3A_122 = arith.index_cast %add3A_72 : i32 to index
            %get3A_123 = arith.constant 80 : index
            %get3A_124 = tpu.vector_load %arg12[%get3A_122, %get3A_123] {strides = array<i32>} : memref<128x128xf32, #tpu.memory_space<vmem>>, vector<1x16xf32>,
            %get3A_125 = vector.shape_cast %get3A_124 : vector<1x16xf32> to vector<16xf32>
            %mul3A_126 = arith.mulf %get3A_125, %broadcast_in_dim3A : vector<16xf32>
            %swap3A_127 = arith.index_cast %add3A_72 : i32 to index
            %swap3A_128 = arith.constant 80 : index
            %swap3A_129 = tpu.vector_load %arg12[%swap3A_127, %swap3A_128] {strides = array<i32>} : memref<128x128xf32, #tpu.memory_space<vmem>>, vector<1x16xf32>,
            %swap3A_130 = vector.shape_cast %swap3A_129 : vector<1x16xf32> to vector<16xf32>
            %swap3A_131 = vector.shape_cast %mul3A_126 : vector<16xf32> to vector<1x16xf32>
            tpu.vector_store %arg12[%swap3A_127, %swap3A_128], %swap3A_131 {strides = array<i32>} : memref<128x128xf32, #tpu.memory_space<vmem>>, vector<1x16xf32>,
            %get3A_132 = arith.index_cast %add3A_72 : i32 to index
            %get3A_133 = arith.constant 96 : index
            %get3A_134 = tpu.vector_load %arg12[%get3A_132, %get3A_133] {strides = array<i32>} : memref<128x128xf32, #tpu.memory_space<vmem>>, vector<1x16xf32>,
            %get3A_135 = vector.shape_cast %get3A_134 : vector<1x16xf32> to vector<16xf32>
            %mul3A_136 = arith.mulf %get3A_135, %broadcast_in_dim3A : vector<16xf32>
            %swap3A_137 = arith.index_cast %add3A_72 : i32 to index
            %swap3A_138 = arith.constant 96 : index
            %swap3A_139 = tpu.vector_load %arg12[%swap3A_137, %swap3A_138] {strides = array<i32>} : memref<128x128xf32, #tpu.memory_space<vmem>>, vector<1x16xf32>,
            %swap3A_140 = vector.shape_cast %swap3A_139 : vector<1x16xf32> to vector<16xf32>
            %swap3A_141 = vector.shape_cast %mul3A_136 : vector<16xf32> to vector<1x16xf32>
            tpu.vector_store %arg12[%swap3A_137, %swap3A_138], %swap3A_141 {strides = array<i32>} : memref<128x128xf32, #tpu.memory_space<vmem>>, vector<1x16xf32>,
            %get3A_142 = arith.index_cast %add3A_72 : i32 to index
            %get3A_143 = arith.constant 112 : index
            %get3A_144 = tpu.vector_load %arg12[%get3A_142, %get3A_143] {strides = array<i32>} : memref<128x128xf32, #tpu.memory_space<vmem>>, vector<1x16xf32>,
            %get3A_145 = vector.shape_cast %get3A_144 : vector<1x16xf32> to vector<16xf32>
            %mul3A_146 = arith.mulf %get3A_145, %broadcast_in_dim3A : vector<16xf32>
            %swap3A_147 = arith.index_cast %add3A_72 : i32 to index
            %swap3A_148 = arith.constant 112 : index
            %swap3A_149 = tpu.vector_load %arg12[%swap3A_147, %swap3A_148] {strides = array<i32>} : memref<128x128xf32, #tpu.memory_space<vmem>>, vector<1x16xf32>,
            %swap3A_150 = vector.shape_cast %swap3A_149 : vector<1x16xf32> to vector<16xf32>
            %swap3A_151 = vector.shape_cast %mul3A_146 : vector<16xf32> to vector<1x16xf32>
            tpu.vector_store %arg12[%swap3A_147, %swap3A_148], %swap3A_151 {strides = array<i32>} : memref<128x128xf32, #tpu.memory_space<vmem>>, vector<1x16xf32>,
            %mul3A_152 = arith.constant 16 : i32
            %mul3A_153 = arith.muli %scan3A_62, %mul3A_152 : i32
            %add3A_154 = arith.constant 1 : i32
            %add3A_155 = arith.addi %mul3A_153, %add3A_154 : i32
            %slice3A_156 = vector.extract_strided_slice %get3A_68 {offsets = [1], sizes = [1], strides = [1]} : vector<16xf32> to vector<1xf32>
            %squeeze3A_157 = vector.extract %slice3A_156[0] : f32 from vector<1xf32>
            %broadcast_in_dim3A_158 = vector.broadcast %squeeze3A_157 : f32 to vector<16xf32>
            %get3A_159 = arith.index_cast %add3A_155 : i32 to index
            %get3A_160 = arith.constant 0 : index
            %get3A_161 = tpu.vector_load %arg12[%get3A_159, %get3A_160] {strides = array<i32>} : memref<128x128xf32, #tpu.memory_space<vmem>>, vector<1x16xf32>,
            %get3A_162 = vector.shape_cast %get3A_161 : vector<1x16xf32> to vector<16xf32>
            %mul3A_163 = arith.mulf %get3A_162, %broadcast_in_dim3A_158 : vector<16xf32>
            %swap3A_164 = arith.index_cast %add3A_155 : i32 to index
            %swap3A_165 = arith.constant 0 : index
            %swap3A_166 = tpu.vector_load %arg12[%swap3A_164, %swap3A_165] {strides = array<i32>} : memref<128x128xf32, #tpu.memory_space<vmem>>, vector<1x16xf32>,
            %swap3A_167 = vector.shape_cast %swap3A_166 : vector<1x16xf32> to vector<16xf32>
            %swap3A_168 = vector.shape_cast %mul3A_163 : vector<16xf32> to vector<1x16xf32>
            tpu.vector_store %arg12[%swap3A_164, %swap3A_165], %swap3A_168 {strides = array<i32>} : memref<128x128xf32, #tpu.memory_space<vmem>>, vector<1x16xf32>,
            %get3A_169 = arith.index_cast %add3A_155 : i32 to index
            %get3A_170 = arith.constant 16 : index
            %get3A_171 = tpu.vector_load %arg12[%get3A_169, %get3A_170] {strides = array<i32>} : memref<128x128xf32, #tpu.memory_space<vmem>>, vector<1x16xf32>,
            %get3A_172 = vector.shape_cast %get3A_171 : vector<1x16xf32> to vector<16xf32>
            %mul3A_173 = arith.mulf %get3A_172, %broadcast_in_dim3A_158 : vector<16xf32>
            %swap3A_174 = arith.index_cast %add3A_155 : i32 to index
            %swap3A_175 = arith.constant 16 : index
            %swap3A_176 = tpu.vector_load %arg12[%swap3A_174, %swap3A_175] {strides = array<i32>} : memref<128x128xf32, #tpu.memory_space<vmem>>, vector<1x16xf32>,
            %swap3A_177 = vector.shape_cast %swap3A_176 : vector<1x16xf32> to vector<16xf32>
            %swap3A_178 = vector.shape_cast %mul3A_173 : vector<16xf32> to vector<1x16xf32>
            tpu.vector_store %arg12[%swap3A_174, %swap3A_175], %swap3A_178 {strides = array<i32>} : memref<128x128xf32, #tpu.memory_space<vmem>>, vector<1x16xf32>,
            %get3A_179 = arith.index_cast %add3A_155 : i32 to index
            %get3A_180 = arith.constant 32 : index
            %get3A_181 = tpu.vector_load %arg12[%get3A_179, %get3A_180] {strides = array<i32>} : memref<128x128xf32, #tpu.memory_space<vmem>>, vector<1x16xf32>,
            %get3A_182 = vector.shape_cast %get3A_181 : vector<1x16xf32> to vector<16xf32>
            %mul3A_183 = arith.mulf %get3A_182, %broadcast_in_dim3A_158 : vector<16xf32>
            %swap3A_184 = arith.index_cast %add3A_155 : i32 to index
            %swap3A_185 = arith.constant 32 : index
            %swap3A_186 = tpu.vector_load %arg12[%swap3A_184, %swap3A_185] {strides = array<i32>} : memref<128x128xf32, #tpu.memory_space<vmem>>, vector<1x16xf32>,
            %swap3A_187 = vector.shape_cast %swap3A_186 : vector<1x16xf32> to vector<16xf32>
            %swap3A_188 = vector.shape_cast %mul3A_183 : vector<16xf32> to vector<1x16xf32>
            tpu.vector_store %arg12[%swap3A_184, %swap3A_185], %swap3A_188 {strides = array<i32>} : memref<128x128xf32, #tpu.memory_space<vmem>>, vector<1x16xf32>,
            %get3A_189 = arith.index_cast %add3A_155 : i32 to index
            %get3A_190 = arith.constant 48 : index
            %get3A_191 = tpu.vector_load %arg12[%get3A_189, %get3A_190] {strides = array<i32>} : memref<128x128xf32, #tpu.memory_space<vmem>>, vector<1x16xf32>,
            %get3A_192 = vector.shape_cast %get3A_191 : vector<1x16xf32> to vector<16xf32>
            %mul3A_193 = arith.mulf %get3A_192, %broadcast_in_dim3A_158 : vector<16xf32>
            %swap3A_194 = arith.index_cast %add3A_155 : i32 to index
            %swap3A_195 = arith.constant 48 : index
            %swap3A_196 = tpu.vector_load %arg12[%swap3A_194, %swap3A_195] {strides = array<i32>} : memref<128x128xf32, #tpu.memory_space<vmem>>, vector<1x16xf32>,
            %swap3A_197 = vector.shape_cast %swap3A_196 : vector<1x16xf32> to vector<16xf32>
            %swap3A_198 = vector.shape_cast %mul3A_193 : vector<16xf32> to vector<1x16xf32>
            tpu.vector_store %arg12[%swap3A_194, %swap3A_195], %swap3A_198 {strides = array<i32>} : memref<128x128xf32, #tpu.memory_space<vmem>>, vector<1x16xf32>,
            %get3A_199 = arith.index_cast %add3A_155 : i32 to index
            %get3A_200 = arith.constant 64 : index
            %get3A_201 = tpu.vector_load %arg12[%get3A_199, %get3A_200] {strides = array<i32>} : memref<128x128xf32, #tpu.memory_space<vmem>>, vector<1x16xf32>,
            %get3A_202 = vector.shape_cast %get3A_201 : vector<1x16xf32> to vector<16xf32>
            %mul3A_203 = arith.mulf %get3A_202, %broadcast_in_dim3A_158 : vector<16xf32>
            %swap3A_204 = arith.index_cast %add3A_155 : i32 to index
            %swap3A_205 = arith.constant 64 : index
            %swap3A_206 = tpu.vector_load %arg12[%swap3A_204, %swap3A_205] {strides = array<i32>} : memref<128x128xf32, #tpu.memory_space<vmem>>, vector<1x16xf32>,
            %swap3A_207 = vector.shape_cast %swap3A_206 : vector<1x16xf32> to vector<16xf32>
            %swap3A_208 = vector.shape_cast %mul3A_203 : vector<16xf32> to vector<1x16xf32>
            tpu.vector_store %arg12[%swap3A_204, %swap3A_205], %swap3A_208 {strides = array<i32>} : memref<128x128xf32, #tpu.memory_space<vmem>>, vector<1x16xf32>,
            %get3A_209 = arith.index_cast %add3A_155 : i32 to index
            %get3A_210 = arith.constant 80 : index
            %get3A_211 = tpu.vector_load %arg12[%get3A_209, %get3A_210] {strides = array<i32>} : memref<128x128xf32, #tpu.memory_space<vmem>>, vector<1x16xf32>,
            %get3A_212 = vector.shape_cast %get3A_211 : vector<1x16xf32> to vector<16xf32>
            %mul3A_213 = arith.mulf %get3A_212, %broadcast_in_dim3A_158 : vector<16xf32>
            %swap3A_214 = arith.index_cast %add3A_155 : i32 to index
            %swap3A_215 = arith.constant 80 : index
            %swap3A_216 = tpu.vector_load %arg12[%swap3A_214, %swap3A_215] {strides = array<i32>} : memref<128x128xf32, #tpu.memory_space<vmem>>, vector<1x16xf32>,
            %swap3A_217 = vector.shape_cast %swap3A_216 : vector<1x16xf32> to vector<16xf32>
            %swap3A_218 = vector.shape_cast %mul3A_213 : vector<16xf32> to vector<1x16xf32>
            tpu.vector_store %arg12[%swap3A_214, %swap3A_215], %swap3A_218 {strides = array<i32>} : memref<128x128xf32, #tpu.memory_space<vmem>>, vector<1x16xf32>,
            %get3A_219 = arith.index_cast %add3A_155 : i32 to index
            %get3A_220 = arith.constant 96 : index
            %get3A_221 = tpu.vector_load %arg12[%get3A_219, %get3A_220] {strides = array<i32>} : memref<128x128xf32, #tpu.memory_space<vmem>>, vector<1x16xf32>,
            %get3A_222 = vector.shape_cast %get3A_221 : vector<1x16xf32> to vector<16xf32>
            %mul3A_223 = arith.mulf %get3A_222, %broadcast_in_dim3A_158 : vector<16xf32>
            %swap3A_224 = arith.index_cast %add3A_155 : i32 to index
            %swap3A_225 = arith.constant 96 : index
            %swap3A_226 = tpu.vector_load %arg12[%swap3A_224, %swap3A_225] {strides = array<i32>} : memref<128x128xf32, #tpu.memory_space<vmem>>, vector<1x16xf32>,
            %swap3A_227 = vector.shape_cast %swap3A_226 : vector<1x16xf32> to vector<16xf32>
            %swap3A_228 = vector.shape_cast %mul3A_223 : vector<16xf32> to vector<1x16xf32>
            tpu.vector_store %arg12[%swap3A_224, %swap3A_225], %swap3A_228 {strides = array<i32>} : memref<128x128xf32, #tpu.memory_space<vmem>>, vector<1x16xf32>,
            %get3A_229 = arith.index_cast %add3A_155 : i32 to index
            %get3A_230 = arith.constant 112 : index
            %get3A_231 = tpu.vector_load %arg12[%get3A_229, %get3A_230] {strides = array<i32>} : memref<128x128xf32, #tpu.memory_space<vmem>>, vector<1x16xf32>,
            %get3A_232 = vector.shape_cast %get3A_231 : vector<1x16xf32> to vector<16xf32>
            %mul3A_233 = arith.mulf %get3A_232, %broadcast_in_dim3A_158 : vector<16xf32>
            %swap3A_234 = arith.index_cast %add3A_155 : i32 to index
            %swap3A_235 = arith.constant 112 : index
            %swap3A_236 = tpu.vector_load %arg12[%swap3A_234, %swap3A_235] {strides = array<i32>} : memref<128x128xf32, #tpu.memory_space<vmem>>, vector<1x16xf32>,
            %swap3A_237 = vector.shape_cast %swap3A_236 : vector<1x16xf32> to vector<16xf32>
            %swap3A_238 = vector.shape_cast %mul3A_233 : vector<16xf32> to vector<1x16xf32>
            tpu.vector_store %arg12[%swap3A_234, %swap3A_235], %swap3A_238 {strides = array<i32>} : memref<128x128xf32, #tpu.memory_space<vmem>>, vector<1x16xf32>,
            %mul3A_239 = arith.constant 16 : i32
            %mul3A_240 = arith.muli %scan3A_62, %mul3A_239 : i32
            %add3A_241 = arith.constant 2 : i32
            %add3A_242 = arith.addi %mul3A_240, %add3A_241 : i32
            %slice3A_243 = vector.extract_strided_slice %get3A_68 {offsets = [2], sizes = [1], strides = [1]} : vector<16xf32> to vector<1xf32>
            %squeeze3A_244 = vector.extract %slice3A_243[0] : f32 from vector<1xf32>
            %broadcast_in_dim3A_245 = vector.broadcast %squeeze3A_244 : f32 to vector<16xf32>
            %get3A_246 = arith.index_cast %add3A_242 : i32 to index
            %get3A_247 = arith.constant 0 : index
            %get3A_248 = tpu.vector_load %arg12[%get3A_246, %get3A_247] {strides = array<i32>} : memref<128x128xf32, #tpu.memory_space<vmem>>, vector<1x16xf32>,
            %get3A_249 = vector.shape_cast %get3A_248 : vector<1x16xf32> to vector<16xf32>
            %mul3A_250 = arith.mulf %get3A_249, %broadcast_in_dim3A_245 : vector<16xf32>
            %swap3A_251 = arith.index_cast %add3A_242 : i32 to index
            %swap3A_252 = arith.constant 0 : index
            %swap3A_253 = tpu.vector_load %arg12[%swap3A_251, %swap3A_252] {strides = array<i32>} : memref<128x128xf32, #tpu.memory_space<vmem>>, vector<1x16xf32>,
            %swap3A_254 = vector.shape_cast %swap3A_253 : vector<1x16xf32> to vector<16xf32>
            %swap3A_255 = vector.shape_cast %mul3A_250 : vector<16xf32> to vector<1x16xf32>
            tpu.vector_store %arg12[%swap3A_251, %swap3A_252], %swap3A_255 {strides = array<i32>} : memref<128x128xf32, #tpu.memory_space<vmem>>, vector<1x16xf32>,
            %get3A_256 = arith.index_cast %add3A_242 : i32 to index
            %get3A_257 = arith.constant 16 : index
            %get3A_258 = tpu.vector_load %arg12[%get3A_256, %get3A_257] {strides = array<i32>} : memref<128x128xf32, #tpu.memory_space<vmem>>, vector<1x16xf32>,
            %get3A_259 = vector.shape_cast %get3A_258 : vector<1x16xf32> to vector<16xf32>
            %mul3A_260 = arith.mulf %get3A_259, %broadcast_in_dim3A_245 : vector<16xf32>
            %swap3A_261 = arith.index_cast %add3A_242 : i32 to index
            %swap3A_262 = arith.constant 16 : index
            %swap3A_263 = tpu.vector_load %arg12[%swap3A_261, %swap3A_262] {strides = array<i32>} : memref<128x128xf32, #tpu.memory_space<vmem>>, vector<1x16xf32>,
            %swap3A_264 = vector.shape_cast %swap3A_263 : vector<1x16xf32> to vector<16xf32>
            %swap3A_265 = vector.shape_cast %mul3A_260 : vector<16xf32> to vector<1x16xf32>
            tpu.vector_store %arg12[%swap3A_261, %swap3A_262], %swap3A_265 {strides = array<i32>} : memref<128x128xf32, #tpu.memory_space<vmem>>, vector<1x16xf32>,
            %get3A_266 = arith.index_cast %add3A_242 : i32 to index
            %get3A_267 = arith.constant 32 : index
            %get3A_268 = tpu.vector_load %arg12[%get3A_266, %get3A_267] {strides = array<i32>} : memref<128x128xf32, #tpu.memory_space<vmem>>, vector<1x16xf32>,
            %get3A_269 = vector.shape_cast %get3A_268 : vector<1x16xf32> to vector<16xf32>
            %mul3A_270 = arith.mulf %get3A_269, %broadcast_in_dim3A_245 : vector<16xf32>
            %swap3A_271 = arith.index_cast %add3A_242 : i32 to index
            %swap3A_272 = arith.constant 32 : index
            %swap3A_273 = tpu.vector_load %arg12[%swap3A_271, %swap3A_272] {strides = array<i32>} : memref<128x128xf32, #tpu.memory_space<vmem>>, vector<1x16xf32>,
            %swap3A_274 = vector.shape_cast %swap3A_273 : vector<1x16xf32> to vector<16xf32>
            %swap3A_275 = vector.shape_cast %mul3A_270 : vector<16xf32> to vector<1x16xf32>
            tpu.vector_store %arg12[%swap3A_271, %swap3A_272], %swap3A_275 {strides = array<i32>} : memref<128x128xf32, #tpu.memory_space<vmem>>, vector<1x16xf32>,
            %get3A_276 = arith.index_cast %add3A_242 : i32 to index
            %get3A_277 = arith.constant 48 : index
            %get3A_278 = tpu.vector_load %arg12[%get3A_276, %get3A_277] {strides = array<i32>} : memref<128x128xf32, #tpu.memory_space<vmem>>, vector<1x16xf32>,
            %get3A_279 = vector.shape_cast %get3A_278 : vector<1x16xf32> to vector<16xf32>
            %mul3A_280 = arith.mulf %get3A_279, %broadcast_in_dim3A_245 : vector<16xf32>
            %swap3A_281 = arith.index_cast %add3A_242 : i32 to index
            %swap3A_282 = arith.constant 48 : index
            %swap3A_283 = tpu.vector_load %arg12[%swap3A_281, %swap3A_282] {strides = array<i32>} : memref<128x128xf32, #tpu.memory_space<vmem>>, vector<1x16xf32>,
            %swap3A_284 = vector.shape_cast %swap3A_283 : vector<1x16xf32> to vector<16xf32>
            %swap3A_285 = vector.shape_cast %mul3A_280 : vector<16xf32> to vector<1x16xf32>
            tpu.vector_store %arg12[%swap3A_281, %swap3A_282], %swap3A_285 {strides = array<i32>} : memref<128x128xf32, #tpu.memory_space<vmem>>, vector<1x16xf32>,
            %get3A_286 = arith.index_cast %add3A_242 : i32 to index
            %get3A_287 = arith.constant 64 : index
            %get3A_288 = tpu.vector_load %arg12[%get3A_286, %get3A_287] {strides = array<i32>} : memref<128x128xf32, #tpu.memory_space<vmem>>, vector<1x16xf32>,
            %get3A_289 = vector.shape_cast %get3A_288 : vector<1x16xf32> to vector<16xf32>
            %mul3A_290 = arith.mulf %get3A_289, %broadcast_in_dim3A_245 : vector<16xf32>
            %swap3A_291 = arith.index_cast %add3A_242 : i32 to index
            %swap3A_292 = arith.constant 64 : index
            %swap3A_293 = tpu.vector_load %arg12[%swap3A_291, %swap3A_292] {strides = array<i32>} : memref<128x128xf32, #tpu.memory_space<vmem>>, vector<1x16xf32>,
            %swap3A_294 = vector.shape_cast %swap3A_293 : vector<1x16xf32> to vector<16xf32>
            %swap3A_295 = vector.shape_cast %mul3A_290 : vector<16xf32> to vector<1x16xf32>
            tpu.vector_store %arg12[%swap3A_291, %swap3A_292], %swap3A_295 {strides = array<i32>} : memref<128x128xf32, #tpu.memory_space<vmem>>, vector<1x16xf32>,
            %get3A_296 = arith.index_cast %add3A_242 : i32 to index
            %get3A_297 = arith.constant 80 : index
            %get3A_298 = tpu.vector_load %arg12[%get3A_296, %get3A_297] {strides = array<i32>} : memref<128x128xf32, #tpu.memory_space<vmem>>, vector<1x16xf32>,
            %get3A_299 = vector.shape_cast %get3A_298 : vector<1x16xf32> to vector<16xf32>
            %mul3A_300 = arith.mulf %get3A_299, %broadcast_in_dim3A_245 : vector<16xf32>
            %swap3A_301 = arith.index_cast %add3A_242 : i32 to index
            %swap3A_302 = arith.constant 80 : index
            %swap3A_303 = tpu.vector_load %arg12[%swap3A_301, %swap3A_302] {strides = array<i32>} : memref<128x128xf32, #tpu.memory_space<vmem>>, vector<1x16xf32>,
            %swap3A_304 = vector.shape_cast %swap3A_303 : vector<1x16xf32> to vector<16xf32>
            %swap3A_305 = vector.shape_cast %mul3A_300 : vector<16xf32> to vector<1x16xf32>
            tpu.vector_store %arg12[%swap3A_301, %swap3A_302], %swap3A_305 {strides = array<i32>} : memref<128x128xf32, #tpu.memory_space<vmem>>, vector<1x16xf32>,
            %get3A_306 = arith.index_cast %add3A_242 : i32 to index
            %get3A_307 = arith.constant 96 : index
            %get3A_308 = tpu.vector_load %arg12[%get3A_306, %get3A_307] {strides = array<i32>} : memref<128x128xf32, #tpu.memory_space<vmem>>, vector<1x16xf32>,
            %get3A_309 = vector.shape_cast %get3A_308 : vector<1x16xf32> to vector<16xf32>
            %mul3A_310 = arith.mulf %get3A_309, %broadcast_in_dim3A_245 : vector<16xf32>
            %swap3A_311 = arith.index_cast %add3A_242 : i32 to index
            %swap3A_312 = arith.constant 96 : index
            %swap3A_313 = tpu.vector_load %arg12[%swap3A_311, %swap3A_312] {strides = array<i32>} : memref<128x128xf32, #tpu.memory_space<vmem>>, vector<1x16xf32>,
            %swap3A_314 = vector.shape_cast %swap3A_313 : vector<1x16xf32> to vector<16xf32>
            %swap3A_315 = vector.shape_cast %mul3A_310 : vector<16xf32> to vector<1x16xf32>
            tpu.vector_store %arg12[%swap3A_311, %swap3A_312], %swap3A_315 {strides = array<i32>} : memref<128x128xf32, #tpu.memory_space<vmem>>, vector<1x16xf32>,
            %get3A_316 = arith.index_cast %add3A_242 : i32 to index
            %get3A_317 = arith.constant 112 : index
            %get3A_318 = tpu.vector_load %arg12[%get3A_316, %get3A_317] {strides = array<i32>} : memref<128x128xf32, #tpu.memory_space<vmem>>, vector<1x16xf32>,
            %get3A_319 = vector.shape_cast %get3A_318 : vector<1x16xf32> to vector<16xf32>
            %mul3A_320 = arith.mulf %get3A_319, %broadcast_in_dim3A_245 : vector<16xf32>
            %swap3A_321 = arith.index_cast %add3A_242 : i32 to index
            %swap3A_322 = arith.constant 112 : index
            %swap3A_323 = tpu.vector_load %arg12[%swap3A_321, %swap3A_322] {strides = array<i32>} : memref<128x128xf32, #tpu.memory_space<vmem>>, vector<1x16xf32>,
            %swap3A_324 = vector.shape_cast %swap3A_323 : vector<1x16xf32> to vector<16xf32>
            %swap3A_325 = vector.shape_cast %mul3A_320 : vector<16xf32> to vector<1x16xf32>
            tpu.vector_store %arg12[%swap3A_321, %swap3A_322], %swap3A_325 {strides = array<i32>} : memref<128x128xf32, #tpu.memory_space<vmem>>, vector<1x16xf32>,
            %mul3A_326 = arith.constant 16 : i32
            %mul3A_327 = arith.muli %scan3A_62, %mul3A_326 : i32
            %add3A_328 = arith.constant 3 : i32
            %add3A_329 = arith.addi %mul3A_327, %add3A_328 : i32
            %slice3A_330 = vector.extract_strided_slice %get3A_68 {offsets = [3], sizes = [1], strides = [1]} : vector<16xf32> to vector<1xf32>
            %squeeze3A_331 = vector.extract %slice3A_330[0] : f32 from vector<1xf32>
            %broadcast_in_dim3A_332 = vector.broadcast %squeeze3A_331 : f32 to vector<16xf32>
            %get3A_333 = arith.index_cast %add3A_329 : i32 to index
            %get3A_334 = arith.constant 0 : index
            %get3A_335 = tpu.vector_load %arg12[%get3A_333, %get3A_334] {strides = array<i32>} : memref<128x128xf32, #tpu.memory_space<vmem>>, vector<1x16xf32>,
            %get3A_336 = vector.shape_cast %get3A_335 : vector<1x16xf32> to vector<16xf32>
            %mul3A_337 = arith.mulf %get3A_336, %broadcast_in_dim3A_332 : vector<16xf32>
            %swap3A_338 = arith.index_cast %add3A_329 : i32 to index
            %swap3A_339 = arith.constant 0 : index
            %swap3A_340 = tpu.vector_load %arg12[%swap3A_338, %swap3A_339] {strides = array<i32>} : memref<128x128xf32, #tpu.memory_space<vmem>>, vector<1x16xf32>,
            %swap3A_341 = vector.shape_cast %swap3A_340 : vector<1x16xf32> to vector<16xf32>
            %swap3A_342 = vector.shape_cast %mul3A_337 : vector<16xf32> to vector<1x16xf32>
            tpu.vector_store %arg12[%swap3A_338, %swap3A_339], %swap3A_342 {strides = array<i32>} : memref<128x128xf32, #tpu.memory_space<vmem>>, vector<1x16xf32>,
            %get3A_343 = arith.index_cast %add3A_329 : i32 to index
            %get3A_344 = arith.constant 16 : index
            %get3A_345 = tpu.vector_load %arg12[%get3A_343, %get3A_344] {strides = array<i32>} : memref<128x128xf32, #tpu.memory_space<vmem>>, vector<1x16xf32>,
            %get3A_346 = vector.shape_cast %get3A_345 : vector<1x16xf32> to vector<16xf32>
            %mul3A_347 = arith.mulf %get3A_346, %broadcast_in_dim3A_332 : vector<16xf32>
            %swap3A_348 = arith.index_cast %add3A_329 : i32 to index
            %swap3A_349 = arith.constant 16 : index
            %swap3A_350 = tpu.vector_load %arg12[%swap3A_348, %swap3A_349] {strides = array<i32>} : memref<128x128xf32, #tpu.memory_space<vmem>>, vector<1x16xf32>,
            %swap3A_351 = vector.shape_cast %swap3A_350 : vector<1x16xf32> to vector<16xf32>
            %swap3A_352 = vector.shape_cast %mul3A_347 : vector<16xf32> to vector<1x16xf32>
            tpu.vector_store %arg12[%swap3A_348, %swap3A_349], %swap3A_352 {strides = array<i32>} : memref<128x128xf32, #tpu.memory_space<vmem>>, vector<1x16xf32>,
            %get3A_353 = arith.index_cast %add3A_329 : i32 to index
            %get3A_354 = arith.constant 32 : index
            %get3A_355 = tpu.vector_load %arg12[%get3A_353, %get3A_354] {strides = array<i32>} : memref<128x128xf32, #tpu.memory_space<vmem>>, vector<1x16xf32>,
            %get3A_356 = vector.shape_cast %get3A_355 : vector<1x16xf32> to vector<16xf32>
            %mul3A_357 = arith.mulf %get3A_356, %broadcast_in_dim3A_332 : vector<16xf32>
            %swap3A_358 = arith.index_cast %add3A_329 : i32 to index
            %swap3A_359 = arith.constant 32 : index
            %swap3A_360 = tpu.vector_load %arg12[%swap3A_358, %swap3A_359] {strides = array<i32>} : memref<128x128xf32, #tpu.memory_space<vmem>>, vector<1x16xf32>,
            %swap3A_361 = vector.shape_cast %swap3A_360 : vector<1x16xf32> to vector<16xf32>
            %swap3A_362 = vector.shape_cast %mul3A_357 : vector<16xf32> to vector<1x16xf32>
            tpu.vector_store %arg12[%swap3A_358, %swap3A_359], %swap3A_362 {strides = array<i32>} : memref<128x128xf32, #tpu.memory_space<vmem>>, vector<1x16xf32>,
            %get3A_363 = arith.index_cast %add3A_329 : i32 to index
            %get3A_364 = arith.constant 48 : index
            %get3A_365 = tpu.vector_load %arg12[%get3A_363, %get3A_364] {strides = array<i32>} : memref<128x128xf32, #tpu.memory_space<vmem>>, vector<1x16xf32>,
            %get3A_366 = vector.shape_cast %get3A_365 : vector<1x16xf32> to vector<16xf32>
            %mul3A_367 = arith.mulf %get3A_366, %broadcast_in_dim3A_332 : vector<16xf32>
            %swap3A_368 = arith.index_cast %add3A_329 : i32 to index
            %swap3A_369 = arith.constant 48 : index
            %swap3A_370 = tpu.vector_load %arg12[%swap3A_368, %swap3A_369] {strides = array<i32>} : memref<128x128xf32, #tpu.memory_space<vmem>>, vector<1x16xf32>,
            %swap3A_371 = vector.shape_cast %swap3A_370 : vector<1x16xf32> to vector<16xf32>
            %swap3A_372 = vector.shape_cast %mul3A_367 : vector<16xf32> to vector<1x16xf32>
            tpu.vector_store %arg12[%swap3A_368, %swap3A_369], %swap3A_372 {strides = array<i32>} : memref<128x128xf32, #tpu.memory_space<vmem>>, vector<1x16xf32>,
            %get3A_373 = arith.index_cast %add3A_329 : i32 to index
            %get3A_374 = arith.constant 64 : index
            %get3A_375 = tpu.vector_load %arg12[%get3A_373, %get3A_374] {strides = array<i32>} : memref<128x128xf32, #tpu.memory_space<vmem>>, vector<1x16xf32>,
            %get3A_376 = vector.shape_cast %get3A_375 : vector<1x16xf32> to vector<16xf32>
            %mul3A_377 = arith.mulf %get3A_376, %broadcast_in_dim3A_332 : vector<16xf32>
            %swap3A_378 = arith.index_cast %add3A_329 : i32 to index
            %swap3A_379 = arith.constant 64 : index
            %swap3A_380 = tpu.vector_load %arg12[%swap3A_378, %swap3A_379] {strides = array<i32>} : memref<128x128xf32, #tpu.memory_space<vmem>>, vector<1x16xf32>,
            %swap3A_381 = vector.shape_cast %swap3A_380 : vector<1x16xf32> to vector<16xf32>
            %swap3A_382 = vector.shape_cast %mul3A_377 : vector<16xf32> to vector<1x16xf32>
            tpu.vector_store %arg12[%swap3A_378, %swap3A_379], %swap3A_382 {strides = array<i32>} : memref<128x128xf32, #tpu.memory_space<vmem>>, vector<1x16xf32>,
            %get3A_383 = arith.index_cast %add3A_329 : i32 to index
            %get3A_384 = arith.constant 80 : index
            %get3A_385 = tpu.vector_load %arg12[%get3A_383, %get3A_384] {strides = array<i32>} : memref<128x128xf32, #tpu.memory_space<vmem>>, vector<1x16xf32>,
            %get3A_386 = vector.shape_cast %get3A_385 : vector<1x16xf32> to vector<16xf32>
            %mul3A_387 = arith.mulf %get3A_386, %broadcast_in_dim3A_332 : vector<16xf32>
            %swap3A_388 = arith.index_cast %add3A_329 : i32 to index
            %swap3A_389 = arith.constant 80 : index
            %swap3A_390 = tpu.vector_load %arg12[%swap3A_388, %swap3A_389] {strides = array<i32>} : memref<128x128xf32, #tpu.memory_space<vmem>>, vector<1x16xf32>,
            %swap3A_391 = vector.shape_cast %swap3A_390 : vector<1x16xf32> to vector<16xf32>
            %swap3A_392 = vector.shape_cast %mul3A_387 : vector<16xf32> to vector<1x16xf32>
            tpu.vector_store %arg12[%swap3A_388, %swap3A_389], %swap3A_392 {strides = array<i32>} : memref<128x128xf32, #tpu.memory_space<vmem>>, vector<1x16xf32>,
            %get3A_393 = arith.index_cast %add3A_329 : i32 to index
            %get3A_394 = arith.constant 96 : index
            %get3A_395 = tpu.vector_load %arg12[%get3A_393, %get3A_394] {strides = array<i32>} : memref<128x128xf32, #tpu.memory_space<vmem>>, vector<1x16xf32>,
            %get3A_396 = vector.shape_cast %get3A_395 : vector<1x16xf32> to vector<16xf32>
            %mul3A_397 = arith.mulf %get3A_396, %broadcast_in_dim3A_332 : vector<16xf32>
            %swap3A_398 = arith.index_cast %add3A_329 : i32 to index
            %swap3A_399 = arith.constant 96 : index
            %swap3A_400 = tpu.vector_load %arg12[%swap3A_398, %swap3A_399] {strides = array<i32>} : memref<128x128xf32, #tpu.memory_space<vmem>>, vector<1x16xf32>,
            %swap3A_401 = vector.shape_cast %swap3A_400 : vector<1x16xf32> to vector<16xf32>
            %swap3A_402 = vector.shape_cast %mul3A_397 : vector<16xf32> to vector<1x16xf32>
            tpu.vector_store %arg12[%swap3A_398, %swap3A_399], %swap3A_402 {strides = array<i32>} : memref<128x128xf32, #tpu.memory_space<vmem>>, vector<1x16xf32>,
            %get3A_403 = arith.index_cast %add3A_329 : i32 to index
            %get3A_404 = arith.constant 112 : index
            %get3A_405 = tpu.vector_load %arg12[%get3A_403, %get3A_404] {strides = array<i32>} : memref<128x128xf32, #tpu.memory_space<vmem>>, vector<1x16xf32>,
            %get3A_406 = vector.shape_cast %get3A_405 : vector<1x16xf32> to vector<16xf32>
            %mul3A_407 = arith.mulf %get3A_406, %broadcast_in_dim3A_332 : vector<16xf32>
            %swap3A_408 = arith.index_cast %add3A_329 : i32 to index
            %swap3A_409 = arith.constant 112 : index
            %swap3A_410 = tpu.vector_load %arg12[%swap3A_408, %swap3A_409] {strides = array<i32>} : memref<128x128xf32, #tpu.memory_space<vmem>>, vector<1x16xf32>,
            %swap3A_411 = vector.shape_cast %swap3A_410 : vector<1x16xf32> to vector<16xf32>
            %swap3A_412 = vector.shape_cast %mul3A_407 : vector<16xf32> to vector<1x16xf32>
            tpu.vector_store %arg12[%swap3A_408, %swap3A_409], %swap3A_412 {strides = array<i32>} : memref<128x128xf32, #tpu.memory_space<vmem>>, vector<1x16xf32>,
            %mul3A_413 = arith.constant 16 : i32
            %mul3A_414 = arith.muli %scan3A_62, %mul3A_413 : i32
            %add3A_415 = arith.constant 4 : i32
            %add3A_416 = arith.addi %mul3A_414, %add3A_415 : i32
            %slice3A_417 = vector.extract_strided_slice %get3A_68 {offsets = [4], sizes = [1], strides = [1]} : vector<16xf32> to vector<1xf32>
            %squeeze3A_418 = vector.extract %slice3A_417[0] : f32 from vector<1xf32>
            %broadcast_in_dim3A_419 = vector.broadcast %squeeze3A_418 : f32 to vector<16xf32>
            %get3A_420 = arith.index_cast %add3A_416 : i32 to index
            %get3A_421 = arith.constant 0 : index
            %get3A_422 = tpu.vector_load %arg12[%get3A_420, %get3A_421] {strides = array<i32>} : memref<128x128xf32, #tpu.memory_space<vmem>>, vector<1x16xf32>,
            %get3A_423 = vector.shape_cast %get3A_422 : vector<1x16xf32> to vector<16xf32>
            %mul3A_424 = arith.mulf %get3A_423, %broadcast_in_dim3A_419 : vector<16xf32>
            %swap3A_425 = arith.index_cast %add3A_416 : i32 to index
            %swap3A_426 = arith.constant 0 : index
            %swap3A_427 = tpu.vector_load %arg12[%swap3A_425, %swap3A_426] {strides = array<i32>} : memref<128x128xf32, #tpu.memory_space<vmem>>, vector<1x16xf32>,
            %swap3A_428 = vector.shape_cast %swap3A_427 : vector<1x16xf32> to vector<16xf32>
            %swap3A_429 = vector.shape_cast %mul3A_424 : vector<16xf32> to vector<1x16xf32>
            tpu.vector_store %arg12[%swap3A_425, %swap3A_426], %swap3A_429 {strides = array<i32>} : memref<128x128xf32, #tpu.memory_space<vmem>>, vector<1x16xf32>,
            %get3A_430 = arith.index_cast %add3A_416 : i32 to index
            %get3A_431 = arith.constant 16 : index
            %get3A_432 = tpu.vector_load %arg12[%get3A_430, %get3A_431] {strides = array<i32>} : memref<128x128xf32, #tpu.memory_space<vmem>>, vector<1x16xf32>,
            %get3A_433 = vector.shape_cast %get3A_432 : vector<1x16xf32> to vector<16xf32>
            %mul3A_434 = arith.mulf %get3A_433, %broadcast_in_dim3A_419 : vector<16xf32>
            %swap3A_435 = arith.index_cast %add3A_416 : i32 to index
            %swap3A_436 = arith.constant 16 : index
            %swap3A_437 = tpu.vector_load %arg12[%swap3A_435, %swap3A_436] {strides = array<i32>} : memref<128x128xf32, #tpu.memory_space<vmem>>, vector<1x16xf32>,
            %swap3A_438 = vector.shape_cast %swap3A_437 : vector<1x16xf32> to vector<16xf32>
            %swap3A_439 = vector.shape_cast %mul3A_434 : vector<16xf32> to vector<1x16xf32>
            tpu.vector_store %arg12[%swap3A_435, %swap3A_436], %swap3A_439 {strides = array<i32>} : memref<128x128xf32, #tpu.memory_space<vmem>>, vector<1x16xf32>,
            %get3A_440 = arith.index_cast %add3A_416 : i32 to index
            %get3A_441 = arith.constant 32 : index
            %get3A_442 = tpu.vector_load %arg12[%get3A_440, %get3A_441] {strides = array<i32>} : memref<128x128xf32, #tpu.memory_space<vmem>>, vector<1x16xf32>,
            %get3A_443 = vector.shape_cast %get3A_442 : vector<1x16xf32> to vector<16xf32>
            %mul3A_444 = arith.mulf %get3A_443, %broadcast_in_dim3A_419 : vector<16xf32>
            %swap3A_445 = arith.index_cast %add3A_416 : i32 to index
            %swap3A_446 = arith.constant 32 : index
            %swap3A_447 = tpu.vector_load %arg12[%swap3A_445, %swap3A_446] {strides = array<i32>} : memref<128x128xf32, #tpu.memory_space<vmem>>, vector<1x16xf32>,
            %swap3A_448 = vector.shape_cast %swap3A_447 : vector<1x16xf32> to vector<16xf32>
            %swap3A_449 = vector.shape_cast %mul3A_444 : vector<16xf32> to vector<1x16xf32>
            tpu.vector_store %arg12[%swap3A_445, %swap3A_446], %swap3A_449 {strides = array<i32>} : memref<128x128xf32, #tpu.memory_space<vmem>>, vector<1x16xf32>,
            %get3A_450 = arith.index_cast %add3A_416 : i32 to index
            %get3A_451 = arith.constant 48 : index
            %get3A_452 = tpu.vector_load %arg12[%get3A_450, %get3A_451] {strides = array<i32>} : memref<128x128xf32, #tpu.memory_space<vmem>>, vector<1x16xf32>,
            %get3A_453 = vector.shape_cast %get3A_452 : vector<1x16xf32> to vector<16xf32>
            %mul3A_454 = arith.mulf %get3A_453, %broadcast_in_dim3A_419 : vector<16xf32>
            %swap3A_455 = arith.index_cast %add3A_416 : i32 to index
            %swap3A_456 = arith.constant 48 : index
            %swap3A_457 = tpu.vector_load %arg12[%swap3A_455, %swap3A_456] {strides = array<i32>} : memref<128x128xf32, #tpu.memory_space<vmem>>, vector<1x16xf32>,
            %swap3A_458 = vector.shape_cast %swap3A_457 : vector<1x16xf32> to vector<16xf32>
            %swap3A_459 = vector.shape_cast %mul3A_454 : vector<16xf32> to vector<1x16xf32>
            tpu.vector_store %arg12[%swap3A_455, %swap3A_456], %swap3A_459 {strides = array<i32>} : memref<128x128xf32, #tpu.memory_space<vmem>>, vector<1x16xf32>,
            %get3A_460 = arith.index_cast %add3A_416 : i32 to index
            %get3A_461 = arith.constant 64 : index
            %get3A_462 = tpu.vector_load %arg12[%get3A_460, %get3A_461] {strides = array<i32>} : memref<128x128xf32, #tpu.memory_space<vmem>>, vector<1x16xf32>,
            %get3A_463 = vector.shape_cast %get3A_462 : vector<1x16xf32> to vector<16xf32>
            %mul3A_464 = arith.mulf %get3A_463, %broadcast_in_dim3A_419 : vector<16xf32>
            %swap3A_465 = arith.index_cast %add3A_416 : i32 to index
            %swap3A_466 = arith.constant 64 : index
            %swap3A_467 = tpu.vector_load %arg12[%swap3A_465, %swap3A_466] {strides = array<i32>} : memref<128x128xf32, #tpu.memory_space<vmem>>, vector<1x16xf32>,
            %swap3A_468 = vector.shape_cast %swap3A_467 : vector<1x16xf32> to vector<16xf32>
            %swap3A_469 = vector.shape_cast %mul3A_464 : vector<16xf32> to vector<1x16xf32>
            tpu.vector_store %arg12[%swap3A_465, %swap3A_466], %swap3A_469 {strides = array<i32>} : memref<128x128xf32, #tpu.memory_space<vmem>>, vector<1x16xf32>,
            %get3A_470 = arith.index_cast %add3A_416 : i32 to index
            %get3A_471 = arith.constant 80 : index
            %get3A_472 = tpu.vector_load %arg12[%get3A_470, %get3A_471] {strides = array<i32>} : memref<128x128xf32, #tpu.memory_space<vmem>>, vector<1x16xf32>,
            %get3A_473 = vector.shape_cast %get3A_472 : vector<1x16xf32> to vector<16xf32>
            %mul3A_474 = arith.mulf %get3A_473, %broadcast_in_dim3A_419 : vector<16xf32>
            %swap3A_475 = arith.index_cast %add3A_416 : i32 to index
            %swap3A_476 = arith.constant 80 : index
            %swap3A_477 = tpu.vector_load %arg12[%swap3A_475, %swap3A_476] {strides = array<i32>} : memref<128x128xf32, #tpu.memory_space<vmem>>, vector<1x16xf32>,
            %swap3A_478 = vector.shape_cast %swap3A_477 : vector<1x16xf32> to vector<16xf32>
            %swap3A_479 = vector.shape_cast %mul3A_474 : vector<16xf32> to vector<1x16xf32>
            tpu.vector_store %arg12[%swap3A_475, %swap3A_476], %swap3A_479 {strides = array<i32>} : memref<128x128xf32, #tpu.memory_space<vmem>>, vector<1x16xf32>,
            %get3A_480 = arith.index_cast %add3A_416 : i32 to index
            %get3A_481 = arith.constant 96 : index
            %get3A_482 = tpu.vector_load %arg12[%get3A_480, %get3A_481] {strides = array<i32>} : memref<128x128xf32, #tpu.memory_space<vmem>>, vector<1x16xf32>,
            %get3A_483 = vector.shape_cast %get3A_482 : vector<1x16xf32> to vector<16xf32>
            %mul3A_484 = arith.mulf %get3A_483, %broadcast_in_dim3A_419 : vector<16xf32>
            %swap3A_485 = arith.index_cast %add3A_416 : i32 to index
            %swap3A_486 = arith.constant 96 : index
            %swap3A_487 = tpu.vector_load %arg12[%swap3A_485, %swap3A_486] {strides = array<i32>} : memref<128x128xf32, #tpu.memory_space<vmem>>, vector<1x16xf32>,
            %swap3A_488 = vector.shape_cast %swap3A_487 : vector<1x16xf32> to vector<16xf32>
            %swap3A_489 = vector.shape_cast %mul3A_484 : vector<16xf32> to vector<1x16xf32>
            tpu.vector_store %arg12[%swap3A_485, %swap3A_486], %swap3A_489 {strides = array<i32>} : memref<128x128xf32, #tpu.memory_space<vmem>>, vector<1x16xf32>,
            %get3A_490 = arith.index_cast %add3A_416 : i32 to index
            %get3A_491 = arith.constant 112 : index
            %get3A_492 = tpu.vector_load %arg12[%get3A_490, %get3A_491] {strides = array<i32>} : memref<128x128xf32, #tpu.memory_space<vmem>>, vector<1x16xf32>,
            %get3A_493 = vector.shape_cast %get3A_492 : vector<1x16xf32> to vector<16xf32>
            %mul3A_494 = arith.mulf %get3A_493, %broadcast_in_dim3A_419 : vector<16xf32>
            %swap3A_495 = arith.index_cast %add3A_416 : i32 to index
            %swap3A_496 = arith.constant 112 : index
            %swap3A_497 = tpu.vector_load %arg12[%swap3A_495, %swap3A_496] {strides = array<i32>} : memref<128x128xf32, #tpu.memory_space<vmem>>, vector<1x16xf32>,
            %swap3A_498 = vector.shape_cast %swap3A_497 : vector<1x16xf32> to vector<16xf32>
            %swap3A_499 = vector.shape_cast %mul3A_494 : vector<16xf32> to vector<1x16xf32>
            tpu.vector_store %arg12[%swap3A_495, %swap3A_496], %swap3A_499 {strides = array<i32>} : memref<128x128xf32, #tpu.memory_space<vmem>>, vector<1x16xf32>,
            %mul3A_500 = arith.constant 16 : i32
            %mul3A_501 = arith.muli %scan3A_62, %mul3A_500 : i32
            %add3A_502 = arith.constant 5 : i32
            %add3A_503 = arith.addi %mul3A_501, %add3A_502 : i32
            %slice3A_504 = vector.extract_strided_slice %get3A_68 {offsets = [5], sizes = [1], strides = [1]} : vector<16xf32> to vector<1xf32>
            %squeeze3A_505 = vector.extract %slice3A_504[0] : f32 from vector<1xf32>
            %broadcast_in_dim3A_506 = vector.broadcast %squeeze3A_505 : f32 to vector<16xf32>
            %get3A_507 = arith.index_cast %add3A_503 : i32 to index
            %get3A_508 = arith.constant 0 : index
            %get3A_509 = tpu.vector_load %arg12[%get3A_507, %get3A_508] {strides = array<i32>} : memref<128x128xf32, #tpu.memory_space<vmem>>, vector<1x16xf32>,
            %get3A_510 = vector.shape_cast %get3A_509 : vector<1x16xf32> to vector<16xf32>
            %mul3A_511 = arith.mulf %get3A_510, %broadcast_in_dim3A_506 : vector<16xf32>
            %swap3A_512 = arith.index_cast %add3A_503 : i32 to index
            %swap3A_513 = arith.constant 0 : index
            %swap3A_514 = tpu.vector_load %arg12[%swap3A_512, %swap3A_513] {strides = array<i32>} : memref<128x128xf32, #tpu.memory_space<vmem>>, vector<1x16xf32>,
            %swap3A_515 = vector.shape_cast %swap3A_514 : vector<1x16xf32> to vector<16xf32>
            %swap3A_516 = vector.shape_cast %mul3A_511 : vector<16xf32> to vector<1x16xf32>
            tpu.vector_store %arg12[%swap3A_512, %swap3A_513], %swap3A_516 {strides = array<i32>} : memref<128x128xf32, #tpu.memory_space<vmem>>, vector<1x16xf32>,
            %get3A_517 = arith.index_cast %add3A_503 : i32 to index
            %get3A_518 = arith.constant 16 : index
            %get3A_519 = tpu.vector_load %arg12[%get3A_517, %get3A_518] {strides = array<i32>} : memref<128x128xf32, #tpu.memory_space<vmem>>, vector<1x16xf32>,
            %get3A_520 = vector.shape_cast %get3A_519 : vector<1x16xf32> to vector<16xf32>
            %mul3A_521 = arith.mulf %get3A_520, %broadcast_in_dim3A_506 : vector<16xf32>
            %swap3A_522 = arith.index_cast %add3A_503 : i32 to index
            %swap3A_523 = arith.constant 16 : index
            %swap3A_524 = tpu.vector_load %arg12[%swap3A_522, %swap3A_523] {strides = array<i32>} : memref<128x128xf32, #tpu.memory_space<vmem>>, vector<1x16xf32>,
            %swap3A_525 = vector.shape_cast %swap3A_524 : vector<1x16xf32> to vector<16xf32>
            %swap3A_526 = vector.shape_cast %mul3A_521 : vector<16xf32> to vector<1x16xf32>
            tpu.vector_store %arg12[%swap3A_522, %swap3A_523], %swap3A_526 {strides = array<i32>} : memref<128x128xf32, #tpu.memory_space<vmem>>, vector<1x16xf32>,
            %get3A_527 = arith.index_cast %add3A_503 : i32 to index
            %get3A_528 = arith.constant 32 : index
            %get3A_529 = tpu.vector_load %arg12[%get3A_527, %get3A_528] {strides = array<i32>} : memref<128x128xf32, #tpu.memory_space<vmem>>, vector<1x16xf32>,
            %get3A_530 = vector.shape_cast %get3A_529 : vector<1x16xf32> to vector<16xf32>
            %mul3A_531 = arith.mulf %get3A_530, %broadcast_in_dim3A_506 : vector<16xf32>
            %swap3A_532 = arith.index_cast %add3A_503 : i32 to index
            %swap3A_533 = arith.constant 32 : index
            %swap3A_534 = tpu.vector_load %arg12[%swap3A_532, %swap3A_533] {strides = array<i32>} : memref<128x128xf32, #tpu.memory_space<vmem>>, vector<1x16xf32>,
            %swap3A_535 = vector.shape_cast %swap3A_534 : vector<1x16xf32> to vector<16xf32>
            %swap3A_536 = vector.shape_cast %mul3A_531 : vector<16xf32> to vector<1x16xf32>
            tpu.vector_store %arg12[%swap3A_532, %swap3A_533], %swap3A_536 {strides = array<i32>} : memref<128x128xf32, #tpu.memory_space<vmem>>, vector<1x16xf32>,
            %get3A_537 = arith.index_cast %add3A_503 : i32 to index
            %get3A_538 = arith.constant 48 : index
            %get3A_539 = tpu.vector_load %arg12[%get3A_537, %get3A_538] {strides = array<i32>} : memref<128x128xf32, #tpu.memory_space<vmem>>, vector<1x16xf32>,
            %get3A_540 = vector.shape_cast %get3A_539 : vector<1x16xf32> to vector<16xf32>
            %mul3A_541 = arith.mulf %get3A_540, %broadcast_in_dim3A_506 : vector<16xf32>
            %swap3A_542 = arith.index_cast %add3A_503 : i32 to index
            %swap3A_543 = arith.constant 48 : index
            %swap3A_544 = tpu.vector_load %arg12[%swap3A_542, %swap3A_543] {strides = array<i32>} : memref<128x128xf32, #tpu.memory_space<vmem>>, vector<1x16xf32>,
            %swap3A_545 = vector.shape_cast %swap3A_544 : vector<1x16xf32> to vector<16xf32>
            %swap3A_546 = vector.shape_cast %mul3A_541 : vector<16xf32> to vector<1x16xf32>
            tpu.vector_store %arg12[%swap3A_542, %swap3A_543], %swap3A_546 {strides = array<i32>} : memref<128x128xf32, #tpu.memory_space<vmem>>, vector<1x16xf32>,
            %get3A_547 = arith.index_cast %add3A_503 : i32 to index
            %get3A_548 = arith.constant 64 : index
            %get3A_549 = tpu.vector_load %arg12[%get3A_547, %get3A_548] {strides = array<i32>} : memref<128x128xf32, #tpu.memory_space<vmem>>, vector<1x16xf32>,
            %get3A_550 = vector.shape_cast %get3A_549 : vector<1x16xf32> to vector<16xf32>
            %mul3A_551 = arith.mulf %get3A_550, %broadcast_in_dim3A_506 : vector<16xf32>
            %swap3A_552 = arith.index_cast %add3A_503 : i32 to index
            %swap3A_553 = arith.constant 64 : index
            %swap3A_554 = tpu.vector_load %arg12[%swap3A_552, %swap3A_553] {strides = array<i32>} : memref<128x128xf32, #tpu.memory_space<vmem>>, vector<1x16xf32>,
            %swap3A_555 = vector.shape_cast %swap3A_554 : vector<1x16xf32> to vector<16xf32>
            %swap3A_556 = vector.shape_cast %mul3A_551 : vector<16xf32> to vector<1x16xf32>
            tpu.vector_store %arg12[%swap3A_552, %swap3A_553], %swap3A_556 {strides = array<i32>} : memref<128x128xf32, #tpu.memory_space<vmem>>, vector<1x16xf32>,
            %get3A_557 = arith.index_cast %add3A_503 : i32 to index
            %get3A_558 = arith.constant 80 : index
            %get3A_559 = tpu.vector_load %arg12[%get3A_557, %get3A_558] {strides = array<i32>} : memref<128x128xf32, #tpu.memory_space<vmem>>, vector<1x16xf32>,
            %get3A_560 = vector.shape_cast %get3A_559 : vector<1x16xf32> to vector<16xf32>
            %mul3A_561 = arith.mulf %get3A_560, %broadcast_in_dim3A_506 : vector<16xf32>
            %swap3A_562 = arith.index_cast %add3A_503 : i32 to index
            %swap3A_563 = arith.constant 80 : index
            %swap3A_564 = tpu.vector_load %arg12[%swap3A_562, %swap3A_563] {strides = array<i32>} : memref<128x128xf32, #tpu.memory_space<vmem>>, vector<1x16xf32>,
            %swap3A_565 = vector.shape_cast %swap3A_564 : vector<1x16xf32> to vector<16xf32>
            %swap3A_566 = vector.shape_cast %mul3A_561 : vector<16xf32> to vector<1x16xf32>
            tpu.vector_store %arg12[%swap3A_562, %swap3A_563], %swap3A_566 {strides = array<i32>} : memref<128x128xf32, #tpu.memory_space<vmem>>, vector<1x16xf32>,
            %get3A_567 = arith.index_cast %add3A_503 : i32 to index
            %get3A_568 = arith.constant 96 : index
            %get3A_569 = tpu.vector_load %arg12[%get3A_567, %get3A_568] {strides = array<i32>} : memref<128x128xf32, #tpu.memory_space<vmem>>, vector<1x16xf32>,
            %get3A_570 = vector.shape_cast %get3A_569 : vector<1x16xf32> to vector<16xf32>
            %mul3A_571 = arith.mulf %get3A_570, %broadcast_in_dim3A_506 : vector<16xf32>
            %swap3A_572 = arith.index_cast %add3A_503 : i32 to index
            %swap3A_573 = arith.constant 96 : index
            %swap3A_574 = tpu.vector_load %arg12[%swap3A_572, %swap3A_573] {strides = array<i32>} : memref<128x128xf32, #tpu.memory_space<vmem>>, vector<1x16xf32>,
            %swap3A_575 = vector.shape_cast %swap3A_574 : vector<1x16xf32> to vector<16xf32>
            %swap3A_576 = vector.shape_cast %mul3A_571 : vector<16xf32> to vector<1x16xf32>
            tpu.vector_store %arg12[%swap3A_572, %swap3A_573], %swap3A_576 {strides = array<i32>} : memref<128x128xf32, #tpu.memory_space<vmem>>, vector<1x16xf32>,
            %get3A_577 = arith.index_cast %add3A_503 : i32 to index
            %get3A_578 = arith.constant 112 : index
            %get3A_579 = tpu.vector_load %arg12[%get3A_577, %get3A_578] {strides = array<i32>} : memref<128x128xf32, #tpu.memory_space<vmem>>, vector<1x16xf32>,
            %get3A_580 = vector.shape_cast %get3A_579 : vector<1x16xf32> to vector<16xf32>
            %mul3A_581 = arith.mulf %get3A_580, %broadcast_in_dim3A_506 : vector<16xf32>
            %swap3A_582 = arith.index_cast %add3A_503 : i32 to index
            %swap3A_583 = arith.constant 112 : index
            %swap3A_584 = tpu.vector_load %arg12[%swap3A_582, %swap3A_583] {strides = array<i32>} : memref<128x128xf32, #tpu.memory_space<vmem>>, vector<1x16xf32>,
            %swap3A_585 = vector.shape_cast %swap3A_584 : vector<1x16xf32> to vector<16xf32>
            %swap3A_586 = vector.shape_cast %mul3A_581 : vector<16xf32> to vector<1x16xf32>
            tpu.vector_store %arg12[%swap3A_582, %swap3A_583], %swap3A_586 {strides = array<i32>} : memref<128x128xf32, #tpu.memory_space<vmem>>, vector<1x16xf32>,
            %mul3A_587 = arith.constant 16 : i32
            %mul3A_588 = arith.muli %scan3A_62, %mul3A_587 : i32
            %add3A_589 = arith.constant 6 : i32
            %add3A_590 = arith.addi %mul3A_588, %add3A_589 : i32
            %slice3A_591 = vector.extract_strided_slice %get3A_68 {offsets = [6], sizes = [1], strides = [1]} : vector<16xf32> to vector<1xf32>
            %squeeze3A_592 = vector.extract %slice3A_591[0] : f32 from vector<1xf32>
            %broadcast_in_dim3A_593 = vector.broadcast %squeeze3A_592 : f32 to vector<16xf32>
            %get3A_594 = arith.index_cast %add3A_590 : i32 to index
            %get3A_595 = arith.constant 0 : index
            %get3A_596 = tpu.vector_load %arg12[%get3A_594, %get3A_595] {strides = array<i32>} : memref<128x128xf32, #tpu.memory_space<vmem>>, vector<1x16xf32>,
            %get3A_597 = vector.shape_cast %get3A_596 : vector<1x16xf32> to vector<16xf32>
            %mul3A_598 = arith.mulf %get3A_597, %broadcast_in_dim3A_593 : vector<16xf32>
            %swap3A_599 = arith.index_cast %add3A_590 : i32 to index
            %swap3A_600 = arith.constant 0 : index
            %swap3A_601 = tpu.vector_load %arg12[%swap3A_599, %swap3A_600] {strides = array<i32>} : memref<128x128xf32, #tpu.memory_space<vmem>>, vector<1x16xf32>,
            %swap3A_602 = vector.shape_cast %swap3A_601 : vector<1x16xf32> to vector<16xf32>
            %swap3A_603 = vector.shape_cast %mul3A_598 : vector<16xf32> to vector<1x16xf32>
            tpu.vector_store %arg12[%swap3A_599, %swap3A_600], %swap3A_603 {strides = array<i32>} : memref<128x128xf32, #tpu.memory_space<vmem>>, vector<1x16xf32>,
            %get3A_604 = arith.index_cast %add3A_590 : i32 to index
            %get3A_605 = arith.constant 16 : index
            %get3A_606 = tpu.vector_load %arg12[%get3A_604, %get3A_605] {strides = array<i32>} : memref<128x128xf32, #tpu.memory_space<vmem>>, vector<1x16xf32>,
            %get3A_607 = vector.shape_cast %get3A_606 : vector<1x16xf32> to vector<16xf32>
            %mul3A_608 = arith.mulf %get3A_607, %broadcast_in_dim3A_593 : vector<16xf32>
            %swap3A_609 = arith.index_cast %add3A_590 : i32 to index
            %swap3A_610 = arith.constant 16 : index
            %swap3A_611 = tpu.vector_load %arg12[%swap3A_609, %swap3A_610] {strides = array<i32>} : memref<128x128xf32, #tpu.memory_space<vmem>>, vector<1x16xf32>,
            %swap3A_612 = vector.shape_cast %swap3A_611 : vector<1x16xf32> to vector<16xf32>
            %swap3A_613 = vector.shape_cast %mul3A_608 : vector<16xf32> to vector<1x16xf32>
            tpu.vector_store %arg12[%swap3A_609, %swap3A_610], %swap3A_613 {strides = array<i32>} : memref<128x128xf32, #tpu.memory_space<vmem>>, vector<1x16xf32>,
            %get3A_614 = arith.index_cast %add3A_590 : i32 to index
            %get3A_615 = arith.constant 32 : index
            %get3A_616 = tpu.vector_load %arg12[%get3A_614, %get3A_615] {strides = array<i32>} : memref<128x128xf32, #tpu.memory_space<vmem>>, vector<1x16xf32>,
            %get3A_617 = vector.shape_cast %get3A_616 : vector<1x16xf32> to vector<16xf32>
            %mul3A_618 = arith.mulf %get3A_617, %broadcast_in_dim3A_593 : vector<16xf32>
            %swap3A_619 = arith.index_cast %add3A_590 : i32 to index
            %swap3A_620 = arith.constant 32 : index
            %swap3A_621 = tpu.vector_load %arg12[%swap3A_619, %swap3A_620] {strides = array<i32>} : memref<128x128xf32, #tpu.memory_space<vmem>>, vector<1x16xf32>,
            %swap3A_622 = vector.shape_cast %swap3A_621 : vector<1x16xf32> to vector<16xf32>
            %swap3A_623 = vector.shape_cast %mul3A_618 : vector<16xf32> to vector<1x16xf32>
            tpu.vector_store %arg12[%swap3A_619, %swap3A_620], %swap3A_623 {strides = array<i32>} : memref<128x128xf32, #tpu.memory_space<vmem>>, vector<1x16xf32>,
            %get3A_624 = arith.index_cast %add3A_590 : i32 to index
            %get3A_625 = arith.constant 48 : index
            %get3A_626 = tpu.vector_load %arg12[%get3A_624, %get3A_625] {strides = array<i32>} : memref<128x128xf32, #tpu.memory_space<vmem>>, vector<1x16xf32>,
            %get3A_627 = vector.shape_cast %get3A_626 : vector<1x16xf32> to vector<16xf32>
            %mul3A_628 = arith.mulf %get3A_627, %broadcast_in_dim3A_593 : vector<16xf32>
            %swap3A_629 = arith.index_cast %add3A_590 : i32 to index
            %swap3A_630 = arith.constant 48 : index
            %swap3A_631 = tpu.vector_load %arg12[%swap3A_629, %swap3A_630] {strides = array<i32>} : memref<128x128xf32, #tpu.memory_space<vmem>>, vector<1x16xf32>,
            %swap3A_632 = vector.shape_cast %swap3A_631 : vector<1x16xf32> to vector<16xf32>
            %swap3A_633 = vector.shape_cast %mul3A_628 : vector<16xf32> to vector<1x16xf32>
            tpu.vector_store %arg12[%swap3A_629, %swap3A_630], %swap3A_633 {strides = array<i32>} : memref<128x128xf32, #tpu.memory_space<vmem>>, vector<1x16xf32>,
            %get3A_634 = arith.index_cast %add3A_590 : i32 to index
            %get3A_635 = arith.constant 64 : index
            %get3A_636 = tpu.vector_load %arg12[%get3A_634, %get3A_635] {strides = array<i32>} : memref<128x128xf32, #tpu.memory_space<vmem>>, vector<1x16xf32>,
            %get3A_637 = vector.shape_cast %get3A_636 : vector<1x16xf32> to vector<16xf32>
            %mul3A_638 = arith.mulf %get3A_637, %broadcast_in_dim3A_593 : vector<16xf32>
            %swap3A_639 = arith.index_cast %add3A_590 : i32 to index
            %swap3A_640 = arith.constant 64 : index
            %swap3A_641 = tpu.vector_load %arg12[%swap3A_639, %swap3A_640] {strides = array<i32>} : memref<128x128xf32, #tpu.memory_space<vmem>>, vector<1x16xf32>,
            %swap3A_642 = vector.shape_cast %swap3A_641 : vector<1x16xf32> to vector<16xf32>
            %swap3A_643 = vector.shape_cast %mul3A_638 : vector<16xf32> to vector<1x16xf32>
            tpu.vector_store %arg12[%swap3A_639, %swap3A_640], %swap3A_643 {strides = array<i32>} : memref<128x128xf32, #tpu.memory_space<vmem>>, vector<1x16xf32>,
            %get3A_644 = arith.index_cast %add3A_590 : i32 to index
            %get3A_645 = arith.constant 80 : index
            %get3A_646 = tpu.vector_load %arg12[%get3A_644, %get3A_645] {strides = array<i32>} : memref<128x128xf32, #tpu.memory_space<vmem>>, vector<1x16xf32>,
            %get3A_647 = vector.shape_cast %get3A_646 : vector<1x16xf32> to vector<16xf32>
            %mul3A_648 = arith.mulf %get3A_647, %broadcast_in_dim3A_593 : vector<16xf32>
            %swap3A_649 = arith.index_cast %add3A_590 : i32 to index
            %swap3A_650 = arith.constant 80 : index
            %swap3A_651 = tpu.vector_load %arg12[%swap3A_649, %swap3A_650] {strides = array<i32>} : memref<128x128xf32, #tpu.memory_space<vmem>>, vector<1x16xf32>,
            %swap3A_652 = vector.shape_cast %swap3A_651 : vector<1x16xf32> to vector<16xf32>
            %swap3A_653 = vector.shape_cast %mul3A_648 : vector<16xf32> to vector<1x16xf32>
            tpu.vector_store %arg12[%swap3A_649, %swap3A_650], %swap3A_653 {strides = array<i32>} : memref<128x128xf32, #tpu.memory_space<vmem>>, vector<1x16xf32>,
            %get3A_654 = arith.index_cast %add3A_590 : i32 to index
            %get3A_655 = arith.constant 96 : index
            %get3A_656 = tpu.vector_load %arg12[%get3A_654, %get3A_655] {strides = array<i32>} : memref<128x128xf32, #tpu.memory_space<vmem>>, vector<1x16xf32>,
            %get3A_657 = vector.shape_cast %get3A_656 : vector<1x16xf32> to vector<16xf32>
            %mul3A_658 = arith.mulf %get3A_657, %broadcast_in_dim3A_593 : vector<16xf32>
            %swap3A_659 = arith.index_cast %add3A_590 : i32 to index
            %swap3A_660 = arith.constant 96 : index
            %swap3A_661 = tpu.vector_load %arg12[%swap3A_659, %swap3A_660] {strides = array<i32>} : memref<128x128xf32, #tpu.memory_space<vmem>>, vector<1x16xf32>,
            %swap3A_662 = vector.shape_cast %swap3A_661 : vector<1x16xf32> to vector<16xf32>
            %swap3A_663 = vector.shape_cast %mul3A_658 : vector<16xf32> to vector<1x16xf32>
            tpu.vector_store %arg12[%swap3A_659, %swap3A_660], %swap3A_663 {strides = array<i32>} : memref<128x128xf32, #tpu.memory_space<vmem>>, vector<1x16xf32>,
            %get3A_664 = arith.index_cast %add3A_590 : i32 to index
            %get3A_665 = arith.constant 112 : index
            %get3A_666 = tpu.vector_load %arg12[%get3A_664, %get3A_665] {strides = array<i32>} : memref<128x128xf32, #tpu.memory_space<vmem>>, vector<1x16xf32>,
            %get3A_667 = vector.shape_cast %get3A_666 : vector<1x16xf32> to vector<16xf32>
            %mul3A_668 = arith.mulf %get3A_667, %broadcast_in_dim3A_593 : vector<16xf32>
            %swap3A_669 = arith.index_cast %add3A_590 : i32 to index
            %swap3A_670 = arith.constant 112 : index
            %swap3A_671 = tpu.vector_load %arg12[%swap3A_669, %swap3A_670] {strides = array<i32>} : memref<128x128xf32, #tpu.memory_space<vmem>>, vector<1x16xf32>,
            %swap3A_672 = vector.shape_cast %swap3A_671 : vector<1x16xf32> to vector<16xf32>
            %swap3A_673 = vector.shape_cast %mul3A_668 : vector<16xf32> to vector<1x16xf32>
            tpu.vector_store %arg12[%swap3A_669, %swap3A_670], %swap3A_673 {strides = array<i32>} : memref<128x128xf32, #tpu.memory_space<vmem>>, vector<1x16xf32>,
            %mul3A_674 = arith.constant 16 : i32
            %mul3A_675 = arith.muli %scan3A_62, %mul3A_674 : i32
            %add3A_676 = arith.constant 7 : i32
            %add3A_677 = arith.addi %mul3A_675, %add3A_676 : i32
            %slice3A_678 = vector.extract_strided_slice %get3A_68 {offsets = [7], sizes = [1], strides = [1]} : vector<16xf32> to vector<1xf32>
            %squeeze3A_679 = vector.extract %slice3A_678[0] : f32 from vector<1xf32>
            %broadcast_in_dim3A_680 = vector.broadcast %squeeze3A_679 : f32 to vector<16xf32>
            %get3A_681 = arith.index_cast %add3A_677 : i32 to index
            %get3A_682 = arith.constant 0 : index
            %get3A_683 = tpu.vector_load %arg12[%get3A_681, %get3A_682] {strides = array<i32>} : memref<128x128xf32, #tpu.memory_space<vmem>>, vector<1x16xf32>,
            %get3A_684 = vector.shape_cast %get3A_683 : vector<1x16xf32> to vector<16xf32>
            %mul3A_685 = arith.mulf %get3A_684, %broadcast_in_dim3A_680 : vector<16xf32>
            %swap3A_686 = arith.index_cast %add3A_677 : i32 to index
            %swap3A_687 = arith.constant 0 : index
            %swap3A_688 = tpu.vector_load %arg12[%swap3A_686, %swap3A_687] {strides = array<i32>} : memref<128x128xf32, #tpu.memory_space<vmem>>, vector<1x16xf32>,
            %swap3A_689 = vector.shape_cast %swap3A_688 : vector<1x16xf32> to vector<16xf32>
            %swap3A_690 = vector.shape_cast %mul3A_685 : vector<16xf32> to vector<1x16xf32>
            tpu.vector_store %arg12[%swap3A_686, %swap3A_687], %swap3A_690 {strides = array<i32>} : memref<128x128xf32, #tpu.memory_space<vmem>>, vector<1x16xf32>,
            %get3A_691 = arith.index_cast %add3A_677 : i32 to index
            %get3A_692 = arith.constant 16 : index
            %get3A_693 = tpu.vector_load %arg12[%get3A_691, %get3A_692] {strides = array<i32>} : memref<128x128xf32, #tpu.memory_space<vmem>>, vector<1x16xf32>,
            %get3A_694 = vector.shape_cast %get3A_693 : vector<1x16xf32> to vector<16xf32>
            %mul3A_695 = arith.mulf %get3A_694, %broadcast_in_dim3A_680 : vector<16xf32>
            %swap3A_696 = arith.index_cast %add3A_677 : i32 to index
            %swap3A_697 = arith.constant 16 : index
            %swap3A_698 = tpu.vector_load %arg12[%swap3A_696, %swap3A_697] {strides = array<i32>} : memref<128x128xf32, #tpu.memory_space<vmem>>, vector<1x16xf32>,
            %swap3A_699 = vector.shape_cast %swap3A_698 : vector<1x16xf32> to vector<16xf32>
            %swap3A_700 = vector.shape_cast %mul3A_695 : vector<16xf32> to vector<1x16xf32>
            tpu.vector_store %arg12[%swap3A_696, %swap3A_697], %swap3A_700 {strides = array<i32>} : memref<128x128xf32, #tpu.memory_space<vmem>>, vector<1x16xf32>,
            %get3A_701 = arith.index_cast %add3A_677 : i32 to index
            %get3A_702 = arith.constant 32 : index
            %get3A_703 = tpu.vector_load %arg12[%get3A_701, %get3A_702] {strides = array<i32>} : memref<128x128xf32, #tpu.memory_space<vmem>>, vector<1x16xf32>,
            %get3A_704 = vector.shape_cast %get3A_703 : vector<1x16xf32> to vector<16xf32>
            %mul3A_705 = arith.mulf %get3A_704, %broadcast_in_dim3A_680 : vector<16xf32>
            %swap3A_706 = arith.index_cast %add3A_677 : i32 to index
            %swap3A_707 = arith.constant 32 : index
            %swap3A_708 = tpu.vector_load %arg12[%swap3A_706, %swap3A_707] {strides = array<i32>} : memref<128x128xf32, #tpu.memory_space<vmem>>, vector<1x16xf32>,
            %swap3A_709 = vector.shape_cast %swap3A_708 : vector<1x16xf32> to vector<16xf32>
            %swap3A_710 = vector.shape_cast %mul3A_705 : vector<16xf32> to vector<1x16xf32>
            tpu.vector_store %arg12[%swap3A_706, %swap3A_707], %swap3A_710 {strides = array<i32>} : memref<128x128xf32, #tpu.memory_space<vmem>>, vector<1x16xf32>,
            %get3A_711 = arith.index_cast %add3A_677 : i32 to index
            %get3A_712 = arith.constant 48 : index
            %get3A_713 = tpu.vector_load %arg12[%get3A_711, %get3A_712] {strides = array<i32>} : memref<128x128xf32, #tpu.memory_space<vmem>>, vector<1x16xf32>,
            %get3A_714 = vector.shape_cast %get3A_713 : vector<1x16xf32> to vector<16xf32>
            %mul3A_715 = arith.mulf %get3A_714, %broadcast_in_dim3A_680 : vector<16xf32>
            %swap3A_716 = arith.index_cast %add3A_677 : i32 to index
            %swap3A_717 = arith.constant 48 : index
            %swap3A_718 = tpu.vector_load %arg12[%swap3A_716, %swap3A_717] {strides = array<i32>} : memref<128x128xf32, #tpu.memory_space<vmem>>, vector<1x16xf32>,
            %swap3A_719 = vector.shape_cast %swap3A_718 : vector<1x16xf32> to vector<16xf32>
            %swap3A_720 = vector.shape_cast %mul3A_715 : vector<16xf32> to vector<1x16xf32>
            tpu.vector_store %arg12[%swap3A_716, %swap3A_717], %swap3A_720 {strides = array<i32>} : memref<128x128xf32, #tpu.memory_space<vmem>>, vector<1x16xf32>,
            %get3A_721 = arith.index_cast %add3A_677 : i32 to index
            %get3A_722 = arith.constant 64 : index
            %get3A_723 = tpu.vector_load %arg12[%get3A_721, %get3A_722] {strides = array<i32>} : memref<128x128xf32, #tpu.memory_space<vmem>>, vector<1x16xf32>,
            %get3A_724 = vector.shape_cast %get3A_723 : vector<1x16xf32> to vector<16xf32>
            %mul3A_725 = arith.mulf %get3A_724, %broadcast_in_dim3A_680 : vector<16xf32>
            %swap3A_726 = arith.index_cast %add3A_677 : i32 to index
            %swap3A_727 = arith.constant 64 : index
            %swap3A_728 = tpu.vector_load %arg12[%swap3A_726, %swap3A_727] {strides = array<i32>} : memref<128x128xf32, #tpu.memory_space<vmem>>, vector<1x16xf32>,
            %swap3A_729 = vector.shape_cast %swap3A_728 : vector<1x16xf32> to vector<16xf32>
            %swap3A_730 = vector.shape_cast %mul3A_725 : vector<16xf32> to vector<1x16xf32>
            tpu.vector_store %arg12[%swap3A_726, %swap3A_727], %swap3A_730 {strides = array<i32>} : memref<128x128xf32, #tpu.memory_space<vmem>>, vector<1x16xf32>,
            %get3A_731 = arith.index_cast %add3A_677 : i32 to index
            %get3A_732 = arith.constant 80 : index
            %get3A_733 = tpu.vector_load %arg12[%get3A_731, %get3A_732] {strides = array<i32>} : memref<128x128xf32, #tpu.memory_space<vmem>>, vector<1x16xf32>,
            %get3A_734 = vector.shape_cast %get3A_733 : vector<1x16xf32> to vector<16xf32>
            %mul3A_735 = arith.mulf %get3A_734, %broadcast_in_dim3A_680 : vector<16xf32>
            %swap3A_736 = arith.index_cast %add3A_677 : i32 to index
            %swap3A_737 = arith.constant 80 : index
            %swap3A_738 = tpu.vector_load %arg12[%swap3A_736, %swap3A_737] {strides = array<i32>} : memref<128x128xf32, #tpu.memory_space<vmem>>, vector<1x16xf32>,
            %swap3A_739 = vector.shape_cast %swap3A_738 : vector<1x16xf32> to vector<16xf32>
            %swap3A_740 = vector.shape_cast %mul3A_735 : vector<16xf32> to vector<1x16xf32>
            tpu.vector_store %arg12[%swap3A_736, %swap3A_737], %swap3A_740 {strides = array<i32>} : memref<128x128xf32, #tpu.memory_space<vmem>>, vector<1x16xf32>,
            %get3A_741 = arith.index_cast %add3A_677 : i32 to index
            %get3A_742 = arith.constant 96 : index
            %get3A_743 = tpu.vector_load %arg12[%get3A_741, %get3A_742] {strides = array<i32>} : memref<128x128xf32, #tpu.memory_space<vmem>>, vector<1x16xf32>,
            %get3A_744 = vector.shape_cast %get3A_743 : vector<1x16xf32> to vector<16xf32>
            %mul3A_745 = arith.mulf %get3A_744, %broadcast_in_dim3A_680 : vector<16xf32>
            %swap3A_746 = arith.index_cast %add3A_677 : i32 to index
            %swap3A_747 = arith.constant 96 : index
            %swap3A_748 = tpu.vector_load %arg12[%swap3A_746, %swap3A_747] {strides = array<i32>} : memref<128x128xf32, #tpu.memory_space<vmem>>, vector<1x16xf32>,
            %swap3A_749 = vector.shape_cast %swap3A_748 : vector<1x16xf32> to vector<16xf32>
            %swap3A_750 = vector.shape_cast %mul3A_745 : vector<16xf32> to vector<1x16xf32>
            tpu.vector_store %arg12[%swap3A_746, %swap3A_747], %swap3A_750 {strides = array<i32>} : memref<128x128xf32, #tpu.memory_space<vmem>>, vector<1x16xf32>,
            %get3A_751 = arith.index_cast %add3A_677 : i32 to index
            %get3A_752 = arith.constant 112 : index
            %get3A_753 = tpu.vector_load %arg12[%get3A_751, %get3A_752] {strides = array<i32>} : memref<128x128xf32, #tpu.memory_space<vmem>>, vector<1x16xf32>,
            %get3A_754 = vector.shape_cast %get3A_753 : vector<1x16xf32> to vector<16xf32>
            %mul3A_755 = arith.mulf %get3A_754, %broadcast_in_dim3A_680 : vector<16xf32>
            %swap3A_756 = arith.index_cast %add3A_677 : i32 to index
            %swap3A_757 = arith.constant 112 : index
            %swap3A_758 = tpu.vector_load %arg12[%swap3A_756, %swap3A_757] {strides = array<i32>} : memref<128x128xf32, #tpu.memory_space<vmem>>, vector<1x16xf32>,
            %swap3A_759 = vector.shape_cast %swap3A_758 : vector<1x16xf32> to vector<16xf32>
            %swap3A_760 = vector.shape_cast %mul3A_755 : vector<16xf32> to vector<1x16xf32>
            tpu.vector_store %arg12[%swap3A_756, %swap3A_757], %swap3A_760 {strides = array<i32>} : memref<128x128xf32, #tpu.memory_space<vmem>>, vector<1x16xf32>,
            %mul3A_761 = arith.constant 16 : i32
            %mul3A_762 = arith.muli %scan3A_62, %mul3A_761 : i32
            %add3A_763 = arith.constant 8 : i32
            %add3A_764 = arith.addi %mul3A_762, %add3A_763 : i32
            %slice3A_765 = vector.extract_strided_slice %get3A_68 {offsets = [8], sizes = [1], strides = [1]} : vector<16xf32> to vector<1xf32>
            %squeeze3A_766 = vector.extract %slice3A_765[0] : f32 from vector<1xf32>
            %broadcast_in_dim3A_767 = vector.broadcast %squeeze3A_766 : f32 to vector<16xf32>
            %get3A_768 = arith.index_cast %add3A_764 : i32 to index
            %get3A_769 = arith.constant 0 : index
            %get3A_770 = tpu.vector_load %arg12[%get3A_768, %get3A_769] {strides = array<i32>} : memref<128x128xf32, #tpu.memory_space<vmem>>, vector<1x16xf32>,
            %get3A_771 = vector.shape_cast %get3A_770 : vector<1x16xf32> to vector<16xf32>
            %mul3A_772 = arith.mulf %get3A_771, %broadcast_in_dim3A_767 : vector<16xf32>
            %swap3A_773 = arith.index_cast %add3A_764 : i32 to index
            %swap3A_774 = arith.constant 0 : index
            %swap3A_775 = tpu.vector_load %arg12[%swap3A_773, %swap3A_774] {strides = array<i32>} : memref<128x128xf32, #tpu.memory_space<vmem>>, vector<1x16xf32>,
            %swap3A_776 = vector.shape_cast %swap3A_775 : vector<1x16xf32> to vector<16xf32>
            %swap3A_777 = vector.shape_cast %mul3A_772 : vector<16xf32> to vector<1x16xf32>
            tpu.vector_store %arg12[%swap3A_773, %swap3A_774], %swap3A_777 {strides = array<i32>} : memref<128x128xf32, #tpu.memory_space<vmem>>, vector<1x16xf32>,
            %get3A_778 = arith.index_cast %add3A_764 : i32 to index
            %get3A_779 = arith.constant 16 : index
            %get3A_780 = tpu.vector_load %arg12[%get3A_778, %get3A_779] {strides = array<i32>} : memref<128x128xf32, #tpu.memory_space<vmem>>, vector<1x16xf32>,
            %get3A_781 = vector.shape_cast %get3A_780 : vector<1x16xf32> to vector<16xf32>
            %mul3A_782 = arith.mulf %get3A_781, %broadcast_in_dim3A_767 : vector<16xf32>
            %swap3A_783 = arith.index_cast %add3A_764 : i32 to index
            %swap3A_784 = arith.constant 16 : index
            %swap3A_785 = tpu.vector_load %arg12[%swap3A_783, %swap3A_784] {strides = array<i32>} : memref<128x128xf32, #tpu.memory_space<vmem>>, vector<1x16xf32>,
            %swap3A_786 = vector.shape_cast %swap3A_785 : vector<1x16xf32> to vector<16xf32>
            %swap3A_787 = vector.shape_cast %mul3A_782 : vector<16xf32> to vector<1x16xf32>
            tpu.vector_store %arg12[%swap3A_783, %swap3A_784], %swap3A_787 {strides = array<i32>} : memref<128x128xf32, #tpu.memory_space<vmem>>, vector<1x16xf32>,
            %get3A_788 = arith.index_cast %add3A_764 : i32 to index
            %get3A_789 = arith.constant 32 : index
            %get3A_790 = tpu.vector_load %arg12[%get3A_788, %get3A_789] {strides = array<i32>} : memref<128x128xf32, #tpu.memory_space<vmem>>, vector<1x16xf32>,
            %get3A_791 = vector.shape_cast %get3A_790 : vector<1x16xf32> to vector<16xf32>
            %mul3A_792 = arith.mulf %get3A_791, %broadcast_in_dim3A_767 : vector<16xf32>
            %swap3A_793 = arith.index_cast %add3A_764 : i32 to index
            %swap3A_794 = arith.constant 32 : index
            %swap3A_795 = tpu.vector_load %arg12[%swap3A_793, %swap3A_794] {strides = array<i32>} : memref<128x128xf32, #tpu.memory_space<vmem>>, vector<1x16xf32>,
            %swap3A_796 = vector.shape_cast %swap3A_795 : vector<1x16xf32> to vector<16xf32>
            %swap3A_797 = vector.shape_cast %mul3A_792 : vector<16xf32> to vector<1x16xf32>
            tpu.vector_store %arg12[%swap3A_793, %swap3A_794], %swap3A_797 {strides = array<i32>} : memref<128x128xf32, #tpu.memory_space<vmem>>, vector<1x16xf32>,
            %get3A_798 = arith.index_cast %add3A_764 : i32 to index
            %get3A_799 = arith.constant 48 : index
            %get3A_800 = tpu.vector_load %arg12[%get3A_798, %get3A_799] {strides = array<i32>} : memref<128x128xf32, #tpu.memory_space<vmem>>, vector<1x16xf32>,
            %get3A_801 = vector.shape_cast %get3A_800 : vector<1x16xf32> to vector<16xf32>
            %mul3A_802 = arith.mulf %get3A_801, %broadcast_in_dim3A_767 : vector<16xf32>
            %swap3A_803 = arith.index_cast %add3A_764 : i32 to index
            %swap3A_804 = arith.constant 48 : index
            %swap3A_805 = tpu.vector_load %arg12[%swap3A_803, %swap3A_804] {strides = array<i32>} : memref<128x128xf32, #tpu.memory_space<vmem>>, vector<1x16xf32>,
            %swap3A_806 = vector.shape_cast %swap3A_805 : vector<1x16xf32> to vector<16xf32>
            %swap3A_807 = vector.shape_cast %mul3A_802 : vector<16xf32> to vector<1x16xf32>
            tpu.vector_store %arg12[%swap3A_803, %swap3A_804], %swap3A_807 {strides = array<i32>} : memref<128x128xf32, #tpu.memory_space<vmem>>, vector<1x16xf32>,
            %get3A_808 = arith.index_cast %add3A_764 : i32 to index
            %get3A_809 = arith.constant 64 : index
            %get3A_810 = tpu.vector_load %arg12[%get3A_808, %get3A_809] {strides = array<i32>} : memref<128x128xf32, #tpu.memory_space<vmem>>, vector<1x16xf32>,
            %get3A_811 = vector.shape_cast %get3A_810 : vector<1x16xf32> to vector<16xf32>
            %mul3A_812 = arith.mulf %get3A_811, %broadcast_in_dim3A_767 : vector<16xf32>
            %swap3A_813 = arith.index_cast %add3A_764 : i32 to index
            %swap3A_814 = arith.constant 64 : index
            %swap3A_815 = tpu.vector_load %arg12[%swap3A_813, %swap3A_814] {strides = array<i32>} : memref<128x128xf32, #tpu.memory_space<vmem>>, vector<1x16xf32>,
            %swap3A_816 = vector.shape_cast %swap3A_815 : vector<1x16xf32> to vector<16xf32>
            %swap3A_817 = vector.shape_cast %mul3A_812 : vector<16xf32> to vector<1x16xf32>
            tpu.vector_store %arg12[%swap3A_813, %swap3A_814], %swap3A_817 {strides = array<i32>} : memref<128x128xf32, #tpu.memory_space<vmem>>, vector<1x16xf32>,
            %get3A_818 = arith.index_cast %add3A_764 : i32 to index
            %get3A_819 = arith.constant 80 : index
            %get3A_820 = tpu.vector_load %arg12[%get3A_818, %get3A_819] {strides = array<i32>} : memref<128x128xf32, #tpu.memory_space<vmem>>, vector<1x16xf32>,
            %get3A_821 = vector.shape_cast %get3A_820 : vector<1x16xf32> to vector<16xf32>
            %mul3A_822 = arith.mulf %get3A_821, %broadcast_in_dim3A_767 : vector<16xf32>
            %swap3A_823 = arith.index_cast %add3A_764 : i32 to index
            %swap3A_824 = arith.constant 80 : index
            %swap3A_825 = tpu.vector_load %arg12[%swap3A_823, %swap3A_824] {strides = array<i32>} : memref<128x128xf32, #tpu.memory_space<vmem>>, vector<1x16xf32>,
            %swap3A_826 = vector.shape_cast %swap3A_825 : vector<1x16xf32> to vector<16xf32>
            %swap3A_827 = vector.shape_cast %mul3A_822 : vector<16xf32> to vector<1x16xf32>
            tpu.vector_store %arg12[%swap3A_823, %swap3A_824], %swap3A_827 {strides = array<i32>} : memref<128x128xf32, #tpu.memory_space<vmem>>, vector<1x16xf32>,
            %get3A_828 = arith.index_cast %add3A_764 : i32 to index
            %get3A_829 = arith.constant 96 : index
            %get3A_830 = tpu.vector_load %arg12[%get3A_828, %get3A_829] {strides = array<i32>} : memref<128x128xf32, #tpu.memory_space<vmem>>, vector<1x16xf32>,
            %get3A_831 = vector.shape_cast %get3A_830 : vector<1x16xf32> to vector<16xf32>
            %mul3A_832 = arith.mulf %get3A_831, %broadcast_in_dim3A_767 : vector<16xf32>
            %swap3A_833 = arith.index_cast %add3A_764 : i32 to index
            %swap3A_834 = arith.constant 96 : index
            %swap3A_835 = tpu.vector_load %arg12[%swap3A_833, %swap3A_834] {strides = array<i32>} : memref<128x128xf32, #tpu.memory_space<vmem>>, vector<1x16xf32>,
            %swap3A_836 = vector.shape_cast %swap3A_835 : vector<1x16xf32> to vector<16xf32>
            %swap3A_837 = vector.shape_cast %mul3A_832 : vector<16xf32> to vector<1x16xf32>
            tpu.vector_store %arg12[%swap3A_833, %swap3A_834], %swap3A_837 {strides = array<i32>} : memref<128x128xf32, #tpu.memory_space<vmem>>, vector<1x16xf32>,
            %get3A_838 = arith.index_cast %add3A_764 : i32 to index
            %get3A_839 = arith.constant 112 : index
            %get3A_840 = tpu.vector_load %arg12[%get3A_838, %get3A_839] {strides = array<i32>} : memref<128x128xf32, #tpu.memory_space<vmem>>, vector<1x16xf32>,
            %get3A_841 = vector.shape_cast %get3A_840 : vector<1x16xf32> to vector<16xf32>
            %mul3A_842 = arith.mulf %get3A_841, %broadcast_in_dim3A_767 : vector<16xf32>
            %swap3A_843 = arith.index_cast %add3A_764 : i32 to index
            %swap3A_844 = arith.constant 112 : index
            %swap3A_845 = tpu.vector_load %arg12[%swap3A_843, %swap3A_844] {strides = array<i32>} : memref<128x128xf32, #tpu.memory_space<vmem>>, vector<1x16xf32>,
            %swap3A_846 = vector.shape_cast %swap3A_845 : vector<1x16xf32> to vector<16xf32>
            %swap3A_847 = vector.shape_cast %mul3A_842 : vector<16xf32> to vector<1x16xf32>
            tpu.vector_store %arg12[%swap3A_843, %swap3A_844], %swap3A_847 {strides = array<i32>} : memref<128x128xf32, #tpu.memory_space<vmem>>, vector<1x16xf32>,
            %mul3A_848 = arith.constant 16 : i32
            %mul3A_849 = arith.muli %scan3A_62, %mul3A_848 : i32
            %add3A_850 = arith.constant 9 : i32
            %add3A_851 = arith.addi %mul3A_849, %add3A_850 : i32
            %slice3A_852 = vector.extract_strided_slice %get3A_68 {offsets = [9], sizes = [1], strides = [1]} : vector<16xf32> to vector<1xf32>
            %squeeze3A_853 = vector.extract %slice3A_852[0] : f32 from vector<1xf32>
            %broadcast_in_dim3A_854 = vector.broadcast %squeeze3A_853 : f32 to vector<16xf32>
            %get3A_855 = arith.index_cast %add3A_851 : i32 to index
            %get3A_856 = arith.constant 0 : index
            %get3A_857 = tpu.vector_load %arg12[%get3A_855, %get3A_856] {strides = array<i32>} : memref<128x128xf32, #tpu.memory_space<vmem>>, vector<1x16xf32>,
            %get3A_858 = vector.shape_cast %get3A_857 : vector<1x16xf32> to vector<16xf32>
            %mul3A_859 = arith.mulf %get3A_858, %broadcast_in_dim3A_854 : vector<16xf32>
            %swap3A_860 = arith.index_cast %add3A_851 : i32 to index
            %swap3A_861 = arith.constant 0 : index
            %swap3A_862 = tpu.vector_load %arg12[%swap3A_860, %swap3A_861] {strides = array<i32>} : memref<128x128xf32, #tpu.memory_space<vmem>>, vector<1x16xf32>,
            %swap3A_863 = vector.shape_cast %swap3A_862 : vector<1x16xf32> to vector<16xf32>
            %swap3A_864 = vector.shape_cast %mul3A_859 : vector<16xf32> to vector<1x16xf32>
            tpu.vector_store %arg12[%swap3A_860, %swap3A_861], %swap3A_864 {strides = array<i32>} : memref<128x128xf32, #tpu.memory_space<vmem>>, vector<1x16xf32>,
            %get3A_865 = arith.index_cast %add3A_851 : i32 to index
            %get3A_866 = arith.constant 16 : index
            %get3A_867 = tpu.vector_load %arg12[%get3A_865, %get3A_866] {strides = array<i32>} : memref<128x128xf32, #tpu.memory_space<vmem>>, vector<1x16xf32>,
            %get3A_868 = vector.shape_cast %get3A_867 : vector<1x16xf32> to vector<16xf32>
            %mul3A_869 = arith.mulf %get3A_868, %broadcast_in_dim3A_854 : vector<16xf32>
            %swap3A_870 = arith.index_cast %add3A_851 : i32 to index
            %swap3A_871 = arith.constant 16 : index
            %swap3A_872 = tpu.vector_load %arg12[%swap3A_870, %swap3A_871] {strides = array<i32>} : memref<128x128xf32, #tpu.memory_space<vmem>>, vector<1x16xf32>,
            %swap3A_873 = vector.shape_cast %swap3A_872 : vector<1x16xf32> to vector<16xf32>
            %swap3A_874 = vector.shape_cast %mul3A_869 : vector<16xf32> to vector<1x16xf32>
            tpu.vector_store %arg12[%swap3A_870, %swap3A_871], %swap3A_874 {strides = array<i32>} : memref<128x128xf32, #tpu.memory_space<vmem>>, vector<1x16xf32>,
            %get3A_875 = arith.index_cast %add3A_851 : i32 to index
            %get3A_876 = arith.constant 32 : index
            %get3A_877 = tpu.vector_load %arg12[%get3A_875, %get3A_876] {strides = array<i32>} : memref<128x128xf32, #tpu.memory_space<vmem>>, vector<1x16xf32>,
            %get3A_878 = vector.shape_cast %get3A_877 : vector<1x16xf32> to vector<16xf32>
            %mul3A_879 = arith.mulf %get3A_878, %broadcast_in_dim3A_854 : vector<16xf32>
            %swap3A_880 = arith.index_cast %add3A_851 : i32 to index
            %swap3A_881 = arith.constant 32 : index
            %swap3A_882 = tpu.vector_load %arg12[%swap3A_880, %swap3A_881] {strides = array<i32>} : memref<128x128xf32, #tpu.memory_space<vmem>>, vector<1x16xf32>,
            %swap3A_883 = vector.shape_cast %swap3A_882 : vector<1x16xf32> to vector<16xf32>
            %swap3A_884 = vector.shape_cast %mul3A_879 : vector<16xf32> to vector<1x16xf32>
            tpu.vector_store %arg12[%swap3A_880, %swap3A_881], %swap3A_884 {strides = array<i32>} : memref<128x128xf32, #tpu.memory_space<vmem>>, vector<1x16xf32>,
            %get3A_885 = arith.index_cast %add3A_851 : i32 to index
            %get3A_886 = arith.constant 48 : index
            %get3A_887 = tpu.vector_load %arg12[%get3A_885, %get3A_886] {strides = array<i32>} : memref<128x128xf32, #tpu.memory_space<vmem>>, vector<1x16xf32>,
            %get3A_888 = vector.shape_cast %get3A_887 : vector<1x16xf32> to vector<16xf32>
            %mul3A_889 = arith.mulf %get3A_888, %broadcast_in_dim3A_854 : vector<16xf32>
            %swap3A_890 = arith.index_cast %add3A_851 : i32 to index
            %swap3A_891 = arith.constant 48 : index
            %swap3A_892 = tpu.vector_load %arg12[%swap3A_890, %swap3A_891] {strides = array<i32>} : memref<128x128xf32, #tpu.memory_space<vmem>>, vector<1x16xf32>,
            %swap3A_893 = vector.shape_cast %swap3A_892 : vector<1x16xf32> to vector<16xf32>
            %swap3A_894 = vector.shape_cast %mul3A_889 : vector<16xf32> to vector<1x16xf32>
            tpu.vector_store %arg12[%swap3A_890, %swap3A_891], %swap3A_894 {strides = array<i32>} : memref<128x128xf32, #tpu.memory_space<vmem>>, vector<1x16xf32>,
            %get3A_895 = arith.index_cast %add3A_851 : i32 to index
            %get3A_896 = arith.constant 64 : index
            %get3A_897 = tpu.vector_load %arg12[%get3A_895, %get3A_896] {strides = array<i32>} : memref<128x128xf32, #tpu.memory_space<vmem>>, vector<1x16xf32>,
            %get3A_898 = vector.shape_cast %get3A_897 : vector<1x16xf32> to vector<16xf32>
            %mul3A_899 = arith.mulf %get3A_898, %broadcast_in_dim3A_854 : vector<16xf32>
            %swap3A_900 = arith.index_cast %add3A_851 : i32 to index
            %swap3A_901 = arith.constant 64 : index
            %swap3A_902 = tpu.vector_load %arg12[%swap3A_900, %swap3A_901] {strides = array<i32>} : memref<128x128xf32, #tpu.memory_space<vmem>>, vector<1x16xf32>,
            %swap3A_903 = vector.shape_cast %swap3A_902 : vector<1x16xf32> to vector<16xf32>
            %swap3A_904 = vector.shape_cast %mul3A_899 : vector<16xf32> to vector<1x16xf32>
            tpu.vector_store %arg12[%swap3A_900, %swap3A_901], %swap3A_904 {strides = array<i32>} : memref<128x128xf32, #tpu.memory_space<vmem>>, vector<1x16xf32>,
            %get3A_905 = arith.index_cast %add3A_851 : i32 to index
            %get3A_906 = arith.constant 80 : index
            %get3A_907 = tpu.vector_load %arg12[%get3A_905, %get3A_906] {strides = array<i32>} : memref<128x128xf32, #tpu.memory_space<vmem>>, vector<1x16xf32>,
            %get3A_908 = vector.shape_cast %get3A_907 : vector<1x16xf32> to vector<16xf32>
            %mul3A_909 = arith.mulf %get3A_908, %broadcast_in_dim3A_854 : vector<16xf32>
            %swap3A_910 = arith.index_cast %add3A_851 : i32 to index
            %swap3A_911 = arith.constant 80 : index
            %swap3A_912 = tpu.vector_load %arg12[%swap3A_910, %swap3A_911] {strides = array<i32>} : memref<128x128xf32, #tpu.memory_space<vmem>>, vector<1x16xf32>,
            %swap3A_913 = vector.shape_cast %swap3A_912 : vector<1x16xf32> to vector<16xf32>
            %swap3A_914 = vector.shape_cast %mul3A_909 : vector<16xf32> to vector<1x16xf32>
            tpu.vector_store %arg12[%swap3A_910, %swap3A_911], %swap3A_914 {strides = array<i32>} : memref<128x128xf32, #tpu.memory_space<vmem>>, vector<1x16xf32>,
            %get3A_915 = arith.index_cast %add3A_851 : i32 to index
            %get3A_916 = arith.constant 96 : index
            %get3A_917 = tpu.vector_load %arg12[%get3A_915, %get3A_916] {strides = array<i32>} : memref<128x128xf32, #tpu.memory_space<vmem>>, vector<1x16xf32>,
            %get3A_918 = vector.shape_cast %get3A_917 : vector<1x16xf32> to vector<16xf32>
            %mul3A_919 = arith.mulf %get3A_918, %broadcast_in_dim3A_854 : vector<16xf32>
            %swap3A_920 = arith.index_cast %add3A_851 : i32 to index
            %swap3A_921 = arith.constant 96 : index
            %swap3A_922 = tpu.vector_load %arg12[%swap3A_920, %swap3A_921] {strides = array<i32>} : memref<128x128xf32, #tpu.memory_space<vmem>>, vector<1x16xf32>,
            %swap3A_923 = vector.shape_cast %swap3A_922 : vector<1x16xf32> to vector<16xf32>
            %swap3A_924 = vector.shape_cast %mul3A_919 : vector<16xf32> to vector<1x16xf32>
            tpu.vector_store %arg12[%swap3A_920, %swap3A_921], %swap3A_924 {strides = array<i32>} : memref<128x128xf32, #tpu.memory_space<vmem>>, vector<1x16xf32>,
            %get3A_925 = arith.index_cast %add3A_851 : i32 to index
            %get3A_926 = arith.constant 112 : index
            %get3A_927 = tpu.vector_load %arg12[%get3A_925, %get3A_926] {strides = array<i32>} : memref<128x128xf32, #tpu.memory_space<vmem>>, vector<1x16xf32>,
            %get3A_928 = vector.shape_cast %get3A_927 : vector<1x16xf32> to vector<16xf32>
            %mul3A_929 = arith.mulf %get3A_928, %broadcast_in_dim3A_854 : vector<16xf32>
            %swap3A_930 = arith.index_cast %add3A_851 : i32 to index
            %swap3A_931 = arith.constant 112 : index
            %swap3A_932 = tpu.vector_load %arg12[%swap3A_930, %swap3A_931] {strides = array<i32>} : memref<128x128xf32, #tpu.memory_space<vmem>>, vector<1x16xf32>,
            %swap3A_933 = vector.shape_cast %swap3A_932 : vector<1x16xf32> to vector<16xf32>
            %swap3A_934 = vector.shape_cast %mul3A_929 : vector<16xf32> to vector<1x16xf32>
            tpu.vector_store %arg12[%swap3A_930, %swap3A_931], %swap3A_934 {strides = array<i32>} : memref<128x128xf32, #tpu.memory_space<vmem>>, vector<1x16xf32>,
            %mul3A_935 = arith.constant 16 : i32
            %mul3A_936 = arith.muli %scan3A_62, %mul3A_935 : i32
            %add3A_937 = arith.constant 10 : i32
            %add3A_938 = arith.addi %mul3A_936, %add3A_937 : i32
            %slice3A_939 = vector.extract_strided_slice %get3A_68 {offsets = [10], sizes = [1], strides = [1]} : vector<16xf32> to vector<1xf32>
            %squeeze3A_940 = vector.extract %slice3A_939[0] : f32 from vector<1xf32>
            %broadcast_in_dim3A_941 = vector.broadcast %squeeze3A_940 : f32 to vector<16xf32>
            %get3A_942 = arith.index_cast %add3A_938 : i32 to index
            %get3A_943 = arith.constant 0 : index
            %get3A_944 = tpu.vector_load %arg12[%get3A_942, %get3A_943] {strides = array<i32>} : memref<128x128xf32, #tpu.memory_space<vmem>>, vector<1x16xf32>,
            %get3A_945 = vector.shape_cast %get3A_944 : vector<1x16xf32> to vector<16xf32>
            %mul3A_946 = arith.mulf %get3A_945, %broadcast_in_dim3A_941 : vector<16xf32>
            %swap3A_947 = arith.index_cast %add3A_938 : i32 to index
            %swap3A_948 = arith.constant 0 : index
            %swap3A_949 = tpu.vector_load %arg12[%swap3A_947, %swap3A_948] {strides = array<i32>} : memref<128x128xf32, #tpu.memory_space<vmem>>, vector<1x16xf32>,
            %swap3A_950 = vector.shape_cast %swap3A_949 : vector<1x16xf32> to vector<16xf32>
            %swap3A_951 = vector.shape_cast %mul3A_946 : vector<16xf32> to vector<1x16xf32>
            tpu.vector_store %arg12[%swap3A_947, %swap3A_948], %swap3A_951 {strides = array<i32>} : memref<128x128xf32, #tpu.memory_space<vmem>>, vector<1x16xf32>,
            %get3A_952 = arith.index_cast %add3A_938 : i32 to index
            %get3A_953 = arith.constant 16 : index
            %get3A_954 = tpu.vector_load %arg12[%get3A_952, %get3A_953] {strides = array<i32>} : memref<128x128xf32, #tpu.memory_space<vmem>>, vector<1x16xf32>,
            %get3A_955 = vector.shape_cast %get3A_954 : vector<1x16xf32> to vector<16xf32>
            %mul3A_956 = arith.mulf %get3A_955, %broadcast_in_dim3A_941 : vector<16xf32>
            %swap3A_957 = arith.index_cast %add3A_938 : i32 to index
            %swap3A_958 = arith.constant 16 : index
            %swap3A_959 = tpu.vector_load %arg12[%swap3A_957, %swap3A_958] {strides = array<i32>} : memref<128x128xf32, #tpu.memory_space<vmem>>, vector<1x16xf32>,
            %swap3A_960 = vector.shape_cast %swap3A_959 : vector<1x16xf32> to vector<16xf32>
            %swap3A_961 = vector.shape_cast %mul3A_956 : vector<16xf32> to vector<1x16xf32>
            tpu.vector_store %arg12[%swap3A_957, %swap3A_958], %swap3A_961 {strides = array<i32>} : memref<128x128xf32, #tpu.memory_space<vmem>>, vector<1x16xf32>,
            %get3A_962 = arith.index_cast %add3A_938 : i32 to index
            %get3A_963 = arith.constant 32 : index
            %get3A_964 = tpu.vector_load %arg12[%get3A_962, %get3A_963] {strides = array<i32>} : memref<128x128xf32, #tpu.memory_space<vmem>>, vector<1x16xf32>,
            %get3A_965 = vector.shape_cast %get3A_964 : vector<1x16xf32> to vector<16xf32>
            %mul3A_966 = arith.mulf %get3A_965, %broadcast_in_dim3A_941 : vector<16xf32>
            %swap3A_967 = arith.index_cast %add3A_938 : i32 to index
            %swap3A_968 = arith.constant 32 : index
            %swap3A_969 = tpu.vector_load %arg12[%swap3A_967, %swap3A_968] {strides = array<i32>} : memref<128x128xf32, #tpu.memory_space<vmem>>, vector<1x16xf32>,
            %swap3A_970 = vector.shape_cast %swap3A_969 : vector<1x16xf32> to vector<16xf32>
            %swap3A_971 = vector.shape_cast %mul3A_966 : vector<16xf32> to vector<1x16xf32>
            tpu.vector_store %arg12[%swap3A_967, %swap3A_968], %swap3A_971 {strides = array<i32>} : memref<128x128xf32, #tpu.memory_space<vmem>>, vector<1x16xf32>,
            %get3A_972 = arith.index_cast %add3A_938 : i32 to index
            %get3A_973 = arith.constant 48 : index
            %get3A_974 = tpu.vector_load %arg12[%get3A_972, %get3A_973] {strides = array<i32>} : memref<128x128xf32, #tpu.memory_space<vmem>>, vector<1x16xf32>,
            %get3A_975 = vector.shape_cast %get3A_974 : vector<1x16xf32> to vector<16xf32>
            %mul3A_976 = arith.mulf %get3A_975, %broadcast_in_dim3A_941 : vector<16xf32>
            %swap3A_977 = arith.index_cast %add3A_938 : i32 to index
            %swap3A_978 = arith.constant 48 : index
            %swap3A_979 = tpu.vector_load %arg12[%swap3A_977, %swap3A_978] {strides = array<i32>} : memref<128x128xf32, #tpu.memory_space<vmem>>, vector<1x16xf32>,
            %swap3A_980 = vector.shape_cast %swap3A_979 : vector<1x16xf32> to vector<16xf32>
            %swap3A_981 = vector.shape_cast %mul3A_976 : vector<16xf32> to vector<1x16xf32>
            tpu.vector_store %arg12[%swap3A_977, %swap3A_978], %swap3A_981 {strides = array<i32>} : memref<128x128xf32, #tpu.memory_space<vmem>>, vector<1x16xf32>,
            %get3A_982 = arith.index_cast %add3A_938 : i32 to index
            %get3A_983 = arith.constant 64 : index
            %get3A_984 = tpu.vector_load %arg12[%get3A_982, %get3A_983] {strides = array<i32>} : memref<128x128xf32, #tpu.memory_space<vmem>>, vector<1x16xf32>,
            %get3A_985 = vector.shape_cast %get3A_984 : vector<1x16xf32> to vector<16xf32>
            %mul3A_986 = arith.mulf %get3A_985, %broadcast_in_dim3A_941 : vector<16xf32>
            %swap3A_987 = arith.index_cast %add3A_938 : i32 to index
            %swap3A_988 = arith.constant 64 : index
            %swap3A_989 = tpu.vector_load %arg12[%swap3A_987, %swap3A_988] {strides = array<i32>} : memref<128x128xf32, #tpu.memory_space<vmem>>, vector<1x16xf32>,
            %swap3A_990 = vector.shape_cast %swap3A_989 : vector<1x16xf32> to vector<16xf32>
            %swap3A_991 = vector.shape_cast %mul3A_986 : vector<16xf32> to vector<1x16xf32>
            tpu.vector_store %arg12[%swap3A_987, %swap3A_988], %swap3A_991 {strides = array<i32>} : memref<128x128xf32, #tpu.memory_space<vmem>>, vector<1x16xf32>,
            %get3A_992 = arith.index_cast %add3A_938 : i32 to index
            %get3A_993 = arith.constant 80 : index
            %get3A_994 = tpu.vector_load %arg12[%get3A_992, %get3A_993] {strides = array<i32>} : memref<128x128xf32, #tpu.memory_space<vmem>>, vector<1x16xf32>,
            %get3A_995 = vector.shape_cast %get3A_994 : vector<1x16xf32> to vector<16xf32>
            %mul3A_996 = arith.mulf %get3A_995, %broadcast_in_dim3A_941 : vector<16xf32>
            %swap3A_997 = arith.index_cast %add3A_938 : i32 to index
            %swap3A_998 = arith.constant 80 : index
            %swap3A_999 = tpu.vector_load %arg12[%swap3A_997, %swap3A_998] {strides = array<i32>} : memref<128x128xf32, #tpu.memory_space<vmem>>, vector<1x16xf32>,
            %swap3A_1000 = vector.shape_cast %swap3A_999 : vector<1x16xf32> to vector<16xf32>
            %swap3A_1001 = vector.shape_cast %mul3A_996 : vector<16xf32> to vector<1x16xf32>
            tpu.vector_store %arg12[%swap3A_997, %swap3A_998], %swap3A_1001 {strides = array<i32>} : memref<128x128xf32, #tpu.memory_space<vmem>>, vector<1x16xf32>,
            %get3A_1002 = arith.index_cast %add3A_938 : i32 to index
            %get3A_1003 = arith.constant 96 : index
            %get3A_1004 = tpu.vector_load %arg12[%get3A_1002, %get3A_1003] {strides = array<i32>} : memref<128x128xf32, #tpu.memory_space<vmem>>, vector<1x16xf32>,
            %get3A_1005 = vector.shape_cast %get3A_1004 : vector<1x16xf32> to vector<16xf32>
            %mul3A_1006 = arith.mulf %get3A_1005, %broadcast_in_dim3A_941 : vector<16xf32>
            %swap3A_1007 = arith.index_cast %add3A_938 : i32 to index
            %swap3A_1008 = arith.constant 96 : index
            %swap3A_1009 = tpu.vector_load %arg12[%swap3A_1007, %swap3A_1008] {strides = array<i32>} : memref<128x128xf32, #tpu.memory_space<vmem>>, vector<1x16xf32>,
            %swap3A_1010 = vector.shape_cast %swap3A_1009 : vector<1x16xf32> to vector<16xf32>
            %swap3A_1011 = vector.shape_cast %mul3A_1006 : vector<16xf32> to vector<1x16xf32>
            tpu.vector_store %arg12[%swap3A_1007, %swap3A_1008], %swap3A_1011 {strides = array<i32>} : memref<128x128xf32, #tpu.memory_space<vmem>>, vector<1x16xf32>,
            %get3A_1012 = arith.index_cast %add3A_938 : i32 to index
            %get3A_1013 = arith.constant 112 : index
            %get3A_1014 = tpu.vector_load %arg12[%get3A_1012, %get3A_1013] {strides = array<i32>} : memref<128x128xf32, #tpu.memory_space<vmem>>, vector<1x16xf32>,
            %get3A_1015 = vector.shape_cast %get3A_1014 : vector<1x16xf32> to vector<16xf32>
            %mul3A_1016 = arith.mulf %get3A_1015, %broadcast_in_dim3A_941 : vector<16xf32>
            %swap3A_1017 = arith.index_cast %add3A_938 : i32 to index
            %swap3A_1018 = arith.constant 112 : index
            %swap3A_1019 = tpu.vector_load %arg12[%swap3A_1017, %swap3A_1018] {strides = array<i32>} : memref<128x128xf32, #tpu.memory_space<vmem>>, vector<1x16xf32>,
            %swap3A_1020 = vector.shape_cast %swap3A_1019 : vector<1x16xf32> to vector<16xf32>
            %swap3A_1021 = vector.shape_cast %mul3A_1016 : vector<16xf32> to vector<1x16xf32>
            tpu.vector_store %arg12[%swap3A_1017, %swap3A_1018], %swap3A_1021 {strides = array<i32>} : memref<128x128xf32, #tpu.memory_space<vmem>>, vector<1x16xf32>,
            %mul3A_1022 = arith.constant 16 : i32
            %mul3A_1023 = arith.muli %scan3A_62, %mul3A_1022 : i32
            %add3A_1024 = arith.constant 11 : i32
            %add3A_1025 = arith.addi %mul3A_1023, %add3A_1024 : i32
            %slice3A_1026 = vector.extract_strided_slice %get3A_68 {offsets = [11], sizes = [1], strides = [1]} : vector<16xf32> to vector<1xf32>
            %squeeze3A_1027 = vector.extract %slice3A_1026[0] : f32 from vector<1xf32>
            %broadcast_in_dim3A_1028 = vector.broadcast %squeeze3A_1027 : f32 to vector<16xf32>
            %get3A_1029 = arith.index_cast %add3A_1025 : i32 to index
            %get3A_1030 = arith.constant 0 : index
            %get3A_1031 = tpu.vector_load %arg12[%get3A_1029, %get3A_1030] {strides = array<i32>} : memref<128x128xf32, #tpu.memory_space<vmem>>, vector<1x16xf32>,
            %get3A_1032 = vector.shape_cast %get3A_1031 : vector<1x16xf32> to vector<16xf32>
            %mul3A_1033 = arith.mulf %get3A_1032, %broadcast_in_dim3A_1028 : vector<16xf32>
            %swap3A_1034 = arith.index_cast %add3A_1025 : i32 to index
            %swap3A_1035 = arith.constant 0 : index
            %swap3A_1036 = tpu.vector_load %arg12[%swap3A_1034, %swap3A_1035] {strides = array<i32>} : memref<128x128xf32, #tpu.memory_space<vmem>>, vector<1x16xf32>,
            %swap3A_1037 = vector.shape_cast %swap3A_1036 : vector<1x16xf32> to vector<16xf32>
            %swap3A_1038 = vector.shape_cast %mul3A_1033 : vector<16xf32> to vector<1x16xf32>
            tpu.vector_store %arg12[%swap3A_1034, %swap3A_1035], %swap3A_1038 {strides = array<i32>} : memref<128x128xf32, #tpu.memory_space<vmem>>, vector<1x16xf32>,
            %get3A_1039 = arith.index_cast %add3A_1025 : i32 to index
            %get3A_1040 = arith.constant 16 : index
            %get3A_1041 = tpu.vector_load %arg12[%get3A_1039, %get3A_1040] {strides = array<i32>} : memref<128x128xf32, #tpu.memory_space<vmem>>, vector<1x16xf32>,
            %get3A_1042 = vector.shape_cast %get3A_1041 : vector<1x16xf32> to vector<16xf32>
            %mul3A_1043 = arith.mulf %get3A_1042, %broadcast_in_dim3A_1028 : vector<16xf32>
            %swap3A_1044 = arith.index_cast %add3A_1025 : i32 to index
            %swap3A_1045 = arith.constant 16 : index
            %swap3A_1046 = tpu.vector_load %arg12[%swap3A_1044, %swap3A_1045] {strides = array<i32>} : memref<128x128xf32, #tpu.memory_space<vmem>>, vector<1x16xf32>,
            %swap3A_1047 = vector.shape_cast %swap3A_1046 : vector<1x16xf32> to vector<16xf32>
            %swap3A_1048 = vector.shape_cast %mul3A_1043 : vector<16xf32> to vector<1x16xf32>
            tpu.vector_store %arg12[%swap3A_1044, %swap3A_1045], %swap3A_1048 {strides = array<i32>} : memref<128x128xf32, #tpu.memory_space<vmem>>, vector<1x16xf32>,
            %get3A_1049 = arith.index_cast %add3A_1025 : i32 to index
            %get3A_1050 = arith.constant 32 : index
            %get3A_1051 = tpu.vector_load %arg12[%get3A_1049, %get3A_1050] {strides = array<i32>} : memref<128x128xf32, #tpu.memory_space<vmem>>, vector<1x16xf32>,
            %get3A_1052 = vector.shape_cast %get3A_1051 : vector<1x16xf32> to vector<16xf32>
            %mul3A_1053 = arith.mulf %get3A_1052, %broadcast_in_dim3A_1028 : vector<16xf32>
            %swap3A_1054 = arith.index_cast %add3A_1025 : i32 to index
            %swap3A_1055 = arith.constant 32 : index
            %swap3A_1056 = tpu.vector_load %arg12[%swap3A_1054, %swap3A_1055] {strides = array<i32>} : memref<128x128xf32, #tpu.memory_space<vmem>>, vector<1x16xf32>,
            %swap3A_1057 = vector.shape_cast %swap3A_1056 : vector<1x16xf32> to vector<16xf32>
            %swap3A_1058 = vector.shape_cast %mul3A_1053 : vector<16xf32> to vector<1x16xf32>
            tpu.vector_store %arg12[%swap3A_1054, %swap3A_1055], %swap3A_1058 {strides = array<i32>} : memref<128x128xf32, #tpu.memory_space<vmem>>, vector<1x16xf32>,
            %get3A_1059 = arith.index_cast %add3A_1025 : i32 to index
            %get3A_1060 = arith.constant 48 : index
            %get3A_1061 = tpu.vector_load %arg12[%get3A_1059, %get3A_1060] {strides = array<i32>} : memref<128x128xf32, #tpu.memory_space<vmem>>, vector<1x16xf32>,
            %get3A_1062 = vector.shape_cast %get3A_1061 : vector<1x16xf32> to vector<16xf32>
            %mul3A_1063 = arith.mulf %get3A_1062, %broadcast_in_dim3A_1028 : vector<16xf32>
            %swap3A_1064 = arith.index_cast %add3A_1025 : i32 to index
            %swap3A_1065 = arith.constant 48 : index
            %swap3A_1066 = tpu.vector_load %arg12[%swap3A_1064, %swap3A_1065] {strides = array<i32>} : memref<128x128xf32, #tpu.memory_space<vmem>>, vector<1x16xf32>,
            %swap3A_1067 = vector.shape_cast %swap3A_1066 : vector<1x16xf32> to vector<16xf32>
            %swap3A_1068 = vector.shape_cast %mul3A_1063 : vector<16xf32> to vector<1x16xf32>
            tpu.vector_store %arg12[%swap3A_1064, %swap3A_1065], %swap3A_1068 {strides = array<i32>} : memref<128x128xf32, #tpu.memory_space<vmem>>, vector<1x16xf32>,
            %get3A_1069 = arith.index_cast %add3A_1025 : i32 to index
            %get3A_1070 = arith.constant 64 : index
            %get3A_1071 = tpu.vector_load %arg12[%get3A_1069, %get3A_1070] {strides = array<i32>} : memref<128x128xf32, #tpu.memory_space<vmem>>, vector<1x16xf32>,
            %get3A_1072 = vector.shape_cast %get3A_1071 : vector<1x16xf32> to vector<16xf32>
            %mul3A_1073 = arith.mulf %get3A_1072, %broadcast_in_dim3A_1028 : vector<16xf32>
            %swap3A_1074 = arith.index_cast %add3A_1025 : i32 to index
            %swap3A_1075 = arith.constant 64 : index
            %swap3A_1076 = tpu.vector_load %arg12[%swap3A_1074, %swap3A_1075] {strides = array<i32>} : memref<128x128xf32, #tpu.memory_space<vmem>>, vector<1x16xf32>,
            %swap3A_1077 = vector.shape_cast %swap3A_1076 : vector<1x16xf32> to vector<16xf32>
            %swap3A_1078 = vector.shape_cast %mul3A_1073 : vector<16xf32> to vector<1x16xf32>
            tpu.vector_store %arg12[%swap3A_1074, %swap3A_1075], %swap3A_1078 {strides = array<i32>} : memref<128x128xf32, #tpu.memory_space<vmem>>, vector<1x16xf32>,
            %get3A_1079 = arith.index_cast %add3A_1025 : i32 to index
            %get3A_1080 = arith.constant 80 : index
            %get3A_1081 = tpu.vector_load %arg12[%get3A_1079, %get3A_1080] {strides = array<i32>} : memref<128x128xf32, #tpu.memory_space<vmem>>, vector<1x16xf32>,
            %get3A_1082 = vector.shape_cast %get3A_1081 : vector<1x16xf32> to vector<16xf32>
            %mul3A_1083 = arith.mulf %get3A_1082, %broadcast_in_dim3A_1028 : vector<16xf32>
            %swap3A_1084 = arith.index_cast %add3A_1025 : i32 to index
            %swap3A_1085 = arith.constant 80 : index
            %swap3A_1086 = tpu.vector_load %arg12[%swap3A_1084, %swap3A_1085] {strides = array<i32>} : memref<128x128xf32, #tpu.memory_space<vmem>>, vector<1x16xf32>,
            %swap3A_1087 = vector.shape_cast %swap3A_1086 : vector<1x16xf32> to vector<16xf32>
            %swap3A_1088 = vector.shape_cast %mul3A_1083 : vector<16xf32> to vector<1x16xf32>
            tpu.vector_store %arg12[%swap3A_1084, %swap3A_1085], %swap3A_1088 {strides = array<i32>} : memref<128x128xf32, #tpu.memory_space<vmem>>, vector<1x16xf32>,
            %get3A_1089 = arith.index_cast %add3A_1025 : i32 to index
            %get3A_1090 = arith.constant 96 : index
            %get3A_1091 = tpu.vector_load %arg12[%get3A_1089, %get3A_1090] {strides = array<i32>} : memref<128x128xf32, #tpu.memory_space<vmem>>, vector<1x16xf32>,
            %get3A_1092 = vector.shape_cast %get3A_1091 : vector<1x16xf32> to vector<16xf32>
            %mul3A_1093 = arith.mulf %get3A_1092, %broadcast_in_dim3A_1028 : vector<16xf32>
            %swap3A_1094 = arith.index_cast %add3A_1025 : i32 to index
            %swap3A_1095 = arith.constant 96 : index
            %swap3A_1096 = tpu.vector_load %arg12[%swap3A_1094, %swap3A_1095] {strides = array<i32>} : memref<128x128xf32, #tpu.memory_space<vmem>>, vector<1x16xf32>,
            %swap3A_1097 = vector.shape_cast %swap3A_1096 : vector<1x16xf32> to vector<16xf32>
            %swap3A_1098 = vector.shape_cast %mul3A_1093 : vector<16xf32> to vector<1x16xf32>
            tpu.vector_store %arg12[%swap3A_1094, %swap3A_1095], %swap3A_1098 {strides = array<i32>} : memref<128x128xf32, #tpu.memory_space<vmem>>, vector<1x16xf32>,
            %get3A_1099 = arith.index_cast %add3A_1025 : i32 to index
            %get3A_1100 = arith.constant 112 : index
            %get3A_1101 = tpu.vector_load %arg12[%get3A_1099, %get3A_1100] {strides = array<i32>} : memref<128x128xf32, #tpu.memory_space<vmem>>, vector<1x16xf32>,
            %get3A_1102 = vector.shape_cast %get3A_1101 : vector<1x16xf32> to vector<16xf32>
            %mul3A_1103 = arith.mulf %get3A_1102, %broadcast_in_dim3A_1028 : vector<16xf32>
            %swap3A_1104 = arith.index_cast %add3A_1025 : i32 to index
            %swap3A_1105 = arith.constant 112 : index
            %swap3A_1106 = tpu.vector_load %arg12[%swap3A_1104, %swap3A_1105] {strides = array<i32>} : memref<128x128xf32, #tpu.memory_space<vmem>>, vector<1x16xf32>,
            %swap3A_1107 = vector.shape_cast %swap3A_1106 : vector<1x16xf32> to vector<16xf32>
            %swap3A_1108 = vector.shape_cast %mul3A_1103 : vector<16xf32> to vector<1x16xf32>
            tpu.vector_store %arg12[%swap3A_1104, %swap3A_1105], %swap3A_1108 {strides = array<i32>} : memref<128x128xf32, #tpu.memory_space<vmem>>, vector<1x16xf32>,
            %mul3A_1109 = arith.constant 16 : i32
            %mul3A_1110 = arith.muli %scan3A_62, %mul3A_1109 : i32
            %add3A_1111 = arith.constant 12 : i32
            %add3A_1112 = arith.addi %mul3A_1110, %add3A_1111 : i32
            %slice3A_1113 = vector.extract_strided_slice %get3A_68 {offsets = [12], sizes = [1], strides = [1]} : vector<16xf32> to vector<1xf32>
            %squeeze3A_1114 = vector.extract %slice3A_1113[0] : f32 from vector<1xf32>
            %broadcast_in_dim3A_1115 = vector.broadcast %squeeze3A_1114 : f32 to vector<16xf32>
            %get3A_1116 = arith.index_cast %add3A_1112 : i32 to index
            %get3A_1117 = arith.constant 0 : index
            %get3A_1118 = tpu.vector_load %arg12[%get3A_1116, %get3A_1117] {strides = array<i32>} : memref<128x128xf32, #tpu.memory_space<vmem>>, vector<1x16xf32>,
            %get3A_1119 = vector.shape_cast %get3A_1118 : vector<1x16xf32> to vector<16xf32>
            %mul3A_1120 = arith.mulf %get3A_1119, %broadcast_in_dim3A_1115 : vector<16xf32>
            %swap3A_1121 = arith.index_cast %add3A_1112 : i32 to index
            %swap3A_1122 = arith.constant 0 : index
            %swap3A_1123 = tpu.vector_load %arg12[%swap3A_1121, %swap3A_1122] {strides = array<i32>} : memref<128x128xf32, #tpu.memory_space<vmem>>, vector<1x16xf32>,
            %swap3A_1124 = vector.shape_cast %swap3A_1123 : vector<1x16xf32> to vector<16xf32>
            %swap3A_1125 = vector.shape_cast %mul3A_1120 : vector<16xf32> to vector<1x16xf32>
            tpu.vector_store %arg12[%swap3A_1121, %swap3A_1122], %swap3A_1125 {strides = array<i32>} : memref<128x128xf32, #tpu.memory_space<vmem>>, vector<1x16xf32>,
            %get3A_1126 = arith.index_cast %add3A_1112 : i32 to index
            %get3A_1127 = arith.constant 16 : index
            %get3A_1128 = tpu.vector_load %arg12[%get3A_1126, %get3A_1127] {strides = array<i32>} : memref<128x128xf32, #tpu.memory_space<vmem>>, vector<1x16xf32>,
            %get3A_1129 = vector.shape_cast %get3A_1128 : vector<1x16xf32> to vector<16xf32>
            %mul3A_1130 = arith.mulf %get3A_1129, %broadcast_in_dim3A_1115 : vector<16xf32>
            %swap3A_1131 = arith.index_cast %add3A_1112 : i32 to index
            %swap3A_1132 = arith.constant 16 : index
            %swap3A_1133 = tpu.vector_load %arg12[%swap3A_1131, %swap3A_1132] {strides = array<i32>} : memref<128x128xf32, #tpu.memory_space<vmem>>, vector<1x16xf32>,
            %swap3A_1134 = vector.shape_cast %swap3A_1133 : vector<1x16xf32> to vector<16xf32>
            %swap3A_1135 = vector.shape_cast %mul3A_1130 : vector<16xf32> to vector<1x16xf32>
            tpu.vector_store %arg12[%swap3A_1131, %swap3A_1132], %swap3A_1135 {strides = array<i32>} : memref<128x128xf32, #tpu.memory_space<vmem>>, vector<1x16xf32>,
            %get3A_1136 = arith.index_cast %add3A_1112 : i32 to index
            %get3A_1137 = arith.constant 32 : index
            %get3A_1138 = tpu.vector_load %arg12[%get3A_1136, %get3A_1137] {strides = array<i32>} : memref<128x128xf32, #tpu.memory_space<vmem>>, vector<1x16xf32>,
            %get3A_1139 = vector.shape_cast %get3A_1138 : vector<1x16xf32> to vector<16xf32>
            %mul3A_1140 = arith.mulf %get3A_1139, %broadcast_in_dim3A_1115 : vector<16xf32>
            %swap3A_1141 = arith.index_cast %add3A_1112 : i32 to index
            %swap3A_1142 = arith.constant 32 : index
            %swap3A_1143 = tpu.vector_load %arg12[%swap3A_1141, %swap3A_1142] {strides = array<i32>} : memref<128x128xf32, #tpu.memory_space<vmem>>, vector<1x16xf32>,
            %swap3A_1144 = vector.shape_cast %swap3A_1143 : vector<1x16xf32> to vector<16xf32>
            %swap3A_1145 = vector.shape_cast %mul3A_1140 : vector<16xf32> to vector<1x16xf32>
            tpu.vector_store %arg12[%swap3A_1141, %swap3A_1142], %swap3A_1145 {strides = array<i32>} : memref<128x128xf32, #tpu.memory_space<vmem>>, vector<1x16xf32>,
            %get3A_1146 = arith.index_cast %add3A_1112 : i32 to index
            %get3A_1147 = arith.constant 48 : index
            %get3A_1148 = tpu.vector_load %arg12[%get3A_1146, %get3A_1147] {strides = array<i32>} : memref<128x128xf32, #tpu.memory_space<vmem>>, vector<1x16xf32>,
            %get3A_1149 = vector.shape_cast %get3A_1148 : vector<1x16xf32> to vector<16xf32>
            %mul3A_1150 = arith.mulf %get3A_1149, %broadcast_in_dim3A_1115 : vector<16xf32>
            %swap3A_1151 = arith.index_cast %add3A_1112 : i32 to index
            %swap3A_1152 = arith.constant 48 : index
            %swap3A_1153 = tpu.vector_load %arg12[%swap3A_1151, %swap3A_1152] {strides = array<i32>} : memref<128x128xf32, #tpu.memory_space<vmem>>, vector<1x16xf32>,
            %swap3A_1154 = vector.shape_cast %swap3A_1153 : vector<1x16xf32> to vector<16xf32>
            %swap3A_1155 = vector.shape_cast %mul3A_1150 : vector<16xf32> to vector<1x16xf32>
            tpu.vector_store %arg12[%swap3A_1151, %swap3A_1152], %swap3A_1155 {strides = array<i32>} : memref<128x128xf32, #tpu.memory_space<vmem>>, vector<1x16xf32>,
            %get3A_1156 = arith.index_cast %add3A_1112 : i32 to index
            %get3A_1157 = arith.constant 64 : index
            %get3A_1158 = tpu.vector_load %arg12[%get3A_1156, %get3A_1157] {strides = array<i32>} : memref<128x128xf32, #tpu.memory_space<vmem>>, vector<1x16xf32>,
            %get3A_1159 = vector.shape_cast %get3A_1158 : vector<1x16xf32> to vector<16xf32>
            %mul3A_1160 = arith.mulf %get3A_1159, %broadcast_in_dim3A_1115 : vector<16xf32>
            %swap3A_1161 = arith.index_cast %add3A_1112 : i32 to index
            %swap3A_1162 = arith.constant 64 : index
            %swap3A_1163 = tpu.vector_load %arg12[%swap3A_1161, %swap3A_1162] {strides = array<i32>} : memref<128x128xf32, #tpu.memory_space<vmem>>, vector<1x16xf32>,
            %swap3A_1164 = vector.shape_cast %swap3A_1163 : vector<1x16xf32> to vector<16xf32>
            %swap3A_1165 = vector.shape_cast %mul3A_1160 : vector<16xf32> to vector<1x16xf32>
            tpu.vector_store %arg12[%swap3A_1161, %swap3A_1162], %swap3A_1165 {strides = array<i32>} : memref<128x128xf32, #tpu.memory_space<vmem>>, vector<1x16xf32>,
            %get3A_1166 = arith.index_cast %add3A_1112 : i32 to index
            %get3A_1167 = arith.constant 80 : index
            %get3A_1168 = tpu.vector_load %arg12[%get3A_1166, %get3A_1167] {strides = array<i32>} : memref<128x128xf32, #tpu.memory_space<vmem>>, vector<1x16xf32>,
            %get3A_1169 = vector.shape_cast %get3A_1168 : vector<1x16xf32> to vector<16xf32>
            %mul3A_1170 = arith.mulf %get3A_1169, %broadcast_in_dim3A_1115 : vector<16xf32>
            %swap3A_1171 = arith.index_cast %add3A_1112 : i32 to index
            %swap3A_1172 = arith.constant 80 : index
            %swap3A_1173 = tpu.vector_load %arg12[%swap3A_1171, %swap3A_1172] {strides = array<i32>} : memref<128x128xf32, #tpu.memory_space<vmem>>, vector<1x16xf32>,
            %swap3A_1174 = vector.shape_cast %swap3A_1173 : vector<1x16xf32> to vector<16xf32>
            %swap3A_1175 = vector.shape_cast %mul3A_1170 : vector<16xf32> to vector<1x16xf32>
            tpu.vector_store %arg12[%swap3A_1171, %swap3A_1172], %swap3A_1175 {strides = array<i32>} : memref<128x128xf32, #tpu.memory_space<vmem>>, vector<1x16xf32>,
            %get3A_1176 = arith.index_cast %add3A_1112 : i32 to index
            %get3A_1177 = arith.constant 96 : index
            %get3A_1178 = tpu.vector_load %arg12[%get3A_1176, %get3A_1177] {strides = array<i32>} : memref<128x128xf32, #tpu.memory_space<vmem>>, vector<1x16xf32>,
            %get3A_1179 = vector.shape_cast %get3A_1178 : vector<1x16xf32> to vector<16xf32>
            %mul3A_1180 = arith.mulf %get3A_1179, %broadcast_in_dim3A_1115 : vector<16xf32>
            %swap3A_1181 = arith.index_cast %add3A_1112 : i32 to index
            %swap3A_1182 = arith.constant 96 : index
            %swap3A_1183 = tpu.vector_load %arg12[%swap3A_1181, %swap3A_1182] {strides = array<i32>} : memref<128x128xf32, #tpu.memory_space<vmem>>, vector<1x16xf32>,
            %swap3A_1184 = vector.shape_cast %swap3A_1183 : vector<1x16xf32> to vector<16xf32>
            %swap3A_1185 = vector.shape_cast %mul3A_1180 : vector<16xf32> to vector<1x16xf32>
            tpu.vector_store %arg12[%swap3A_1181, %swap3A_1182], %swap3A_1185 {strides = array<i32>} : memref<128x128xf32, #tpu.memory_space<vmem>>, vector<1x16xf32>,
            %get3A_1186 = arith.index_cast %add3A_1112 : i32 to index
            %get3A_1187 = arith.constant 112 : index
            %get3A_1188 = tpu.vector_load %arg12[%get3A_1186, %get3A_1187] {strides = array<i32>} : memref<128x128xf32, #tpu.memory_space<vmem>>, vector<1x16xf32>,
            %get3A_1189 = vector.shape_cast %get3A_1188 : vector<1x16xf32> to vector<16xf32>
            %mul3A_1190 = arith.mulf %get3A_1189, %broadcast_in_dim3A_1115 : vector<16xf32>
            %swap3A_1191 = arith.index_cast %add3A_1112 : i32 to index
            %swap3A_1192 = arith.constant 112 : index
            %swap3A_1193 = tpu.vector_load %arg12[%swap3A_1191, %swap3A_1192] {strides = array<i32>} : memref<128x128xf32, #tpu.memory_space<vmem>>, vector<1x16xf32>,
            %swap3A_1194 = vector.shape_cast %swap3A_1193 : vector<1x16xf32> to vector<16xf32>
            %swap3A_1195 = vector.shape_cast %mul3A_1190 : vector<16xf32> to vector<1x16xf32>
            tpu.vector_store %arg12[%swap3A_1191, %swap3A_1192], %swap3A_1195 {strides = array<i32>} : memref<128x128xf32, #tpu.memory_space<vmem>>, vector<1x16xf32>,
            %mul3A_1196 = arith.constant 16 : i32
            %mul3A_1197 = arith.muli %scan3A_62, %mul3A_1196 : i32
            %add3A_1198 = arith.constant 13 : i32
            %add3A_1199 = arith.addi %mul3A_1197, %add3A_1198 : i32
            %slice3A_1200 = vector.extract_strided_slice %get3A_68 {offsets = [13], sizes = [1], strides = [1]} : vector<16xf32> to vector<1xf32>
            %squeeze3A_1201 = vector.extract %slice3A_1200[0] : f32 from vector<1xf32>
            %broadcast_in_dim3A_1202 = vector.broadcast %squeeze3A_1201 : f32 to vector<16xf32>
            %get3A_1203 = arith.index_cast %add3A_1199 : i32 to index
            %get3A_1204 = arith.constant 0 : index
            %get3A_1205 = tpu.vector_load %arg12[%get3A_1203, %get3A_1204] {strides = array<i32>} : memref<128x128xf32, #tpu.memory_space<vmem>>, vector<1x16xf32>,
            %get3A_1206 = vector.shape_cast %get3A_1205 : vector<1x16xf32> to vector<16xf32>
            %mul3A_1207 = arith.mulf %get3A_1206, %broadcast_in_dim3A_1202 : vector<16xf32>
            %swap3A_1208 = arith.index_cast %add3A_1199 : i32 to index
            %swap3A_1209 = arith.constant 0 : index
            %swap3A_1210 = tpu.vector_load %arg12[%swap3A_1208, %swap3A_1209] {strides = array<i32>} : memref<128x128xf32, #tpu.memory_space<vmem>>, vector<1x16xf32>,
            %swap3A_1211 = vector.shape_cast %swap3A_1210 : vector<1x16xf32> to vector<16xf32>
            %swap3A_1212 = vector.shape_cast %mul3A_1207 : vector<16xf32> to vector<1x16xf32>
            tpu.vector_store %arg12[%swap3A_1208, %swap3A_1209], %swap3A_1212 {strides = array<i32>} : memref<128x128xf32, #tpu.memory_space<vmem>>, vector<1x16xf32>,
            %get3A_1213 = arith.index_cast %add3A_1199 : i32 to index
            %get3A_1214 = arith.constant 16 : index
            %get3A_1215 = tpu.vector_load %arg12[%get3A_1213, %get3A_1214] {strides = array<i32>} : memref<128x128xf32, #tpu.memory_space<vmem>>, vector<1x16xf32>,
            %get3A_1216 = vector.shape_cast %get3A_1215 : vector<1x16xf32> to vector<16xf32>
            %mul3A_1217 = arith.mulf %get3A_1216, %broadcast_in_dim3A_1202 : vector<16xf32>
            %swap3A_1218 = arith.index_cast %add3A_1199 : i32 to index
            %swap3A_1219 = arith.constant 16 : index
            %swap3A_1220 = tpu.vector_load %arg12[%swap3A_1218, %swap3A_1219] {strides = array<i32>} : memref<128x128xf32, #tpu.memory_space<vmem>>, vector<1x16xf32>,
            %swap3A_1221 = vector.shape_cast %swap3A_1220 : vector<1x16xf32> to vector<16xf32>
            %swap3A_1222 = vector.shape_cast %mul3A_1217 : vector<16xf32> to vector<1x16xf32>
            tpu.vector_store %arg12[%swap3A_1218, %swap3A_1219], %swap3A_1222 {strides = array<i32>} : memref<128x128xf32, #tpu.memory_space<vmem>>, vector<1x16xf32>,
            %get3A_1223 = arith.index_cast %add3A_1199 : i32 to index
            %get3A_1224 = arith.constant 32 : index
            %get3A_1225 = tpu.vector_load %arg12[%get3A_1223, %get3A_1224] {strides = array<i32>} : memref<128x128xf32, #tpu.memory_space<vmem>>, vector<1x16xf32>,
            %get3A_1226 = vector.shape_cast %get3A_1225 : vector<1x16xf32> to vector<16xf32>
            %mul3A_1227 = arith.mulf %get3A_1226, %broadcast_in_dim3A_1202 : vector<16xf32>
            %swap3A_1228 = arith.index_cast %add3A_1199 : i32 to index
            %swap3A_1229 = arith.constant 32 : index
            %swap3A_1230 = tpu.vector_load %arg12[%swap3A_1228, %swap3A_1229] {strides = array<i32>} : memref<128x128xf32, #tpu.memory_space<vmem>>, vector<1x16xf32>,
            %swap3A_1231 = vector.shape_cast %swap3A_1230 : vector<1x16xf32> to vector<16xf32>
            %swap3A_1232 = vector.shape_cast %mul3A_1227 : vector<16xf32> to vector<1x16xf32>
            tpu.vector_store %arg12[%swap3A_1228, %swap3A_1229], %swap3A_1232 {strides = array<i32>} : memref<128x128xf32, #tpu.memory_space<vmem>>, vector<1x16xf32>,
            %get3A_1233 = arith.index_cast %add3A_1199 : i32 to index
            %get3A_1234 = arith.constant 48 : index
            %get3A_1235 = tpu.vector_load %arg12[%get3A_1233, %get3A_1234] {strides = array<i32>} : memref<128x128xf32, #tpu.memory_space<vmem>>, vector<1x16xf32>,
            %get3A_1236 = vector.shape_cast %get3A_1235 : vector<1x16xf32> to vector<16xf32>
            %mul3A_1237 = arith.mulf %get3A_1236, %broadcast_in_dim3A_1202 : vector<16xf32>
            %swap3A_1238 = arith.index_cast %add3A_1199 : i32 to index
            %swap3A_1239 = arith.constant 48 : index
            %swap3A_1240 = tpu.vector_load %arg12[%swap3A_1238, %swap3A_1239] {strides = array<i32>} : memref<128x128xf32, #tpu.memory_space<vmem>>, vector<1x16xf32>,
            %swap3A_1241 = vector.shape_cast %swap3A_1240 : vector<1x16xf32> to vector<16xf32>
            %swap3A_1242 = vector.shape_cast %mul3A_1237 : vector<16xf32> to vector<1x16xf32>
            tpu.vector_store %arg12[%swap3A_1238, %swap3A_1239], %swap3A_1242 {strides = array<i32>} : memref<128x128xf32, #tpu.memory_space<vmem>>, vector<1x16xf32>,
            %get3A_1243 = arith.index_cast %add3A_1199 : i32 to index
            %get3A_1244 = arith.constant 64 : index
            %get3A_1245 = tpu.vector_load %arg12[%get3A_1243, %get3A_1244] {strides = array<i32>} : memref<128x128xf32, #tpu.memory_space<vmem>>, vector<1x16xf32>,
            %get3A_1246 = vector.shape_cast %get3A_1245 : vector<1x16xf32> to vector<16xf32>
            %mul3A_1247 = arith.mulf %get3A_1246, %broadcast_in_dim3A_1202 : vector<16xf32>
            %swap3A_1248 = arith.index_cast %add3A_1199 : i32 to index
            %swap3A_1249 = arith.constant 64 : index
            %swap3A_1250 = tpu.vector_load %arg12[%swap3A_1248, %swap3A_1249] {strides = array<i32>} : memref<128x128xf32, #tpu.memory_space<vmem>>, vector<1x16xf32>,
            %swap3A_1251 = vector.shape_cast %swap3A_1250 : vector<1x16xf32> to vector<16xf32>
            %swap3A_1252 = vector.shape_cast %mul3A_1247 : vector<16xf32> to vector<1x16xf32>
            tpu.vector_store %arg12[%swap3A_1248, %swap3A_1249], %swap3A_1252 {strides = array<i32>} : memref<128x128xf32, #tpu.memory_space<vmem>>, vector<1x16xf32>,
            %get3A_1253 = arith.index_cast %add3A_1199 : i32 to index
            %get3A_1254 = arith.constant 80 : index
            %get3A_1255 = tpu.vector_load %arg12[%get3A_1253, %get3A_1254] {strides = array<i32>} : memref<128x128xf32, #tpu.memory_space<vmem>>, vector<1x16xf32>,
            %get3A_1256 = vector.shape_cast %get3A_1255 : vector<1x16xf32> to vector<16xf32>
            %mul3A_1257 = arith.mulf %get3A_1256, %broadcast_in_dim3A_1202 : vector<16xf32>
            %swap3A_1258 = arith.index_cast %add3A_1199 : i32 to index
            %swap3A_1259 = arith.constant 80 : index
            %swap3A_1260 = tpu.vector_load %arg12[%swap3A_1258, %swap3A_1259] {strides = array<i32>} : memref<128x128xf32, #tpu.memory_space<vmem>>, vector<1x16xf32>,
            %swap3A_1261 = vector.shape_cast %swap3A_1260 : vector<1x16xf32> to vector<16xf32>
            %swap3A_1262 = vector.shape_cast %mul3A_1257 : vector<16xf32> to vector<1x16xf32>
            tpu.vector_store %arg12[%swap3A_1258, %swap3A_1259], %swap3A_1262 {strides = array<i32>} : memref<128x128xf32, #tpu.memory_space<vmem>>, vector<1x16xf32>,
            %get3A_1263 = arith.index_cast %add3A_1199 : i32 to index
            %get3A_1264 = arith.constant 96 : index
            %get3A_1265 = tpu.vector_load %arg12[%get3A_1263, %get3A_1264] {strides = array<i32>} : memref<128x128xf32, #tpu.memory_space<vmem>>, vector<1x16xf32>,
            %get3A_1266 = vector.shape_cast %get3A_1265 : vector<1x16xf32> to vector<16xf32>
            %mul3A_1267 = arith.mulf %get3A_1266, %broadcast_in_dim3A_1202 : vector<16xf32>
            %swap3A_1268 = arith.index_cast %add3A_1199 : i32 to index
            %swap3A_1269 = arith.constant 96 : index
            %swap3A_1270 = tpu.vector_load %arg12[%swap3A_1268, %swap3A_1269] {strides = array<i32>} : memref<128x128xf32, #tpu.memory_space<vmem>>, vector<1x16xf32>,
            %swap3A_1271 = vector.shape_cast %swap3A_1270 : vector<1x16xf32> to vector<16xf32>
            %swap3A_1272 = vector.shape_cast %mul3A_1267 : vector<16xf32> to vector<1x16xf32>
            tpu.vector_store %arg12[%swap3A_1268, %swap3A_1269], %swap3A_1272 {strides = array<i32>} : memref<128x128xf32, #tpu.memory_space<vmem>>, vector<1x16xf32>,
            %get3A_1273 = arith.index_cast %add3A_1199 : i32 to index
            %get3A_1274 = arith.constant 112 : index
            %get3A_1275 = tpu.vector_load %arg12[%get3A_1273, %get3A_1274] {strides = array<i32>} : memref<128x128xf32, #tpu.memory_space<vmem>>, vector<1x16xf32>,
            %get3A_1276 = vector.shape_cast %get3A_1275 : vector<1x16xf32> to vector<16xf32>
            %mul3A_1277 = arith.mulf %get3A_1276, %broadcast_in_dim3A_1202 : vector<16xf32>
            %swap3A_1278 = arith.index_cast %add3A_1199 : i32 to index
            %swap3A_1279 = arith.constant 112 : index
            %swap3A_1280 = tpu.vector_load %arg12[%swap3A_1278, %swap3A_1279] {strides = array<i32>} : memref<128x128xf32, #tpu.memory_space<vmem>>, vector<1x16xf32>,
            %swap3A_1281 = vector.shape_cast %swap3A_1280 : vector<1x16xf32> to vector<16xf32>
            %swap3A_1282 = vector.shape_cast %mul3A_1277 : vector<16xf32> to vector<1x16xf32>
            tpu.vector_store %arg12[%swap3A_1278, %swap3A_1279], %swap3A_1282 {strides = array<i32>} : memref<128x128xf32, #tpu.memory_space<vmem>>, vector<1x16xf32>,
            %mul3A_1283 = arith.constant 16 : i32
            %mul3A_1284 = arith.muli %scan3A_62, %mul3A_1283 : i32
            %add3A_1285 = arith.constant 14 : i32
            %add3A_1286 = arith.addi %mul3A_1284, %add3A_1285 : i32
            %slice3A_1287 = vector.extract_strided_slice %get3A_68 {offsets = [14], sizes = [1], strides = [1]} : vector<16xf32> to vector<1xf32>
            %squeeze3A_1288 = vector.extract %slice3A_1287[0] : f32 from vector<1xf32>
            %broadcast_in_dim3A_1289 = vector.broadcast %squeeze3A_1288 : f32 to vector<16xf32>
            %get3A_1290 = arith.index_cast %add3A_1286 : i32 to index
            %get3A_1291 = arith.constant 0 : index
            %get3A_1292 = tpu.vector_load %arg12[%get3A_1290, %get3A_1291] {strides = array<i32>} : memref<128x128xf32, #tpu.memory_space<vmem>>, vector<1x16xf32>,
            %get3A_1293 = vector.shape_cast %get3A_1292 : vector<1x16xf32> to vector<16xf32>
            %mul3A_1294 = arith.mulf %get3A_1293, %broadcast_in_dim3A_1289 : vector<16xf32>
            %swap3A_1295 = arith.index_cast %add3A_1286 : i32 to index
            %swap3A_1296 = arith.constant 0 : index
            %swap3A_1297 = tpu.vector_load %arg12[%swap3A_1295, %swap3A_1296] {strides = array<i32>} : memref<128x128xf32, #tpu.memory_space<vmem>>, vector<1x16xf32>,
            %swap3A_1298 = vector.shape_cast %swap3A_1297 : vector<1x16xf32> to vector<16xf32>
            %swap3A_1299 = vector.shape_cast %mul3A_1294 : vector<16xf32> to vector<1x16xf32>
            tpu.vector_store %arg12[%swap3A_1295, %swap3A_1296], %swap3A_1299 {strides = array<i32>} : memref<128x128xf32, #tpu.memory_space<vmem>>, vector<1x16xf32>,
            %get3A_1300 = arith.index_cast %add3A_1286 : i32 to index
            %get3A_1301 = arith.constant 16 : index
            %get3A_1302 = tpu.vector_load %arg12[%get3A_1300, %get3A_1301] {strides = array<i32>} : memref<128x128xf32, #tpu.memory_space<vmem>>, vector<1x16xf32>,
            %get3A_1303 = vector.shape_cast %get3A_1302 : vector<1x16xf32> to vector<16xf32>
            %mul3A_1304 = arith.mulf %get3A_1303, %broadcast_in_dim3A_1289 : vector<16xf32>
            %swap3A_1305 = arith.index_cast %add3A_1286 : i32 to index
            %swap3A_1306 = arith.constant 16 : index
            %swap3A_1307 = tpu.vector_load %arg12[%swap3A_1305, %swap3A_1306] {strides = array<i32>} : memref<128x128xf32, #tpu.memory_space<vmem>>, vector<1x16xf32>,
            %swap3A_1308 = vector.shape_cast %swap3A_1307 : vector<1x16xf32> to vector<16xf32>
            %swap3A_1309 = vector.shape_cast %mul3A_1304 : vector<16xf32> to vector<1x16xf32>
            tpu.vector_store %arg12[%swap3A_1305, %swap3A_1306], %swap3A_1309 {strides = array<i32>} : memref<128x128xf32, #tpu.memory_space<vmem>>, vector<1x16xf32>,
            %get3A_1310 = arith.index_cast %add3A_1286 : i32 to index
            %get3A_1311 = arith.constant 32 : index
            %get3A_1312 = tpu.vector_load %arg12[%get3A_1310, %get3A_1311] {strides = array<i32>} : memref<128x128xf32, #tpu.memory_space<vmem>>, vector<1x16xf32>,
            %get3A_1313 = vector.shape_cast %get3A_1312 : vector<1x16xf32> to vector<16xf32>
            %mul3A_1314 = arith.mulf %get3A_1313, %broadcast_in_dim3A_1289 : vector<16xf32>
            %swap3A_1315 = arith.index_cast %add3A_1286 : i32 to index
            %swap3A_1316 = arith.constant 32 : index
            %swap3A_1317 = tpu.vector_load %arg12[%swap3A_1315, %swap3A_1316] {strides = array<i32>} : memref<128x128xf32, #tpu.memory_space<vmem>>, vector<1x16xf32>,
            %swap3A_1318 = vector.shape_cast %swap3A_1317 : vector<1x16xf32> to vector<16xf32>
            %swap3A_1319 = vector.shape_cast %mul3A_1314 : vector<16xf32> to vector<1x16xf32>
            tpu.vector_store %arg12[%swap3A_1315, %swap3A_1316], %swap3A_1319 {strides = array<i32>} : memref<128x128xf32, #tpu.memory_space<vmem>>, vector<1x16xf32>,
            %get3A_1320 = arith.index_cast %add3A_1286 : i32 to index
            %get3A_1321 = arith.constant 48 : index
            %get3A_1322 = tpu.vector_load %arg12[%get3A_1320, %get3A_1321] {strides = array<i32>} : memref<128x128xf32, #tpu.memory_space<vmem>>, vector<1x16xf32>,
            %get3A_1323 = vector.shape_cast %get3A_1322 : vector<1x16xf32> to vector<16xf32>
            %mul3A_1324 = arith.mulf %get3A_1323, %broadcast_in_dim3A_1289 : vector<16xf32>
            %swap3A_1325 = arith.index_cast %add3A_1286 : i32 to index
            %swap3A_1326 = arith.constant 48 : index
            %swap3A_1327 = tpu.vector_load %arg12[%swap3A_1325, %swap3A_1326] {strides = array<i32>} : memref<128x128xf32, #tpu.memory_space<vmem>>, vector<1x16xf32>,
            %swap3A_1328 = vector.shape_cast %swap3A_1327 : vector<1x16xf32> to vector<16xf32>
            %swap3A_1329 = vector.shape_cast %mul3A_1324 : vector<16xf32> to vector<1x16xf32>
            tpu.vector_store %arg12[%swap3A_1325, %swap3A_1326], %swap3A_1329 {strides = array<i32>} : memref<128x128xf32, #tpu.memory_space<vmem>>, vector<1x16xf32>,
            %get3A_1330 = arith.index_cast %add3A_1286 : i32 to index
            %get3A_1331 = arith.constant 64 : index
            %get3A_1332 = tpu.vector_load %arg12[%get3A_1330, %get3A_1331] {strides = array<i32>} : memref<128x128xf32, #tpu.memory_space<vmem>>, vector<1x16xf32>,
            %get3A_1333 = vector.shape_cast %get3A_1332 : vector<1x16xf32> to vector<16xf32>
            %mul3A_1334 = arith.mulf %get3A_1333, %broadcast_in_dim3A_1289 : vector<16xf32>
            %swap3A_1335 = arith.index_cast %add3A_1286 : i32 to index
            %swap3A_1336 = arith.constant 64 : index
            %swap3A_1337 = tpu.vector_load %arg12[%swap3A_1335, %swap3A_1336] {strides = array<i32>} : memref<128x128xf32, #tpu.memory_space<vmem>>, vector<1x16xf32>,
            %swap3A_1338 = vector.shape_cast %swap3A_1337 : vector<1x16xf32> to vector<16xf32>
            %swap3A_1339 = vector.shape_cast %mul3A_1334 : vector<16xf32> to vector<1x16xf32>
            tpu.vector_store %arg12[%swap3A_1335, %swap3A_1336], %swap3A_1339 {strides = array<i32>} : memref<128x128xf32, #tpu.memory_space<vmem>>, vector<1x16xf32>,
            %get3A_1340 = arith.index_cast %add3A_1286 : i32 to index
            %get3A_1341 = arith.constant 80 : index
            %get3A_1342 = tpu.vector_load %arg12[%get3A_1340, %get3A_1341] {strides = array<i32>} : memref<128x128xf32, #tpu.memory_space<vmem>>, vector<1x16xf32>,
            %get3A_1343 = vector.shape_cast %get3A_1342 : vector<1x16xf32> to vector<16xf32>
            %mul3A_1344 = arith.mulf %get3A_1343, %broadcast_in_dim3A_1289 : vector<16xf32>
            %swap3A_1345 = arith.index_cast %add3A_1286 : i32 to index
            %swap3A_1346 = arith.constant 80 : index
            %swap3A_1347 = tpu.vector_load %arg12[%swap3A_1345, %swap3A_1346] {strides = array<i32>} : memref<128x128xf32, #tpu.memory_space<vmem>>, vector<1x16xf32>,
            %swap3A_1348 = vector.shape_cast %swap3A_1347 : vector<1x16xf32> to vector<16xf32>
            %swap3A_1349 = vector.shape_cast %mul3A_1344 : vector<16xf32> to vector<1x16xf32>
            tpu.vector_store %arg12[%swap3A_1345, %swap3A_1346], %swap3A_1349 {strides = array<i32>} : memref<128x128xf32, #tpu.memory_space<vmem>>, vector<1x16xf32>,
            %get3A_1350 = arith.index_cast %add3A_1286 : i32 to index
            %get3A_1351 = arith.constant 96 : index
            %get3A_1352 = tpu.vector_load %arg12[%get3A_1350, %get3A_1351] {strides = array<i32>} : memref<128x128xf32, #tpu.memory_space<vmem>>, vector<1x16xf32>,
            %get3A_1353 = vector.shape_cast %get3A_1352 : vector<1x16xf32> to vector<16xf32>
            %mul3A_1354 = arith.mulf %get3A_1353, %broadcast_in_dim3A_1289 : vector<16xf32>
            %swap3A_1355 = arith.index_cast %add3A_1286 : i32 to index
            %swap3A_1356 = arith.constant 96 : index
            %swap3A_1357 = tpu.vector_load %arg12[%swap3A_1355, %swap3A_1356] {strides = array<i32>} : memref<128x128xf32, #tpu.memory_space<vmem>>, vector<1x16xf32>,
            %swap3A_1358 = vector.shape_cast %swap3A_1357 : vector<1x16xf32> to vector<16xf32>
            %swap3A_1359 = vector.shape_cast %mul3A_1354 : vector<16xf32> to vector<1x16xf32>
            tpu.vector_store %arg12[%swap3A_1355, %swap3A_1356], %swap3A_1359 {strides = array<i32>} : memref<128x128xf32, #tpu.memory_space<vmem>>, vector<1x16xf32>,
            %get3A_1360 = arith.index_cast %add3A_1286 : i32 to index
            %get3A_1361 = arith.constant 112 : index
            %get3A_1362 = tpu.vector_load %arg12[%get3A_1360, %get3A_1361] {strides = array<i32>} : memref<128x128xf32, #tpu.memory_space<vmem>>, vector<1x16xf32>,
            %get3A_1363 = vector.shape_cast %get3A_1362 : vector<1x16xf32> to vector<16xf32>
            %mul3A_1364 = arith.mulf %get3A_1363, %broadcast_in_dim3A_1289 : vector<16xf32>
            %swap3A_1365 = arith.index_cast %add3A_1286 : i32 to index
            %swap3A_1366 = arith.constant 112 : index
            %swap3A_1367 = tpu.vector_load %arg12[%swap3A_1365, %swap3A_1366] {strides = array<i32>} : memref<128x128xf32, #tpu.memory_space<vmem>>, vector<1x16xf32>,
            %swap3A_1368 = vector.shape_cast %swap3A_1367 : vector<1x16xf32> to vector<16xf32>
            %swap3A_1369 = vector.shape_cast %mul3A_1364 : vector<16xf32> to vector<1x16xf32>
            tpu.vector_store %arg12[%swap3A_1365, %swap3A_1366], %swap3A_1369 {strides = array<i32>} : memref<128x128xf32, #tpu.memory_space<vmem>>, vector<1x16xf32>,
            %mul3A_1370 = arith.constant 16 : i32
            %mul3A_1371 = arith.muli %scan3A_62, %mul3A_1370 : i32
            %add3A_1372 = arith.constant 15 : i32
            %add3A_1373 = arith.addi %mul3A_1371, %add3A_1372 : i32
            %slice3A_1374 = vector.extract_strided_slice %get3A_68 {offsets = [15], sizes = [1], strides = [1]} : vector<16xf32> to vector<1xf32>
            %squeeze3A_1375 = vector.extract %slice3A_1374[0] : f32 from vector<1xf32>
            %broadcast_in_dim3A_1376 = vector.broadcast %squeeze3A_1375 : f32 to vector<16xf32>
            %get3A_1377 = arith.index_cast %add3A_1373 : i32 to index
            %get3A_1378 = arith.constant 0 : index
            %get3A_1379 = tpu.vector_load %arg12[%get3A_1377, %get3A_1378] {strides = array<i32>} : memref<128x128xf32, #tpu.memory_space<vmem>>, vector<1x16xf32>,
            %get3A_1380 = vector.shape_cast %get3A_1379 : vector<1x16xf32> to vector<16xf32>
            %mul3A_1381 = arith.mulf %get3A_1380, %broadcast_in_dim3A_1376 : vector<16xf32>
            %swap3A_1382 = arith.index_cast %add3A_1373 : i32 to index
            %swap3A_1383 = arith.constant 0 : index
            %swap3A_1384 = tpu.vector_load %arg12[%swap3A_1382, %swap3A_1383] {strides = array<i32>} : memref<128x128xf32, #tpu.memory_space<vmem>>, vector<1x16xf32>,
            %swap3A_1385 = vector.shape_cast %swap3A_1384 : vector<1x16xf32> to vector<16xf32>
            %swap3A_1386 = vector.shape_cast %mul3A_1381 : vector<16xf32> to vector<1x16xf32>
            tpu.vector_store %arg12[%swap3A_1382, %swap3A_1383], %swap3A_1386 {strides = array<i32>} : memref<128x128xf32, #tpu.memory_space<vmem>>, vector<1x16xf32>,
            %get3A_1387 = arith.index_cast %add3A_1373 : i32 to index
            %get3A_1388 = arith.constant 16 : index
            %get3A_1389 = tpu.vector_load %arg12[%get3A_1387, %get3A_1388] {strides = array<i32>} : memref<128x128xf32, #tpu.memory_space<vmem>>, vector<1x16xf32>,
            %get3A_1390 = vector.shape_cast %get3A_1389 : vector<1x16xf32> to vector<16xf32>
            %mul3A_1391 = arith.mulf %get3A_1390, %broadcast_in_dim3A_1376 : vector<16xf32>
            %swap3A_1392 = arith.index_cast %add3A_1373 : i32 to index
            %swap3A_1393 = arith.constant 16 : index
            %swap3A_1394 = tpu.vector_load %arg12[%swap3A_1392, %swap3A_1393] {strides = array<i32>} : memref<128x128xf32, #tpu.memory_space<vmem>>, vector<1x16xf32>,
            %swap3A_1395 = vector.shape_cast %swap3A_1394 : vector<1x16xf32> to vector<16xf32>
            %swap3A_1396 = vector.shape_cast %mul3A_1391 : vector<16xf32> to vector<1x16xf32>
            tpu.vector_store %arg12[%swap3A_1392, %swap3A_1393], %swap3A_1396 {strides = array<i32>} : memref<128x128xf32, #tpu.memory_space<vmem>>, vector<1x16xf32>,
            %get3A_1397 = arith.index_cast %add3A_1373 : i32 to index
            %get3A_1398 = arith.constant 32 : index
            %get3A_1399 = tpu.vector_load %arg12[%get3A_1397, %get3A_1398] {strides = array<i32>} : memref<128x128xf32, #tpu.memory_space<vmem>>, vector<1x16xf32>,
            %get3A_1400 = vector.shape_cast %get3A_1399 : vector<1x16xf32> to vector<16xf32>
            %mul3A_1401 = arith.mulf %get3A_1400, %broadcast_in_dim3A_1376 : vector<16xf32>
            %swap3A_1402 = arith.index_cast %add3A_1373 : i32 to index
            %swap3A_1403 = arith.constant 32 : index
            %swap3A_1404 = tpu.vector_load %arg12[%swap3A_1402, %swap3A_1403] {strides = array<i32>} : memref<128x128xf32, #tpu.memory_space<vmem>>, vector<1x16xf32>,
            %swap3A_1405 = vector.shape_cast %swap3A_1404 : vector<1x16xf32> to vector<16xf32>
            %swap3A_1406 = vector.shape_cast %mul3A_1401 : vector<16xf32> to vector<1x16xf32>
            tpu.vector_store %arg12[%swap3A_1402, %swap3A_1403], %swap3A_1406 {strides = array<i32>} : memref<128x128xf32, #tpu.memory_space<vmem>>, vector<1x16xf32>,
            %get3A_1407 = arith.index_cast %add3A_1373 : i32 to index
            %get3A_1408 = arith.constant 48 : index
            %get3A_1409 = tpu.vector_load %arg12[%get3A_1407, %get3A_1408] {strides = array<i32>} : memref<128x128xf32, #tpu.memory_space<vmem>>, vector<1x16xf32>,
            %get3A_1410 = vector.shape_cast %get3A_1409 : vector<1x16xf32> to vector<16xf32>
            %mul3A_1411 = arith.mulf %get3A_1410, %broadcast_in_dim3A_1376 : vector<16xf32>
            %swap3A_1412 = arith.index_cast %add3A_1373 : i32 to index
            %swap3A_1413 = arith.constant 48 : index
            %swap3A_1414 = tpu.vector_load %arg12[%swap3A_1412, %swap3A_1413] {strides = array<i32>} : memref<128x128xf32, #tpu.memory_space<vmem>>, vector<1x16xf32>,
            %swap3A_1415 = vector.shape_cast %swap3A_1414 : vector<1x16xf32> to vector<16xf32>
            %swap3A_1416 = vector.shape_cast %mul3A_1411 : vector<16xf32> to vector<1x16xf32>
            tpu.vector_store %arg12[%swap3A_1412, %swap3A_1413], %swap3A_1416 {strides = array<i32>} : memref<128x128xf32, #tpu.memory_space<vmem>>, vector<1x16xf32>,
            %get3A_1417 = arith.index_cast %add3A_1373 : i32 to index
            %get3A_1418 = arith.constant 64 : index
            %get3A_1419 = tpu.vector_load %arg12[%get3A_1417, %get3A_1418] {strides = array<i32>} : memref<128x128xf32, #tpu.memory_space<vmem>>, vector<1x16xf32>,
            %get3A_1420 = vector.shape_cast %get3A_1419 : vector<1x16xf32> to vector<16xf32>
            %mul3A_1421 = arith.mulf %get3A_1420, %broadcast_in_dim3A_1376 : vector<16xf32>
            %swap3A_1422 = arith.index_cast %add3A_1373 : i32 to index
            %swap3A_1423 = arith.constant 64 : index
            %swap3A_1424 = tpu.vector_load %arg12[%swap3A_1422, %swap3A_1423] {strides = array<i32>} : memref<128x128xf32, #tpu.memory_space<vmem>>, vector<1x16xf32>,
            %swap3A_1425 = vector.shape_cast %swap3A_1424 : vector<1x16xf32> to vector<16xf32>
            %swap3A_1426 = vector.shape_cast %mul3A_1421 : vector<16xf32> to vector<1x16xf32>
            tpu.vector_store %arg12[%swap3A_1422, %swap3A_1423], %swap3A_1426 {strides = array<i32>} : memref<128x128xf32, #tpu.memory_space<vmem>>, vector<1x16xf32>,
            %get3A_1427 = arith.index_cast %add3A_1373 : i32 to index
            %get3A_1428 = arith.constant 80 : index
            %get3A_1429 = tpu.vector_load %arg12[%get3A_1427, %get3A_1428] {strides = array<i32>} : memref<128x128xf32, #tpu.memory_space<vmem>>, vector<1x16xf32>,
            %get3A_1430 = vector.shape_cast %get3A_1429 : vector<1x16xf32> to vector<16xf32>
            %mul3A_1431 = arith.mulf %get3A_1430, %broadcast_in_dim3A_1376 : vector<16xf32>
            %swap3A_1432 = arith.index_cast %add3A_1373 : i32 to index
            %swap3A_1433 = arith.constant 80 : index
            %swap3A_1434 = tpu.vector_load %arg12[%swap3A_1432, %swap3A_1433] {strides = array<i32>} : memref<128x128xf32, #tpu.memory_space<vmem>>, vector<1x16xf32>,
            %swap3A_1435 = vector.shape_cast %swap3A_1434 : vector<1x16xf32> to vector<16xf32>
            %swap3A_1436 = vector.shape_cast %mul3A_1431 : vector<16xf32> to vector<1x16xf32>
            tpu.vector_store %arg12[%swap3A_1432, %swap3A_1433], %swap3A_1436 {strides = array<i32>} : memref<128x128xf32, #tpu.memory_space<vmem>>, vector<1x16xf32>,
            %get3A_1437 = arith.index_cast %add3A_1373 : i32 to index
            %get3A_1438 = arith.constant 96 : index
            %get3A_1439 = tpu.vector_load %arg12[%get3A_1437, %get3A_1438] {strides = array<i32>} : memref<128x128xf32, #tpu.memory_space<vmem>>, vector<1x16xf32>,
            %get3A_1440 = vector.shape_cast %get3A_1439 : vector<1x16xf32> to vector<16xf32>
            %mul3A_1441 = arith.mulf %get3A_1440, %broadcast_in_dim3A_1376 : vector<16xf32>
            %swap3A_1442 = arith.index_cast %add3A_1373 : i32 to index
            %swap3A_1443 = arith.constant 96 : index
            %swap3A_1444 = tpu.vector_load %arg12[%swap3A_1442, %swap3A_1443] {strides = array<i32>} : memref<128x128xf32, #tpu.memory_space<vmem>>, vector<1x16xf32>,
            %swap3A_1445 = vector.shape_cast %swap3A_1444 : vector<1x16xf32> to vector<16xf32>
            %swap3A_1446 = vector.shape_cast %mul3A_1441 : vector<16xf32> to vector<1x16xf32>
            tpu.vector_store %arg12[%swap3A_1442, %swap3A_1443], %swap3A_1446 {strides = array<i32>} : memref<128x128xf32, #tpu.memory_space<vmem>>, vector<1x16xf32>,
            %get3A_1447 = arith.index_cast %add3A_1373 : i32 to index
            %get3A_1448 = arith.constant 112 : index
            %get3A_1449 = tpu.vector_load %arg12[%get3A_1447, %get3A_1448] {strides = array<i32>} : memref<128x128xf32, #tpu.memory_space<vmem>>, vector<1x16xf32>,
            %get3A_1450 = vector.shape_cast %get3A_1449 : vector<1x16xf32> to vector<16xf32>
            %mul3A_1451 = arith.mulf %get3A_1450, %broadcast_in_dim3A_1376 : vector<16xf32>
            %swap3A_1452 = arith.index_cast %add3A_1373 : i32 to index
            %swap3A_1453 = arith.constant 112 : index
            %swap3A_1454 = tpu.vector_load %arg12[%swap3A_1452, %swap3A_1453] {strides = array<i32>} : memref<128x128xf32, #tpu.memory_space<vmem>>, vector<1x16xf32>,
            %swap3A_1455 = vector.shape_cast %swap3A_1454 : vector<1x16xf32> to vector<16xf32>
            %swap3A_1456 = vector.shape_cast %mul3A_1451 : vector<16xf32> to vector<1x16xf32>
            tpu.vector_store %arg12[%swap3A_1452, %swap3A_1453], %swap3A_1456 {strides = array<i32>} : memref<128x128xf32, #tpu.memory_space<vmem>>, vector<1x16xf32>,
            %scan3A_1457 = arith.constant 0 : i32
            scf.yield %scan3A_1457 : i32
          }
          %scan3A_60 = arith.constant 8 : i32
          "tpu.region"() ({
            %run_scoped3A = tpu.sem_alloc : memref<!tpu.dma_semaphore, #tpu.memory_space<semaphore_mem>>
            %dma_start3A_62 = arith.constant 0 : i32
            %dma_start3A_63 = tpu.memref_slice %arg10[%scan3A_42, %dma_start3A_62] : memref<16x128xi32, #tpu.memory_space<vmem>> -> memref<1x128xi32, #tpu.memory_space<vmem>>
            %dma_start3A_64 = tpu.memref_squeeze %dma_start3A_63 : memref<1x128xi32, #tpu.memory_space<vmem>> -> memref<128xi32, #tpu.memory_space<vmem>>
            %dma_start3A_65 = arith.constant 0 : i32
            %dma_start3A_66 = arith.constant 0 : i32
            %dma_start3A_67 = tpu.memref_slice %arg13[%dma_start3A_65, %dma_start3A_66] : memref<10000x128xf32, #tpu.memory_space<vmem_shared>> -> memref<10000x128xf32, #tpu.memory_space<vmem_shared>>
            tpu.enqueue_indirect_dma source(%arg12 : memref<128x128xf32, #tpu.memory_space<vmem>>) target(%dma_start3A_67 : memref<10000x128xf32, #tpu.memory_space<vmem_shared>>) offsets(%dma_start3A_64 : memref<128xi32, #tpu.memory_space<vmem>>) semaphore(%run_scoped3A : memref<!tpu.dma_semaphore, #tpu.memory_space<semaphore_mem>>) {add = true}
            %dma_wait3A_68 = arith.constant 0 : i32
            %dma_wait3A_69 = tpu.memref_slice %arg10[%scan3A_42, %dma_wait3A_68] : memref<16x128xi32, #tpu.memory_space<vmem>> -> memref<1x128xi32, #tpu.memory_space<vmem>>
            %dma_wait3A_70 = tpu.memref_squeeze %dma_wait3A_69 : memref<1x128xi32, #tpu.memory_space<vmem>> -> memref<128xi32, #tpu.memory_space<vmem>>
            %dma_wait3A_71 = arith.constant 0 : i32
            %dma_wait3A_72 = arith.constant 0 : i32
            %dma_wait3A_73 = tpu.memref_slice %arg13[%dma_wait3A_71, %dma_wait3A_72] : memref<10000x128xf32, #tpu.memory_space<vmem_shared>> -> memref<10000x128xf32, #tpu.memory_space<vmem_shared>>
            tpu.wait_indirect_dma semaphore(%run_scoped3A : memref<!tpu.dma_semaphore, #tpu.memory_space<semaphore_mem>>) src(%arg12 : memref<128x128xf32, #tpu.memory_space<vmem>>) dst(%dma_wait3A_73 : memref<10000x128xf32, #tpu.memory_space<vmem_shared>>)
            tpu.yield
          }) : () -> ()
          %scan3A_61 = arith.constant 0 : i32
          scf.yield %scan3A_61 : i32
        }
        %scan3A_40 = arith.constant 16 : i32
        %scan3A_41 = arith.constant 0 : i32
        scf.yield %scan3A_41 : i32
      }
      %scan3A_20 = arith.constant 10 : i32
      %barrier3A_21 = arith.constant 0 : index
      tpu.barrier barrier_id(%barrier3A_21)
      %scan3A_22 = arith.constant 0 : i32
      %scan3A_23 = arith.constant 0 : i32
      %scan3A_24 = arith.constant 8 : i32
      %scan3A_25 = arith.addi %scan3A_23, %scan3A_24 : i32
      %scan3A_26 = arith.constant 1 : i32
      %scan3A_27 = scf.for %scan3A_29 = %scan3A_23 to %scan3A_25 step %scan3A_26 iter_args(%scan3A_30 = %scan3A_22) -> (i32)  : i32 {
        %mul3A_31 = arith.constant 16 : i32
        %mul3A_32 = arith.muli %scan3A_29, %mul3A_31 : i32
        %add3A = arith.addi %arg1, %mul3A_32 : i32
        %lt3A = arith.constant 125 : i32
        %lt3A_33 = arith.cmpi slt, %add3A, %lt3A : i32
        %convert_element_type3A_34 = arith.extui %lt3A_33 : i1 to i32
        %cond3A_35 = arith.constant 0 : i32
        %cond3A_36 = arith.cmpi ne, %convert_element_type3A_34, %cond3A_35 : i32
        scf.if %cond3A_36 {
          %mul3A_38 = arith.constant 80 : i32
          %mul3A_39 = arith.muli %add3A, %mul3A_38 : i32
          %multiple_of3A_40 = tpu.assume_multiple %mul3A_39, 80 : i32
          "tpu.region"() ({
            %run_scoped3A = tpu.sem_alloc : memref<!tpu.dma_semaphore, #tpu.memory_space<semaphore_mem>>
            %dma_start3A = arith.constant 0 : i32
            %dma_start3A_41 = tpu.memref_slice %arg8[%multiple_of3A_40, %dma_start3A] : memref<10000x128xf32, #tpu.memory_space<hbm>> -> memref<80x128xf32, #tpu.memory_space<hbm>>
            %dma_start3A_42 = arith.constant 0 : i32
            %dma_start3A_43 = tpu.memref_slice %arg13[%multiple_of3A_40, %dma_start3A_42] : memref<10000x128xf32, #tpu.memory_space<vmem_shared>> -> memref<80x128xf32, #tpu.memory_space<vmem_shared>>
            tpu.enqueue_dma source(%dma_start3A_43 : memref<80x128xf32, #tpu.memory_space<vmem_shared>>) target(%dma_start3A_41 : memref<80x128xf32, #tpu.memory_space<hbm>>) target_semaphore(%run_scoped3A : memref<!tpu.dma_semaphore, #tpu.memory_space<semaphore_mem>>)
            %dma_wait3A = arith.constant 0 : i32
            %dma_wait3A_44 = tpu.memref_slice %arg8[%multiple_of3A_40, %dma_wait3A] : memref<10000x128xf32, #tpu.memory_space<hbm>> -> memref<80x128xf32, #tpu.memory_space<hbm>>
            %dma_wait3A_45 = arith.constant 0 : i32
            %dma_wait3A_46 = tpu.memref_slice %arg13[%multiple_of3A_40, %dma_wait3A_45] : memref<10000x128xf32, #tpu.memory_space<vmem_shared>> -> memref<80x128xf32, #tpu.memory_space<vmem_shared>>
            tpu.wait_dma2 semaphore(%run_scoped3A : memref<!tpu.dma_semaphore, #tpu.memory_space<semaphore_mem>>) src(%dma_wait3A_46 : memref<80x128xf32, #tpu.memory_space<vmem_shared>>) dst(%dma_wait3A_44 : memref<80x128xf32, #tpu.memory_space<hbm>>)
            tpu.yield
          }) : () -> ()
        } else {
        }
        %scan3A_37 = arith.constant 0 : i32
        scf.yield %scan3A_37 : i32
      }
      %scan3A_28 = arith.constant 8 : i32
    } else {
    }
    return
  }
}

module attributes {stable_mosaic.version = 14 : i64} {
  func.func @_ln_tc_body(%arg0: i32, %arg1: memref<400x128xf32, #tpu.memory_space<vmem>>, %arg2: memref<400x128xf32, #tpu.memory_space<vmem>>, %arg3: memref<1x128xf32, #tpu.memory_space<vmem>>, %arg4: memref<1x128xf32, #tpu.memory_space<vmem>>, %arg5: memref<400x128xf32, #tpu.memory_space<vmem>>, %arg6: memref<400x128xf32, #tpu.memory_space<vmem>>) attributes {dimension_semantics = [#tpu.dimension_semantics<arbitrary>], iteration_bounds = array<i64: 25>, scalar_prefetch = 0 : i64, scratch_operands = 0 : i64, tpu.core_type = #tpu.core_type<tc>, window_params = [{transform_indices = @transform_0, window_bounds = array<i64: 400, 128>}, {transform_indices = @transform_1, window_bounds = array<i64: 400, 128>}, {pipeline_mode = #tpu.pipeline_mode<synchronous>, transform_indices = @transform_2, window_bounds = array<i64: 1, 128>}, {pipeline_mode = #tpu.pipeline_mode<synchronous>, transform_indices = @transform_3, window_bounds = array<i64: 1, 128>}, {transform_indices = @transform_4, window_bounds = array<i64: 400, 128>}, {transform_indices = @transform_5, window_bounds = array<i64: 400, 128>}]} {
    %get3A = arith.constant 0 : index
    %get3A_0 = arith.constant 0 : index
    %get3A_1 = vector.load %arg3[%get3A, %get3A_0] : memref<1x128xf32, #tpu.memory_space<vmem>>, vector<1x128xf32>
    %get3A_2 = arith.constant 0 : index
    %get3A_3 = arith.constant 0 : index
    %get3A_4 = vector.load %arg4[%get3A_2, %get3A_3] : memref<1x128xf32, #tpu.memory_space<vmem>>, vector<1x128xf32>
    %get3A_5 = arith.constant 0 : index
    %get3A_6 = arith.constant 0 : index
    %get3A_7 = vector.load %arg1[%get3A_5, %get3A_6] : memref<400x128xf32, #tpu.memory_space<vmem>>, vector<400x128xf32>
    %reduce_sum3A = arith.constant dense<0.000000e+00> : vector<400xf32>
    %reduce_sum3A_8 = vector.multi_reduction <add>, %get3A_7, %reduce_sum3A [1] : vector<400x128xf32> to vector<400xf32>
    %broadcast_in_dim3A = vector.shape_cast %reduce_sum3A_8 : vector<400xf32> to vector<400x1xf32>
    %div3A = arith.constant 1.280000e+02 : f32
    %div3A_9 = vector.broadcast %div3A : f32 to vector<400x1xf32>
    %div3A_10 = arith.divf %broadcast_in_dim3A, %div3A_9 : vector<400x1xf32>
    %sub3A = vector.broadcast %div3A_10 : vector<400x1xf32> to vector<400x128xf32>
    %sub3A_11 = arith.subf %get3A_7, %sub3A : vector<400x128xf32>
    %square3A = arith.mulf %sub3A_11, %sub3A_11 : vector<400x128xf32>
    %reduce_sum3A_12 = arith.constant dense<0.000000e+00> : vector<400xf32>
    %reduce_sum3A_13 = vector.multi_reduction <add>, %square3A, %reduce_sum3A_12 [1] : vector<400x128xf32> to vector<400xf32>
    %broadcast_in_dim3A_14 = vector.shape_cast %reduce_sum3A_13 : vector<400xf32> to vector<400x1xf32>
    %div3A_15 = arith.constant 1.280000e+02 : f32
    %div3A_16 = vector.broadcast %div3A_15 : f32 to vector<400x1xf32>
    %div3A_17 = arith.divf %broadcast_in_dim3A_14, %div3A_16 : vector<400x1xf32>
    %sub3A_18 = vector.broadcast %div3A_10 : vector<400x1xf32> to vector<400x128xf32>
    %sub3A_19 = arith.subf %get3A_7, %sub3A_18 : vector<400x128xf32>
    %add3A = arith.constant 9.99999974E-6 : f32
    %add3A_20 = vector.broadcast %add3A : f32 to vector<400x1xf32>
    %add3A_21 = arith.addf %div3A_17, %add3A_20 : vector<400x1xf32>
    %rsqrt3A = math.rsqrt %add3A_21 : vector<400x1xf32>
    %mul3A = vector.broadcast %rsqrt3A : vector<400x1xf32> to vector<400x128xf32>
    %mul3A_22 = arith.mulf %sub3A_19, %mul3A : vector<400x128xf32>
    %mul3A_23 = vector.broadcast %get3A_1 : vector<1x128xf32> to vector<400x128xf32>
    %mul3A_24 = arith.mulf %mul3A_22, %mul3A_23 : vector<400x128xf32>
    %add3A_25 = vector.broadcast %get3A_4 : vector<1x128xf32> to vector<400x128xf32>
    %add3A_26 = arith.addf %mul3A_24, %add3A_25 : vector<400x128xf32>
    %swap3A = arith.constant 0 : index
    %swap3A_27 = arith.constant 0 : index
    %swap3A_28 = vector.load %arg5[%swap3A, %swap3A_27] : memref<400x128xf32, #tpu.memory_space<vmem>>, vector<400x128xf32>
    tpu.vector_store %arg5[%swap3A, %swap3A_27], %add3A_26 {strides = array<i32>} : memref<400x128xf32, #tpu.memory_space<vmem>>, vector<400x128xf32>,
    %get3A_29 = arith.constant 0 : index
    %get3A_30 = arith.constant 0 : index
    %get3A_31 = vector.load %arg2[%get3A_29, %get3A_30] : memref<400x128xf32, #tpu.memory_space<vmem>>, vector<400x128xf32>
    %reduce_sum3A_32 = arith.constant dense<0.000000e+00> : vector<400xf32>
    %reduce_sum3A_33 = vector.multi_reduction <add>, %get3A_31, %reduce_sum3A_32 [1] : vector<400x128xf32> to vector<400xf32>
    %broadcast_in_dim3A_34 = vector.shape_cast %reduce_sum3A_33 : vector<400xf32> to vector<400x1xf32>
    %div3A_35 = arith.constant 1.280000e+02 : f32
    %div3A_36 = vector.broadcast %div3A_35 : f32 to vector<400x1xf32>
    %div3A_37 = arith.divf %broadcast_in_dim3A_34, %div3A_36 : vector<400x1xf32>
    %sub3A_38 = vector.broadcast %div3A_37 : vector<400x1xf32> to vector<400x128xf32>
    %sub3A_39 = arith.subf %get3A_31, %sub3A_38 : vector<400x128xf32>
    %square3A_40 = arith.mulf %sub3A_39, %sub3A_39 : vector<400x128xf32>
    %reduce_sum3A_41 = arith.constant dense<0.000000e+00> : vector<400xf32>
    %reduce_sum3A_42 = vector.multi_reduction <add>, %square3A_40, %reduce_sum3A_41 [1] : vector<400x128xf32> to vector<400xf32>
    %broadcast_in_dim3A_43 = vector.shape_cast %reduce_sum3A_42 : vector<400xf32> to vector<400x1xf32>
    %div3A_44 = arith.constant 1.280000e+02 : f32
    %div3A_45 = vector.broadcast %div3A_44 : f32 to vector<400x1xf32>
    %div3A_46 = arith.divf %broadcast_in_dim3A_43, %div3A_45 : vector<400x1xf32>
    %sub3A_47 = vector.broadcast %div3A_37 : vector<400x1xf32> to vector<400x128xf32>
    %sub3A_48 = arith.subf %get3A_31, %sub3A_47 : vector<400x128xf32>
    %add3A_49 = arith.constant 9.99999974E-6 : f32
    %add3A_50 = vector.broadcast %add3A_49 : f32 to vector<400x1xf32>
    %add3A_51 = arith.addf %div3A_46, %add3A_50 : vector<400x1xf32>
    %rsqrt3A_52 = math.rsqrt %add3A_51 : vector<400x1xf32>
    %mul3A_53 = vector.broadcast %rsqrt3A_52 : vector<400x1xf32> to vector<400x128xf32>
    %mul3A_54 = arith.mulf %sub3A_48, %mul3A_53 : vector<400x128xf32>
    %mul3A_55 = vector.broadcast %get3A_1 : vector<1x128xf32> to vector<400x128xf32>
    %mul3A_56 = arith.mulf %mul3A_54, %mul3A_55 : vector<400x128xf32>
    %add3A_57 = vector.broadcast %get3A_4 : vector<1x128xf32> to vector<400x128xf32>
    %add3A_58 = arith.addf %mul3A_56, %add3A_57 : vector<400x128xf32>
    %swap3A_59 = arith.constant 0 : index
    %swap3A_60 = arith.constant 0 : index
    %swap3A_61 = vector.load %arg6[%swap3A_59, %swap3A_60] : memref<400x128xf32, #tpu.memory_space<vmem>>, vector<400x128xf32>
    tpu.vector_store %arg6[%swap3A_59, %swap3A_60], %add3A_58 {strides = array<i32>} : memref<400x128xf32, #tpu.memory_space<vmem>>, vector<400x128xf32>,
    return
  }
  func.func @transform_0(%arg0: i32) -> (i32, i32) {
    %c0_i32 = arith.constant 0 : i32
    %c0_i32_0 = arith.constant 0 : i32
    return %arg0, %c0_i32 : i32, i32
  }
  func.func @transform_1(%arg0: i32) -> (i32, i32) {
    %c0_i32 = arith.constant 0 : i32
    %c0_i32_0 = arith.constant 0 : i32
    return %arg0, %c0_i32 : i32, i32
  }
  func.func @transform_2(%arg0: i32) -> (i32, i32) {
    %c0_i32 = arith.constant 0 : i32
    %c0_i32_0 = arith.constant 0 : i32
    %c0_i32_1 = arith.constant 0 : i32
    return %c0_i32, %c0_i32_0 : i32, i32
  }
  func.func @transform_3(%arg0: i32) -> (i32, i32) {
    %c0_i32 = arith.constant 0 : i32
    %c0_i32_0 = arith.constant 0 : i32
    %c0_i32_1 = arith.constant 0 : i32
    return %c0_i32, %c0_i32_0 : i32, i32
  }
  func.func @transform_4(%arg0: i32) -> (i32, i32) {
    %c0_i32 = arith.constant 0 : i32
    %c0_i32_0 = arith.constant 0 : i32
    return %arg0, %c0_i32 : i32, i32
  }
  func.func @transform_5(%arg0: i32) -> (i32, i32) {
    %c0_i32 = arith.constant 0 : i32
    %c0_i32_0 = arith.constant 0 : i32
    return %arg0, %c0_i32 : i32, i32
  }
}

</mosaic_0001>

<sc_bundles>
// kernel: closed_call.14.cloned.1.call-start
scs
__scs_entry_jumppad:
0x0: {  	(pc) =	sbr.rel $0x88, $3  }
0x1: {  	(tag) =	ssettag $0x0;
	lr =	simm.s32 $0x1  }
0x2: {  	[smem:$0x3F9B] =	sst lr;
	_ =	strace $0xD0000000  }
0x3: {  	_ = 	snop  }
0x4: {  	_ = 	snop  }
0x5: {  	_ = 	snop  }
0x6: {  	_ = 	snop  }
0x7: {  	_ = 	snop  }
__scs_overlays_trampoline_lowered:
0x8: {  	[smem:$0x3FAA] =	sst s0  }
0x9: {  	[smem:$0x3FAB] =	sst s1  }
0xa: {  	[smem:$0x3FAC] =	sst s2  }
0xb: {  	[smem:$0x3FAD] =	sst s3  }
0xc: {  	[smem:$0x3FAE] =	sst s4  }
0xd: {  	[smem:$0x3FAF] =	sst s5  }
0xe: {  	[smem:$0x3FB0] =	sst s6  }
0xf: {  	[smem:$0x3FB1] =	sst s7  }
0x10: {  	[smem:$0x3FB2] =	sst s8  }
0x11: {  	[smem:$0x3FB3] =	sst s9;
	s0 =	simm.s32 @!p0 $0x0  }
0x12: {  	s1 =	sld [smem:$0x3F99];
	s0 =	simm.s32 @p0 $0x1  }
0x13: {  	[smem:$0x3FB4] =	sst s0;
	s0 =	simm.s32 @!p1 $0x0  }
0x14: {  	s2 =	sld [smem:$0x3F98];
	s0 =	simm.s32 @p1 $0x1  }
0x15: {  	[smem:$0x3FB5] =	sst s0;
	s0 =	simm.s32 @!p2 $0x0  }
0x16: {  	s3 =	sld [smem:$0x3FDB];
	s0 =	simm.s32 @p2 $0x1  }
0x17: {  	s4 =	simm.s32 $0x1BF5;
	[smem:$0x3FB7] =	sst s0  }
0x18: {  	s0 =	sld [smem:$0x3F9A];
	_ =	swait.ge [sflag:s4], $0x0  }
0x19: {  	s7 =	sld [smem:$0x3F9B]  }
0x1a: {  	s8 =	sadd.s32 $0xFFFFE003, lr  }
0x1b: {  	s9 =	sadd.s32 $0xFFFFFEF7, lr;
	s5 =	simm.s32 $0xFFFFFFFF;
	p2 =	slt.u32 s8, $0xFFFFF086  }
0x1c: {  	p1 =	slt.u32 s9, $0xF7A;
	s5 =	simm.s32 @!p2 $0x0  }
0x1d: {  	s5 =	simm.s32 @p1 $0x1;
	p0 =	seq.s32 s7, s2  }
0x1e: {  	s7 =	smul.u32 @!p0 $0xF7A, s2;
	p2 =	seq.s32 @!p0 s5, $0x0  }
0x1f: {  	s9 =	smul.u32 $0xF7A, s1;
	s8 =	simm.s32 @!p0 $0x1BF5;
	p2 =	por !p2, p0  }
0x20: {  	[sflag:s8] =	ssyncset.s32 @!p0 $0xFFFFF086;
	s6 =	sadd.s32 @!p0 s3, s7;
	s7 =	simm.s32 @!p0 $0x108  }
0x21: {  	s3 =	sadd.s32 s3, s9;
	s6 =	sadd.s32 @!p0 $0x88, s6;
	s7 =	simm.s32 @p2 $0x1082  }
0x22: {  	[simem:s7], [sflag:s8] =	dma.local @!p0 [hbm:s6], $0xF7A  }
0x23: {  	s9 =	sor.u32 $0xD0000000, s2;
	s6 =	simm.s32 $0x108;
	_ =	swait.ge @!p0 [sflag:s8], $0x0  }
0x24: {  	s3 =	sadd.s32 $0x88, s3;
	s6 =	simm.s32 @!p1 $0x1082;
	[sflag:s4] =	ssyncset.s32 $0xFFFFF086  }
0x25: {  	[simem:s6], [sflag:s4] =	dma.local [hbm:s3], $0xF7A  }
0x26: {  	[smem:$0x3F9B] =	sst s1;
	(tag) =	ssettag s2;
	_ =	strace s9  }
0x27: {  	s1 =	sld [smem:$0x3FAB]  }
0x28: {  	s2 =	sld [smem:$0x3FAC]  }
0x29: {  	s4 =	sld [smem:$0x3FAE]  }
0x2a: {  	p0 =	seq.s32 s5, $0x0;
	s5 =	sld [smem:$0x3FAF]  }
0x2b: {  	s6 =	sld [smem:$0x3FB0]  }
0x2c: {  	s7 =	sld [smem:$0x3FB1]  }
0x2d: {  	s3 =	simm.s32 $0x108;
	s8 =	sld [smem:$0x3FB2]  }
0x2e: {  	s3 =	simm.s32 @!p0 $0x1082;
	s9 =	sld [smem:$0x3FB3]  }
0x2f: {  	lr =	sadd.s32 s0, s3;
	s0 =	sld [smem:$0x3FAA]  }
0x30: {  	s3 =	sld [smem:$0x3FAD]  }
0x31: {  	[smem:$0x3FB6] =	sst s10  }
0x32: {  	s10 =	sld [smem:$0x3FB4];
	_ =	sdelay $0x3  }
0x33: {  	p0 =	seq.s32 s10, $0x1;
	s10 =	sld [smem:$0x3FB6];
	_ =	sdelay $0x3  }
0x34: {  	[smem:$0x3FB6] =	sst s10  }
0x35: {  	s10 =	sld [smem:$0x3FB5];
	_ =	sdelay $0x3  }
0x36: {  	p1 =	seq.s32 s10, $0x1;
	s10 =	sld [smem:$0x3FB6];
	_ =	sdelay $0x3  }
0x37: {  	[smem:$0x3FB6] =	sst s10  }
0x38: {  	s10 =	sld [smem:$0x3FB7]  }
0x39: {  	_ = 	snop;
	(pc) =	sbr.ind lr, $3  }
0x3a: {  	_ = 	snop  }
0x3b: {  	_ = 	snop  }
0x3c: {  	p2 =	seq.s32 s10, $0x1;
	s10 =	sld [smem:$0x3FB6]  }
0x3d: {  	_ =	shalt  }
0x3e: {  	_ =	shalt  }
0x3f: {  	_ =	shalt  }
0x40: {  	_ =	shalt  }
0x41: {  	_ =	shalt  }
0x42: {  	_ =	shalt  }
0x43: {  	_ =	shalt  }
0x44: {  	_ =	shalt  }
0x45: {  	_ =	shalt  }
0x46: {  	_ =	shalt  }
0x47: {  	_ =	shalt  }
0x48: {  	_ =	shalt  }
0x49: {  	_ =	shalt  }
0x4a: {  	_ =	shalt  }
0x4b: {  	_ =	shalt  }
0x4c: {  	_ =	shalt  }
0x4d: {  	_ =	shalt  }
0x4e: {  	_ =	shalt  }
0x4f: {  	_ =	shalt  }
0x50: {  	_ =	shalt  }
0x51: {  	_ =	shalt  }
0x52: {  	_ =	shalt  }
0x53: {  	_ =	shalt  }
0x54: {  	_ =	shalt  }
0x55: {  	_ =	shalt  }
0x56: {  	_ =	shalt  }
0x57: {  	_ =	shalt  }
0x58: {  	_ =	shalt  }
0x59: {  	_ =	shalt  }
0x5a: {  	_ =	shalt  }
0x5b: {  	_ =	shalt  }
0x5c: {  	_ =	shalt  }
0x5d: {  	_ =	shalt  }
0x5e: {  	_ =	shalt  }
0x5f: {  	_ =	shalt  }
0x60: {  	_ =	shalt  }
0x61: {  	_ =	shalt  }
0x62: {  	_ =	shalt  }
0x63: {  	_ =	shalt  }
0x64: {  	_ =	shalt  }
0x65: {  	_ =	shalt  }
0x66: {  	_ =	shalt  }
0x67: {  	_ =	shalt  }
0x68: {  	_ =	shalt  }
0x69: {  	_ =	shalt  }
0x6a: {  	_ =	shalt  }
0x6b: {  	_ =	shalt  }
0x6c: {  	_ =	shalt  }
0x6d: {  	_ =	shalt  }
0x6e: {  	_ =	shalt  }
0x6f: {  	_ =	shalt  }
0x70: {  	_ =	shalt  }
0x71: {  	_ =	shalt  }
0x72: {  	_ =	shalt  }
0x73: {  	_ =	shalt  }
0x74: {  	_ =	shalt  }
0x75: {  	_ =	shalt  }
0x76: {  	_ =	shalt  }
0x77: {  	_ =	shalt  }
0x78: {  	_ =	shalt  }
0x79: {  	_ =	shalt  }
0x7a: {  	_ =	shalt  }
0x7b: {  	_ =	shalt  }
0x7c: {  	_ =	shalt  }
0x7d: {  	_ =	shalt  }
0x7e: {  	_ =	shalt  }
0x7f: {  	_ =	shalt  }
0x80: {  	_ =	shalt  }
0x81: {  	_ =	shalt  }
0x82: {  	_ =	shalt  }
0x83: {  	_ =	shalt  }
0x84: {  	_ =	shalt  }
0x85: {  	_ =	shalt  }
0x86: {  	_ =	shalt  }
0x87: {  	_ =	shalt  }
.Lfunc_end0:
.L_simem_size_0:
called_computation_lowered:
.L_overlay_start_0:
0x88: {  	s2 =	sld [smem:$0x3FD9]  }
0x89: {  	s3 =	sld [smem:$0x3FFE];
	_ =	sdelay $0x1  }
0x8a: {  	s1 =	srdreg.scid  }
0x8b: {  	s0 =	sand.u32 $0x1, s1  }
0x8c: {  	s14 =	sshll.u32 s0, $0xA;
	s2 =	sadd.s32 s3, s2  }
0x8d: {  	s2 =	sadd.s32 s2, s14  }
0x8e: {  	[smem:$0x3FC2] =	sst s2  }
0x8f: {  	_ = 	snop  }
0x90: {  	s2 =	sld [smem:$0x3FD0];
	_ =	sdelay $0x2  }
0x91: {  	s15 =	simm.s32 $0xA;
	s4 =	simm.s32 $0x10  }
0x92: {  	[smem:s4], [sflag:s15] =	dma.local [hbm:s2], $0x1  }
0x93: {  	_ =	swait.eq [sflag:s15], $0x1  }
0x94: {  	s16 =	sld [smem:$0x10];
	[sflag:s15] =	ssyncset.done $0x0  }
0x95: {  	s17 =	sld [smem:$0x11];
	[sflag:s15] =	ssyncadd.s32 $0xFFFFFFFF  }
0x96: {  	s18 =	sld [smem:$0x12];
	(tm) =	ssettm $0x1  }
0x97: {  	s5 =	sld [smem:$0x3FFB];
	_ =	sdelay $0x3  }
0x98: {  	_ =	strace s5  }
0x99: {  	s5 =	sld [smem:$0x3FFC];
	_ =	sdelay $0x3  }
0x9a: {  	_ =	strace s5  }
0x9b: {  	s5 =	sld [smem:$0x3FFD];
	_ =	sdelay $0x3  }
0x9c: {  	_ =	strace s5  }
0x9d: {  	_ =	strace $0x8FFFFFFF  }
0x9e: {  	s19 =	sld [smem:$0x3FDB];
	_ =	sdelay $0x1  }
0x9f: {  	s6 =	simm.s32 $_scs_section_size  }
0xa0: {  	s7 =	simm.s32 $_size__tile_overlayer_lowered;
	s8 =	simm.s32 $_tile_overlayer_lowered  }
0xa1: {  	s22 =	simm.s32 $0x1BFF;
	s21 =	sshll.u32 s8, $0x1;
	s5 =	sadd.s32 s6, s19  }
0xa2: {  	s9 =	simm.s32 $0x0;
	s20 =	sshll.u32 s7, $0x1;
	s7 =	sadd.s32 s21, s5  }
0xa3: {  	[timem:s9], [sflag:s22] =	dma.local [hbm:s7], s20  }
0xa4: {  	_ =	swait.ge [sflag:s22], s20  }
0xa5: {  	s6 =	ssub.s32 $0x0, s20;
	[sflag:s22] =	ssyncset.done $0x0  }
0xa6: {  	[sflag:s22] =	ssyncadd.s32 s6;
	_ =	sdelay $0x1  }
0xa7: {  	s23 =	simm.s32 $0x1B8B  }
0xa8: {  	_ =	swait.ge [sflag:s23], $0x1  }
0xa9: {  	[sflag:s23] =	ssyncset.done $0x0  }
0xaa: {  	s25 =	simm.s32 $0x1B8E;
	s24 =	sld [smem:$0x3FFE];
	[sflag:s23] =	ssyncadd.s32 $0xFFFFFFFF  }
0xab: {  	s26 =	simm.s32 $execute0_lowered;
	[smem:$0x3FD2] =	sst s25  }
0xac: {  	s7 =	sshll.u32 s26, $0x1;
	_ =	strace $0x80000046;
	[dreg:$0x1] =	wrdreg $0xFFFFFFFF  }
0xad: {  	s28 =	simm.s32 $_size_execute0_lowered;
	s5 =	sadd.s32 s5, s7;
	[dreg:$0x0] =	wrdreg $0x0  }
0xae: {  	s7 =	sshll.u32 s28, $0x1;
	[dreg:$0x2] =	wrdreg s5  }
0xaf: {  	[dreg:$0x3] =	wrdreg s7  }
0xb0: {  	[dreg:$0x4] =	wrdreg $0xC0  }
0xb1: {  	_ =	task [dreg:s9], $0x5FFFF  }
0xb2: {  	[dreg:$0x1] =	wrdreg $0xFFFFFFFF  }
0xb3: {  	[dreg:$0x0] =	wrdreg $0x60  }
0xb4: {  	[dreg:$0x2] =	wrdreg s18  }
0xb5: {  	[dreg:$0x3] =	wrdreg s17  }
0xb6: {  	[dreg:$0x4] =	wrdreg s24  }
0xb7: {  	[dreg:$0x5] =	wrdreg s16  }
0xb8: {  	[dreg:$0x6] =	wrdreg $0x58000  }
0xb9: {  	[dreg:$0x7] =	wrdreg $0x9  }
0xba: {  	_ =	task.clear_ibuf [dreg:s9], $0x8FFFF;
	_ =	strace $0x90000046  }
0xbb: {  	s29 =	simm.s32 $0x9;
	_ =	strace $0x80000048  }
0xbc: {  	_ =	swait.ge [sflag:s29], $0x1  }
0xbd: {  	[sflag:s29] =	ssyncadd.s32 $0xFFFFFFFF  }
0xbe: {  	_ =	strace $0x90000048  }
0xbf: {  	_ =	sfence  }
0xc0: {  	s30 =	sld [smem:$0x0];
	_ =	sdelay $0x2  }
0xc1: {  	s31 =	sshll.u32 s1, $0xD;
	s1 =	sshrl.u32 s1, $0x2  }
0xc2: {  	s3 =	sand.u32 $0x4000, s31;
	s1 =	sadd.s32 s1, s30  }
0xc3: {  	s0 =	sor.u32 s3, s0;
	s1 =	sshll.u32 s1, $0x11  }
0xc4: {  	s0 =	sor.u32 s1, s0  }
0xc5: {  	s0 =	sadd.s32 $0x8F2B, s0  }
0xc6: {  	[sflag:s0] =	ssyncadd.remote.s32 $0x1  }
0xc7: {  	_ =	sfence.sel $0xFFFF  }
0xc8: {  	[dreg:$0x0] =	wrdreg $0xFFFFFFFF;
	(pc) =	sbr.abs _section_cstart, $3  }
0xc9: {  	[dreg:$0x1] =	wrdreg $0xFFFFFFFF  }
0xca: {  	_ =	task.clear_ibuf [dreg:s9], $0x2FFFF;
	_ =	strace $0x9FFFFFFF  }
0xcb: {  	(tm) =	ssettm $0x7FFFFFFF  }
tec
execute0_lowered:
.L_overlay_start_1:
0x0: {  	(tag) =	ssettag $0x1  }
0x1: {  	s1 =	rddreg [dreg:$0x0]  }
0x2: {  	s2 =	rddreg [dreg:$0x1]  }
0x3: {  	s0 =	rddreg [dreg:$0x2]  }
0x4: {  	s20 =	rddreg [dreg:$0x3]  }
0x5: {  	s4 =	rddreg [dreg:$0x4]  }
0x6: {  	s5 =	simm.s32 $0x0;
	s3 =	srdreg.scid;
	s21 =	stileid.u32  }
0x7: {  	[smem:$0x7FF] =	sst s5;
	s7 =	sadd.s32 $0x65C00, s0;
	s8 =	sadd.s32 $0x5BC00, s0  }
0x8: {  	s9 =	sadd.s32 $0x51C00, s0;
	s10 =	smul.u32 $0xA000, s21;
	s11 =	sor.u32 $0x10, s21  }
0x9: {  	s3 =	sand.u32 $0x1, s3;
	s16 =	sor.u32 $0x20, s21;
	s12 =	smul.u32 $0xA000, s11  }
0xa: {  	s22 =	sadd.s32 $0x6FC00, s0;
	s19 =	sor.u32 $0x30, s21;
	s17 =	smul.u32 $0xA000, s16  }
0xb: {  	s13 =	sor.u32 $0x40, s21;
	s28 =	sor.u32 $0x50, s21;
	s24 =	smul.u32 $0xA000, s19  }
0xc: {  	s14 =	sor.u32 $0x60, s21;
	s6 =	ssub.s32 $0x2, s3;
	s25 =	smul.u32 $0xA000, s13  }
0xd: {  	s15 =	sshrl.u32 s6, $0x1;
	s18 =	sshrl.u32 s10, $0x2;
	s10 =	smul.u32 $0x500, s16  }
0xe: {  	_ =	strace $0x80000047;
	s0 =	ssub.s32 s6, s15;
	s6 =	smul.u32 $0x500, s11  }
0xf: {  	p0 =	seq.s32 s3, $0x1;
	[dreg:$0x6] =	wrdreg s22;
	s11 =	smul.u32 $0x500, s19  }
0x10: {  	s16 =	sor.u32 $0x70, s21;
	s3 =	sadd.s32 s18, s4;
	s18 =	smul.u32 $0xA000, s28  }
0x11: {  	s23 =	sshrl.u32 s12, $0x2;
	s26 =	sshrl.u32 s24, $0x2;
	s15 =	smul.u32 $0xA000, s14  }
0x12: {  	s14 =	smul.u32 $0x500, s14;
	s0 =	smax.u32 s0, $0x1;
	[dreg:$0x8] =	wrdreg s3  }
0x13: {  	s3 =	sadd.s32 s23, s4;
	s23 =	smul.u32 $0xA000, s16;
	[dreg:$0x7] =	wrdreg s0  }
0x14: {  	s0 =	sshrl.u32 s17, $0x2;
	[dreg:$0x9] =	wrdreg s3;
	s3 =	sadd.s32 s26, s4  }
0x15: {  	s24 =	sshrl.u32 s15, $0x2;
	s15 =	sadd.s32 s22, s10;
	[dreg:$0xb] =	wrdreg s3  }
0x16: {  	s19 =	sshrl.u32 s18, $0x2;
	s0 =	sadd.s32 s0, s4;
	[dreg:$0x19] =	wrdreg s15  }
0x17: {  	s3 =	sshrl.u32 s23, $0x2;
	s23 =	sadd.s32 s1, s6;
	[dreg:$0xa] =	wrdreg s0  }
0x18: {  	s18 =	sadd.s32 s24, s4;
	s24 =	sadd.s32 s20, s6;
	[dreg:$0x12] =	wrdreg s23  }
0x19: {  	s17 =	sadd.s32 s19, s4;
	[dreg:$0x13] =	wrdreg s24;
	s23 =	sadd.s32 s20, s11  }
0x1a: {  	s0 =	sshrl.u32 s25, $0x2;
	s24 =	sadd.s32 s2, s11;
	[dreg:$0x1b] =	wrdreg s23  }
0x1b: {  	s25 =	smul.u32 $0x500, s21;
	s0 =	sadd.s32 s0, s4;
	[dreg:$0x1c] =	wrdreg s24  }
0x1c: {  	s19 =	sadd.s32 s3, s4;
	s23 =	sadd.s32 s20, s14;
	[dreg:$0xc] =	wrdreg s0  }
0x1d: {  	s3 =	smul.u32 $0x500, s16;
	s24 =	sadd.s32 s2, s14;
	[smem:$0x7F9] =	sst s23  }
0x1e: {  	[smem:$0x7FA] =	sst s24  }
0x1f: {  	p1 =	sgt.u32 s16, $0x7C;
	s26 =	sadd.s32 s1, s25;
	[dreg:$0xd] =	wrdreg s3  }
0x20: {  	s0 =	smul.u32 $0x500, s28;
	s28 =	sadd.s32 s20, s25;
	[dreg:$0xe] =	wrdreg s26  }
0x21: {  	p2 =	slt.u32 s16, $0x7D;
	s16 =	sadd.s32 s2, s25;
	[dreg:$0xf] =	wrdreg s28  }
0x22: {  	s12 =	smul.u32 $0x500, s13;
	s13 =	sadd.s32 s22, s25;
	[dreg:$0x10] =	wrdreg s16  }
0x23: {  	s25 =	sadd.s32 s2, s6;
	[dreg:$0x11] =	wrdreg s13  }
0x24: {  	s6 =	sadd.s32 s22, s6;
	[dreg:$0x14] =	wrdreg s25  }
0x25: {  	[dreg:$0x15] =	wrdreg s6;
	s26 =	sadd.s32 s1, s10  }
0x26: {  	s28 =	sadd.s32 s20, s10;
	[dreg:$0x16] =	wrdreg s26  }
0x27: {  	s13 =	sadd.s32 s2, s10;
	[dreg:$0x17] =	wrdreg s28  }
0x28: {  	s16 =	sadd.s32 s1, s11;
	[dreg:$0x18] =	wrdreg s13  }
0x29: {  	s25 =	sadd.s32 s22, s11;
	[dreg:$0x1a] =	wrdreg s16  }
0x2a: {  	s10 =	sadd.s32 s2, s12;
	[dreg:$0x1d] =	wrdreg s25  }
0x2b: {  	s11 =	sadd.s32 s22, s12;
	[smem:$0x7F2] =	sst s10  }
0x2c: {  	s26 =	sadd.s32 s1, s12;
	[smem:$0x7F3] =	sst s11  }
0x2d: {  	s28 =	sadd.s32 s20, s12;
	[dreg:$0x1e] =	wrdreg s26  }
0x2e: {  	s12 =	sadd.s32 s1, s0;
	[dreg:$0x1f] =	wrdreg s28  }
0x2f: {  	s13 =	sadd.s32 s20, s0;
	[smem:$0x7F4] =	sst s12  }
0x30: {  	s29 =	simm.s32 $0x2;
	s15 =	sadd.s32 s2, s0;
	[smem:$0x7F5] =	sst s13  }
0x31: {  	s30 =	simm.s32 $0x800;
	s0 =	sadd.s32 s22, s0;
	[smem:$0x7F6] =	sst s15  }
.Ltmp0:
0x32: {  	s16 =	sadd.s32 s1, s14;
	[smem:$0x7F7] =	sst s0;
	(pc) =	sbr.rel .LBB2_1-.Ltmp0, $4  }
0x33: {  	s31 =	simm.s32 $0x1000;
	s25 =	sadd.s32 s22, s14;
	[smem:$0x7F8] =	sst s16  }
0x34: {  	[smem:$0x7FB] =	sst s25;
	s25 =	smul.u32 $0x5000, s21;
	s26 =	sadd.s32 s1, s3  }
0x35: {  	s28 =	sadd.s32 s2, s3;
	s0 =	simm.s32 $0x80;
	[smem:$0x7FC] =	sst s26  }
0x36: {  	s3 =	simm.s32 $0x1800;
	s21 =	simm.s32 $0x1;
	[smem:$0x7FD] =	sst s28  }
.LBB2_16:
0x37: {  	s10 =	rddreg [dreg:$0xd]  }
0x38: {  	s28 =	sshrl.u32 s19, $0x3;
	s6 =	sadd.s32 s6, s10  }
0x39: {  	[hbm:s6], [sflag:s22] =	dma.local [spmem:s28], $0x500  }
0x3a: {  	_ =	swait.ge [sflag:s29], $0x500  }
0x3b: {  	[sflag:s29] =	ssyncset.done $0x0  }
0x3c: {  	[sflag:s29] =	ssyncadd.s32 $0xFFFFFB00  }
.LBB2_17:
0x3d: {  	s5 =	sadd.s32 $0x1, s5;
	s6 =	rddreg [dreg:$0x7]  }
0x3e: {  	p3 =	sne.s32 s5, s6  }
.Ltmp1:
0x3f: {  	_ = 	snop;
	(pc) =	sbr.rel @!p3 .LBB2_18-.Ltmp1, $1  }
0x40: {  	_ =	sdelay $0x3  }
.LBB2_1:
.Ltmp2:
0x41: {  	(pc) =	sbr.rel @!p0 .LBB2_2-.Ltmp2, $4  }
0x42: {  	_ = 	snop  }
0x43: {  	s6 =	stileid.u32  }
0x44: {  	s10 =	rddreg [dreg:$0x8];
	s6 =	sshll.u32 s6, $0x6  }
0x45: {  	s11 =	sshrl.u32 @!p1 s19, $0x3;
	s23 =	sshrl.u32 s10, $0x3;
	s22 =	sor.u32 $0x1C02, s6  }
0x46: {  	s6 =	rddreg [dreg:$0x10]  }
0x47: {  	[spmem:s23], [sflag:s22] =	dma.local [hbm:s6], $0x500  }
0x48: {  	_ =	swait.ge [sflag:s29], $0x500  }
0x49: {  	[sflag:s29] =	ssyncset.done $0x0;
	s24 =	rddreg [dreg:$0x9]  }
0x4a: {  	s26 =	rddreg [dreg:$0x14];
	[sflag:s29] =	ssyncadd.s32 $0xFFFFFB00;
	s24 =	sshrl.u32 s24, $0x3  }
0x4b: {  	[spmem:s24], [sflag:s22] =	dma.local [hbm:s26], $0x500  }
0x4c: {  	_ =	swait.ge [sflag:s29], $0x500  }
0x4d: {  	[sflag:s29] =	ssyncset.done $0x0;
	s10 =	rddreg [dreg:$0xa]  }
0x4e: {  	s12 =	rddreg [dreg:$0x18];
	[sflag:s29] =	ssyncadd.s32 $0xFFFFFB00;
	s26 =	sshrl.u32 s10, $0x3  }
0x4f: {  	[spmem:s26], [sflag:s22] =	dma.local [hbm:s12], $0x500  }
0x50: {  	_ =	swait.ge [sflag:s29], $0x500  }
0x51: {  	[sflag:s29] =	ssyncset.done $0x0;
	s13 =	rddreg [dreg:$0xb]  }
0x52: {  	s14 =	rddreg [dreg:$0x1c];
	[sflag:s29] =	ssyncadd.s32 $0xFFFFFB00;
	s28 =	sshrl.u32 s13, $0x3  }
0x53: {  	[spmem:s28], [sflag:s22] =	dma.local [hbm:s14], $0x500  }
0x54: {  	_ =	swait.ge [sflag:s29], $0x500  }
0x55: {  	s16 =	sld [smem:$0x7F2]  }
0x56: {  	[sflag:s29] =	ssyncset.done $0x0;
	s15 =	rddreg [dreg:$0xc]  }
0x57: {  	[sflag:s29] =	ssyncadd.s32 $0xFFFFFB00;
	s20 =	sshrl.u32 s15, $0x3  }
0x58: {  	[spmem:s20], [sflag:s22] =	dma.local [hbm:s16], $0x500  }
0x59: {  	_ =	swait.ge [sflag:s29], $0x500  }
0x5a: {  	s10 =	sld [smem:$0x7F6]  }
0x5b: {  	[sflag:s29] =	ssyncset.done $0x0  }
0x5c: {  	s6 =	sshrl.u32 s17, $0x3;
	[sflag:s29] =	ssyncadd.s32 $0xFFFFFB00  }
0x5d: {  	[spmem:s6], [sflag:s22] =	dma.local [hbm:s10], $0x500  }
0x5e: {  	_ =	swait.ge [sflag:s29], $0x500  }
0x5f: {  	s12 =	sld [smem:$0x7FA]  }
0x60: {  	[sflag:s29] =	ssyncset.done $0x0  }
0x61: {  	s10 =	sshrl.u32 s18, $0x3;
	[sflag:s29] =	ssyncadd.s32 $0xFFFFFB00  }
0x62: {  	[spmem:s10], [sflag:s22] =	dma.local [hbm:s12], $0x500  }
0x63: {  	_ =	swait.ge [sflag:s29], $0x500  }
0x64: {  	s12 =	sld [smem:$0x7FD]  }
0x65: {  	[sflag:s29] =	ssyncset.done $0x0  }
0x66: {  	[sflag:s29] =	ssyncadd.s32 $0xFFFFFB00  }
0x67: {  	[spmem:s11], [sflag:s22] =	dma.local @!p1 [hbm:s12], $0x500  }
0x68: {  	s11 =	simm.s32 @!p1 $0x2  }
0x69: {  	_ =	swait.ge @!p1 [sflag:s11], $0x500  }
0x6a: {  	[sflag:s11] =	ssyncset.done @!p1 $0x0  }
0x6b: {  	[sflag:s11] =	ssyncadd.s32 @!p1 $0xFFFFFB00  }
0x6c: {  	s12 =	simm.s32 $0x0;
	s11 =	simm.s32 $0x0;
	[bflag:$0x0] =	sbarrier.arrive $0xFFFF  }
.LBB2_10:
0x6d: {  	s13 =	sshll.u32 s12, $0xB  }
0x6e: {  	s13 =	sadd.s32 s25, s13  }
0x6f: {  	s13 =	sshrl.u32 s13, $0x3  }
0x70: {  	s14 =	sadd.s32 s7, s13  }
0x71: {  	[tilespmem:s11], [sflag:$0x2] =	stream.linear.gather [hbm4b:s14+s11], $0x800, $0x38;
	[tilespmem:$0x19080] =	vst v63  }
0x72: {  	_ =	swait.ge [sflag:s29], $0x800  }
0x73: {  	[sflag:s29] =	ssyncset.done $0x0  }
0x74: {  	s16 =	sadd.s32 s8, s13;
	[sflag:s29] =	ssyncadd.s32 $0xFFFFF800  }
0x75: {  	[tilespmem:s30], [sflag:$0x2] =	stream.linear.gather [hbm4b:s16+s11], $0x800, $0x38;
	[tilespmem:$0x19080] =	vst v63  }
0x76: {  	_ =	swait.ge [sflag:s29], $0x800  }
0x77: {  	[sflag:s29] =	ssyncset.done $0x0  }
0x78: {  	s13 =	sadd.s32 s9, s13;
	[sflag:s29] =	ssyncadd.s32 $0xFFFFF800  }
0x79: {  	[tilespmem:s31], [sflag:$0x2] =	stream.linear.gather [hbm4b:s13+s11], $0x800, $0x38;
	[tilespmem:$0x19080] =	vst v63  }
0x7a: {  	_ =	swait.ge [sflag:s29], $0x800  }
0x7b: {  	[sflag:s29] =	ssyncset.done $0x0  }
0x7c: {  	s13 =	simm.s32 $0x0;
	[sflag:s29] =	ssyncadd.s32 $0xFFFFF800  }
.LBB2_11:
0x7d: {  	s14 =	sshll.u32 s13, $0x7  }
0x7e: {  	[tilespmem:s3], [sflag:$0x1] =	stream.indirect.gather [hbm4b:s1+s0], $0x80, s14, s0, $0xb8;
	[tilespmem:$0x19080] =	vst v63  }
0x7f: {  	s16 =	sadd.s32 $0x1000, s14  }
0x80: {  	_ =	swait.ge [sflag:s21], $0x4000;
	v0 =	vmov s16  }
0x81: {  	[sflag:s21] =	ssyncset.done $0x0  }
0x82: {  	s15 =	simm.s32 $0x0;
	[sflag:s21] =	ssyncadd.s32 $0xFFFFC000  }
.LBB2_12:
0x83: {  	s16 =	sshll.u32 s15, $0x4  }
0x84: {  	s16 =	sand.u32 $0x3FFFFFF0, s16  }
0x85: {  	v1 =	vld.idx.msk [tilespmem:v0+s16+$0x0 ss:$0x1], $0xffff;
	s16 =	sshll.u32 s15, $0xB  }
0x86: {  	s16 =	sand.u32 $0x3FFFF800, s16  }
0x87: {  	v2 =	vld [tilespmem:s16+$0x1800]  }
0x88: {  	v3 =	vld [tilespmem:s16+$0x1810]  }
0x89: {  	v4 =	vld [tilespmem:s16+$0x1820]  }
0x8a: {  	v6 =	vld [tilespmem:s16+$0x1830];
	v5 =	vbroadcast v1, $0x0  }
0x8b: {  	v7 =	vld [tilespmem:s16+$0x1840]  }
0x8c: {  	v8 =	vld [tilespmem:s16+$0x1850];
	v2 =	vmul.f32 v5, v2  }
0x8d: {  	v9 =	vld [tilespmem:s16+$0x1860];
	v3 =	vmul.f32 v3, v5  }
0x8e: {  	v34 =	vld [tilespmem:s16+$0x1870];
	[tilespmem:s16+$0x1800] =	vst v2;
	v2 =	vmul.f32 v4, v5  }
0x8f: {  	v35 =	vld [tilespmem:s16+$0x1880];
	[tilespmem:s16+$0x1810] =	vst v3;
	v3 =	vmul.f32 v6, v5  }
0x90: {  	v36 =	vld [tilespmem:s16+$0x1890];
	[tilespmem:s16+$0x1820] =	vst v2;
	v2 =	vmul.f32 v7, v5  }
0x91: {  	v37 =	vld [tilespmem:s16+$0x18A0];
	[tilespmem:s16+$0x1830] =	vst v3;
	v3 =	vmul.f32 v8, v5  }
0x92: {  	v10 =	vld [tilespmem:s16+$0x18B0];
	v38 =	vbroadcast v1, $0x1;
	[tilespmem:s16+$0x1840] =	vst v2;
	v2 =	vmul.f32 v9, v5  }
0x93: {  	v39 =	vld [tilespmem:s16+$0x18C0];
	[tilespmem:s16+$0x1850] =	vst v3;
	v3 =	vmul.f32 v34, v5  }
0x94: {  	v40 =	vld [tilespmem:s16+$0x18D0];
	[tilespmem:s16+$0x1860] =	vst v2;
	v2 =	vmul.f32 v35, v38  }
0x95: {  	v41 =	vld [tilespmem:s16+$0x18E0];
	[tilespmem:s16+$0x1870] =	vst v3;
	v3 =	vmul.f32 v36, v38  }
0x96: {  	v42 =	vld [tilespmem:s16+$0x18F0];
	[tilespmem:s16+$0x1880] =	vst v2;
	v2 =	vmul.f32 v37, v38  }
0x97: {  	v43 =	vld [tilespmem:s16+$0x1900];
	[tilespmem:s16+$0x1890] =	vst v3;
	v3 =	vmul.f32 v10, v38  }
0x98: {  	v44 =	vld [tilespmem:s16+$0x1910];
	[tilespmem:s16+$0x18A0] =	vst v2;
	v2 =	vmul.f32 v39, v38  }
0x99: {  	v45 =	vld [tilespmem:s16+$0x1920];
	[tilespmem:s16+$0x18B0] =	vst v3;
	v3 =	vmul.f32 v40, v38  }
0x9a: {  	v47 =	vld [tilespmem:s16+$0x1930];
	v46 =	vbroadcast v1, $0x2;
	[tilespmem:s16+$0x18C0] =	vst v2;
	v2 =	vmul.f32 v41, v38  }
0x9b: {  	v48 =	vld [tilespmem:s16+$0x1940];
	[tilespmem:s16+$0x18D0] =	vst v3;
	v3 =	vmul.f32 v42, v38  }
0x9c: {  	v49 =	vld [tilespmem:s16+$0x1950];
	[tilespmem:s16+$0x18E0] =	vst v2;
	v2 =	vmul.f32 v43, v46  }
0x9d: {  	v50 =	vld [tilespmem:s16+$0x1960];
	[tilespmem:s16+$0x18F0] =	vst v3;
	v3 =	vmul.f32 v44, v46  }
0x9e: {  	v51 =	vld [tilespmem:s16+$0x1970];
	[tilespmem:s16+$0x1900] =	vst v2;
	v2 =	vmul.f32 v45, v46  }
0x9f: {  	v52 =	vld [tilespmem:s16+$0x1980];
	[tilespmem:s16+$0x1910] =	vst v3;
	v3 =	vmul.f32 v47, v46  }
0xa0: {  	v53 =	vld [tilespmem:s16+$0x1990];
	[tilespmem:s16+$0x1920] =	vst v2;
	v2 =	vmul.f32 v48, v46  }
0xa1: {  	v54 =	vld [tilespmem:s16+$0x19A0];
	[tilespmem:s16+$0x1930] =	vst v3;
	v3 =	vmul.f32 v49, v46  }
0xa2: {  	v56 =	vld [tilespmem:s16+$0x19B0];
	v55 =	vbroadcast v1, $0x3;
	[tilespmem:s16+$0x1940] =	vst v2;
	v2 =	vmul.f32 v50, v46  }
0xa3: {  	v57 =	vld [tilespmem:s16+$0x19C0];
	[tilespmem:s16+$0x1950] =	vst v3;
	v3 =	vmul.f32 v51, v46  }
0xa4: {  	v58 =	vld [tilespmem:s16+$0x19D0];
	[tilespmem:s16+$0x1960] =	vst v2;
	v2 =	vmul.f32 v52, v55  }
0xa5: {  	v59 =	vld [tilespmem:s16+$0x19E0];
	[tilespmem:s16+$0x1970] =	vst v3;
	v3 =	vmul.f32 v53, v55  }
0xa6: {  	v60 =	vld [tilespmem:s16+$0x19F0];
	[tilespmem:s16+$0x1980] =	vst v2;
	v2 =	vmul.f32 v54, v55  }
0xa7: {  	v61 =	vld [tilespmem:s16+$0x1A00];
	[tilespmem:s16+$0x1990] =	vst v3;
	v3 =	vmul.f32 v56, v55  }
0xa8: {  	v62 =	vld [tilespmem:s16+$0x1A10];
	[tilespmem:s16+$0x19A0] =	vst v2;
	v2 =	vmul.f32 v57, v55  }
0xa9: {  	v63 =	vld [tilespmem:s16+$0x1A20];
	[tilespmem:s16+$0x19B0] =	vst v3;
	v3 =	vmul.f32 v58, v55  }
0xaa: {  	v13 =	vld [tilespmem:s16+$0x1A30];
	v12 =	vbroadcast v1, $0x4;
	[tilespmem:s16+$0x19C0] =	vst v2;
	v2 =	vmul.f32 v59, v55  }
0xab: {  	v14 =	vld [tilespmem:s16+$0x1A40];
	[tilespmem:s16+$0x19D0] =	vst v3;
	v3 =	vmul.f32 v60, v55  }
0xac: {  	v15 =	vld [tilespmem:s16+$0x1A50];
	[tilespmem:s16+$0x19E0] =	vst v2;
	v2 =	vmul.f32 v61, v12  }
0xad: {  	v16 =	vld [tilespmem:s16+$0x1A60];
	[tilespmem:s16+$0x19F0] =	vst v3;
	v3 =	vmul.f32 v62, v12  }
0xae: {  	v17 =	vld [tilespmem:s16+$0x1A70];
	[tilespmem:s16+$0x1A00] =	vst v2;
	v2 =	vmul.f32 v63, v12  }
0xaf: {  	v18 =	vld [tilespmem:s16+$0x1A80];
	[tilespmem:s16+$0x1A10] =	vst v3;
	v3 =	vmul.f32 v13, v12  }
0xb0: {  	v19 =	vld [tilespmem:s16+$0x1A90];
	[tilespmem:s16+$0x1A20] =	vst v2;
	v2 =	vmul.f32 v14, v12  }
0xb1: {  	v20 =	vld [tilespmem:s16+$0x1AA0];
	[tilespmem:s16+$0x1A30] =	vst v3;
	v3 =	vmul.f32 v15, v12  }
0xb2: {  	v22 =	vld [tilespmem:s16+$0x1AB0];
	v21 =	vbroadcast v1, $0x5;
	[tilespmem:s16+$0x1A40] =	vst v2;
	v2 =	vmul.f32 v16, v12  }
0xb3: {  	v23 =	vld [tilespmem:s16+$0x1AC0];
	[tilespmem:s16+$0x1A50] =	vst v3;
	v3 =	vmul.f32 v17, v12  }
0xb4: {  	v24 =	vld [tilespmem:s16+$0x1AD0];
	[tilespmem:s16+$0x1A60] =	vst v2;
	v2 =	vmul.f32 v18, v21  }
0xb5: {  	v25 =	vld [tilespmem:s16+$0x1AE0];
	[tilespmem:s16+$0x1A70] =	vst v3;
	v3 =	vmul.f32 v19, v21  }
0xb6: {  	v26 =	vld [tilespmem:s16+$0x1AF0];
	[tilespmem:s16+$0x1A80] =	vst v2;
	v2 =	vmul.f32 v20, v21  }
0xb7: {  	v27 =	vld [tilespmem:s16+$0x1B00];
	[tilespmem:s16+$0x1A90] =	vst v3;
	v3 =	vmul.f32 v22, v21  }
0xb8: {  	v28 =	vld [tilespmem:s16+$0x1B10];
	[tilespmem:s16+$0x1AA0] =	vst v2;
	v2 =	vmul.f32 v23, v21  }
0xb9: {  	v29 =	vld [tilespmem:s16+$0x1B20];
	[tilespmem:s16+$0x1AB0] =	vst v3;
	v3 =	vmul.f32 v24, v21  }
0xba: {  	v31 =	vld [tilespmem:s16+$0x1B30];
	v30 =	vbroadcast v1, $0x6;
	[tilespmem:s16+$0x1AC0] =	vst v2;
	v2 =	vmul.f32 v25, v21  }
0xbb: {  	v32 =	vld [tilespmem:s16+$0x1B40];
	[tilespmem:s16+$0x1AD0] =	vst v3;
	v3 =	vmul.f32 v26, v21  }
0xbc: {  	v33 =	vld [tilespmem:s16+$0x1B50];
	[tilespmem:s16+$0x1AE0] =	vst v2;
	v2 =	vmul.f32 v27, v30  }
0xbd: {  	v34 =	vld [tilespmem:s16+$0x1B60];
	[tilespmem:s16+$0x1AF0] =	vst v3;
	v3 =	vmul.f32 v28, v30  }
0xbe: {  	v35 =	vld [tilespmem:s16+$0x1B70];
	[tilespmem:s16+$0x1B00] =	vst v2;
	v2 =	vmul.f32 v29, v30  }
0xbf: {  	v36 =	vld [tilespmem:s16+$0x1B80];
	[tilespmem:s16+$0x1B10] =	vst v3;
	v3 =	vmul.f32 v31, v30  }
0xc0: {  	v37 =	vld [tilespmem:s16+$0x1B90];
	[tilespmem:s16+$0x1B20] =	vst v2;
	v2 =	vmul.f32 v32, v30  }
0xc1: {  	v38 =	vld [tilespmem:s16+$0x1BA0];
	[tilespmem:s16+$0x1B30] =	vst v3;
	v3 =	vmul.f32 v33, v30  }
0xc2: {  	v39 =	vbroadcast v1, $0x7;
	v40 =	vld [tilespmem:s16+$0x1BB0];
	[tilespmem:s16+$0x1B40] =	vst v2;
	v2 =	vmul.f32 v34, v30  }
0xc3: {  	v41 =	vld [tilespmem:s16+$0x1BC0];
	[tilespmem:s16+$0x1B50] =	vst v3;
	v3 =	vmul.f32 v35, v30  }
0xc4: {  	v42 =	vld [tilespmem:s16+$0x1BD0];
	[tilespmem:s16+$0x1B60] =	vst v2;
	v2 =	vmul.f32 v36, v39  }
0xc5: {  	v43 =	vld [tilespmem:s16+$0x1BE0];
	[tilespmem:s16+$0x1B70] =	vst v3;
	v3 =	vmul.f32 v37, v39  }
0xc6: {  	v44 =	vld [tilespmem:s16+$0x1BF0];
	[tilespmem:s16+$0x1B80] =	vst v2;
	v2 =	vmul.f32 v38, v39  }
0xc7: {  	v45 =	vld [tilespmem:s16+$0x1C00];
	[tilespmem:s16+$0x1B90] =	vst v3;
	v3 =	vmul.f32 v40, v39  }
0xc8: {  	v46 =	vld [tilespmem:s16+$0x1C10];
	[tilespmem:s16+$0x1BA0] =	vst v2;
	v2 =	vmul.f32 v41, v39  }
0xc9: {  	v47 =	vld [tilespmem:s16+$0x1C20];
	[tilespmem:s16+$0x1BB0] =	vst v3;
	v3 =	vmul.f32 v42, v39  }
0xca: {  	v48 =	vbroadcast v1, $0x8;
	v49 =	vld [tilespmem:s16+$0x1C30];
	[tilespmem:s16+$0x1BC0] =	vst v2;
	v2 =	vmul.f32 v43, v39  }
0xcb: {  	v50 =	vld [tilespmem:s16+$0x1C40];
	[tilespmem:s16+$0x1BD0] =	vst v3;
	v3 =	vmul.f32 v44, v39  }
0xcc: {  	v51 =	vld [tilespmem:s16+$0x1C50];
	[tilespmem:s16+$0x1BE0] =	vst v2;
	v2 =	vmul.f32 v45, v48  }
0xcd: {  	v52 =	vld [tilespmem:s16+$0x1C60];
	[tilespmem:s16+$0x1BF0] =	vst v3;
	v3 =	vmul.f32 v46, v48  }
0xce: {  	v53 =	vld [tilespmem:s16+$0x1C70];
	[tilespmem:s16+$0x1C00] =	vst v2;
	v2 =	vmul.f32 v47, v48  }
0xcf: {  	v54 =	vld [tilespmem:s16+$0x1C80];
	[tilespmem:s16+$0x1C10] =	vst v3;
	v3 =	vmul.f32 v49, v48  }
0xd0: {  	v55 =	vld [tilespmem:s16+$0x1C90];
	[tilespmem:s16+$0x1C20] =	vst v2;
	v2 =	vmul.f32 v50, v48  }
0xd1: {  	v56 =	vld [tilespmem:s16+$0x1CA0];
	[tilespmem:s16+$0x1C30] =	vst v3;
	v3 =	vmul.f32 v51, v48  }
0xd2: {  	v57 =	vbroadcast v1, $0x9;
	v58 =	vld [tilespmem:s16+$0x1CB0];
	[tilespmem:s16+$0x1C40] =	vst v2;
	v2 =	vmul.f32 v52, v48  }
0xd3: {  	v59 =	vld [tilespmem:s16+$0x1CC0];
	[tilespmem:s16+$0x1C50] =	vst v3;
	v3 =	vmul.f32 v53, v48  }
0xd4: {  	v60 =	vld [tilespmem:s16+$0x1CD0];
	[tilespmem:s16+$0x1C60] =	vst v2;
	v2 =	vmul.f32 v54, v57  }
0xd5: {  	v61 =	vld [tilespmem:s16+$0x1CE0];
	[tilespmem:s16+$0x1C70] =	vst v3;
	v3 =	vmul.f32 v55, v57  }
0xd6: {  	v62 =	vld [tilespmem:s16+$0x1CF0];
	[tilespmem:s16+$0x1C80] =	vst v2;
	v2 =	vmul.f32 v56, v57  }
0xd7: {  	v63 =	vld [tilespmem:s16+$0x1D00];
	[tilespmem:s16+$0x1C90] =	vst v3;
	v3 =	vmul.f32 v58, v57  }
0xd8: {  	v12 =	vld [tilespmem:s16+$0x1D10];
	[tilespmem:s16+$0x1CA0] =	vst v2;
	v2 =	vmul.f32 v59, v57  }
0xd9: {  	v13 =	vld [tilespmem:s16+$0x1D20];
	[tilespmem:s16+$0x1CB0] =	vst v3;
	v3 =	vmul.f32 v60, v57  }
0xda: {  	v14 =	vbroadcast v1, $0xA;
	v15 =	vld [tilespmem:s16+$0x1D30];
	[tilespmem:s16+$0x1CC0] =	vst v2;
	v2 =	vmul.f32 v61, v57  }
0xdb: {  	v16 =	vld [tilespmem:s16+$0x1D40];
	[tilespmem:s16+$0x1CD0] =	vst v3;
	v3 =	vmul.f32 v62, v57  }
0xdc: {  	v17 =	vld [tilespmem:s16+$0x1D50];
	[tilespmem:s16+$0x1CE0] =	vst v2;
	v2 =	vmul.f32 v63, v14  }
0xdd: {  	v18 =	vld [tilespmem:s16+$0x1D60];
	[tilespmem:s16+$0x1CF0] =	vst v3;
	v3 =	vmul.f32 v12, v14  }
0xde: {  	v19 =	vld [tilespmem:s16+$0x1D70];
	[tilespmem:s16+$0x1D00] =	vst v2;
	v2 =	vmul.f32 v13, v14  }
0xdf: {  	v20 =	vld [tilespmem:s16+$0x1D80];
	[tilespmem:s16+$0x1D10] =	vst v3;
	v3 =	vmul.f32 v15, v14  }
0xe0: {  	v21 =	vld [tilespmem:s16+$0x1D90];
	[tilespmem:s16+$0x1D20] =	vst v2;
	v2 =	vmul.f32 v16, v14  }
0xe1: {  	v22 =	vld [tilespmem:s16+$0x1DA0];
	[tilespmem:s16+$0x1D30] =	vst v3;
	v3 =	vmul.f32 v17, v14  }
0xe2: {  	v23 =	vbroadcast v1, $0xB;
	v24 =	vld [tilespmem:s16+$0x1DB0];
	[tilespmem:s16+$0x1D40] =	vst v2;
	v2 =	vmul.f32 v18, v14  }
0xe3: {  	v25 =	vld [tilespmem:s16+$0x1DC0];
	[tilespmem:s16+$0x1D50] =	vst v3;
	v3 =	vmul.f32 v19, v14  }
0xe4: {  	v26 =	vld [tilespmem:s16+$0x1DD0];
	[tilespmem:s16+$0x1D60] =	vst v2;
	v2 =	vmul.f32 v20, v23  }
0xe5: {  	v27 =	vld [tilespmem:s16+$0x1DE0];
	[tilespmem:s16+$0x1D70] =	vst v3;
	v3 =	vmul.f32 v21, v23  }
0xe6: {  	v28 =	vld [tilespmem:s16+$0x1DF0];
	[tilespmem:s16+$0x1D80] =	vst v2;
	v2 =	vmul.f32 v22, v23  }
0xe7: {  	v29 =	vld [tilespmem:s16+$0x1E00];
	[tilespmem:s16+$0x1D90] =	vst v3;
	v3 =	vmul.f32 v24, v23  }
0xe8: {  	v30 =	vld [tilespmem:s16+$0x1E10];
	[tilespmem:s16+$0x1DA0] =	vst v2;
	v2 =	vmul.f32 v25, v23  }
0xe9: {  	v31 =	vld [tilespmem:s16+$0x1E20];
	[tilespmem:s16+$0x1DB0] =	vst v3;
	v3 =	vmul.f32 v26, v23  }
0xea: {  	v32 =	vbroadcast v1, $0xC;
	v33 =	vld [tilespmem:s16+$0x1E30];
	[tilespmem:s16+$0x1DC0] =	vst v2;
	v2 =	vmul.f32 v27, v23  }
0xeb: {  	v34 =	vld [tilespmem:s16+$0x1E40];
	[tilespmem:s16+$0x1DD0] =	vst v3;
	v3 =	vmul.f32 v28, v23  }
0xec: {  	v35 =	vld [tilespmem:s16+$0x1E50];
	[tilespmem:s16+$0x1DE0] =	vst v2;
	v2 =	vmul.f32 v29, v32  }
0xed: {  	v36 =	vld [tilespmem:s16+$0x1E60];
	[tilespmem:s16+$0x1DF0] =	vst v3;
	v3 =	vmul.f32 v30, v32  }
0xee: {  	v37 =	vld [tilespmem:s16+$0x1E70];
	[tilespmem:s16+$0x1E00] =	vst v2;
	v2 =	vmul.f32 v31, v32  }
0xef: {  	v38 =	vld [tilespmem:s16+$0x1E80];
	[tilespmem:s16+$0x1E10] =	vst v3;
	v3 =	vmul.f32 v33, v32  }
0xf0: {  	v39 =	vld [tilespmem:s16+$0x1E90];
	[tilespmem:s16+$0x1E20] =	vst v2;
	v2 =	vmul.f32 v34, v32  }
0xf1: {  	v40 =	vld [tilespmem:s16+$0x1EA0];
	[tilespmem:s16+$0x1E30] =	vst v3;
	v3 =	vmul.f32 v35, v32  }
0xf2: {  	v41 =	vbroadcast v1, $0xD;
	v42 =	vld [tilespmem:s16+$0x1EB0];
	[tilespmem:s16+$0x1E40] =	vst v2;
	v2 =	vmul.f32 v36, v32  }
0xf3: {  	v43 =	vld [tilespmem:s16+$0x1EC0];
	[tilespmem:s16+$0x1E50] =	vst v3;
	v3 =	vmul.f32 v37, v32  }
0xf4: {  	v44 =	vld [tilespmem:s16+$0x1ED0];
	[tilespmem:s16+$0x1E60] =	vst v2;
	v2 =	vmul.f32 v38, v41  }
0xf5: {  	v45 =	vld [tilespmem:s16+$0x1EE0];
	[tilespmem:s16+$0x1E70] =	vst v3;
	v3 =	vmul.f32 v39, v41  }
0xf6: {  	v46 =	vld [tilespmem:s16+$0x1EF0];
	[tilespmem:s16+$0x1E80] =	vst v2;
	v2 =	vmul.f32 v40, v41  }
0xf7: {  	v47 =	vld [tilespmem:s16+$0x1F00];
	[tilespmem:s16+$0x1E90] =	vst v3;
	v3 =	vmul.f32 v42, v41  }
0xf8: {  	v48 =	vld [tilespmem:s16+$0x1F10];
	[tilespmem:s16+$0x1EA0] =	vst v2;
	v2 =	vmul.f32 v43, v41  }
0xf9: {  	v49 =	vld [tilespmem:s16+$0x1F20];
	[tilespmem:s16+$0x1EB0] =	vst v3;
	v3 =	vmul.f32 v44, v41  }
0xfa: {  	v50 =	vbroadcast v1, $0xE;
	v51 =	vld [tilespmem:s16+$0x1F30];
	[tilespmem:s16+$0x1EC0] =	vst v2;
	v2 =	vmul.f32 v45, v41  }
0xfb: {  	v52 =	vld [tilespmem:s16+$0x1F40];
	[tilespmem:s16+$0x1ED0] =	vst v3;
	v3 =	vmul.f32 v46, v41  }
0xfc: {  	v53 =	vld [tilespmem:s16+$0x1F50];
	[tilespmem:s16+$0x1EE0] =	vst v2;
	v2 =	vmul.f32 v47, v50  }
0xfd: {  	v54 =	vld [tilespmem:s16+$0x1F60];
	[tilespmem:s16+$0x1EF0] =	vst v3;
	v3 =	vmul.f32 v48, v50  }
0xfe: {  	v55 =	vld [tilespmem:s16+$0x1F70];
	[tilespmem:s16+$0x1F00] =	vst v2;
	v2 =	vmul.f32 v49, v50  }
0xff: {  	v56 =	vld [tilespmem:s16+$0x1F80];
	[tilespmem:s16+$0x1F10] =	vst v3;
	v3 =	vmul.f32 v51, v50  }
0x100: {  	v57 =	vld [tilespmem:s16+$0x1F90];
	[tilespmem:s16+$0x1F20] =	vst v2;
	v2 =	vmul.f32 v52, v50  }
0x101: {  	v58 =	vld [tilespmem:s16+$0x1FA0];
	[tilespmem:s16+$0x1F30] =	vst v3;
	v3 =	vmul.f32 v53, v50  }
0x102: {  	v1 =	vbroadcast v1, $0xF;
	v59 =	vld [tilespmem:s16+$0x1FB0];
	[tilespmem:s16+$0x1F40] =	vst v2;
	v2 =	vmul.f32 v54, v50  }
0x103: {  	v60 =	vld [tilespmem:s16+$0x1FC0];
	[tilespmem:s16+$0x1F50] =	vst v3;
	v3 =	vmul.f32 v55, v50  }
0x104: {  	v61 =	vld [tilespmem:s16+$0x1FD0];
	[tilespmem:s16+$0x1F60] =	vst v2;
	v2 =	vmul.f32 v56, v1  }
0x105: {  	v62 =	vld [tilespmem:s16+$0x1FE0];
	[tilespmem:s16+$0x1F70] =	vst v3;
	v3 =	vmul.f32 v57, v1  }
0x106: {  	v63 =	vld [tilespmem:s16+$0x1FF0];
	[tilespmem:s16+$0x1F80] =	vst v2;
	v2 =	vmul.f32 v58, v1  }
0x107: {  	[tilespmem:s16+$0x1F90] =	vst v3;
	v3 =	vmul.f32 v59, v1  }
0x108: {  	p3 =	sne.s32 s15, $0x7;
	[tilespmem:s16+$0x1FA0] =	vst v2;
	v2 =	vmul.f32 v60, v1  }
.Ltmp3:
0x109: {  	[tilespmem:s16+$0x1FB0] =	vst v3;
	v3 =	vmul.f32 v61, v1;
	(pc) =	sbr.rel @p3 .LBB2_12-.Ltmp3, $4  }
0x10a: {  	[tilespmem:s16+$0x1FC0] =	vst v2;
	v2 =	vmul.f32 v62, v1  }
0x10b: {  	[tilespmem:s16+$0x1FD0] =	vst v3;
	v1 =	vmul.f32 v63, v1  }
0x10c: {  	[tilespmem:s16+$0x1FE0] =	vst v2  }
0x10d: {  	s15 =	sadd.s32 $0x1, s15;
	[tilespmem:s16+$0x1FF0] =	vst v1  }
0x10e: {  	s13 =	sadd.s32 $0x1, s13  }
0x10f: {  	p3 =	sne.s32 s13, $0x10  }
.Ltmp4:
0x110: {  	s14 =	sadd.s32 $0x800, s14;
	(pc) =	sbr.rel @p3 .LBB2_11-.Ltmp4, $4  }
0x111: {  	[spmem:s4] =	stream.indirect.scatter.add.f32 [tilespmem:s3], [sflag:$0x2], $0x80, s14, s0, $0xb8;
	[tilespmem:$0x19080] =	vst v63  }
0x112: {  	_ =	swait.ge [sflag:s29], $0x4000  }
0x113: {  	[sflag:s29] =	ssyncset.done $0x0  }
0x114: {  	[sflag:s29] =	ssyncadd.s32 $0xFFFFC000  }
0x115: {  	s12 =	sadd.s32 $0x1, s12  }
0x116: {  	p3 =	sne.s32 s12, $0xA  }
.Ltmp5:
0x117: {  	_ = 	snop;
	(pc) =	sbr.rel @p3 .LBB2_10-.Ltmp5, $1  }
0x118: {  	_ =	sdelay $0x3  }
0x119: {  	[bflag:$0x0] =	sbarrier.arrive $0xFFFF  }
0x11a: {  	s11 =	rddreg [dreg:$0x11]  }
0x11b: {  	[hbm:s11], [sflag:s22] =	dma.local [spmem:s23], $0x500  }
0x11c: {  	_ =	swait.ge [sflag:s29], $0x500  }
0x11d: {  	[sflag:s29] =	ssyncset.done $0x0  }
0x11e: {  	s15 =	rddreg [dreg:$0x15];
	[sflag:s29] =	ssyncadd.s32 $0xFFFFFB00  }
0x11f: {  	[hbm:s15], [sflag:s22] =	dma.local [spmem:s24], $0x500  }
0x120: {  	_ =	swait.ge [sflag:s29], $0x500  }
0x121: {  	[sflag:s29] =	ssyncset.done $0x0  }
0x122: {  	s16 =	rddreg [dreg:$0x19];
	[sflag:s29] =	ssyncadd.s32 $0xFFFFFB00  }
0x123: {  	[hbm:s16], [sflag:s22] =	dma.local [spmem:s26], $0x500  }
0x124: {  	_ =	swait.ge [sflag:s29], $0x500  }
0x125: {  	[sflag:s29] =	ssyncset.done $0x0  }
0x126: {  	s23 =	rddreg [dreg:$0x1d];
	[sflag:s29] =	ssyncadd.s32 $0xFFFFFB00  }
0x127: {  	[hbm:s23], [sflag:s22] =	dma.local [spmem:s28], $0x500  }
0x128: {  	_ =	swait.ge [sflag:s29], $0x500  }
0x129: {  	s24 =	sld [smem:$0x7F3]  }
0x12a: {  	[sflag:s29] =	ssyncset.done $0x0  }
0x12b: {  	[sflag:s29] =	ssyncadd.s32 $0xFFFFFB00  }
0x12c: {  	[hbm:s24], [sflag:s22] =	dma.local [spmem:s20], $0x500  }
0x12d: {  	_ =	swait.ge [sflag:s29], $0x500  }
0x12e: {  	s26 =	sld [smem:$0x7F7]  }
0x12f: {  	[sflag:s29] =	ssyncset.done $0x0  }
0x130: {  	[sflag:s29] =	ssyncadd.s32 $0xFFFFFB00  }
0x131: {  	[hbm:s26], [sflag:s22] =	dma.local [spmem:s6], $0x500  }
0x132: {  	_ =	swait.ge [sflag:s29], $0x500  }
0x133: {  	s28 =	sld [smem:$0x7FB]  }
0x134: {  	[sflag:s29] =	ssyncset.done $0x0  }
0x135: {  	[sflag:s29] =	ssyncadd.s32 $0xFFFFFB00  }
0x136: {  	[hbm:s28], [sflag:s22] =	dma.local [spmem:s10], $0x500  }
.Ltmp6:
0x137: {  	_ = 	snop;
	(pc) =	sbr.rel @p1 .LBB2_17-.Ltmp6, $4  }
.Ltmp7:
0x138: {  	_ = 	snop;
	(pc) =	sbr.rel @!p1 .LBB2_16-.Ltmp7, $4  }
0x139: {  	_ =	swait.ge [sflag:s29], $0x500  }
0x13a: {  	[sflag:s29] =	ssyncset.done $0x0  }
0x13b: {  	s6 =	rddreg [dreg:$0x6];
	[sflag:s29] =	ssyncadd.s32 $0xFFFFFB00  }
0x13c: {  	_ = 	snop  }
.LBB2_2:
0x13d: {  	s6 =	rddreg [dreg:$0xe]  }
0x13e: {  	[spmem:s23], [sflag:s22] =	dma.local [hbm:s6], $0x500  }
0x13f: {  	_ =	swait.ge [sflag:s29], $0x500  }
0x140: {  	[sflag:s29] =	ssyncset.done $0x0;
	s24 =	rddreg [dreg:$0x9]  }
0x141: {  	s26 =	rddreg [dreg:$0x12];
	[sflag:s29] =	ssyncadd.s32 $0xFFFFFB00;
	s24 =	sshrl.u32 s24, $0x3  }
0x142: {  	[spmem:s24], [sflag:s22] =	dma.local [hbm:s26], $0x500  }
0x143: {  	_ =	swait.ge [sflag:s29], $0x500  }
0x144: {  	[sflag:s29] =	ssyncset.done $0x0;
	s10 =	rddreg [dreg:$0xa]  }
0x145: {  	s12 =	rddreg [dreg:$0x16];
	[sflag:s29] =	ssyncadd.s32 $0xFFFFFB00;
	s26 =	sshrl.u32 s10, $0x3  }
0x146: {  	[spmem:s26], [sflag:s22] =	dma.local [hbm:s12], $0x500  }
0x147: {  	_ =	swait.ge [sflag:s29], $0x500  }
0x148: {  	[sflag:s29] =	ssyncset.done $0x0;
	s13 =	rddreg [dreg:$0xb]  }
0x149: {  	s14 =	rddreg [dreg:$0x1a];
	[sflag:s29] =	ssyncadd.s32 $0xFFFFFB00;
	s28 =	sshrl.u32 s13, $0x3  }
0x14a: {  	[spmem:s28], [sflag:s22] =	dma.local [hbm:s14], $0x500  }
0x14b: {  	_ =	swait.ge [sflag:s29], $0x500  }
0x14c: {  	[sflag:s29] =	ssyncset.done $0x0;
	s15 =	rddreg [dreg:$0xc]  }
0x14d: {  	s16 =	rddreg [dreg:$0x1e];
	[sflag:s29] =	ssyncadd.s32 $0xFFFFFB00;
	s20 =	sshrl.u32 s15, $0x3  }
0x14e: {  	[spmem:s20], [sflag:s22] =	dma.local [hbm:s16], $0x500  }
0x14f: {  	_ =	swait.ge [sflag:s29], $0x500  }
0x150: {  	s10 =	sld [smem:$0x7F4]  }
0x151: {  	[sflag:s29] =	ssyncset.done $0x0  }
0x152: {  	s6 =	sshrl.u32 s17, $0x3;
	[sflag:s29] =	ssyncadd.s32 $0xFFFFFB00  }
0x153: {  	[spmem:s6], [sflag:s22] =	dma.local [hbm:s10], $0x500  }
0x154: {  	_ =	swait.ge [sflag:s29], $0x500  }
0x155: {  	s12 =	sld [smem:$0x7F8]  }
0x156: {  	[sflag:s29] =	ssyncset.done $0x0  }
0x157: {  	s10 =	sshrl.u32 s18, $0x3;
	[sflag:s29] =	ssyncadd.s32 $0xFFFFFB00  }
0x158: {  	[spmem:s10], [sflag:s22] =	dma.local [hbm:s12], $0x500  }
0x159: {  	_ =	swait.ge [sflag:s29], $0x500  }
0x15a: {  	s12 =	sld [smem:$0x7FC]  }
0x15b: {  	[sflag:s29] =	ssyncset.done $0x0  }
0x15c: {  	[sflag:s29] =	ssyncadd.s32 $0xFFFFFB00  }
0x15d: {  	[spmem:s11], [sflag:s22] =	dma.local @!p1 [hbm:s12], $0x500  }
0x15e: {  	s11 =	simm.s32 @!p1 $0x2  }
0x15f: {  	_ =	swait.ge @!p1 [sflag:s11], $0x500  }
0x160: {  	[sflag:s11] =	ssyncset.done @!p1 $0x0  }
0x161: {  	[sflag:s11] =	ssyncadd.s32 @!p1 $0xFFFFFB00  }
0x162: {  	s12 =	simm.s32 $0x0;
	s11 =	simm.s32 $0x0;
	[bflag:$0x0] =	sbarrier.arrive $0xFFFF  }
.LBB2_3:
0x163: {  	s13 =	sshll.u32 s12, $0xB  }
0x164: {  	s13 =	sadd.s32 s25, s13  }
0x165: {  	s13 =	sshrl.u32 s13, $0x3  }
0x166: {  	s14 =	sadd.s32 s8, s13  }
0x167: {  	[tilespmem:s11], [sflag:$0x2] =	stream.linear.gather [hbm4b:s14+s11], $0x800, $0x38;
	[tilespmem:$0x19080] =	vst v63  }
0x168: {  	_ =	swait.ge [sflag:s29], $0x800  }
0x169: {  	[sflag:s29] =	ssyncset.done $0x0  }
0x16a: {  	s16 =	sadd.s32 s7, s13;
	[sflag:s29] =	ssyncadd.s32 $0xFFFFF800  }
0x16b: {  	[tilespmem:s30], [sflag:$0x2] =	stream.linear.gather [hbm4b:s16+s11], $0x800, $0x38;
	[tilespmem:$0x19080] =	vst v63  }
0x16c: {  	_ =	swait.ge [sflag:s29], $0x800  }
0x16d: {  	[sflag:s29] =	ssyncset.done $0x0  }
0x16e: {  	s13 =	sadd.s32 s9, s13;
	[sflag:s29] =	ssyncadd.s32 $0xFFFFF800  }
0x16f: {  	[tilespmem:s31], [sflag:$0x2] =	stream.linear.gather [hbm4b:s13+s11], $0x800, $0x38;
	[tilespmem:$0x19080] =	vst v63  }
0x170: {  	_ =	swait.ge [sflag:s29], $0x800  }
0x171: {  	[sflag:s29] =	ssyncset.done $0x0  }
0x172: {  	s13 =	simm.s32 $0x0;
	[sflag:s29] =	ssyncadd.s32 $0xFFFFF800  }
.LBB2_4:
0x173: {  	s14 =	sshll.u32 s13, $0x7  }
0x174: {  	[tilespmem:s3], [sflag:$0x1] =	stream.indirect.gather [hbm4b:s2+s0], $0x80, s14, s0, $0xb8;
	[tilespmem:$0x19080] =	vst v63  }
0x175: {  	s16 =	sadd.s32 $0x1000, s14  }
0x176: {  	_ =	swait.ge [sflag:s21], $0x4000;
	v0 =	vmov s16  }
0x177: {  	[sflag:s21] =	ssyncset.done $0x0  }
0x178: {  	s15 =	simm.s32 $0x0;
	[sflag:s21] =	ssyncadd.s32 $0xFFFFC000  }
.LBB2_5:
0x179: {  	s16 =	sshll.u32 s15, $0x4  }
0x17a: {  	s16 =	sand.u32 $0x3FFFFFF0, s16  }
0x17b: {  	v1 =	vld.idx.msk [tilespmem:v0+s16+$0x0 ss:$0x1], $0xffff;
	s16 =	sshll.u32 s15, $0xB  }
0x17c: {  	s16 =	sand.u32 $0x3FFFF800, s16  }
0x17d: {  	v2 =	vld [tilespmem:s16+$0x1800]  }
0x17e: {  	v3 =	vld [tilespmem:s16+$0x1810]  }
0x17f: {  	v4 =	vld [tilespmem:s16+$0x1820]  }
0x180: {  	v6 =	vld [tilespmem:s16+$0x1830];
	v5 =	vbroadcast v1, $0x0  }
0x181: {  	v7 =	vld [tilespmem:s16+$0x1840]  }
0x182: {  	v8 =	vld [tilespmem:s16+$0x1850];
	v2 =	vmul.f32 v5, v2  }
0x183: {  	v9 =	vld [tilespmem:s16+$0x1860];
	v3 =	vmul.f32 v3, v5  }
0x184: {  	v34 =	vld [tilespmem:s16+$0x1870];
	[tilespmem:s16+$0x1800] =	vst v2;
	v2 =	vmul.f32 v4, v5  }
0x185: {  	v35 =	vld [tilespmem:s16+$0x1880];
	[tilespmem:s16+$0x1810] =	vst v3;
	v3 =	vmul.f32 v6, v5  }
0x186: {  	v36 =	vld [tilespmem:s16+$0x1890];
	[tilespmem:s16+$0x1820] =	vst v2;
	v2 =	vmul.f32 v7, v5  }
0x187: {  	v37 =	vld [tilespmem:s16+$0x18A0];
	[tilespmem:s16+$0x1830] =	vst v3;
	v3 =	vmul.f32 v8, v5  }
0x188: {  	v10 =	vld [tilespmem:s16+$0x18B0];
	v38 =	vbroadcast v1, $0x1;
	[tilespmem:s16+$0x1840] =	vst v2;
	v2 =	vmul.f32 v9, v5  }
0x189: {  	v39 =	vld [tilespmem:s16+$0x18C0];
	[tilespmem:s16+$0x1850] =	vst v3;
	v3 =	vmul.f32 v34, v5  }
0x18a: {  	v40 =	vld [tilespmem:s16+$0x18D0];
	[tilespmem:s16+$0x1860] =	vst v2;
	v2 =	vmul.f32 v35, v38  }
0x18b: {  	v41 =	vld [tilespmem:s16+$0x18E0];
	[tilespmem:s16+$0x1870] =	vst v3;
	v3 =	vmul.f32 v36, v38  }
0x18c: {  	v42 =	vld [tilespmem:s16+$0x18F0];
	[tilespmem:s16+$0x1880] =	vst v2;
	v2 =	vmul.f32 v37, v38  }
0x18d: {  	v43 =	vld [tilespmem:s16+$0x1900];
	[tilespmem:s16+$0x1890] =	vst v3;
	v3 =	vmul.f32 v10, v38  }
0x18e: {  	v44 =	vld [tilespmem:s16+$0x1910];
	[tilespmem:s16+$0x18A0] =	vst v2;
	v2 =	vmul.f32 v39, v38  }
0x18f: {  	v45 =	vld [tilespmem:s16+$0x1920];
	[tilespmem:s16+$0x18B0] =	vst v3;
	v3 =	vmul.f32 v40, v38  }
0x190: {  	v47 =	vld [tilespmem:s16+$0x1930];
	v46 =	vbroadcast v1, $0x2;
	[tilespmem:s16+$0x18C0] =	vst v2;
	v2 =	vmul.f32 v41, v38  }
0x191: {  	v48 =	vld [tilespmem:s16+$0x1940];
	[tilespmem:s16+$0x18D0] =	vst v3;
	v3 =	vmul.f32 v42, v38  }
0x192: {  	v49 =	vld [tilespmem:s16+$0x1950];
	[tilespmem:s16+$0x18E0] =	vst v2;
	v2 =	vmul.f32 v43, v46  }
0x193: {  	v50 =	vld [tilespmem:s16+$0x1960];
	[tilespmem:s16+$0x18F0] =	vst v3;
	v3 =	vmul.f32 v44, v46  }
0x194: {  	v51 =	vld [tilespmem:s16+$0x1970];
	[tilespmem:s16+$0x1900] =	vst v2;
	v2 =	vmul.f32 v45, v46  }
0x195: {  	v52 =	vld [tilespmem:s16+$0x1980];
	[tilespmem:s16+$0x1910] =	vst v3;
	v3 =	vmul.f32 v47, v46  }
0x196: {  	v53 =	vld [tilespmem:s16+$0x1990];
	[tilespmem:s16+$0x1920] =	vst v2;
	v2 =	vmul.f32 v48, v46  }
0x197: {  	v54 =	vld [tilespmem:s16+$0x19A0];
	[tilespmem:s16+$0x1930] =	vst v3;
	v3 =	vmul.f32 v49, v46  }
0x198: {  	v56 =	vld [tilespmem:s16+$0x19B0];
	v55 =	vbroadcast v1, $0x3;
	[tilespmem:s16+$0x1940] =	vst v2;
	v2 =	vmul.f32 v50, v46  }
0x199: {  	v57 =	vld [tilespmem:s16+$0x19C0];
	[tilespmem:s16+$0x1950] =	vst v3;
	v3 =	vmul.f32 v51, v46  }
0x19a: {  	v58 =	vld [tilespmem:s16+$0x19D0];
	[tilespmem:s16+$0x1960] =	vst v2;
	v2 =	vmul.f32 v52, v55  }
0x19b: {  	v59 =	vld [tilespmem:s16+$0x19E0];
	[tilespmem:s16+$0x1970] =	vst v3;
	v3 =	vmul.f32 v53, v55  }
0x19c: {  	v60 =	vld [tilespmem:s16+$0x19F0];
	[tilespmem:s16+$0x1980] =	vst v2;
	v2 =	vmul.f32 v54, v55  }
0x19d: {  	v61 =	vld [tilespmem:s16+$0x1A00];
	[tilespmem:s16+$0x1990] =	vst v3;
	v3 =	vmul.f32 v56, v55  }
0x19e: {  	v62 =	vld [tilespmem:s16+$0x1A10];
	[tilespmem:s16+$0x19A0] =	vst v2;
	v2 =	vmul.f32 v57, v55  }
0x19f: {  	v63 =	vld [tilespmem:s16+$0x1A20];
	[tilespmem:s16+$0x19B0] =	vst v3;
	v3 =	vmul.f32 v58, v55  }
0x1a0: {  	v13 =	vld [tilespmem:s16+$0x1A30];
	v12 =	vbroadcast v1, $0x4;
	[tilespmem:s16+$0x19C0] =	vst v2;
	v2 =	vmul.f32 v59, v55  }
0x1a1: {  	v14 =	vld [tilespmem:s16+$0x1A40];
	[tilespmem:s16+$0x19D0] =	vst v3;
	v3 =	vmul.f32 v60, v55  }
0x1a2: {  	v15 =	vld [tilespmem:s16+$0x1A50];
	[tilespmem:s16+$0x19E0] =	vst v2;
	v2 =	vmul.f32 v61, v12  }
0x1a3: {  	v16 =	vld [tilespmem:s16+$0x1A60];
	[tilespmem:s16+$0x19F0] =	vst v3;
	v3 =	vmul.f32 v62, v12  }
0x1a4: {  	v17 =	vld [tilespmem:s16+$0x1A70];
	[tilespmem:s16+$0x1A00] =	vst v2;
	v2 =	vmul.f32 v63, v12  }
0x1a5: {  	v18 =	vld [tilespmem:s16+$0x1A80];
	[tilespmem:s16+$0x1A10] =	vst v3;
	v3 =	vmul.f32 v13, v12  }
0x1a6: {  	v19 =	vld [tilespmem:s16+$0x1A90];
	[tilespmem:s16+$0x1A20] =	vst v2;
	v2 =	vmul.f32 v14, v12  }
0x1a7: {  	v20 =	vld [tilespmem:s16+$0x1AA0];
	[tilespmem:s16+$0x1A30] =	vst v3;
	v3 =	vmul.f32 v15, v12  }
0x1a8: {  	v22 =	vld [tilespmem:s16+$0x1AB0];
	v21 =	vbroadcast v1, $0x5;
	[tilespmem:s16+$0x1A40] =	vst v2;
	v2 =	vmul.f32 v16, v12  }
0x1a9: {  	v23 =	vld [tilespmem:s16+$0x1AC0];
	[tilespmem:s16+$0x1A50] =	vst v3;
	v3 =	vmul.f32 v17, v12  }
0x1aa: {  	v24 =	vld [tilespmem:s16+$0x1AD0];
	[tilespmem:s16+$0x1A60] =	vst v2;
	v2 =	vmul.f32 v18, v21  }
0x1ab: {  	v25 =	vld [tilespmem:s16+$0x1AE0];
	[tilespmem:s16+$0x1A70] =	vst v3;
	v3 =	vmul.f32 v19, v21  }
0x1ac: {  	v26 =	vld [tilespmem:s16+$0x1AF0];
	[tilespmem:s16+$0x1A80] =	vst v2;
	v2 =	vmul.f32 v20, v21  }
0x1ad: {  	v27 =	vld [tilespmem:s16+$0x1B00];
	[tilespmem:s16+$0x1A90] =	vst v3;
	v3 =	vmul.f32 v22, v21  }
0x1ae: {  	v28 =	vld [tilespmem:s16+$0x1B10];
	[tilespmem:s16+$0x1AA0] =	vst v2;
	v2 =	vmul.f32 v23, v21  }
0x1af: {  	v29 =	vld [tilespmem:s16+$0x1B20];
	[tilespmem:s16+$0x1AB0] =	vst v3;
	v3 =	vmul.f32 v24, v21  }
0x1b0: {  	v31 =	vld [tilespmem:s16+$0x1B30];
	v30 =	vbroadcast v1, $0x6;
	[tilespmem:s16+$0x1AC0] =	vst v2;
	v2 =	vmul.f32 v25, v21  }
0x1b1: {  	v32 =	vld [tilespmem:s16+$0x1B40];
	[tilespmem:s16+$0x1AD0] =	vst v3;
	v3 =	vmul.f32 v26, v21  }
0x1b2: {  	v33 =	vld [tilespmem:s16+$0x1B50];
	[tilespmem:s16+$0x1AE0] =	vst v2;
	v2 =	vmul.f32 v27, v30  }
0x1b3: {  	v34 =	vld [tilespmem:s16+$0x1B60];
	[tilespmem:s16+$0x1AF0] =	vst v3;
	v3 =	vmul.f32 v28, v30  }
0x1b4: {  	v35 =	vld [tilespmem:s16+$0x1B70];
	[tilespmem:s16+$0x1B00] =	vst v2;
	v2 =	vmul.f32 v29, v30  }
0x1b5: {  	v36 =	vld [tilespmem:s16+$0x1B80];
	[tilespmem:s16+$0x1B10] =	vst v3;
	v3 =	vmul.f32 v31, v30  }
0x1b6: {  	v37 =	vld [tilespmem:s16+$0x1B90];
	[tilespmem:s16+$0x1B20] =	vst v2;
	v2 =	vmul.f32 v32, v30  }
0x1b7: {  	v38 =	vld [tilespmem:s16+$0x1BA0];
	[tilespmem:s16+$0x1B30] =	vst v3;
	v3 =	vmul.f32 v33, v30  }
0x1b8: {  	v39 =	vbroadcast v1, $0x7;
	v40 =	vld [tilespmem:s16+$0x1BB0];
	[tilespmem:s16+$0x1B40] =	vst v2;
	v2 =	vmul.f32 v34, v30  }
0x1b9: {  	v41 =	vld [tilespmem:s16+$0x1BC0];
	[tilespmem:s16+$0x1B50] =	vst v3;
	v3 =	vmul.f32 v35, v30  }
0x1ba: {  	v42 =	vld [tilespmem:s16+$0x1BD0];
	[tilespmem:s16+$0x1B60] =	vst v2;
	v2 =	vmul.f32 v36, v39  }
0x1bb: {  	v43 =	vld [tilespmem:s16+$0x1BE0];
	[tilespmem:s16+$0x1B70] =	vst v3;
	v3 =	vmul.f32 v37, v39  }
0x1bc: {  	v44 =	vld [tilespmem:s16+$0x1BF0];
	[tilespmem:s16+$0x1B80] =	vst v2;
	v2 =	vmul.f32 v38, v39  }
0x1bd: {  	v45 =	vld [tilespmem:s16+$0x1C00];
	[tilespmem:s16+$0x1B90] =	vst v3;
	v3 =	vmul.f32 v40, v39  }
0x1be: {  	v46 =	vld [tilespmem:s16+$0x1C10];
	[tilespmem:s16+$0x1BA0] =	vst v2;
	v2 =	vmul.f32 v41, v39  }
0x1bf: {  	v47 =	vld [tilespmem:s16+$0x1C20];
	[tilespmem:s16+$0x1BB0] =	vst v3;
	v3 =	vmul.f32 v42, v39  }
0x1c0: {  	v48 =	vbroadcast v1, $0x8;
	v49 =	vld [tilespmem:s16+$0x1C30];
	[tilespmem:s16+$0x1BC0] =	vst v2;
	v2 =	vmul.f32 v43, v39  }
0x1c1: {  	v50 =	vld [tilespmem:s16+$0x1C40];
	[tilespmem:s16+$0x1BD0] =	vst v3;
	v3 =	vmul.f32 v44, v39  }
0x1c2: {  	v51 =	vld [tilespmem:s16+$0x1C50];
	[tilespmem:s16+$0x1BE0] =	vst v2;
	v2 =	vmul.f32 v45, v48  }
0x1c3: {  	v52 =	vld [tilespmem:s16+$0x1C60];
	[tilespmem:s16+$0x1BF0] =	vst v3;
	v3 =	vmul.f32 v46, v48  }
0x1c4: {  	v53 =	vld [tilespmem:s16+$0x1C70];
	[tilespmem:s16+$0x1C00] =	vst v2;
	v2 =	vmul.f32 v47, v48  }
0x1c5: {  	v54 =	vld [tilespmem:s16+$0x1C80];
	[tilespmem:s16+$0x1C10] =	vst v3;
	v3 =	vmul.f32 v49, v48  }
0x1c6: {  	v55 =	vld [tilespmem:s16+$0x1C90];
	[tilespmem:s16+$0x1C20] =	vst v2;
	v2 =	vmul.f32 v50, v48  }
0x1c7: {  	v56 =	vld [tilespmem:s16+$0x1CA0];
	[tilespmem:s16+$0x1C30] =	vst v3;
	v3 =	vmul.f32 v51, v48  }
0x1c8: {  	v57 =	vbroadcast v1, $0x9;
	v58 =	vld [tilespmem:s16+$0x1CB0];
	[tilespmem:s16+$0x1C40] =	vst v2;
	v2 =	vmul.f32 v52, v48  }
0x1c9: {  	v59 =	vld [tilespmem:s16+$0x1CC0];
	[tilespmem:s16+$0x1C50] =	vst v3;
	v3 =	vmul.f32 v53, v48  }
0x1ca: {  	v60 =	vld [tilespmem:s16+$0x1CD0];
	[tilespmem:s16+$0x1C60] =	vst v2;
	v2 =	vmul.f32 v54, v57  }
0x1cb: {  	v61 =	vld [tilespmem:s16+$0x1CE0];
	[tilespmem:s16+$0x1C70] =	vst v3;
	v3 =	vmul.f32 v55, v57  }
0x1cc: {  	v62 =	vld [tilespmem:s16+$0x1CF0];
	[tilespmem:s16+$0x1C80] =	vst v2;
	v2 =	vmul.f32 v56, v57  }
0x1cd: {  	v63 =	vld [tilespmem:s16+$0x1D00];
	[tilespmem:s16+$0x1C90] =	vst v3;
	v3 =	vmul.f32 v58, v57  }
0x1ce: {  	v12 =	vld [tilespmem:s16+$0x1D10];
	[tilespmem:s16+$0x1CA0] =	vst v2;
	v2 =	vmul.f32 v59, v57  }
0x1cf: {  	v13 =	vld [tilespmem:s16+$0x1D20];
	[tilespmem:s16+$0x1CB0] =	vst v3;
	v3 =	vmul.f32 v60, v57  }
0x1d0: {  	v14 =	vbroadcast v1, $0xA;
	v15 =	vld [tilespmem:s16+$0x1D30];
	[tilespmem:s16+$0x1CC0] =	vst v2;
	v2 =	vmul.f32 v61, v57  }
0x1d1: {  	v16 =	vld [tilespmem:s16+$0x1D40];
	[tilespmem:s16+$0x1CD0] =	vst v3;
	v3 =	vmul.f32 v62, v57  }
0x1d2: {  	v17 =	vld [tilespmem:s16+$0x1D50];
	[tilespmem:s16+$0x1CE0] =	vst v2;
	v2 =	vmul.f32 v63, v14  }
0x1d3: {  	v18 =	vld [tilespmem:s16+$0x1D60];
	[tilespmem:s16+$0x1CF0] =	vst v3;
	v3 =	vmul.f32 v12, v14  }
0x1d4: {  	v19 =	vld [tilespmem:s16+$0x1D70];
	[tilespmem:s16+$0x1D00] =	vst v2;
	v2 =	vmul.f32 v13, v14  }
0x1d5: {  	v20 =	vld [tilespmem:s16+$0x1D80];
	[tilespmem:s16+$0x1D10] =	vst v3;
	v3 =	vmul.f32 v15, v14  }
0x1d6: {  	v21 =	vld [tilespmem:s16+$0x1D90];
	[tilespmem:s16+$0x1D20] =	vst v2;
	v2 =	vmul.f32 v16, v14  }
0x1d7: {  	v22 =	vld [tilespmem:s16+$0x1DA0];
	[tilespmem:s16+$0x1D30] =	vst v3;
	v3 =	vmul.f32 v17, v14  }
0x1d8: {  	v23 =	vbroadcast v1, $0xB;
	v24 =	vld [tilespmem:s16+$0x1DB0];
	[tilespmem:s16+$0x1D40] =	vst v2;
	v2 =	vmul.f32 v18, v14  }
0x1d9: {  	v25 =	vld [tilespmem:s16+$0x1DC0];
	[tilespmem:s16+$0x1D50] =	vst v3;
	v3 =	vmul.f32 v19, v14  }
0x1da: {  	v26 =	vld [tilespmem:s16+$0x1DD0];
	[tilespmem:s16+$0x1D60] =	vst v2;
	v2 =	vmul.f32 v20, v23  }
0x1db: {  	v27 =	vld [tilespmem:s16+$0x1DE0];
	[tilespmem:s16+$0x1D70] =	vst v3;
	v3 =	vmul.f32 v21, v23  }
0x1dc: {  	v28 =	vld [tilespmem:s16+$0x1DF0];
	[tilespmem:s16+$0x1D80] =	vst v2;
	v2 =	vmul.f32 v22, v23  }
0x1dd: {  	v29 =	vld [tilespmem:s16+$0x1E00];
	[tilespmem:s16+$0x1D90] =	vst v3;
	v3 =	vmul.f32 v24, v23  }
0x1de: {  	v30 =	vld [tilespmem:s16+$0x1E10];
	[tilespmem:s16+$0x1DA0] =	vst v2;
	v2 =	vmul.f32 v25, v23  }
0x1df: {  	v31 =	vld [tilespmem:s16+$0x1E20];
	[tilespmem:s16+$0x1DB0] =	vst v3;
	v3 =	vmul.f32 v26, v23  }
0x1e0: {  	v32 =	vbroadcast v1, $0xC;
	v33 =	vld [tilespmem:s16+$0x1E30];
	[tilespmem:s16+$0x1DC0] =	vst v2;
	v2 =	vmul.f32 v27, v23  }
0x1e1: {  	v34 =	vld [tilespmem:s16+$0x1E40];
	[tilespmem:s16+$0x1DD0] =	vst v3;
	v3 =	vmul.f32 v28, v23  }
0x1e2: {  	v35 =	vld [tilespmem:s16+$0x1E50];
	[tilespmem:s16+$0x1DE0] =	vst v2;
	v2 =	vmul.f32 v29, v32  }
0x1e3: {  	v36 =	vld [tilespmem:s16+$0x1E60];
	[tilespmem:s16+$0x1DF0] =	vst v3;
	v3 =	vmul.f32 v30, v32  }
0x1e4: {  	v37 =	vld [tilespmem:s16+$0x1E70];
	[tilespmem:s16+$0x1E00] =	vst v2;
	v2 =	vmul.f32 v31, v32  }
0x1e5: {  	v38 =	vld [tilespmem:s16+$0x1E80];
	[tilespmem:s16+$0x1E10] =	vst v3;
	v3 =	vmul.f32 v33, v32  }
0x1e6: {  	v39 =	vld [tilespmem:s16+$0x1E90];
	[tilespmem:s16+$0x1E20] =	vst v2;
	v2 =	vmul.f32 v34, v32  }
0x1e7: {  	v40 =	vld [tilespmem:s16+$0x1EA0];
	[tilespmem:s16+$0x1E30] =	vst v3;
	v3 =	vmul.f32 v35, v32  }
0x1e8: {  	v41 =	vbroadcast v1, $0xD;
	v42 =	vld [tilespmem:s16+$0x1EB0];
	[tilespmem:s16+$0x1E40] =	vst v2;
	v2 =	vmul.f32 v36, v32  }
0x1e9: {  	v43 =	vld [tilespmem:s16+$0x1EC0];
	[tilespmem:s16+$0x1E50] =	vst v3;
	v3 =	vmul.f32 v37, v32  }
0x1ea: {  	v44 =	vld [tilespmem:s16+$0x1ED0];
	[tilespmem:s16+$0x1E60] =	vst v2;
	v2 =	vmul.f32 v38, v41  }
0x1eb: {  	v45 =	vld [tilespmem:s16+$0x1EE0];
	[tilespmem:s16+$0x1E70] =	vst v3;
	v3 =	vmul.f32 v39, v41  }
0x1ec: {  	v46 =	vld [tilespmem:s16+$0x1EF0];
	[tilespmem:s16+$0x1E80] =	vst v2;
	v2 =	vmul.f32 v40, v41  }
0x1ed: {  	v47 =	vld [tilespmem:s16+$0x1F00];
	[tilespmem:s16+$0x1E90] =	vst v3;
	v3 =	vmul.f32 v42, v41  }
0x1ee: {  	v48 =	vld [tilespmem:s16+$0x1F10];
	[tilespmem:s16+$0x1EA0] =	vst v2;
	v2 =	vmul.f32 v43, v41  }
0x1ef: {  	v49 =	vld [tilespmem:s16+$0x1F20];
	[tilespmem:s16+$0x1EB0] =	vst v3;
	v3 =	vmul.f32 v44, v41  }
0x1f0: {  	v50 =	vbroadcast v1, $0xE;
	v51 =	vld [tilespmem:s16+$0x1F30];
	[tilespmem:s16+$0x1EC0] =	vst v2;
	v2 =	vmul.f32 v45, v41  }
0x1f1: {  	v52 =	vld [tilespmem:s16+$0x1F40];
	[tilespmem:s16+$0x1ED0] =	vst v3;
	v3 =	vmul.f32 v46, v41  }
0x1f2: {  	v53 =	vld [tilespmem:s16+$0x1F50];
	[tilespmem:s16+$0x1EE0] =	vst v2;
	v2 =	vmul.f32 v47, v50  }
0x1f3: {  	v54 =	vld [tilespmem:s16+$0x1F60];
	[tilespmem:s16+$0x1EF0] =	vst v3;
	v3 =	vmul.f32 v48, v50  }
0x1f4: {  	v55 =	vld [tilespmem:s16+$0x1F70];
	[tilespmem:s16+$0x1F00] =	vst v2;
	v2 =	vmul.f32 v49, v50  }
0x1f5: {  	v56 =	vld [tilespmem:s16+$0x1F80];
	[tilespmem:s16+$0x1F10] =	vst v3;
	v3 =	vmul.f32 v51, v50  }
0x1f6: {  	v57 =	vld [tilespmem:s16+$0x1F90];
	[tilespmem:s16+$0x1F20] =	vst v2;
	v2 =	vmul.f32 v52, v50  }
0x1f7: {  	v58 =	vld [tilespmem:s16+$0x1FA0];
	[tilespmem:s16+$0x1F30] =	vst v3;
	v3 =	vmul.f32 v53, v50  }
0x1f8: {  	v1 =	vbroadcast v1, $0xF;
	v59 =	vld [tilespmem:s16+$0x1FB0];
	[tilespmem:s16+$0x1F40] =	vst v2;
	v2 =	vmul.f32 v54, v50  }
0x1f9: {  	v60 =	vld [tilespmem:s16+$0x1FC0];
	[tilespmem:s16+$0x1F50] =	vst v3;
	v3 =	vmul.f32 v55, v50  }
0x1fa: {  	v61 =	vld [tilespmem:s16+$0x1FD0];
	[tilespmem:s16+$0x1F60] =	vst v2;
	v2 =	vmul.f32 v56, v1  }
0x1fb: {  	v62 =	vld [tilespmem:s16+$0x1FE0];
	[tilespmem:s16+$0x1F70] =	vst v3;
	v3 =	vmul.f32 v57, v1  }
0x1fc: {  	v63 =	vld [tilespmem:s16+$0x1FF0];
	[tilespmem:s16+$0x1F80] =	vst v2;
	v2 =	vmul.f32 v58, v1  }
0x1fd: {  	[tilespmem:s16+$0x1F90] =	vst v3;
	v3 =	vmul.f32 v59, v1  }
0x1fe: {  	p3 =	sne.s32 s15, $0x7;
	[tilespmem:s16+$0x1FA0] =	vst v2;
	v2 =	vmul.f32 v60, v1  }
.Ltmp8:
0x1ff: {  	[tilespmem:s16+$0x1FB0] =	vst v3;
	v3 =	vmul.f32 v61, v1;
	(pc) =	sbr.rel @p3 .LBB2_5-.Ltmp8, $4  }
0x200: {  	[tilespmem:s16+$0x1FC0] =	vst v2;
	v2 =	vmul.f32 v62, v1  }
0x201: {  	[tilespmem:s16+$0x1FD0] =	vst v3;
	v1 =	vmul.f32 v63, v1  }
0x202: {  	[tilespmem:s16+$0x1FE0] =	vst v2  }
0x203: {  	s15 =	sadd.s32 $0x1, s15;
	[tilespmem:s16+$0x1FF0] =	vst v1  }
0x204: {  	s13 =	sadd.s32 $0x1, s13  }
0x205: {  	p3 =	sne.s32 s13, $0x10  }
.Ltmp9:
0x206: {  	s14 =	sadd.s32 $0x800, s14;
	(pc) =	sbr.rel @p3 .LBB2_4-.Ltmp9, $4  }
0x207: {  	[spmem:s4] =	stream.indirect.scatter.add.f32 [tilespmem:s3], [sflag:$0x2], $0x80, s14, s0, $0xb8;
	[tilespmem:$0x19080] =	vst v63  }
0x208: {  	_ =	swait.ge [sflag:s29], $0x4000  }
0x209: {  	[sflag:s29] =	ssyncset.done $0x0  }
0x20a: {  	[sflag:s29] =	ssyncadd.s32 $0xFFFFC000  }
0x20b: {  	s12 =	sadd.s32 $0x1, s12  }
0x20c: {  	p3 =	sne.s32 s12, $0xA  }
.Ltmp10:
0x20d: {  	_ = 	snop;
	(pc) =	sbr.rel @p3 .LBB2_3-.Ltmp10, $1  }
0x20e: {  	_ =	sdelay $0x3  }
0x20f: {  	[bflag:$0x0] =	sbarrier.arrive $0xFFFF  }
0x210: {  	s11 =	rddreg [dreg:$0xf]  }
0x211: {  	[hbm:s11], [sflag:s22] =	dma.local [spmem:s23], $0x500  }
0x212: {  	_ =	swait.ge [sflag:s29], $0x500  }
0x213: {  	[sflag:s29] =	ssyncset.done $0x0  }
0x214: {  	s15 =	rddreg [dreg:$0x13];
	[sflag:s29] =	ssyncadd.s32 $0xFFFFFB00  }
0x215: {  	[hbm:s15], [sflag:s22] =	dma.local [spmem:s24], $0x500  }
0x216: {  	_ =	swait.ge [sflag:s29], $0x500  }
0x217: {  	[sflag:s29] =	ssyncset.done $0x0  }
0x218: {  	s16 =	rddreg [dreg:$0x17];
	[sflag:s29] =	ssyncadd.s32 $0xFFFFFB00  }
0x219: {  	[hbm:s16], [sflag:s22] =	dma.local [spmem:s26], $0x500  }
0x21a: {  	_ =	swait.ge [sflag:s29], $0x500  }
0x21b: {  	[sflag:s29] =	ssyncset.done $0x0  }
0x21c: {  	s23 =	rddreg [dreg:$0x1b];
	[sflag:s29] =	ssyncadd.s32 $0xFFFFFB00  }
0x21d: {  	[hbm:s23], [sflag:s22] =	dma.local [spmem:s28], $0x500  }
0x21e: {  	_ =	swait.ge [sflag:s29], $0x500  }
0x21f: {  	[sflag:s29] =	ssyncset.done $0x0  }
0x220: {  	s24 =	rddreg [dreg:$0x1f];
	[sflag:s29] =	ssyncadd.s32 $0xFFFFFB00  }
0x221: {  	[hbm:s24], [sflag:s22] =	dma.local [spmem:s20], $0x500  }
0x222: {  	_ =	swait.ge [sflag:s29], $0x500  }
0x223: {  	s26 =	sld [smem:$0x7F5]  }
0x224: {  	[sflag:s29] =	ssyncset.done $0x0  }
0x225: {  	[sflag:s29] =	ssyncadd.s32 $0xFFFFFB00  }
0x226: {  	[hbm:s26], [sflag:s22] =	dma.local [spmem:s6], $0x500  }
0x227: {  	_ =	swait.ge [sflag:s29], $0x500  }
0x228: {  	s28 =	sld [smem:$0x7F9]  }
0x229: {  	[sflag:s29] =	ssyncset.done $0x0  }
0x22a: {  	[sflag:s29] =	ssyncadd.s32 $0xFFFFFB00  }
0x22b: {  	[hbm:s28], [sflag:s22] =	dma.local [spmem:s10], $0x500  }
.Ltmp11:
0x22c: {  	_ = 	snop;
	(pc) =	sbr.rel @p2 .LBB2_16-.Ltmp11, $4  }
.Ltmp12:
0x22d: {  	_ =	swait.ge [sflag:s29], $0x500;
	(pc) =	sbr.rel @!p2 .LBB2_17-.Ltmp12, $4  }
0x22e: {  	[sflag:s29] =	ssyncset.done $0x0  }
0x22f: {  	[sflag:s29] =	ssyncadd.s32 $0xFFFFFB00  }
0x230: {  	s6 =	rddreg [dreg:$0x3]  }
0x231: {  	_ = 	snop  }
.LBB2_18:
0x232: {  	_ =	sfence.sel $0x180000  }
0x233: {  	[bflag:$0x0] =	sbarrier.arrive $0xFFFF  }
0x234: {  	_ =	strace $0x90000047  }
0x235: {  	s0 =	stileid.u32;
	[bflag:$0x2] =	sbarrier.arrive $0xFFFF  }
0x236: {  	p0 =	sne.s32 s0, $0x0;
	s0 =	rddreg [dreg:$0x5]  }
0x237: {  	s0 =	sadd.s32 @!p0 $0x100000, s0  }
0x238: {  	[sflag:s0] =	ssyncadd.tile.s32 @!p0 $0x1;
	_ =	shalt  }
.Lfunc_end2:
_tile_overlayer_lowered:
.L_overlay_start_2:
0x239: {  	(tag) =	ssettag $0x2  }
0x23a: {  	s0 =	rddreg [dreg:$0x0];
	s2 =	stileid.u32  }
0x23b: {  	s1 =	rddreg [dreg:$0x1];
	p0 =	sne.s32 s2, $0x0  }
0x23c: {  	s3 =	rddreg [dreg:$0x2];
	[bflag:$0x3] =	sbarrier.arrive $0xFFFF;
	s2 =	simm.s32 @!p0 $0x1C02  }
0x23d: {  	[timem:s3], [sflag:s2] =	dma.local @!p0 [hbm:s0], s1  }
0x23e: {  	s0 =	simm.s32 @!p0 $0x2  }
0x23f: {  	_ =	swait.ge @!p0 [sflag:s0], s1  }
0x240: {  	s1 =	ssub.s32 @!p0 $0x0, s1;
	[sflag:s0] =	ssyncset.done @!p0 $0x0  }
0x241: {  	[sflag:s0] =	ssyncadd.s32 @!p0 s1  }
0x242: {  	[bflag:$0x3] =	sbarrier.arrive $0xFFFF  }
0x243: {  	_ =	shalt  }

</sc_bundles>
